<compile_context>
chip_gen: v7x
topology: tpu7x:2x2x1
jax: 0.10.2.dev20260603
libtpu: 0.0.44.dev20260713+nightly
codegen_flags: <defaults>
</compile_context>

<pallas_src>
import functools

import jax
import jax.numpy as jnp
from jax import lax
from jax.experimental import pallas as pl
from jax.experimental.pallas import tpu as pltpu
from jax.experimental.pallas import tpu_sc as plsc

TILE = 16
N_TILES_X = 64
N_TILES_Y = 64
N_TILES = N_TILES_X * N_TILES_Y
N_CH = 6
HIST = N_CH * N_TILES

NC, NS, L = 2, 16, 16
NW = NC * NS

N_POINTS = 1_000_000
CHUNK_P = 4_000
N_CHUNKS = N_POINTS // CHUNK_P
CHUNK_V = CHUNK_P // L
UNROLL = 5

TPW = N_TILES // NW


@functools.cache
def _build():
    mesh = plsc.VectorSubcoreMesh(
        core_axis_name="c", subcore_axis_name="s", num_cores=NC, num_subcores=NS
    )

    @functools.partial(
        pl.kernel,
        out_type=jax.ShapeDtypeStruct((NW, N_CH, N_TILES), jnp.float32),
        mesh=mesh,
        scratch_types=(
            [pltpu.VMEM((CHUNK_P,), jnp.int32)]
            + [pltpu.VMEM((CHUNK_P,), jnp.float32)] * 5
            + [pltpu.VMEM((CHUNK_P,), jnp.int32)]
            + [pltpu.VMEM((CHUNK_P,), jnp.float32)] * 5
            + [
                pltpu.VMEM((HIST,), jnp.float32),
                pltpu.SemaphoreType.DMA,
                pltpu.SemaphoreType.DMA,
            ]
        ),
        compiler_params=pltpu.CompilerParams(needs_layout_passes=False),
    )
    def _accumulate(t_hbm, r_hbm, g_hbm, b_hbm, a_hbm, d_hbm, part_hbm,
                    t0, r0, g0, b0, a0, d0,
                    t1, r1, g1, b1, a1, d1,
                    hist, sem0, sem1):
        wid = lax.axis_index("s") * NC + lax.axis_index("c")
        hbms = (t_hbm, r_hbm, g_hbm, b_hbm, a_hbm, d_hbm)
        bufs = ((t0, r0, g0, b0, a0, d0), (t1, r1, g1, b1, a1, d1))

        zeros_f = jnp.zeros((L,), jnp.float32)
        ones_f = jnp.ones((L,), jnp.float32)

        def zero_body(j, carry):
            for jj in range(8):
                hist[pl.ds((j * 8 + jj) * L, L)] = zeros_f
            return carry

        lax.fori_loop(0, HIST // (L * 8), zero_body, 0)

        n_k = (N_CHUNKS - wid + NW - 1) // NW

        def start(k, slot, sem):
            base = (wid + k * NW) * CHUNK_P
            for hbm, buf in zip(hbms, bufs[slot]):
                pltpu.async_copy(hbm.at[pl.ds(base, CHUNK_P)], buf, sem)

        def drain(slot, sem):
            for hbm, buf in zip(hbms, bufs[slot]):
                pltpu.make_async_copy(hbm.at[pl.ds(0, CHUNK_P)], buf, sem).wait()

        def process(slot):
            t_v, r_v, g_v, b_v, a_v, d_v = bufs[slot]

            def vec_body(i, icarry):
                for ii in range(UNROLL):
                    sl = pl.ds((i * UNROLL + ii) * L, L)
                    tid = t_v[sl]
                    r = r_v[sl]
                    g = g_v[sl]
                    b = b_v[sl]
                    a = a_v[sl]
                    d = d_v[sl]
                    plsc.addupdate_scatter(hist, [tid], ones_f)
                    plsc.addupdate_scatter(hist, [tid + N_TILES], a)
                    plsc.addupdate_scatter(hist, [tid + 2 * N_TILES], a * r)
                    plsc.addupdate_scatter(hist, [tid + 3 * N_TILES], a * g)
                    plsc.addupdate_scatter(hist, [tid + 4 * N_TILES], a * b)
                    plsc.addupdate_scatter(hist, [tid + 5 * N_TILES], a * d)
                return icarry

            lax.fori_loop(0, CHUNK_V // UNROLL, vec_body, 0)

        @pl.when(n_k > 0)
        def _():
            start(0, 0, sem0)

        def chunk_body(k, carry):
            is_even = lax.rem(k, 2) == 0
            nxt = k + 1

            @pl.when(jnp.logical_and(nxt < n_k, is_even))
            def _():
                start(nxt, 1, sem1)

            @pl.when(jnp.logical_and(nxt < n_k, jnp.logical_not(is_even)))
            def _():
                start(nxt, 0, sem0)

            @pl.when(is_even)
            def _():
                drain(0, sem0)
                process(0)

            @pl.when(jnp.logical_not(is_even))
            def _():
                drain(1, sem1)
                process(1)

            return carry

        lax.fori_loop(0, n_k, chunk_body, 0)

        for c in range(N_CH):
            pltpu.sync_copy(hist.at[pl.ds(c * N_TILES, N_TILES)], part_hbm.at[wid, c])

    @functools.partial(
        pl.kernel,
        out_type=jax.ShapeDtypeStruct((N_TILES * 5,), jnp.float32),
        mesh=mesh,
        scratch_types=[
            pltpu.VMEM((N_CH, NW, TPW), jnp.float32),
            pltpu.VMEM((TPW * 5,), jnp.float32),
            pltpu.SemaphoreType.DMA,
        ],
        compiler_params=pltpu.CompilerParams(needs_layout_passes=False),
    )
    def _finalize(part_hbm, out_hbm, buf, outbuf, sem):
        wid = lax.axis_index("s") * NC + lax.axis_index("c")
        base = wid * TPW
        for c in range(N_CH):
            pltpu.async_copy(part_hbm.at[:, c, pl.ds(base, TPW)], buf.at[c], sem)
        for c in range(N_CH):
            pltpu.make_async_copy(
                part_hbm.at[:, c, pl.ds(base, TPW)], buf.at[c], sem
            ).wait()

        iota = lax.iota(jnp.int32, L)

        for j in range(TPW // L):
            ds_j = pl.ds(j * L, L)

            def red(c):
                def body(p, s):
                    return s + buf[c, p, ds_j]
                return lax.fori_loop(1, NW, body, buf[c, 0, ds_j])

            cnt = red(0)
            asum = red(1)
            rsum = red(2)
            gsum = red(3)
            bsum = red(4)
            dsum = red(5)
            recip = 1.0 / (asum + 1e-6)
            rows5 = (iota + j * L) * 5
            plsc.store_scatter(outbuf, [rows5], rsum * recip)
            plsc.store_scatter(outbuf, [rows5 + 1], gsum * recip)
            plsc.store_scatter(outbuf, [rows5 + 2], bsum * recip)
            plsc.store_scatter(outbuf, [rows5 + 3], dsum * recip)
            plsc.store_scatter(outbuf, [rows5 + 4], cnt)

        pltpu.sync_copy(outbuf, out_hbm.at[pl.ds(base * 5, TPW * 5)])

    def _prep_body(uvt_ref, colt_ref, tid_ref, r_ref, g_ref, b_ref):
        u = uvt_ref[0, :]
        v = uvt_ref[1, :]
        tu = (u * (1.0 / TILE)).astype(jnp.int32)
        tv = (v * (1.0 / TILE)).astype(jnp.int32)
        tid_ref[:] = ((tv << 6) | tu) & (N_TILES - 1)
        r_ref[:] = colt_ref[0, :]
        g_ref[:] = colt_ref[1, :]
        b_ref[:] = colt_ref[2, :]

    PBLK = 131_072
    _prep = pl.pallas_call(
        _prep_body,
        grid=((N_POINTS + PBLK - 1) // PBLK,),
        in_specs=[
            pl.BlockSpec((2, PBLK), lambda i: (0, i)),
            pl.BlockSpec((3, PBLK), lambda i: (0, i)),
        ],
        out_specs=[
            pl.BlockSpec((PBLK,), lambda i: (i,)),
            pl.BlockSpec((PBLK,), lambda i: (i,)),
            pl.BlockSpec((PBLK,), lambda i: (i,)),
            pl.BlockSpec((PBLK,), lambda i: (i,)),
        ],
        out_shape=[
            jax.ShapeDtypeStruct((N_POINTS,), jnp.int32),
            jax.ShapeDtypeStruct((N_POINTS,), jnp.float32),
            jax.ShapeDtypeStruct((N_POINTS,), jnp.float32),
            jax.ShapeDtypeStruct((N_POINTS,), jnp.float32),
        ],
    )

    return _prep, _accumulate, _finalize


def kernel(point_uv, point_alpha, point_color, point_depth):
    prep, accumulate, finalize = _build()
    tid, r, g, b = prep(point_uv.T, point_color.T)
    part = accumulate(tid, r, g, b, point_alpha, point_depth)
    out_flat = finalize(part)
    return out_flat.reshape(N_TILES, 5)

# --- scband reference (transcript-rebuilt; emitter-appended) ---
"""Pipeline reference for scband-gaussian-point-cloud-rasterisation-9285719294482 (READ-ONLY COPY).

The authoritative reference and input builder live on the scoring server;
editing this copy changes nothing except your own understanding.
"""

import jax, jax.numpy as jnp
import numpy as np

CAM_W = 1024
CAM_H = 1024
TILE = 16
N_TILES_X = CAM_W // TILE
N_TILES_Y = CAM_H // TILE
N_TILES = N_TILES_X * N_TILES_Y
N_POINTS = 1000000


def setup_inputs(seed: int = 0) -> dict:
    key = jax.random.key(seed)
    k1, k2, k3, k4 = jax.random.split(key, 4)
    point_uv = jax.random.uniform(k1, (N_POINTS, 2), dtype=jnp.float32) * jnp.array([CAM_W, CAM_H], dtype=jnp.float32)
    point_alpha = jax.random.uniform(k2, (N_POINTS,), dtype=jnp.float32)
    point_color = jax.random.uniform(k3, (N_POINTS, 3), dtype=jnp.float32)
    point_depth = jax.random.uniform(k4, (N_POINTS,), dtype=jnp.float32) * (2000.0 - 0.4) + 0.4
    return {"point_uv": point_uv, "point_alpha": point_alpha, "point_color": point_color, "point_depth": point_depth}


def reference(point_uv, point_alpha, point_color, point_depth):
    # Tile binning (histogram over 16x16 screen tiles), mirroring
    # find_tile_start_and_end / per-tile point accumulation in the taichi kernels.
    tile_u = jnp.clip(jnp.floor(point_uv[:, 0] / TILE), 0, N_TILES_X - 1).astype(jnp.int32)
    tile_v = jnp.clip(jnp.floor(point_uv[:, 1] / TILE), 0, N_TILES_Y - 1).astype(jnp.int32)
    tile_id = tile_v * N_TILES_X + tile_u

    w = point_alpha
    counts = jax.ops.segment_sum(jnp.ones((point_uv.shape[0],), jnp.float32), tile_id, num_segments=N_TILES)
    color_sum = jax.ops.segment_sum(point_color * w[:, None], tile_id, num_segments=N_TILES)
    alpha_sum = jax.ops.segment_sum(w, tile_id, num_segments=N_TILES)
    depth_sum = jax.ops.segment_sum(point_depth * w, tile_id, num_segments=N_TILES)

    tile_color = color_sum / (alpha_sum[:, None] + 1e-6)
    tile_depth = depth_sum / (alpha_sum + 1e-6)
    # [N_TILES, 5]: rgb, normalized depth, valid point count per tile
    return jnp.concatenate([tile_color, tile_depth[:, None], counts[:, None]], axis=1)

if __name__ == "__main__":
    import jax
    _d = setup_inputs()
    print(jax.jit(kernel)(*tuple(_d.values())))

</pallas_src>

<mosaic_0001>
#map = affine_map<(d0, d1) -> (0, 0, 0)>
#map1 = affine_map<(d0, d1) -> (0)>
module attributes {stable_mosaic.version = 14 : i64} {
  func.func @_finalize(%arg0: i32, %arg1: i32, %arg2: memref<32x6x4096xf32, #tpu.memory_space<hbm>>, %arg3: memref<20480xf32, #tpu.memory_space<hbm>>, %arg4: memref<6x32x128xf32, #tpu.memory_space<vmem>>, %arg5: memref<640xf32, #tpu.memory_space<vmem>>, %arg6: memref<!tpu.dma_semaphore, #tpu.memory_space<semaphore_mem>>) attributes {dimension_semantics = [#tpu.dimension_semantics<core_parallel>, #tpu.dimension_semantics<subcore_parallel>], iteration_bounds = array<i64: 2, 16>, scalar_prefetch = 0 : i64, scratch_operands = 3 : i64, tpu.core_type = #tpu.core_type<sc_vector_subcore>, window_params = [{transform_indices = #map}, {transform_indices = #map1}]} {
    %mul3A = arith.constant 2 : i32
    %mul3A_0 = arith.muli %arg1, %mul3A : i32
    %add3A = arith.addi %mul3A_0, %arg0 : i32
    %mul3A_1 = arith.constant 128 : i32
    %mul3A_2 = arith.muli %add3A, %mul3A_1 : i32
    %dma_start3A = arith.constant 0 : i32
    %dma_start3A_3 = arith.constant 0 : i32
    %dma_start3A_4 = arith.constant 0 : i32
    %dma_start3A_5 = arith.constant 0 : i32
    %dma_start3A_6 = tpu.memref_slice %arg4[%dma_start3A_3, %dma_start3A_4, %dma_start3A_5] : memref<6x32x128xf32, #tpu.memory_space<vmem>> -> memref<1x32x128xf32, #tpu.memory_space<vmem>>
    %dma_start3A_7 = tpu.memref_squeeze %dma_start3A_6 : memref<1x32x128xf32, #tpu.memory_space<vmem>> -> memref<32x128xf32, #tpu.memory_space<vmem>>
    %dma_start3A_8 = arith.constant 0 : i32
    %dma_start3A_9 = tpu.memref_slice %arg2[%dma_start3A_8, %dma_start3A, %mul3A_2] : memref<32x6x4096xf32, #tpu.memory_space<hbm>> -> memref<32x1x128xf32, #tpu.memory_space<hbm>>
    %dma_start3A_10 = tpu.memref_squeeze %dma_start3A_9 : memref<32x1x128xf32, #tpu.memory_space<hbm>> -> memref<32x128xf32, #tpu.memory_space<hbm>>
    %dma_start3A_11 = arith.constant 0 : i32
    %dma_start3A_12 = arith.constant 0 : i32
    %dma_start3A_13 = tpu.memref_slice %arg4[%dma_start3A_3, %dma_start3A_11, %dma_start3A_12] : memref<6x32x128xf32, #tpu.memory_space<vmem>> -> memref<1x32x128xf32, #tpu.memory_space<vmem>>
    %dma_start3A_14 = tpu.memref_squeeze %dma_start3A_13 : memref<1x32x128xf32, #tpu.memory_space<vmem>> -> memref<32x128xf32, #tpu.memory_space<vmem>>
    %dma_start3A_15 = arith.constant 0 : i32
    %dma_start3A_16 = tpu.memref_slice %arg2[%dma_start3A_15, %dma_start3A, %mul3A_2] : memref<32x6x4096xf32, #tpu.memory_space<hbm>> -> memref<32x1x128xf32, #tpu.memory_space<hbm>>
    %dma_start3A_17 = tpu.memref_squeeze %dma_start3A_16 : memref<32x1x128xf32, #tpu.memory_space<hbm>> -> memref<32x128xf32, #tpu.memory_space<hbm>>
    tpu.enqueue_dma source(%dma_start3A_17 : memref<32x128xf32, #tpu.memory_space<hbm>>) target(%dma_start3A_14 : memref<32x128xf32, #tpu.memory_space<vmem>>) target_semaphore(%arg6 : memref<!tpu.dma_semaphore, #tpu.memory_space<semaphore_mem>>)
    %dma_start3A_18 = arith.constant 1 : i32
    %dma_start3A_19 = arith.constant 1 : i32
    %dma_start3A_20 = arith.constant 0 : i32
    %dma_start3A_21 = arith.constant 0 : i32
    %dma_start3A_22 = tpu.memref_slice %arg4[%dma_start3A_19, %dma_start3A_20, %dma_start3A_21] : memref<6x32x128xf32, #tpu.memory_space<vmem>> -> memref<1x32x128xf32, #tpu.memory_space<vmem>>
    %dma_start3A_23 = tpu.memref_squeeze %dma_start3A_22 : memref<1x32x128xf32, #tpu.memory_space<vmem>> -> memref<32x128xf32, #tpu.memory_space<vmem>>
    %dma_start3A_24 = arith.constant 0 : i32
    %dma_start3A_25 = tpu.memref_slice %arg2[%dma_start3A_24, %dma_start3A_18, %mul3A_2] : memref<32x6x4096xf32, #tpu.memory_space<hbm>> -> memref<32x1x128xf32, #tpu.memory_space<hbm>>
    %dma_start3A_26 = tpu.memref_squeeze %dma_start3A_25 : memref<32x1x128xf32, #tpu.memory_space<hbm>> -> memref<32x128xf32, #tpu.memory_space<hbm>>
    %dma_start3A_27 = arith.constant 0 : i32
    %dma_start3A_28 = arith.constant 0 : i32
    %dma_start3A_29 = tpu.memref_slice %arg4[%dma_start3A_19, %dma_start3A_27, %dma_start3A_28] : memref<6x32x128xf32, #tpu.memory_space<vmem>> -> memref<1x32x128xf32, #tpu.memory_space<vmem>>
    %dma_start3A_30 = tpu.memref_squeeze %dma_start3A_29 : memref<1x32x128xf32, #tpu.memory_space<vmem>> -> memref<32x128xf32, #tpu.memory_space<vmem>>
    %dma_start3A_31 = arith.constant 0 : i32
    %dma_start3A_32 = tpu.memref_slice %arg2[%dma_start3A_31, %dma_start3A_18, %mul3A_2] : memref<32x6x4096xf32, #tpu.memory_space<hbm>> -> memref<32x1x128xf32, #tpu.memory_space<hbm>>
    %dma_start3A_33 = tpu.memref_squeeze %dma_start3A_32 : memref<32x1x128xf32, #tpu.memory_space<hbm>> -> memref<32x128xf32, #tpu.memory_space<hbm>>
    tpu.enqueue_dma source(%dma_start3A_33 : memref<32x128xf32, #tpu.memory_space<hbm>>) target(%dma_start3A_30 : memref<32x128xf32, #tpu.memory_space<vmem>>) target_semaphore(%arg6 : memref<!tpu.dma_semaphore, #tpu.memory_space<semaphore_mem>>)
    %dma_start3A_34 = arith.constant 2 : i32
    %dma_start3A_35 = arith.constant 2 : i32
    %dma_start3A_36 = arith.constant 0 : i32
    %dma_start3A_37 = arith.constant 0 : i32
    %dma_start3A_38 = tpu.memref_slice %arg4[%dma_start3A_35, %dma_start3A_36, %dma_start3A_37] : memref<6x32x128xf32, #tpu.memory_space<vmem>> -> memref<1x32x128xf32, #tpu.memory_space<vmem>>
    %dma_start3A_39 = tpu.memref_squeeze %dma_start3A_38 : memref<1x32x128xf32, #tpu.memory_space<vmem>> -> memref<32x128xf32, #tpu.memory_space<vmem>>
    %dma_start3A_40 = arith.constant 0 : i32
    %dma_start3A_41 = tpu.memref_slice %arg2[%dma_start3A_40, %dma_start3A_34, %mul3A_2] : memref<32x6x4096xf32, #tpu.memory_space<hbm>> -> memref<32x1x128xf32, #tpu.memory_space<hbm>>
    %dma_start3A_42 = tpu.memref_squeeze %dma_start3A_41 : memref<32x1x128xf32, #tpu.memory_space<hbm>> -> memref<32x128xf32, #tpu.memory_space<hbm>>
    %dma_start3A_43 = arith.constant 0 : i32
    %dma_start3A_44 = arith.constant 0 : i32
    %dma_start3A_45 = tpu.memref_slice %arg4[%dma_start3A_35, %dma_start3A_43, %dma_start3A_44] : memref<6x32x128xf32, #tpu.memory_space<vmem>> -> memref<1x32x128xf32, #tpu.memory_space<vmem>>
    %dma_start3A_46 = tpu.memref_squeeze %dma_start3A_45 : memref<1x32x128xf32, #tpu.memory_space<vmem>> -> memref<32x128xf32, #tpu.memory_space<vmem>>
    %dma_start3A_47 = arith.constant 0 : i32
    %dma_start3A_48 = tpu.memref_slice %arg2[%dma_start3A_47, %dma_start3A_34, %mul3A_2] : memref<32x6x4096xf32, #tpu.memory_space<hbm>> -> memref<32x1x128xf32, #tpu.memory_space<hbm>>
    %dma_start3A_49 = tpu.memref_squeeze %dma_start3A_48 : memref<32x1x128xf32, #tpu.memory_space<hbm>> -> memref<32x128xf32, #tpu.memory_space<hbm>>
    tpu.enqueue_dma source(%dma_start3A_49 : memref<32x128xf32, #tpu.memory_space<hbm>>) target(%dma_start3A_46 : memref<32x128xf32, #tpu.memory_space<vmem>>) target_semaphore(%arg6 : memref<!tpu.dma_semaphore, #tpu.memory_space<semaphore_mem>>)
    %dma_start3A_50 = arith.constant 3 : i32
    %dma_start3A_51 = arith.constant 3 : i32
    %dma_start3A_52 = arith.constant 0 : i32
    %dma_start3A_53 = arith.constant 0 : i32
    %dma_start3A_54 = tpu.memref_slice %arg4[%dma_start3A_51, %dma_start3A_52, %dma_start3A_53] : memref<6x32x128xf32, #tpu.memory_space<vmem>> -> memref<1x32x128xf32, #tpu.memory_space<vmem>>
    %dma_start3A_55 = tpu.memref_squeeze %dma_start3A_54 : memref<1x32x128xf32, #tpu.memory_space<vmem>> -> memref<32x128xf32, #tpu.memory_space<vmem>>
    %dma_start3A_56 = arith.constant 0 : i32
    %dma_start3A_57 = tpu.memref_slice %arg2[%dma_start3A_56, %dma_start3A_50, %mul3A_2] : memref<32x6x4096xf32, #tpu.memory_space<hbm>> -> memref<32x1x128xf32, #tpu.memory_space<hbm>>
    %dma_start3A_58 = tpu.memref_squeeze %dma_start3A_57 : memref<32x1x128xf32, #tpu.memory_space<hbm>> -> memref<32x128xf32, #tpu.memory_space<hbm>>
    %dma_start3A_59 = arith.constant 0 : i32
    %dma_start3A_60 = arith.constant 0 : i32
    %dma_start3A_61 = tpu.memref_slice %arg4[%dma_start3A_51, %dma_start3A_59, %dma_start3A_60] : memref<6x32x128xf32, #tpu.memory_space<vmem>> -> memref<1x32x128xf32, #tpu.memory_space<vmem>>
    %dma_start3A_62 = tpu.memref_squeeze %dma_start3A_61 : memref<1x32x128xf32, #tpu.memory_space<vmem>> -> memref<32x128xf32, #tpu.memory_space<vmem>>
    %dma_start3A_63 = arith.constant 0 : i32
    %dma_start3A_64 = tpu.memref_slice %arg2[%dma_start3A_63, %dma_start3A_50, %mul3A_2] : memref<32x6x4096xf32, #tpu.memory_space<hbm>> -> memref<32x1x128xf32, #tpu.memory_space<hbm>>
    %dma_start3A_65 = tpu.memref_squeeze %dma_start3A_64 : memref<32x1x128xf32, #tpu.memory_space<hbm>> -> memref<32x128xf32, #tpu.memory_space<hbm>>
    tpu.enqueue_dma source(%dma_start3A_65 : memref<32x128xf32, #tpu.memory_space<hbm>>) target(%dma_start3A_62 : memref<32x128xf32, #tpu.memory_space<vmem>>) target_semaphore(%arg6 : memref<!tpu.dma_semaphore, #tpu.memory_space<semaphore_mem>>)
    %dma_start3A_66 = arith.constant 4 : i32
    %dma_start3A_67 = arith.constant 4 : i32
    %dma_start3A_68 = arith.constant 0 : i32
    %dma_start3A_69 = arith.constant 0 : i32
    %dma_start3A_70 = tpu.memref_slice %arg4[%dma_start3A_67, %dma_start3A_68, %dma_start3A_69] : memref<6x32x128xf32, #tpu.memory_space<vmem>> -> memref<1x32x128xf32, #tpu.memory_space<vmem>>
    %dma_start3A_71 = tpu.memref_squeeze %dma_start3A_70 : memref<1x32x128xf32, #tpu.memory_space<vmem>> -> memref<32x128xf32, #tpu.memory_space<vmem>>
    %dma_start3A_72 = arith.constant 0 : i32
    %dma_start3A_73 = tpu.memref_slice %arg2[%dma_start3A_72, %dma_start3A_66, %mul3A_2] : memref<32x6x4096xf32, #tpu.memory_space<hbm>> -> memref<32x1x128xf32, #tpu.memory_space<hbm>>
    %dma_start3A_74 = tpu.memref_squeeze %dma_start3A_73 : memref<32x1x128xf32, #tpu.memory_space<hbm>> -> memref<32x128xf32, #tpu.memory_space<hbm>>
    %dma_start3A_75 = arith.constant 0 : i32
    %dma_start3A_76 = arith.constant 0 : i32
    %dma_start3A_77 = tpu.memref_slice %arg4[%dma_start3A_67, %dma_start3A_75, %dma_start3A_76] : memref<6x32x128xf32, #tpu.memory_space<vmem>> -> memref<1x32x128xf32, #tpu.memory_space<vmem>>
    %dma_start3A_78 = tpu.memref_squeeze %dma_start3A_77 : memref<1x32x128xf32, #tpu.memory_space<vmem>> -> memref<32x128xf32, #tpu.memory_space<vmem>>
    %dma_start3A_79 = arith.constant 0 : i32
    %dma_start3A_80 = tpu.memref_slice %arg2[%dma_start3A_79, %dma_start3A_66, %mul3A_2] : memref<32x6x4096xf32, #tpu.memory_space<hbm>> -> memref<32x1x128xf32, #tpu.memory_space<hbm>>
    %dma_start3A_81 = tpu.memref_squeeze %dma_start3A_80 : memref<32x1x128xf32, #tpu.memory_space<hbm>> -> memref<32x128xf32, #tpu.memory_space<hbm>>
    tpu.enqueue_dma source(%dma_start3A_81 : memref<32x128xf32, #tpu.memory_space<hbm>>) target(%dma_start3A_78 : memref<32x128xf32, #tpu.memory_space<vmem>>) target_semaphore(%arg6 : memref<!tpu.dma_semaphore, #tpu.memory_space<semaphore_mem>>)
    %dma_start3A_82 = arith.constant 5 : i32
    %dma_start3A_83 = arith.constant 5 : i32
    %dma_start3A_84 = arith.constant 0 : i32
    %dma_start3A_85 = arith.constant 0 : i32
    %dma_start3A_86 = tpu.memref_slice %arg4[%dma_start3A_83, %dma_start3A_84, %dma_start3A_85] : memref<6x32x128xf32, #tpu.memory_space<vmem>> -> memref<1x32x128xf32, #tpu.memory_space<vmem>>
    %dma_start3A_87 = tpu.memref_squeeze %dma_start3A_86 : memref<1x32x128xf32, #tpu.memory_space<vmem>> -> memref<32x128xf32, #tpu.memory_space<vmem>>
    %dma_start3A_88 = arith.constant 0 : i32
    %dma_start3A_89 = tpu.memref_slice %arg2[%dma_start3A_88, %dma_start3A_82, %mul3A_2] : memref<32x6x4096xf32, #tpu.memory_space<hbm>> -> memref<32x1x128xf32, #tpu.memory_space<hbm>>
    %dma_start3A_90 = tpu.memref_squeeze %dma_start3A_89 : memref<32x1x128xf32, #tpu.memory_space<hbm>> -> memref<32x128xf32, #tpu.memory_space<hbm>>
    %dma_start3A_91 = arith.constant 0 : i32
    %dma_start3A_92 = arith.constant 0 : i32
    %dma_start3A_93 = tpu.memref_slice %arg4[%dma_start3A_83, %dma_start3A_91, %dma_start3A_92] : memref<6x32x128xf32, #tpu.memory_space<vmem>> -> memref<1x32x128xf32, #tpu.memory_space<vmem>>
    %dma_start3A_94 = tpu.memref_squeeze %dma_start3A_93 : memref<1x32x128xf32, #tpu.memory_space<vmem>> -> memref<32x128xf32, #tpu.memory_space<vmem>>
    %dma_start3A_95 = arith.constant 0 : i32
    %dma_start3A_96 = tpu.memref_slice %arg2[%dma_start3A_95, %dma_start3A_82, %mul3A_2] : memref<32x6x4096xf32, #tpu.memory_space<hbm>> -> memref<32x1x128xf32, #tpu.memory_space<hbm>>
    %dma_start3A_97 = tpu.memref_squeeze %dma_start3A_96 : memref<32x1x128xf32, #tpu.memory_space<hbm>> -> memref<32x128xf32, #tpu.memory_space<hbm>>
    tpu.enqueue_dma source(%dma_start3A_97 : memref<32x128xf32, #tpu.memory_space<hbm>>) target(%dma_start3A_94 : memref<32x128xf32, #tpu.memory_space<vmem>>) target_semaphore(%arg6 : memref<!tpu.dma_semaphore, #tpu.memory_space<semaphore_mem>>)
    %dma_wait3A = arith.constant 0 : i32
    %dma_wait3A_98 = arith.constant 0 : i32
    %dma_wait3A_99 = arith.constant 0 : i32
    %dma_wait3A_100 = arith.constant 0 : i32
    %dma_wait3A_101 = tpu.memref_slice %arg4[%dma_wait3A_98, %dma_wait3A_99, %dma_wait3A_100] : memref<6x32x128xf32, #tpu.memory_space<vmem>> -> memref<1x32x128xf32, #tpu.memory_space<vmem>>
    %dma_wait3A_102 = tpu.memref_squeeze %dma_wait3A_101 : memref<1x32x128xf32, #tpu.memory_space<vmem>> -> memref<32x128xf32, #tpu.memory_space<vmem>>
    %dma_wait3A_103 = arith.constant 0 : i32
    %dma_wait3A_104 = tpu.memref_slice %arg2[%dma_wait3A_103, %dma_wait3A, %mul3A_2] : memref<32x6x4096xf32, #tpu.memory_space<hbm>> -> memref<32x1x128xf32, #tpu.memory_space<hbm>>
    %dma_wait3A_105 = tpu.memref_squeeze %dma_wait3A_104 : memref<32x1x128xf32, #tpu.memory_space<hbm>> -> memref<32x128xf32, #tpu.memory_space<hbm>>
    %dma_wait3A_106 = arith.constant 0 : i32
    %dma_wait3A_107 = arith.constant 0 : i32
    %dma_wait3A_108 = tpu.memref_slice %arg4[%dma_wait3A_98, %dma_wait3A_106, %dma_wait3A_107] : memref<6x32x128xf32, #tpu.memory_space<vmem>> -> memref<1x32x128xf32, #tpu.memory_space<vmem>>
    %dma_wait3A_109 = tpu.memref_squeeze %dma_wait3A_108 : memref<1x32x128xf32, #tpu.memory_space<vmem>> -> memref<32x128xf32, #tpu.memory_space<vmem>>
    %dma_wait3A_110 = arith.constant 0 : i32
    %dma_wait3A_111 = tpu.memref_slice %arg2[%dma_wait3A_110, %dma_wait3A, %mul3A_2] : memref<32x6x4096xf32, #tpu.memory_space<hbm>> -> memref<32x1x128xf32, #tpu.memory_space<hbm>>
    %dma_wait3A_112 = tpu.memref_squeeze %dma_wait3A_111 : memref<32x1x128xf32, #tpu.memory_space<hbm>> -> memref<32x128xf32, #tpu.memory_space<hbm>>
    tpu.wait_dma2 semaphore(%arg6 : memref<!tpu.dma_semaphore, #tpu.memory_space<semaphore_mem>>) src(%dma_wait3A_112 : memref<32x128xf32, #tpu.memory_space<hbm>>) dst(%dma_wait3A_109 : memref<32x128xf32, #tpu.memory_space<vmem>>)
    %dma_wait3A_113 = arith.constant 1 : i32
    %dma_wait3A_114 = arith.constant 1 : i32
    %dma_wait3A_115 = arith.constant 0 : i32
    %dma_wait3A_116 = arith.constant 0 : i32
    %dma_wait3A_117 = tpu.memref_slice %arg4[%dma_wait3A_114, %dma_wait3A_115, %dma_wait3A_116] : memref<6x32x128xf32, #tpu.memory_space<vmem>> -> memref<1x32x128xf32, #tpu.memory_space<vmem>>
    %dma_wait3A_118 = tpu.memref_squeeze %dma_wait3A_117 : memref<1x32x128xf32, #tpu.memory_space<vmem>> -> memref<32x128xf32, #tpu.memory_space<vmem>>
    %dma_wait3A_119 = arith.constant 0 : i32
    %dma_wait3A_120 = tpu.memref_slice %arg2[%dma_wait3A_119, %dma_wait3A_113, %mul3A_2] : memref<32x6x4096xf32, #tpu.memory_space<hbm>> -> memref<32x1x128xf32, #tpu.memory_space<hbm>>
    %dma_wait3A_121 = tpu.memref_squeeze %dma_wait3A_120 : memref<32x1x128xf32, #tpu.memory_space<hbm>> -> memref<32x128xf32, #tpu.memory_space<hbm>>
    %dma_wait3A_122 = arith.constant 0 : i32
    %dma_wait3A_123 = arith.constant 0 : i32
    %dma_wait3A_124 = tpu.memref_slice %arg4[%dma_wait3A_114, %dma_wait3A_122, %dma_wait3A_123] : memref<6x32x128xf32, #tpu.memory_space<vmem>> -> memref<1x32x128xf32, #tpu.memory_space<vmem>>
    %dma_wait3A_125 = tpu.memref_squeeze %dma_wait3A_124 : memref<1x32x128xf32, #tpu.memory_space<vmem>> -> memref<32x128xf32, #tpu.memory_space<vmem>>
    %dma_wait3A_126 = arith.constant 0 : i32
    %dma_wait3A_127 = tpu.memref_slice %arg2[%dma_wait3A_126, %dma_wait3A_113, %mul3A_2] : memref<32x6x4096xf32, #tpu.memory_space<hbm>> -> memref<32x1x128xf32, #tpu.memory_space<hbm>>
    %dma_wait3A_128 = tpu.memref_squeeze %dma_wait3A_127 : memref<32x1x128xf32, #tpu.memory_space<hbm>> -> memref<32x128xf32, #tpu.memory_space<hbm>>
    tpu.wait_dma2 semaphore(%arg6 : memref<!tpu.dma_semaphore, #tpu.memory_space<semaphore_mem>>) src(%dma_wait3A_128 : memref<32x128xf32, #tpu.memory_space<hbm>>) dst(%dma_wait3A_125 : memref<32x128xf32, #tpu.memory_space<vmem>>)
    %dma_wait3A_129 = arith.constant 2 : i32
    %dma_wait3A_130 = arith.constant 2 : i32
    %dma_wait3A_131 = arith.constant 0 : i32
    %dma_wait3A_132 = arith.constant 0 : i32
    %dma_wait3A_133 = tpu.memref_slice %arg4[%dma_wait3A_130, %dma_wait3A_131, %dma_wait3A_132] : memref<6x32x128xf32, #tpu.memory_space<vmem>> -> memref<1x32x128xf32, #tpu.memory_space<vmem>>
    %dma_wait3A_134 = tpu.memref_squeeze %dma_wait3A_133 : memref<1x32x128xf32, #tpu.memory_space<vmem>> -> memref<32x128xf32, #tpu.memory_space<vmem>>
    %dma_wait3A_135 = arith.constant 0 : i32
    %dma_wait3A_136 = tpu.memref_slice %arg2[%dma_wait3A_135, %dma_wait3A_129, %mul3A_2] : memref<32x6x4096xf32, #tpu.memory_space<hbm>> -> memref<32x1x128xf32, #tpu.memory_space<hbm>>
    %dma_wait3A_137 = tpu.memref_squeeze %dma_wait3A_136 : memref<32x1x128xf32, #tpu.memory_space<hbm>> -> memref<32x128xf32, #tpu.memory_space<hbm>>
    %dma_wait3A_138 = arith.constant 0 : i32
    %dma_wait3A_139 = arith.constant 0 : i32
    %dma_wait3A_140 = tpu.memref_slice %arg4[%dma_wait3A_130, %dma_wait3A_138, %dma_wait3A_139] : memref<6x32x128xf32, #tpu.memory_space<vmem>> -> memref<1x32x128xf32, #tpu.memory_space<vmem>>
    %dma_wait3A_141 = tpu.memref_squeeze %dma_wait3A_140 : memref<1x32x128xf32, #tpu.memory_space<vmem>> -> memref<32x128xf32, #tpu.memory_space<vmem>>
    %dma_wait3A_142 = arith.constant 0 : i32
    %dma_wait3A_143 = tpu.memref_slice %arg2[%dma_wait3A_142, %dma_wait3A_129, %mul3A_2] : memref<32x6x4096xf32, #tpu.memory_space<hbm>> -> memref<32x1x128xf32, #tpu.memory_space<hbm>>
    %dma_wait3A_144 = tpu.memref_squeeze %dma_wait3A_143 : memref<32x1x128xf32, #tpu.memory_space<hbm>> -> memref<32x128xf32, #tpu.memory_space<hbm>>
    tpu.wait_dma2 semaphore(%arg6 : memref<!tpu.dma_semaphore, #tpu.memory_space<semaphore_mem>>) src(%dma_wait3A_144 : memref<32x128xf32, #tpu.memory_space<hbm>>) dst(%dma_wait3A_141 : memref<32x128xf32, #tpu.memory_space<vmem>>)
    %dma_wait3A_145 = arith.constant 3 : i32
    %dma_wait3A_146 = arith.constant 3 : i32
    %dma_wait3A_147 = arith.constant 0 : i32
    %dma_wait3A_148 = arith.constant 0 : i32
    %dma_wait3A_149 = tpu.memref_slice %arg4[%dma_wait3A_146, %dma_wait3A_147, %dma_wait3A_148] : memref<6x32x128xf32, #tpu.memory_space<vmem>> -> memref<1x32x128xf32, #tpu.memory_space<vmem>>
    %dma_wait3A_150 = tpu.memref_squeeze %dma_wait3A_149 : memref<1x32x128xf32, #tpu.memory_space<vmem>> -> memref<32x128xf32, #tpu.memory_space<vmem>>
    %dma_wait3A_151 = arith.constant 0 : i32
    %dma_wait3A_152 = tpu.memref_slice %arg2[%dma_wait3A_151, %dma_wait3A_145, %mul3A_2] : memref<32x6x4096xf32, #tpu.memory_space<hbm>> -> memref<32x1x128xf32, #tpu.memory_space<hbm>>
    %dma_wait3A_153 = tpu.memref_squeeze %dma_wait3A_152 : memref<32x1x128xf32, #tpu.memory_space<hbm>> -> memref<32x128xf32, #tpu.memory_space<hbm>>
    %dma_wait3A_154 = arith.constant 0 : i32
    %dma_wait3A_155 = arith.constant 0 : i32
    %dma_wait3A_156 = tpu.memref_slice %arg4[%dma_wait3A_146, %dma_wait3A_154, %dma_wait3A_155] : memref<6x32x128xf32, #tpu.memory_space<vmem>> -> memref<1x32x128xf32, #tpu.memory_space<vmem>>
    %dma_wait3A_157 = tpu.memref_squeeze %dma_wait3A_156 : memref<1x32x128xf32, #tpu.memory_space<vmem>> -> memref<32x128xf32, #tpu.memory_space<vmem>>
    %dma_wait3A_158 = arith.constant 0 : i32
    %dma_wait3A_159 = tpu.memref_slice %arg2[%dma_wait3A_158, %dma_wait3A_145, %mul3A_2] : memref<32x6x4096xf32, #tpu.memory_space<hbm>> -> memref<32x1x128xf32, #tpu.memory_space<hbm>>
    %dma_wait3A_160 = tpu.memref_squeeze %dma_wait3A_159 : memref<32x1x128xf32, #tpu.memory_space<hbm>> -> memref<32x128xf32, #tpu.memory_space<hbm>>
    tpu.wait_dma2 semaphore(%arg6 : memref<!tpu.dma_semaphore, #tpu.memory_space<semaphore_mem>>) src(%dma_wait3A_160 : memref<32x128xf32, #tpu.memory_space<hbm>>) dst(%dma_wait3A_157 : memref<32x128xf32, #tpu.memory_space<vmem>>)
    %dma_wait3A_161 = arith.constant 4 : i32
    %dma_wait3A_162 = arith.constant 4 : i32
    %dma_wait3A_163 = arith.constant 0 : i32
    %dma_wait3A_164 = arith.constant 0 : i32
    %dma_wait3A_165 = tpu.memref_slice %arg4[%dma_wait3A_162, %dma_wait3A_163, %dma_wait3A_164] : memref<6x32x128xf32, #tpu.memory_space<vmem>> -> memref<1x32x128xf32, #tpu.memory_space<vmem>>
    %dma_wait3A_166 = tpu.memref_squeeze %dma_wait3A_165 : memref<1x32x128xf32, #tpu.memory_space<vmem>> -> memref<32x128xf32, #tpu.memory_space<vmem>>
    %dma_wait3A_167 = arith.constant 0 : i32
    %dma_wait3A_168 = tpu.memref_slice %arg2[%dma_wait3A_167, %dma_wait3A_161, %mul3A_2] : memref<32x6x4096xf32, #tpu.memory_space<hbm>> -> memref<32x1x128xf32, #tpu.memory_space<hbm>>
    %dma_wait3A_169 = tpu.memref_squeeze %dma_wait3A_168 : memref<32x1x128xf32, #tpu.memory_space<hbm>> -> memref<32x128xf32, #tpu.memory_space<hbm>>
    %dma_wait3A_170 = arith.constant 0 : i32
    %dma_wait3A_171 = arith.constant 0 : i32
    %dma_wait3A_172 = tpu.memref_slice %arg4[%dma_wait3A_162, %dma_wait3A_170, %dma_wait3A_171] : memref<6x32x128xf32, #tpu.memory_space<vmem>> -> memref<1x32x128xf32, #tpu.memory_space<vmem>>
    %dma_wait3A_173 = tpu.memref_squeeze %dma_wait3A_172 : memref<1x32x128xf32, #tpu.memory_space<vmem>> -> memref<32x128xf32, #tpu.memory_space<vmem>>
    %dma_wait3A_174 = arith.constant 0 : i32
    %dma_wait3A_175 = tpu.memref_slice %arg2[%dma_wait3A_174, %dma_wait3A_161, %mul3A_2] : memref<32x6x4096xf32, #tpu.memory_space<hbm>> -> memref<32x1x128xf32, #tpu.memory_space<hbm>>
    %dma_wait3A_176 = tpu.memref_squeeze %dma_wait3A_175 : memref<32x1x128xf32, #tpu.memory_space<hbm>> -> memref<32x128xf32, #tpu.memory_space<hbm>>
    tpu.wait_dma2 semaphore(%arg6 : memref<!tpu.dma_semaphore, #tpu.memory_space<semaphore_mem>>) src(%dma_wait3A_176 : memref<32x128xf32, #tpu.memory_space<hbm>>) dst(%dma_wait3A_173 : memref<32x128xf32, #tpu.memory_space<vmem>>)
    %dma_wait3A_177 = arith.constant 5 : i32
    %dma_wait3A_178 = arith.constant 5 : i32
    %dma_wait3A_179 = arith.constant 0 : i32
    %dma_wait3A_180 = arith.constant 0 : i32
    %dma_wait3A_181 = tpu.memref_slice %arg4[%dma_wait3A_178, %dma_wait3A_179, %dma_wait3A_180] : memref<6x32x128xf32, #tpu.memory_space<vmem>> -> memref<1x32x128xf32, #tpu.memory_space<vmem>>
    %dma_wait3A_182 = tpu.memref_squeeze %dma_wait3A_181 : memref<1x32x128xf32, #tpu.memory_space<vmem>> -> memref<32x128xf32, #tpu.memory_space<vmem>>
    %dma_wait3A_183 = arith.constant 0 : i32
    %dma_wait3A_184 = tpu.memref_slice %arg2[%dma_wait3A_183, %dma_wait3A_177, %mul3A_2] : memref<32x6x4096xf32, #tpu.memory_space<hbm>> -> memref<32x1x128xf32, #tpu.memory_space<hbm>>
    %dma_wait3A_185 = tpu.memref_squeeze %dma_wait3A_184 : memref<32x1x128xf32, #tpu.memory_space<hbm>> -> memref<32x128xf32, #tpu.memory_space<hbm>>
    %dma_wait3A_186 = arith.constant 0 : i32
    %dma_wait3A_187 = arith.constant 0 : i32
    %dma_wait3A_188 = tpu.memref_slice %arg4[%dma_wait3A_178, %dma_wait3A_186, %dma_wait3A_187] : memref<6x32x128xf32, #tpu.memory_space<vmem>> -> memref<1x32x128xf32, #tpu.memory_space<vmem>>
    %dma_wait3A_189 = tpu.memref_squeeze %dma_wait3A_188 : memref<1x32x128xf32, #tpu.memory_space<vmem>> -> memref<32x128xf32, #tpu.memory_space<vmem>>
    %dma_wait3A_190 = arith.constant 0 : i32
    %dma_wait3A_191 = tpu.memref_slice %arg2[%dma_wait3A_190, %dma_wait3A_177, %mul3A_2] : memref<32x6x4096xf32, #tpu.memory_space<hbm>> -> memref<32x1x128xf32, #tpu.memory_space<hbm>>
    %dma_wait3A_192 = tpu.memref_squeeze %dma_wait3A_191 : memref<32x1x128xf32, #tpu.memory_space<hbm>> -> memref<32x128xf32, #tpu.memory_space<hbm>>
    tpu.wait_dma2 semaphore(%arg6 : memref<!tpu.dma_semaphore, #tpu.memory_space<semaphore_mem>>) src(%dma_wait3A_192 : memref<32x128xf32, #tpu.memory_space<hbm>>) dst(%dma_wait3A_189 : memref<32x128xf32, #tpu.memory_space<vmem>>)
    %iota3A = tpu.iota {dimensions = array<i32: 0>} : vector<16xi32>
    %get3A = arith.constant 0 : i32
    %get3A_193 = arith.constant 0 : i32
    %get3A_194 = arith.index_cast %get3A : i32 to index
    %get3A_195 = arith.index_cast %get3A_193 : i32 to index
    %get3A_196 = arith.constant 0 : index
    %get3A_197 = tpu.vector_load %arg4[%get3A_194, %get3A_195, %get3A_196] {strides = array<i32>} : memref<6x32x128xf32, #tpu.memory_space<vmem>>, vector<16xf32>,
    %scan3A = arith.constant 1 : i32
    %scan3A_198 = arith.constant 31 : i32
    %scan3A_199 = arith.addi %scan3A, %scan3A_198 : i32
    %scan3A_200 = arith.constant 1 : i32
    %scan3A_201 = scf.for %scan3A_992 = %scan3A to %scan3A_199 step %scan3A_200 iter_args(%scan3A_993 = %get3A_197) -> (vector<16xf32>)  : i32 {
      %get3A_994 = arith.constant 0 : i32
      %get3A_995 = arith.index_cast %get3A_994 : i32 to index
      %get3A_996 = arith.index_cast %scan3A_992 : i32 to index
      %get3A_997 = arith.constant 0 : index
      %get3A_998 = tpu.vector_load %arg4[%get3A_995, %get3A_996, %get3A_997] {strides = array<i32>} : memref<6x32x128xf32, #tpu.memory_space<vmem>>, vector<16xf32>,
      %add3A_999 = arith.addf %scan3A_993, %get3A_998 : vector<16xf32>
      scf.yield %add3A_999 : vector<16xf32>
    }
    %scan3A_202 = arith.constant 31 : i32
    %get3A_203 = arith.constant 1 : i32
    %get3A_204 = arith.constant 0 : i32
    %get3A_205 = arith.index_cast %get3A_203 : i32 to index
    %get3A_206 = arith.index_cast %get3A_204 : i32 to index
    %get3A_207 = arith.constant 0 : index
    %get3A_208 = tpu.vector_load %arg4[%get3A_205, %get3A_206, %get3A_207] {strides = array<i32>} : memref<6x32x128xf32, #tpu.memory_space<vmem>>, vector<16xf32>,
    %scan3A_209 = arith.constant 1 : i32
    %scan3A_210 = arith.constant 31 : i32
    %scan3A_211 = arith.addi %scan3A_209, %scan3A_210 : i32
    %scan3A_212 = arith.constant 1 : i32
    %scan3A_213 = scf.for %scan3A_992 = %scan3A_209 to %scan3A_211 step %scan3A_212 iter_args(%scan3A_993 = %get3A_208) -> (vector<16xf32>)  : i32 {
      %get3A_994 = arith.constant 1 : i32
      %get3A_995 = arith.index_cast %get3A_994 : i32 to index
      %get3A_996 = arith.index_cast %scan3A_992 : i32 to index
      %get3A_997 = arith.constant 0 : index
      %get3A_998 = tpu.vector_load %arg4[%get3A_995, %get3A_996, %get3A_997] {strides = array<i32>} : memref<6x32x128xf32, #tpu.memory_space<vmem>>, vector<16xf32>,
      %add3A_999 = arith.addf %scan3A_993, %get3A_998 : vector<16xf32>
      scf.yield %add3A_999 : vector<16xf32>
    }
    %scan3A_214 = arith.constant 31 : i32
    %get3A_215 = arith.constant 2 : i32
    %get3A_216 = arith.constant 0 : i32
    %get3A_217 = arith.index_cast %get3A_215 : i32 to index
    %get3A_218 = arith.index_cast %get3A_216 : i32 to index
    %get3A_219 = arith.constant 0 : index
    %get3A_220 = tpu.vector_load %arg4[%get3A_217, %get3A_218, %get3A_219] {strides = array<i32>} : memref<6x32x128xf32, #tpu.memory_space<vmem>>, vector<16xf32>,
    %scan3A_221 = arith.constant 1 : i32
    %scan3A_222 = arith.constant 31 : i32
    %scan3A_223 = arith.addi %scan3A_221, %scan3A_222 : i32
    %scan3A_224 = arith.constant 1 : i32
    %scan3A_225 = scf.for %scan3A_992 = %scan3A_221 to %scan3A_223 step %scan3A_224 iter_args(%scan3A_993 = %get3A_220) -> (vector<16xf32>)  : i32 {
      %get3A_994 = arith.constant 2 : i32
      %get3A_995 = arith.index_cast %get3A_994 : i32 to index
      %get3A_996 = arith.index_cast %scan3A_992 : i32 to index
      %get3A_997 = arith.constant 0 : index
      %get3A_998 = tpu.vector_load %arg4[%get3A_995, %get3A_996, %get3A_997] {strides = array<i32>} : memref<6x32x128xf32, #tpu.memory_space<vmem>>, vector<16xf32>,
      %add3A_999 = arith.addf %scan3A_993, %get3A_998 : vector<16xf32>
      scf.yield %add3A_999 : vector<16xf32>
    }
    %scan3A_226 = arith.constant 31 : i32
    %get3A_227 = arith.constant 3 : i32
    %get3A_228 = arith.constant 0 : i32
    %get3A_229 = arith.index_cast %get3A_227 : i32 to index
    %get3A_230 = arith.index_cast %get3A_228 : i32 to index
    %get3A_231 = arith.constant 0 : index
    %get3A_232 = tpu.vector_load %arg4[%get3A_229, %get3A_230, %get3A_231] {strides = array<i32>} : memref<6x32x128xf32, #tpu.memory_space<vmem>>, vector<16xf32>,
    %scan3A_233 = arith.constant 1 : i32
    %scan3A_234 = arith.constant 31 : i32
    %scan3A_235 = arith.addi %scan3A_233, %scan3A_234 : i32
    %scan3A_236 = arith.constant 1 : i32
    %scan3A_237 = scf.for %scan3A_992 = %scan3A_233 to %scan3A_235 step %scan3A_236 iter_args(%scan3A_993 = %get3A_232) -> (vector<16xf32>)  : i32 {
      %get3A_994 = arith.constant 3 : i32
      %get3A_995 = arith.index_cast %get3A_994 : i32 to index
      %get3A_996 = arith.index_cast %scan3A_992 : i32 to index
      %get3A_997 = arith.constant 0 : index
      %get3A_998 = tpu.vector_load %arg4[%get3A_995, %get3A_996, %get3A_997] {strides = array<i32>} : memref<6x32x128xf32, #tpu.memory_space<vmem>>, vector<16xf32>,
      %add3A_999 = arith.addf %scan3A_993, %get3A_998 : vector<16xf32>
      scf.yield %add3A_999 : vector<16xf32>
    }
    %scan3A_238 = arith.constant 31 : i32
    %get3A_239 = arith.constant 4 : i32
    %get3A_240 = arith.constant 0 : i32
    %get3A_241 = arith.index_cast %get3A_239 : i32 to index
    %get3A_242 = arith.index_cast %get3A_240 : i32 to index
    %get3A_243 = arith.constant 0 : index
    %get3A_244 = tpu.vector_load %arg4[%get3A_241, %get3A_242, %get3A_243] {strides = array<i32>} : memref<6x32x128xf32, #tpu.memory_space<vmem>>, vector<16xf32>,
    %scan3A_245 = arith.constant 1 : i32
    %scan3A_246 = arith.constant 31 : i32
    %scan3A_247 = arith.addi %scan3A_245, %scan3A_246 : i32
    %scan3A_248 = arith.constant 1 : i32
    %scan3A_249 = scf.for %scan3A_992 = %scan3A_245 to %scan3A_247 step %scan3A_248 iter_args(%scan3A_993 = %get3A_244) -> (vector<16xf32>)  : i32 {
      %get3A_994 = arith.constant 4 : i32
      %get3A_995 = arith.index_cast %get3A_994 : i32 to index
      %get3A_996 = arith.index_cast %scan3A_992 : i32 to index
      %get3A_997 = arith.constant 0 : index
      %get3A_998 = tpu.vector_load %arg4[%get3A_995, %get3A_996, %get3A_997] {strides = array<i32>} : memref<6x32x128xf32, #tpu.memory_space<vmem>>, vector<16xf32>,
      %add3A_999 = arith.addf %scan3A_993, %get3A_998 : vector<16xf32>
      scf.yield %add3A_999 : vector<16xf32>
    }
    %scan3A_250 = arith.constant 31 : i32
    %get3A_251 = arith.constant 5 : i32
    %get3A_252 = arith.constant 0 : i32
    %get3A_253 = arith.index_cast %get3A_251 : i32 to index
    %get3A_254 = arith.index_cast %get3A_252 : i32 to index
    %get3A_255 = arith.constant 0 : index
    %get3A_256 = tpu.vector_load %arg4[%get3A_253, %get3A_254, %get3A_255] {strides = array<i32>} : memref<6x32x128xf32, #tpu.memory_space<vmem>>, vector<16xf32>,
    %scan3A_257 = arith.constant 1 : i32
    %scan3A_258 = arith.constant 31 : i32
    %scan3A_259 = arith.addi %scan3A_257, %scan3A_258 : i32
    %scan3A_260 = arith.constant 1 : i32
    %scan3A_261 = scf.for %scan3A_992 = %scan3A_257 to %scan3A_259 step %scan3A_260 iter_args(%scan3A_993 = %get3A_256) -> (vector<16xf32>)  : i32 {
      %get3A_994 = arith.constant 5 : i32
      %get3A_995 = arith.index_cast %get3A_994 : i32 to index
      %get3A_996 = arith.index_cast %scan3A_992 : i32 to index
      %get3A_997 = arith.constant 0 : index
      %get3A_998 = tpu.vector_load %arg4[%get3A_995, %get3A_996, %get3A_997] {strides = array<i32>} : memref<6x32x128xf32, #tpu.memory_space<vmem>>, vector<16xf32>,
      %add3A_999 = arith.addf %scan3A_993, %get3A_998 : vector<16xf32>
      scf.yield %add3A_999 : vector<16xf32>
    }
    %scan3A_262 = arith.constant 31 : i32
    %add3A_263 = arith.constant 9.99999997E-7 : f32
    %add3A_264 = vector.broadcast %add3A_263 : f32 to vector<16xf32>
    %add3A_265 = arith.addf %scan3A_213, %add3A_264 : vector<16xf32>
    %div3A = arith.constant 1.000000e+00 : f32
    %div3A_266 = vector.broadcast %div3A : f32 to vector<16xf32>
    %div3A_267 = arith.divf %div3A_266, %add3A_265 : vector<16xf32>
    %add3A_268 = arith.constant 0 : i32
    %add3A_269 = vector.broadcast %add3A_268 : i32 to vector<16xi32>
    %add3A_270 = arith.addi %iota3A, %add3A_269 : vector<16xi32>
    %mul3A_271 = arith.constant 5 : i32
    %mul3A_272 = vector.broadcast %mul3A_271 : i32 to vector<16xi32>
    %mul3A_273 = arith.muli %add3A_270, %mul3A_272 : vector<16xi32>
    %mul3A_274 = arith.mulf %scan3A_225, %div3A_267 : vector<16xf32>
    tpu.vector_store_idx %arg5[%mul3A_273], %mul3A_274 : memref<640xf32, #tpu.memory_space<vmem>>[vector<16xi32>], vector<16xf32>,
    %add3A_275 = arith.constant 1 : i32
    %add3A_276 = vector.broadcast %add3A_275 : i32 to vector<16xi32>
    %add3A_277 = arith.addi %mul3A_273, %add3A_276 : vector<16xi32>
    %mul3A_278 = arith.mulf %scan3A_237, %div3A_267 : vector<16xf32>
    tpu.vector_store_idx %arg5[%add3A_277], %mul3A_278 : memref<640xf32, #tpu.memory_space<vmem>>[vector<16xi32>], vector<16xf32>,
    %add3A_279 = arith.constant 2 : i32
    %add3A_280 = vector.broadcast %add3A_279 : i32 to vector<16xi32>
    %add3A_281 = arith.addi %mul3A_273, %add3A_280 : vector<16xi32>
    %mul3A_282 = arith.mulf %scan3A_249, %div3A_267 : vector<16xf32>
    tpu.vector_store_idx %arg5[%add3A_281], %mul3A_282 : memref<640xf32, #tpu.memory_space<vmem>>[vector<16xi32>], vector<16xf32>,
    %add3A_283 = arith.constant 3 : i32
    %add3A_284 = vector.broadcast %add3A_283 : i32 to vector<16xi32>
    %add3A_285 = arith.addi %mul3A_273, %add3A_284 : vector<16xi32>
    %mul3A_286 = arith.mulf %scan3A_261, %div3A_267 : vector<16xf32>
    tpu.vector_store_idx %arg5[%add3A_285], %mul3A_286 : memref<640xf32, #tpu.memory_space<vmem>>[vector<16xi32>], vector<16xf32>,
    %add3A_287 = arith.constant 4 : i32
    %add3A_288 = vector.broadcast %add3A_287 : i32 to vector<16xi32>
    %add3A_289 = arith.addi %mul3A_273, %add3A_288 : vector<16xi32>
    tpu.vector_store_idx %arg5[%add3A_289], %scan3A_201 : memref<640xf32, #tpu.memory_space<vmem>>[vector<16xi32>], vector<16xf32>,
    %get3A_290 = arith.constant 0 : i32
    %get3A_291 = arith.constant 0 : i32
    %get3A_292 = arith.index_cast %get3A_290 : i32 to index
    %get3A_293 = arith.index_cast %get3A_291 : i32 to index
    %get3A_294 = arith.constant 16 : index
    %get3A_295 = tpu.vector_load %arg4[%get3A_292, %get3A_293, %get3A_294] {strides = array<i32>} : memref<6x32x128xf32, #tpu.memory_space<vmem>>, vector<16xf32>,
    %scan3A_296 = arith.constant 1 : i32
    %scan3A_297 = arith.constant 31 : i32
    %scan3A_298 = arith.addi %scan3A_296, %scan3A_297 : i32
    %scan3A_299 = arith.constant 1 : i32
    %scan3A_300 = scf.for %scan3A_992 = %scan3A_296 to %scan3A_298 step %scan3A_299 iter_args(%scan3A_993 = %get3A_295) -> (vector<16xf32>)  : i32 {
      %get3A_994 = arith.constant 0 : i32
      %get3A_995 = arith.index_cast %get3A_994 : i32 to index
      %get3A_996 = arith.index_cast %scan3A_992 : i32 to index
      %get3A_997 = arith.constant 16 : index
      %get3A_998 = tpu.vector_load %arg4[%get3A_995, %get3A_996, %get3A_997] {strides = array<i32>} : memref<6x32x128xf32, #tpu.memory_space<vmem>>, vector<16xf32>,
      %add3A_999 = arith.addf %scan3A_993, %get3A_998 : vector<16xf32>
      scf.yield %add3A_999 : vector<16xf32>
    }
    %scan3A_301 = arith.constant 31 : i32
    %get3A_302 = arith.constant 1 : i32
    %get3A_303 = arith.constant 0 : i32
    %get3A_304 = arith.index_cast %get3A_302 : i32 to index
    %get3A_305 = arith.index_cast %get3A_303 : i32 to index
    %get3A_306 = arith.constant 16 : index
    %get3A_307 = tpu.vector_load %arg4[%get3A_304, %get3A_305, %get3A_306] {strides = array<i32>} : memref<6x32x128xf32, #tpu.memory_space<vmem>>, vector<16xf32>,
    %scan3A_308 = arith.constant 1 : i32
    %scan3A_309 = arith.constant 31 : i32
    %scan3A_310 = arith.addi %scan3A_308, %scan3A_309 : i32
    %scan3A_311 = arith.constant 1 : i32
    %scan3A_312 = scf.for %scan3A_992 = %scan3A_308 to %scan3A_310 step %scan3A_311 iter_args(%scan3A_993 = %get3A_307) -> (vector<16xf32>)  : i32 {
      %get3A_994 = arith.constant 1 : i32
      %get3A_995 = arith.index_cast %get3A_994 : i32 to index
      %get3A_996 = arith.index_cast %scan3A_992 : i32 to index
      %get3A_997 = arith.constant 16 : index
      %get3A_998 = tpu.vector_load %arg4[%get3A_995, %get3A_996, %get3A_997] {strides = array<i32>} : memref<6x32x128xf32, #tpu.memory_space<vmem>>, vector<16xf32>,
      %add3A_999 = arith.addf %scan3A_993, %get3A_998 : vector<16xf32>
      scf.yield %add3A_999 : vector<16xf32>
    }
    %scan3A_313 = arith.constant 31 : i32
    %get3A_314 = arith.constant 2 : i32
    %get3A_315 = arith.constant 0 : i32
    %get3A_316 = arith.index_cast %get3A_314 : i32 to index
    %get3A_317 = arith.index_cast %get3A_315 : i32 to index
    %get3A_318 = arith.constant 16 : index
    %get3A_319 = tpu.vector_load %arg4[%get3A_316, %get3A_317, %get3A_318] {strides = array<i32>} : memref<6x32x128xf32, #tpu.memory_space<vmem>>, vector<16xf32>,
    %scan3A_320 = arith.constant 1 : i32
    %scan3A_321 = arith.constant 31 : i32
    %scan3A_322 = arith.addi %scan3A_320, %scan3A_321 : i32
    %scan3A_323 = arith.constant 1 : i32
    %scan3A_324 = scf.for %scan3A_992 = %scan3A_320 to %scan3A_322 step %scan3A_323 iter_args(%scan3A_993 = %get3A_319) -> (vector<16xf32>)  : i32 {
      %get3A_994 = arith.constant 2 : i32
      %get3A_995 = arith.index_cast %get3A_994 : i32 to index
      %get3A_996 = arith.index_cast %scan3A_992 : i32 to index
      %get3A_997 = arith.constant 16 : index
      %get3A_998 = tpu.vector_load %arg4[%get3A_995, %get3A_996, %get3A_997] {strides = array<i32>} : memref<6x32x128xf32, #tpu.memory_space<vmem>>, vector<16xf32>,
      %add3A_999 = arith.addf %scan3A_993, %get3A_998 : vector<16xf32>
      scf.yield %add3A_999 : vector<16xf32>
    }
    %scan3A_325 = arith.constant 31 : i32
    %get3A_326 = arith.constant 3 : i32
    %get3A_327 = arith.constant 0 : i32
    %get3A_328 = arith.index_cast %get3A_326 : i32 to index
    %get3A_329 = arith.index_cast %get3A_327 : i32 to index
    %get3A_330 = arith.constant 16 : index
    %get3A_331 = tpu.vector_load %arg4[%get3A_328, %get3A_329, %get3A_330] {strides = array<i32>} : memref<6x32x128xf32, #tpu.memory_space<vmem>>, vector<16xf32>,
    %scan3A_332 = arith.constant 1 : i32
    %scan3A_333 = arith.constant 31 : i32
    %scan3A_334 = arith.addi %scan3A_332, %scan3A_333 : i32
    %scan3A_335 = arith.constant 1 : i32
    %scan3A_336 = scf.for %scan3A_992 = %scan3A_332 to %scan3A_334 step %scan3A_335 iter_args(%scan3A_993 = %get3A_331) -> (vector<16xf32>)  : i32 {
      %get3A_994 = arith.constant 3 : i32
      %get3A_995 = arith.index_cast %get3A_994 : i32 to index
      %get3A_996 = arith.index_cast %scan3A_992 : i32 to index
      %get3A_997 = arith.constant 16 : index
      %get3A_998 = tpu.vector_load %arg4[%get3A_995, %get3A_996, %get3A_997] {strides = array<i32>} : memref<6x32x128xf32, #tpu.memory_space<vmem>>, vector<16xf32>,
      %add3A_999 = arith.addf %scan3A_993, %get3A_998 : vector<16xf32>
      scf.yield %add3A_999 : vector<16xf32>
    }
    %scan3A_337 = arith.constant 31 : i32
    %get3A_338 = arith.constant 4 : i32
    %get3A_339 = arith.constant 0 : i32
    %get3A_340 = arith.index_cast %get3A_338 : i32 to index
    %get3A_341 = arith.index_cast %get3A_339 : i32 to index
    %get3A_342 = arith.constant 16 : index
    %get3A_343 = tpu.vector_load %arg4[%get3A_340, %get3A_341, %get3A_342] {strides = array<i32>} : memref<6x32x128xf32, #tpu.memory_space<vmem>>, vector<16xf32>,
    %scan3A_344 = arith.constant 1 : i32
    %scan3A_345 = arith.constant 31 : i32
    %scan3A_346 = arith.addi %scan3A_344, %scan3A_345 : i32
    %scan3A_347 = arith.constant 1 : i32
    %scan3A_348 = scf.for %scan3A_992 = %scan3A_344 to %scan3A_346 step %scan3A_347 iter_args(%scan3A_993 = %get3A_343) -> (vector<16xf32>)  : i32 {
      %get3A_994 = arith.constant 4 : i32
      %get3A_995 = arith.index_cast %get3A_994 : i32 to index
      %get3A_996 = arith.index_cast %scan3A_992 : i32 to index
      %get3A_997 = arith.constant 16 : index
      %get3A_998 = tpu.vector_load %arg4[%get3A_995, %get3A_996, %get3A_997] {strides = array<i32>} : memref<6x32x128xf32, #tpu.memory_space<vmem>>, vector<16xf32>,
      %add3A_999 = arith.addf %scan3A_993, %get3A_998 : vector<16xf32>
      scf.yield %add3A_999 : vector<16xf32>
    }
    %scan3A_349 = arith.constant 31 : i32
    %get3A_350 = arith.constant 5 : i32
    %get3A_351 = arith.constant 0 : i32
    %get3A_352 = arith.index_cast %get3A_350 : i32 to index
    %get3A_353 = arith.index_cast %get3A_351 : i32 to index
    %get3A_354 = arith.constant 16 : index
    %get3A_355 = tpu.vector_load %arg4[%get3A_352, %get3A_353, %get3A_354] {strides = array<i32>} : memref<6x32x128xf32, #tpu.memory_space<vmem>>, vector<16xf32>,
    %scan3A_356 = arith.constant 1 : i32
    %scan3A_357 = arith.constant 31 : i32
    %scan3A_358 = arith.addi %scan3A_356, %scan3A_357 : i32
    %scan3A_359 = arith.constant 1 : i32
    %scan3A_360 = scf.for %scan3A_992 = %scan3A_356 to %scan3A_358 step %scan3A_359 iter_args(%scan3A_993 = %get3A_355) -> (vector<16xf32>)  : i32 {
      %get3A_994 = arith.constant 5 : i32
      %get3A_995 = arith.index_cast %get3A_994 : i32 to index
      %get3A_996 = arith.index_cast %scan3A_992 : i32 to index
      %get3A_997 = arith.constant 16 : index
      %get3A_998 = tpu.vector_load %arg4[%get3A_995, %get3A_996, %get3A_997] {strides = array<i32>} : memref<6x32x128xf32, #tpu.memory_space<vmem>>, vector<16xf32>,
      %add3A_999 = arith.addf %scan3A_993, %get3A_998 : vector<16xf32>
      scf.yield %add3A_999 : vector<16xf32>
    }
    %scan3A_361 = arith.constant 31 : i32
    %add3A_362 = arith.constant 9.99999997E-7 : f32
    %add3A_363 = vector.broadcast %add3A_362 : f32 to vector<16xf32>
    %add3A_364 = arith.addf %scan3A_312, %add3A_363 : vector<16xf32>
    %div3A_365 = arith.constant 1.000000e+00 : f32
    %div3A_366 = vector.broadcast %div3A_365 : f32 to vector<16xf32>
    %div3A_367 = arith.divf %div3A_366, %add3A_364 : vector<16xf32>
    %add3A_368 = arith.constant 16 : i32
    %add3A_369 = vector.broadcast %add3A_368 : i32 to vector<16xi32>
    %add3A_370 = arith.addi %iota3A, %add3A_369 : vector<16xi32>
    %mul3A_371 = arith.constant 5 : i32
    %mul3A_372 = vector.broadcast %mul3A_371 : i32 to vector<16xi32>
    %mul3A_373 = arith.muli %add3A_370, %mul3A_372 : vector<16xi32>
    %mul3A_374 = arith.mulf %scan3A_324, %div3A_367 : vector<16xf32>
    tpu.vector_store_idx %arg5[%mul3A_373], %mul3A_374 : memref<640xf32, #tpu.memory_space<vmem>>[vector<16xi32>], vector<16xf32>,
    %add3A_375 = arith.constant 1 : i32
    %add3A_376 = vector.broadcast %add3A_375 : i32 to vector<16xi32>
    %add3A_377 = arith.addi %mul3A_373, %add3A_376 : vector<16xi32>
    %mul3A_378 = arith.mulf %scan3A_336, %div3A_367 : vector<16xf32>
    tpu.vector_store_idx %arg5[%add3A_377], %mul3A_378 : memref<640xf32, #tpu.memory_space<vmem>>[vector<16xi32>], vector<16xf32>,
    %add3A_379 = arith.constant 2 : i32
    %add3A_380 = vector.broadcast %add3A_379 : i32 to vector<16xi32>
    %add3A_381 = arith.addi %mul3A_373, %add3A_380 : vector<16xi32>
    %mul3A_382 = arith.mulf %scan3A_348, %div3A_367 : vector<16xf32>
    tpu.vector_store_idx %arg5[%add3A_381], %mul3A_382 : memref<640xf32, #tpu.memory_space<vmem>>[vector<16xi32>], vector<16xf32>,
    %add3A_383 = arith.constant 3 : i32
    %add3A_384 = vector.broadcast %add3A_383 : i32 to vector<16xi32>
    %add3A_385 = arith.addi %mul3A_373, %add3A_384 : vector<16xi32>
    %mul3A_386 = arith.mulf %scan3A_360, %div3A_367 : vector<16xf32>
    tpu.vector_store_idx %arg5[%add3A_385], %mul3A_386 : memref<640xf32, #tpu.memory_space<vmem>>[vector<16xi32>], vector<16xf32>,
    %add3A_387 = arith.constant 4 : i32
    %add3A_388 = vector.broadcast %add3A_387 : i32 to vector<16xi32>
    %add3A_389 = arith.addi %mul3A_373, %add3A_388 : vector<16xi32>
    tpu.vector_store_idx %arg5[%add3A_389], %scan3A_300 : memref<640xf32, #tpu.memory_space<vmem>>[vector<16xi32>], vector<16xf32>,
    %get3A_390 = arith.constant 0 : i32
    %get3A_391 = arith.constant 0 : i32
    %get3A_392 = arith.index_cast %get3A_390 : i32 to index
    %get3A_393 = arith.index_cast %get3A_391 : i32 to index
    %get3A_394 = arith.constant 32 : index
    %get3A_395 = tpu.vector_load %arg4[%get3A_392, %get3A_393, %get3A_394] {strides = array<i32>} : memref<6x32x128xf32, #tpu.memory_space<vmem>>, vector<16xf32>,
    %scan3A_396 = arith.constant 1 : i32
    %scan3A_397 = arith.constant 31 : i32
    %scan3A_398 = arith.addi %scan3A_396, %scan3A_397 : i32
    %scan3A_399 = arith.constant 1 : i32
    %scan3A_400 = scf.for %scan3A_992 = %scan3A_396 to %scan3A_398 step %scan3A_399 iter_args(%scan3A_993 = %get3A_395) -> (vector<16xf32>)  : i32 {
      %get3A_994 = arith.constant 0 : i32
      %get3A_995 = arith.index_cast %get3A_994 : i32 to index
      %get3A_996 = arith.index_cast %scan3A_992 : i32 to index
      %get3A_997 = arith.constant 32 : index
      %get3A_998 = tpu.vector_load %arg4[%get3A_995, %get3A_996, %get3A_997] {strides = array<i32>} : memref<6x32x128xf32, #tpu.memory_space<vmem>>, vector<16xf32>,
      %add3A_999 = arith.addf %scan3A_993, %get3A_998 : vector<16xf32>
      scf.yield %add3A_999 : vector<16xf32>
    }
    %scan3A_401 = arith.constant 31 : i32
    %get3A_402 = arith.constant 1 : i32
    %get3A_403 = arith.constant 0 : i32
    %get3A_404 = arith.index_cast %get3A_402 : i32 to index
    %get3A_405 = arith.index_cast %get3A_403 : i32 to index
    %get3A_406 = arith.constant 32 : index
    %get3A_407 = tpu.vector_load %arg4[%get3A_404, %get3A_405, %get3A_406] {strides = array<i32>} : memref<6x32x128xf32, #tpu.memory_space<vmem>>, vector<16xf32>,
    %scan3A_408 = arith.constant 1 : i32
    %scan3A_409 = arith.constant 31 : i32
    %scan3A_410 = arith.addi %scan3A_408, %scan3A_409 : i32
    %scan3A_411 = arith.constant 1 : i32
    %scan3A_412 = scf.for %scan3A_992 = %scan3A_408 to %scan3A_410 step %scan3A_411 iter_args(%scan3A_993 = %get3A_407) -> (vector<16xf32>)  : i32 {
      %get3A_994 = arith.constant 1 : i32
      %get3A_995 = arith.index_cast %get3A_994 : i32 to index
      %get3A_996 = arith.index_cast %scan3A_992 : i32 to index
      %get3A_997 = arith.constant 32 : index
      %get3A_998 = tpu.vector_load %arg4[%get3A_995, %get3A_996, %get3A_997] {strides = array<i32>} : memref<6x32x128xf32, #tpu.memory_space<vmem>>, vector<16xf32>,
      %add3A_999 = arith.addf %scan3A_993, %get3A_998 : vector<16xf32>
      scf.yield %add3A_999 : vector<16xf32>
    }
    %scan3A_413 = arith.constant 31 : i32
    %get3A_414 = arith.constant 2 : i32
    %get3A_415 = arith.constant 0 : i32
    %get3A_416 = arith.index_cast %get3A_414 : i32 to index
    %get3A_417 = arith.index_cast %get3A_415 : i32 to index
    %get3A_418 = arith.constant 32 : index
    %get3A_419 = tpu.vector_load %arg4[%get3A_416, %get3A_417, %get3A_418] {strides = array<i32>} : memref<6x32x128xf32, #tpu.memory_space<vmem>>, vector<16xf32>,
    %scan3A_420 = arith.constant 1 : i32
    %scan3A_421 = arith.constant 31 : i32
    %scan3A_422 = arith.addi %scan3A_420, %scan3A_421 : i32
    %scan3A_423 = arith.constant 1 : i32
    %scan3A_424 = scf.for %scan3A_992 = %scan3A_420 to %scan3A_422 step %scan3A_423 iter_args(%scan3A_993 = %get3A_419) -> (vector<16xf32>)  : i32 {
      %get3A_994 = arith.constant 2 : i32
      %get3A_995 = arith.index_cast %get3A_994 : i32 to index
      %get3A_996 = arith.index_cast %scan3A_992 : i32 to index
      %get3A_997 = arith.constant 32 : index
      %get3A_998 = tpu.vector_load %arg4[%get3A_995, %get3A_996, %get3A_997] {strides = array<i32>} : memref<6x32x128xf32, #tpu.memory_space<vmem>>, vector<16xf32>,
      %add3A_999 = arith.addf %scan3A_993, %get3A_998 : vector<16xf32>
      scf.yield %add3A_999 : vector<16xf32>
    }
    %scan3A_425 = arith.constant 31 : i32
    %get3A_426 = arith.constant 3 : i32
    %get3A_427 = arith.constant 0 : i32
    %get3A_428 = arith.index_cast %get3A_426 : i32 to index
    %get3A_429 = arith.index_cast %get3A_427 : i32 to index
    %get3A_430 = arith.constant 32 : index
    %get3A_431 = tpu.vector_load %arg4[%get3A_428, %get3A_429, %get3A_430] {strides = array<i32>} : memref<6x32x128xf32, #tpu.memory_space<vmem>>, vector<16xf32>,
    %scan3A_432 = arith.constant 1 : i32
    %scan3A_433 = arith.constant 31 : i32
    %scan3A_434 = arith.addi %scan3A_432, %scan3A_433 : i32
    %scan3A_435 = arith.constant 1 : i32
    %scan3A_436 = scf.for %scan3A_992 = %scan3A_432 to %scan3A_434 step %scan3A_435 iter_args(%scan3A_993 = %get3A_431) -> (vector<16xf32>)  : i32 {
      %get3A_994 = arith.constant 3 : i32
      %get3A_995 = arith.index_cast %get3A_994 : i32 to index
      %get3A_996 = arith.index_cast %scan3A_992 : i32 to index
      %get3A_997 = arith.constant 32 : index
      %get3A_998 = tpu.vector_load %arg4[%get3A_995, %get3A_996, %get3A_997] {strides = array<i32>} : memref<6x32x128xf32, #tpu.memory_space<vmem>>, vector<16xf32>,
      %add3A_999 = arith.addf %scan3A_993, %get3A_998 : vector<16xf32>
      scf.yield %add3A_999 : vector<16xf32>
    }
    %scan3A_437 = arith.constant 31 : i32
    %get3A_438 = arith.constant 4 : i32
    %get3A_439 = arith.constant 0 : i32
    %get3A_440 = arith.index_cast %get3A_438 : i32 to index
    %get3A_441 = arith.index_cast %get3A_439 : i32 to index
    %get3A_442 = arith.constant 32 : index
    %get3A_443 = tpu.vector_load %arg4[%get3A_440, %get3A_441, %get3A_442] {strides = array<i32>} : memref<6x32x128xf32, #tpu.memory_space<vmem>>, vector<16xf32>,
    %scan3A_444 = arith.constant 1 : i32
    %scan3A_445 = arith.constant 31 : i32
    %scan3A_446 = arith.addi %scan3A_444, %scan3A_445 : i32
    %scan3A_447 = arith.constant 1 : i32
    %scan3A_448 = scf.for %scan3A_992 = %scan3A_444 to %scan3A_446 step %scan3A_447 iter_args(%scan3A_993 = %get3A_443) -> (vector<16xf32>)  : i32 {
      %get3A_994 = arith.constant 4 : i32
      %get3A_995 = arith.index_cast %get3A_994 : i32 to index
      %get3A_996 = arith.index_cast %scan3A_992 : i32 to index
      %get3A_997 = arith.constant 32 : index
      %get3A_998 = tpu.vector_load %arg4[%get3A_995, %get3A_996, %get3A_997] {strides = array<i32>} : memref<6x32x128xf32, #tpu.memory_space<vmem>>, vector<16xf32>,
      %add3A_999 = arith.addf %scan3A_993, %get3A_998 : vector<16xf32>
      scf.yield %add3A_999 : vector<16xf32>
    }
    %scan3A_449 = arith.constant 31 : i32
    %get3A_450 = arith.constant 5 : i32
    %get3A_451 = arith.constant 0 : i32
    %get3A_452 = arith.index_cast %get3A_450 : i32 to index
    %get3A_453 = arith.index_cast %get3A_451 : i32 to index
    %get3A_454 = arith.constant 32 : index
    %get3A_455 = tpu.vector_load %arg4[%get3A_452, %get3A_453, %get3A_454] {strides = array<i32>} : memref<6x32x128xf32, #tpu.memory_space<vmem>>, vector<16xf32>,
    %scan3A_456 = arith.constant 1 : i32
    %scan3A_457 = arith.constant 31 : i32
    %scan3A_458 = arith.addi %scan3A_456, %scan3A_457 : i32
    %scan3A_459 = arith.constant 1 : i32
    %scan3A_460 = scf.for %scan3A_992 = %scan3A_456 to %scan3A_458 step %scan3A_459 iter_args(%scan3A_993 = %get3A_455) -> (vector<16xf32>)  : i32 {
      %get3A_994 = arith.constant 5 : i32
      %get3A_995 = arith.index_cast %get3A_994 : i32 to index
      %get3A_996 = arith.index_cast %scan3A_992 : i32 to index
      %get3A_997 = arith.constant 32 : index
      %get3A_998 = tpu.vector_load %arg4[%get3A_995, %get3A_996, %get3A_997] {strides = array<i32>} : memref<6x32x128xf32, #tpu.memory_space<vmem>>, vector<16xf32>,
      %add3A_999 = arith.addf %scan3A_993, %get3A_998 : vector<16xf32>
      scf.yield %add3A_999 : vector<16xf32>
    }
    %scan3A_461 = arith.constant 31 : i32
    %add3A_462 = arith.constant 9.99999997E-7 : f32
    %add3A_463 = vector.broadcast %add3A_462 : f32 to vector<16xf32>
    %add3A_464 = arith.addf %scan3A_412, %add3A_463 : vector<16xf32>
    %div3A_465 = arith.constant 1.000000e+00 : f32
    %div3A_466 = vector.broadcast %div3A_465 : f32 to vector<16xf32>
    %div3A_467 = arith.divf %div3A_466, %add3A_464 : vector<16xf32>
    %add3A_468 = arith.constant 32 : i32
    %add3A_469 = vector.broadcast %add3A_468 : i32 to vector<16xi32>
    %add3A_470 = arith.addi %iota3A, %add3A_469 : vector<16xi32>
    %mul3A_471 = arith.constant 5 : i32
    %mul3A_472 = vector.broadcast %mul3A_471 : i32 to vector<16xi32>
    %mul3A_473 = arith.muli %add3A_470, %mul3A_472 : vector<16xi32>
    %mul3A_474 = arith.mulf %scan3A_424, %div3A_467 : vector<16xf32>
    tpu.vector_store_idx %arg5[%mul3A_473], %mul3A_474 : memref<640xf32, #tpu.memory_space<vmem>>[vector<16xi32>], vector<16xf32>,
    %add3A_475 = arith.constant 1 : i32
    %add3A_476 = vector.broadcast %add3A_475 : i32 to vector<16xi32>
    %add3A_477 = arith.addi %mul3A_473, %add3A_476 : vector<16xi32>
    %mul3A_478 = arith.mulf %scan3A_436, %div3A_467 : vector<16xf32>
    tpu.vector_store_idx %arg5[%add3A_477], %mul3A_478 : memref<640xf32, #tpu.memory_space<vmem>>[vector<16xi32>], vector<16xf32>,
    %add3A_479 = arith.constant 2 : i32
    %add3A_480 = vector.broadcast %add3A_479 : i32 to vector<16xi32>
    %add3A_481 = arith.addi %mul3A_473, %add3A_480 : vector<16xi32>
    %mul3A_482 = arith.mulf %scan3A_448, %div3A_467 : vector<16xf32>
    tpu.vector_store_idx %arg5[%add3A_481], %mul3A_482 : memref<640xf32, #tpu.memory_space<vmem>>[vector<16xi32>], vector<16xf32>,
    %add3A_483 = arith.constant 3 : i32
    %add3A_484 = vector.broadcast %add3A_483 : i32 to vector<16xi32>
    %add3A_485 = arith.addi %mul3A_473, %add3A_484 : vector<16xi32>
    %mul3A_486 = arith.mulf %scan3A_460, %div3A_467 : vector<16xf32>
    tpu.vector_store_idx %arg5[%add3A_485], %mul3A_486 : memref<640xf32, #tpu.memory_space<vmem>>[vector<16xi32>], vector<16xf32>,
    %add3A_487 = arith.constant 4 : i32
    %add3A_488 = vector.broadcast %add3A_487 : i32 to vector<16xi32>
    %add3A_489 = arith.addi %mul3A_473, %add3A_488 : vector<16xi32>
    tpu.vector_store_idx %arg5[%add3A_489], %scan3A_400 : memref<640xf32, #tpu.memory_space<vmem>>[vector<16xi32>], vector<16xf32>,
    %get3A_490 = arith.constant 0 : i32
    %get3A_491 = arith.constant 0 : i32
    %get3A_492 = arith.index_cast %get3A_490 : i32 to index
    %get3A_493 = arith.index_cast %get3A_491 : i32 to index
    %get3A_494 = arith.constant 48 : index
    %get3A_495 = tpu.vector_load %arg4[%get3A_492, %get3A_493, %get3A_494] {strides = array<i32>} : memref<6x32x128xf32, #tpu.memory_space<vmem>>, vector<16xf32>,
    %scan3A_496 = arith.constant 1 : i32
    %scan3A_497 = arith.constant 31 : i32
    %scan3A_498 = arith.addi %scan3A_496, %scan3A_497 : i32
    %scan3A_499 = arith.constant 1 : i32
    %scan3A_500 = scf.for %scan3A_992 = %scan3A_496 to %scan3A_498 step %scan3A_499 iter_args(%scan3A_993 = %get3A_495) -> (vector<16xf32>)  : i32 {
      %get3A_994 = arith.constant 0 : i32
      %get3A_995 = arith.index_cast %get3A_994 : i32 to index
      %get3A_996 = arith.index_cast %scan3A_992 : i32 to index
      %get3A_997 = arith.constant 48 : index
      %get3A_998 = tpu.vector_load %arg4[%get3A_995, %get3A_996, %get3A_997] {strides = array<i32>} : memref<6x32x128xf32, #tpu.memory_space<vmem>>, vector<16xf32>,
      %add3A_999 = arith.addf %scan3A_993, %get3A_998 : vector<16xf32>
      scf.yield %add3A_999 : vector<16xf32>
    }
    %scan3A_501 = arith.constant 31 : i32
    %get3A_502 = arith.constant 1 : i32
    %get3A_503 = arith.constant 0 : i32
    %get3A_504 = arith.index_cast %get3A_502 : i32 to index
    %get3A_505 = arith.index_cast %get3A_503 : i32 to index
    %get3A_506 = arith.constant 48 : index
    %get3A_507 = tpu.vector_load %arg4[%get3A_504, %get3A_505, %get3A_506] {strides = array<i32>} : memref<6x32x128xf32, #tpu.memory_space<vmem>>, vector<16xf32>,
    %scan3A_508 = arith.constant 1 : i32
    %scan3A_509 = arith.constant 31 : i32
    %scan3A_510 = arith.addi %scan3A_508, %scan3A_509 : i32
    %scan3A_511 = arith.constant 1 : i32
    %scan3A_512 = scf.for %scan3A_992 = %scan3A_508 to %scan3A_510 step %scan3A_511 iter_args(%scan3A_993 = %get3A_507) -> (vector<16xf32>)  : i32 {
      %get3A_994 = arith.constant 1 : i32
      %get3A_995 = arith.index_cast %get3A_994 : i32 to index
      %get3A_996 = arith.index_cast %scan3A_992 : i32 to index
      %get3A_997 = arith.constant 48 : index
      %get3A_998 = tpu.vector_load %arg4[%get3A_995, %get3A_996, %get3A_997] {strides = array<i32>} : memref<6x32x128xf32, #tpu.memory_space<vmem>>, vector<16xf32>,
      %add3A_999 = arith.addf %scan3A_993, %get3A_998 : vector<16xf32>
      scf.yield %add3A_999 : vector<16xf32>
    }
    %scan3A_513 = arith.constant 31 : i32
    %get3A_514 = arith.constant 2 : i32
    %get3A_515 = arith.constant 0 : i32
    %get3A_516 = arith.index_cast %get3A_514 : i32 to index
    %get3A_517 = arith.index_cast %get3A_515 : i32 to index
    %get3A_518 = arith.constant 48 : index
    %get3A_519 = tpu.vector_load %arg4[%get3A_516, %get3A_517, %get3A_518] {strides = array<i32>} : memref<6x32x128xf32, #tpu.memory_space<vmem>>, vector<16xf32>,
    %scan3A_520 = arith.constant 1 : i32
    %scan3A_521 = arith.constant 31 : i32
    %scan3A_522 = arith.addi %scan3A_520, %scan3A_521 : i32
    %scan3A_523 = arith.constant 1 : i32
    %scan3A_524 = scf.for %scan3A_992 = %scan3A_520 to %scan3A_522 step %scan3A_523 iter_args(%scan3A_993 = %get3A_519) -> (vector<16xf32>)  : i32 {
      %get3A_994 = arith.constant 2 : i32
      %get3A_995 = arith.index_cast %get3A_994 : i32 to index
      %get3A_996 = arith.index_cast %scan3A_992 : i32 to index
      %get3A_997 = arith.constant 48 : index
      %get3A_998 = tpu.vector_load %arg4[%get3A_995, %get3A_996, %get3A_997] {strides = array<i32>} : memref<6x32x128xf32, #tpu.memory_space<vmem>>, vector<16xf32>,
      %add3A_999 = arith.addf %scan3A_993, %get3A_998 : vector<16xf32>
      scf.yield %add3A_999 : vector<16xf32>
    }
    %scan3A_525 = arith.constant 31 : i32
    %get3A_526 = arith.constant 3 : i32
    %get3A_527 = arith.constant 0 : i32
    %get3A_528 = arith.index_cast %get3A_526 : i32 to index
    %get3A_529 = arith.index_cast %get3A_527 : i32 to index
    %get3A_530 = arith.constant 48 : index
    %get3A_531 = tpu.vector_load %arg4[%get3A_528, %get3A_529, %get3A_530] {strides = array<i32>} : memref<6x32x128xf32, #tpu.memory_space<vmem>>, vector<16xf32>,
    %scan3A_532 = arith.constant 1 : i32
    %scan3A_533 = arith.constant 31 : i32
    %scan3A_534 = arith.addi %scan3A_532, %scan3A_533 : i32
    %scan3A_535 = arith.constant 1 : i32
    %scan3A_536 = scf.for %scan3A_992 = %scan3A_532 to %scan3A_534 step %scan3A_535 iter_args(%scan3A_993 = %get3A_531) -> (vector<16xf32>)  : i32 {
      %get3A_994 = arith.constant 3 : i32
      %get3A_995 = arith.index_cast %get3A_994 : i32 to index
      %get3A_996 = arith.index_cast %scan3A_992 : i32 to index
      %get3A_997 = arith.constant 48 : index
      %get3A_998 = tpu.vector_load %arg4[%get3A_995, %get3A_996, %get3A_997] {strides = array<i32>} : memref<6x32x128xf32, #tpu.memory_space<vmem>>, vector<16xf32>,
      %add3A_999 = arith.addf %scan3A_993, %get3A_998 : vector<16xf32>
      scf.yield %add3A_999 : vector<16xf32>
    }
    %scan3A_537 = arith.constant 31 : i32
    %get3A_538 = arith.constant 4 : i32
    %get3A_539 = arith.constant 0 : i32
    %get3A_540 = arith.index_cast %get3A_538 : i32 to index
    %get3A_541 = arith.index_cast %get3A_539 : i32 to index
    %get3A_542 = arith.constant 48 : index
    %get3A_543 = tpu.vector_load %arg4[%get3A_540, %get3A_541, %get3A_542] {strides = array<i32>} : memref<6x32x128xf32, #tpu.memory_space<vmem>>, vector<16xf32>,
    %scan3A_544 = arith.constant 1 : i32
    %scan3A_545 = arith.constant 31 : i32
    %scan3A_546 = arith.addi %scan3A_544, %scan3A_545 : i32
    %scan3A_547 = arith.constant 1 : i32
    %scan3A_548 = scf.for %scan3A_992 = %scan3A_544 to %scan3A_546 step %scan3A_547 iter_args(%scan3A_993 = %get3A_543) -> (vector<16xf32>)  : i32 {
      %get3A_994 = arith.constant 4 : i32
      %get3A_995 = arith.index_cast %get3A_994 : i32 to index
      %get3A_996 = arith.index_cast %scan3A_992 : i32 to index
      %get3A_997 = arith.constant 48 : index
      %get3A_998 = tpu.vector_load %arg4[%get3A_995, %get3A_996, %get3A_997] {strides = array<i32>} : memref<6x32x128xf32, #tpu.memory_space<vmem>>, vector<16xf32>,
      %add3A_999 = arith.addf %scan3A_993, %get3A_998 : vector<16xf32>
      scf.yield %add3A_999 : vector<16xf32>
    }
    %scan3A_549 = arith.constant 31 : i32
    %get3A_550 = arith.constant 5 : i32
    %get3A_551 = arith.constant 0 : i32
    %get3A_552 = arith.index_cast %get3A_550 : i32 to index
    %get3A_553 = arith.index_cast %get3A_551 : i32 to index
    %get3A_554 = arith.constant 48 : index
    %get3A_555 = tpu.vector_load %arg4[%get3A_552, %get3A_553, %get3A_554] {strides = array<i32>} : memref<6x32x128xf32, #tpu.memory_space<vmem>>, vector<16xf32>,
    %scan3A_556 = arith.constant 1 : i32
    %scan3A_557 = arith.constant 31 : i32
    %scan3A_558 = arith.addi %scan3A_556, %scan3A_557 : i32
    %scan3A_559 = arith.constant 1 : i32
    %scan3A_560 = scf.for %scan3A_992 = %scan3A_556 to %scan3A_558 step %scan3A_559 iter_args(%scan3A_993 = %get3A_555) -> (vector<16xf32>)  : i32 {
      %get3A_994 = arith.constant 5 : i32
      %get3A_995 = arith.index_cast %get3A_994 : i32 to index
      %get3A_996 = arith.index_cast %scan3A_992 : i32 to index
      %get3A_997 = arith.constant 48 : index
      %get3A_998 = tpu.vector_load %arg4[%get3A_995, %get3A_996, %get3A_997] {strides = array<i32>} : memref<6x32x128xf32, #tpu.memory_space<vmem>>, vector<16xf32>,
      %add3A_999 = arith.addf %scan3A_993, %get3A_998 : vector<16xf32>
      scf.yield %add3A_999 : vector<16xf32>
    }
    %scan3A_561 = arith.constant 31 : i32
    %add3A_562 = arith.constant 9.99999997E-7 : f32
    %add3A_563 = vector.broadcast %add3A_562 : f32 to vector<16xf32>
    %add3A_564 = arith.addf %scan3A_512, %add3A_563 : vector<16xf32>
    %div3A_565 = arith.constant 1.000000e+00 : f32
    %div3A_566 = vector.broadcast %div3A_565 : f32 to vector<16xf32>
    %div3A_567 = arith.divf %div3A_566, %add3A_564 : vector<16xf32>
    %add3A_568 = arith.constant 48 : i32
    %add3A_569 = vector.broadcast %add3A_568 : i32 to vector<16xi32>
    %add3A_570 = arith.addi %iota3A, %add3A_569 : vector<16xi32>
    %mul3A_571 = arith.constant 5 : i32
    %mul3A_572 = vector.broadcast %mul3A_571 : i32 to vector<16xi32>
    %mul3A_573 = arith.muli %add3A_570, %mul3A_572 : vector<16xi32>
    %mul3A_574 = arith.mulf %scan3A_524, %div3A_567 : vector<16xf32>
    tpu.vector_store_idx %arg5[%mul3A_573], %mul3A_574 : memref<640xf32, #tpu.memory_space<vmem>>[vector<16xi32>], vector<16xf32>,
    %add3A_575 = arith.constant 1 : i32
    %add3A_576 = vector.broadcast %add3A_575 : i32 to vector<16xi32>
    %add3A_577 = arith.addi %mul3A_573, %add3A_576 : vector<16xi32>
    %mul3A_578 = arith.mulf %scan3A_536, %div3A_567 : vector<16xf32>
    tpu.vector_store_idx %arg5[%add3A_577], %mul3A_578 : memref<640xf32, #tpu.memory_space<vmem>>[vector<16xi32>], vector<16xf32>,
    %add3A_579 = arith.constant 2 : i32
    %add3A_580 = vector.broadcast %add3A_579 : i32 to vector<16xi32>
    %add3A_581 = arith.addi %mul3A_573, %add3A_580 : vector<16xi32>
    %mul3A_582 = arith.mulf %scan3A_548, %div3A_567 : vector<16xf32>
    tpu.vector_store_idx %arg5[%add3A_581], %mul3A_582 : memref<640xf32, #tpu.memory_space<vmem>>[vector<16xi32>], vector<16xf32>,
    %add3A_583 = arith.constant 3 : i32
    %add3A_584 = vector.broadcast %add3A_583 : i32 to vector<16xi32>
    %add3A_585 = arith.addi %mul3A_573, %add3A_584 : vector<16xi32>
    %mul3A_586 = arith.mulf %scan3A_560, %div3A_567 : vector<16xf32>
    tpu.vector_store_idx %arg5[%add3A_585], %mul3A_586 : memref<640xf32, #tpu.memory_space<vmem>>[vector<16xi32>], vector<16xf32>,
    %add3A_587 = arith.constant 4 : i32
    %add3A_588 = vector.broadcast %add3A_587 : i32 to vector<16xi32>
    %add3A_589 = arith.addi %mul3A_573, %add3A_588 : vector<16xi32>
    tpu.vector_store_idx %arg5[%add3A_589], %scan3A_500 : memref<640xf32, #tpu.memory_space<vmem>>[vector<16xi32>], vector<16xf32>,
    %get3A_590 = arith.constant 0 : i32
    %get3A_591 = arith.constant 0 : i32
    %get3A_592 = arith.index_cast %get3A_590 : i32 to index
    %get3A_593 = arith.index_cast %get3A_591 : i32 to index
    %get3A_594 = arith.constant 64 : index
    %get3A_595 = tpu.vector_load %arg4[%get3A_592, %get3A_593, %get3A_594] {strides = array<i32>} : memref<6x32x128xf32, #tpu.memory_space<vmem>>, vector<16xf32>,
    %scan3A_596 = arith.constant 1 : i32
    %scan3A_597 = arith.constant 31 : i32
    %scan3A_598 = arith.addi %scan3A_596, %scan3A_597 : i32
    %scan3A_599 = arith.constant 1 : i32
    %scan3A_600 = scf.for %scan3A_992 = %scan3A_596 to %scan3A_598 step %scan3A_599 iter_args(%scan3A_993 = %get3A_595) -> (vector<16xf32>)  : i32 {
      %get3A_994 = arith.constant 0 : i32
      %get3A_995 = arith.index_cast %get3A_994 : i32 to index
      %get3A_996 = arith.index_cast %scan3A_992 : i32 to index
      %get3A_997 = arith.constant 64 : index
      %get3A_998 = tpu.vector_load %arg4[%get3A_995, %get3A_996, %get3A_997] {strides = array<i32>} : memref<6x32x128xf32, #tpu.memory_space<vmem>>, vector<16xf32>,
      %add3A_999 = arith.addf %scan3A_993, %get3A_998 : vector<16xf32>
      scf.yield %add3A_999 : vector<16xf32>
    }
    %scan3A_601 = arith.constant 31 : i32
    %get3A_602 = arith.constant 1 : i32
    %get3A_603 = arith.constant 0 : i32
    %get3A_604 = arith.index_cast %get3A_602 : i32 to index
    %get3A_605 = arith.index_cast %get3A_603 : i32 to index
    %get3A_606 = arith.constant 64 : index
    %get3A_607 = tpu.vector_load %arg4[%get3A_604, %get3A_605, %get3A_606] {strides = array<i32>} : memref<6x32x128xf32, #tpu.memory_space<vmem>>, vector<16xf32>,
    %scan3A_608 = arith.constant 1 : i32
    %scan3A_609 = arith.constant 31 : i32
    %scan3A_610 = arith.addi %scan3A_608, %scan3A_609 : i32
    %scan3A_611 = arith.constant 1 : i32
    %scan3A_612 = scf.for %scan3A_992 = %scan3A_608 to %scan3A_610 step %scan3A_611 iter_args(%scan3A_993 = %get3A_607) -> (vector<16xf32>)  : i32 {
      %get3A_994 = arith.constant 1 : i32
      %get3A_995 = arith.index_cast %get3A_994 : i32 to index
      %get3A_996 = arith.index_cast %scan3A_992 : i32 to index
      %get3A_997 = arith.constant 64 : index
      %get3A_998 = tpu.vector_load %arg4[%get3A_995, %get3A_996, %get3A_997] {strides = array<i32>} : memref<6x32x128xf32, #tpu.memory_space<vmem>>, vector<16xf32>,
      %add3A_999 = arith.addf %scan3A_993, %get3A_998 : vector<16xf32>
      scf.yield %add3A_999 : vector<16xf32>
    }
    %scan3A_613 = arith.constant 31 : i32
    %get3A_614 = arith.constant 2 : i32
    %get3A_615 = arith.constant 0 : i32
    %get3A_616 = arith.index_cast %get3A_614 : i32 to index
    %get3A_617 = arith.index_cast %get3A_615 : i32 to index
    %get3A_618 = arith.constant 64 : index
    %get3A_619 = tpu.vector_load %arg4[%get3A_616, %get3A_617, %get3A_618] {strides = array<i32>} : memref<6x32x128xf32, #tpu.memory_space<vmem>>, vector<16xf32>,
    %scan3A_620 = arith.constant 1 : i32
    %scan3A_621 = arith.constant 31 : i32
    %scan3A_622 = arith.addi %scan3A_620, %scan3A_621 : i32
    %scan3A_623 = arith.constant 1 : i32
    %scan3A_624 = scf.for %scan3A_992 = %scan3A_620 to %scan3A_622 step %scan3A_623 iter_args(%scan3A_993 = %get3A_619) -> (vector<16xf32>)  : i32 {
      %get3A_994 = arith.constant 2 : i32
      %get3A_995 = arith.index_cast %get3A_994 : i32 to index
      %get3A_996 = arith.index_cast %scan3A_992 : i32 to index
      %get3A_997 = arith.constant 64 : index
      %get3A_998 = tpu.vector_load %arg4[%get3A_995, %get3A_996, %get3A_997] {strides = array<i32>} : memref<6x32x128xf32, #tpu.memory_space<vmem>>, vector<16xf32>,
      %add3A_999 = arith.addf %scan3A_993, %get3A_998 : vector<16xf32>
      scf.yield %add3A_999 : vector<16xf32>
    }
    %scan3A_625 = arith.constant 31 : i32
    %get3A_626 = arith.constant 3 : i32
    %get3A_627 = arith.constant 0 : i32
    %get3A_628 = arith.index_cast %get3A_626 : i32 to index
    %get3A_629 = arith.index_cast %get3A_627 : i32 to index
    %get3A_630 = arith.constant 64 : index
    %get3A_631 = tpu.vector_load %arg4[%get3A_628, %get3A_629, %get3A_630] {strides = array<i32>} : memref<6x32x128xf32, #tpu.memory_space<vmem>>, vector<16xf32>,
    %scan3A_632 = arith.constant 1 : i32
    %scan3A_633 = arith.constant 31 : i32
    %scan3A_634 = arith.addi %scan3A_632, %scan3A_633 : i32
    %scan3A_635 = arith.constant 1 : i32
    %scan3A_636 = scf.for %scan3A_992 = %scan3A_632 to %scan3A_634 step %scan3A_635 iter_args(%scan3A_993 = %get3A_631) -> (vector<16xf32>)  : i32 {
      %get3A_994 = arith.constant 3 : i32
      %get3A_995 = arith.index_cast %get3A_994 : i32 to index
      %get3A_996 = arith.index_cast %scan3A_992 : i32 to index
      %get3A_997 = arith.constant 64 : index
      %get3A_998 = tpu.vector_load %arg4[%get3A_995, %get3A_996, %get3A_997] {strides = array<i32>} : memref<6x32x128xf32, #tpu.memory_space<vmem>>, vector<16xf32>,
      %add3A_999 = arith.addf %scan3A_993, %get3A_998 : vector<16xf32>
      scf.yield %add3A_999 : vector<16xf32>
    }
    %scan3A_637 = arith.constant 31 : i32
    %get3A_638 = arith.constant 4 : i32
    %get3A_639 = arith.constant 0 : i32
    %get3A_640 = arith.index_cast %get3A_638 : i32 to index
    %get3A_641 = arith.index_cast %get3A_639 : i32 to index
    %get3A_642 = arith.constant 64 : index
    %get3A_643 = tpu.vector_load %arg4[%get3A_640, %get3A_641, %get3A_642] {strides = array<i32>} : memref<6x32x128xf32, #tpu.memory_space<vmem>>, vector<16xf32>,
    %scan3A_644 = arith.constant 1 : i32
    %scan3A_645 = arith.constant 31 : i32
    %scan3A_646 = arith.addi %scan3A_644, %scan3A_645 : i32
    %scan3A_647 = arith.constant 1 : i32
    %scan3A_648 = scf.for %scan3A_992 = %scan3A_644 to %scan3A_646 step %scan3A_647 iter_args(%scan3A_993 = %get3A_643) -> (vector<16xf32>)  : i32 {
      %get3A_994 = arith.constant 4 : i32
      %get3A_995 = arith.index_cast %get3A_994 : i32 to index
      %get3A_996 = arith.index_cast %scan3A_992 : i32 to index
      %get3A_997 = arith.constant 64 : index
      %get3A_998 = tpu.vector_load %arg4[%get3A_995, %get3A_996, %get3A_997] {strides = array<i32>} : memref<6x32x128xf32, #tpu.memory_space<vmem>>, vector<16xf32>,
      %add3A_999 = arith.addf %scan3A_993, %get3A_998 : vector<16xf32>
      scf.yield %add3A_999 : vector<16xf32>
    }
    %scan3A_649 = arith.constant 31 : i32
    %get3A_650 = arith.constant 5 : i32
    %get3A_651 = arith.constant 0 : i32
    %get3A_652 = arith.index_cast %get3A_650 : i32 to index
    %get3A_653 = arith.index_cast %get3A_651 : i32 to index
    %get3A_654 = arith.constant 64 : index
    %get3A_655 = tpu.vector_load %arg4[%get3A_652, %get3A_653, %get3A_654] {strides = array<i32>} : memref<6x32x128xf32, #tpu.memory_space<vmem>>, vector<16xf32>,
    %scan3A_656 = arith.constant 1 : i32
    %scan3A_657 = arith.constant 31 : i32
    %scan3A_658 = arith.addi %scan3A_656, %scan3A_657 : i32
    %scan3A_659 = arith.constant 1 : i32
    %scan3A_660 = scf.for %scan3A_992 = %scan3A_656 to %scan3A_658 step %scan3A_659 iter_args(%scan3A_993 = %get3A_655) -> (vector<16xf32>)  : i32 {
      %get3A_994 = arith.constant 5 : i32
      %get3A_995 = arith.index_cast %get3A_994 : i32 to index
      %get3A_996 = arith.index_cast %scan3A_992 : i32 to index
      %get3A_997 = arith.constant 64 : index
      %get3A_998 = tpu.vector_load %arg4[%get3A_995, %get3A_996, %get3A_997] {strides = array<i32>} : memref<6x32x128xf32, #tpu.memory_space<vmem>>, vector<16xf32>,
      %add3A_999 = arith.addf %scan3A_993, %get3A_998 : vector<16xf32>
      scf.yield %add3A_999 : vector<16xf32>
    }
    %scan3A_661 = arith.constant 31 : i32
    %add3A_662 = arith.constant 9.99999997E-7 : f32
    %add3A_663 = vector.broadcast %add3A_662 : f32 to vector<16xf32>
    %add3A_664 = arith.addf %scan3A_612, %add3A_663 : vector<16xf32>
    %div3A_665 = arith.constant 1.000000e+00 : f32
    %div3A_666 = vector.broadcast %div3A_665 : f32 to vector<16xf32>
    %div3A_667 = arith.divf %div3A_666, %add3A_664 : vector<16xf32>
    %add3A_668 = arith.constant 64 : i32
    %add3A_669 = vector.broadcast %add3A_668 : i32 to vector<16xi32>
    %add3A_670 = arith.addi %iota3A, %add3A_669 : vector<16xi32>
    %mul3A_671 = arith.constant 5 : i32
    %mul3A_672 = vector.broadcast %mul3A_671 : i32 to vector<16xi32>
    %mul3A_673 = arith.muli %add3A_670, %mul3A_672 : vector<16xi32>
    %mul3A_674 = arith.mulf %scan3A_624, %div3A_667 : vector<16xf32>
    tpu.vector_store_idx %arg5[%mul3A_673], %mul3A_674 : memref<640xf32, #tpu.memory_space<vmem>>[vector<16xi32>], vector<16xf32>,
    %add3A_675 = arith.constant 1 : i32
    %add3A_676 = vector.broadcast %add3A_675 : i32 to vector<16xi32>
    %add3A_677 = arith.addi %mul3A_673, %add3A_676 : vector<16xi32>
    %mul3A_678 = arith.mulf %scan3A_636, %div3A_667 : vector<16xf32>
    tpu.vector_store_idx %arg5[%add3A_677], %mul3A_678 : memref<640xf32, #tpu.memory_space<vmem>>[vector<16xi32>], vector<16xf32>,
    %add3A_679 = arith.constant 2 : i32
    %add3A_680 = vector.broadcast %add3A_679 : i32 to vector<16xi32>
    %add3A_681 = arith.addi %mul3A_673, %add3A_680 : vector<16xi32>
    %mul3A_682 = arith.mulf %scan3A_648, %div3A_667 : vector<16xf32>
    tpu.vector_store_idx %arg5[%add3A_681], %mul3A_682 : memref<640xf32, #tpu.memory_space<vmem>>[vector<16xi32>], vector<16xf32>,
    %add3A_683 = arith.constant 3 : i32
    %add3A_684 = vector.broadcast %add3A_683 : i32 to vector<16xi32>
    %add3A_685 = arith.addi %mul3A_673, %add3A_684 : vector<16xi32>
    %mul3A_686 = arith.mulf %scan3A_660, %div3A_667 : vector<16xf32>
    tpu.vector_store_idx %arg5[%add3A_685], %mul3A_686 : memref<640xf32, #tpu.memory_space<vmem>>[vector<16xi32>], vector<16xf32>,
    %add3A_687 = arith.constant 4 : i32
    %add3A_688 = vector.broadcast %add3A_687 : i32 to vector<16xi32>
    %add3A_689 = arith.addi %mul3A_673, %add3A_688 : vector<16xi32>
    tpu.vector_store_idx %arg5[%add3A_689], %scan3A_600 : memref<640xf32, #tpu.memory_space<vmem>>[vector<16xi32>], vector<16xf32>,
    %get3A_690 = arith.constant 0 : i32
    %get3A_691 = arith.constant 0 : i32
    %get3A_692 = arith.index_cast %get3A_690 : i32 to index
    %get3A_693 = arith.index_cast %get3A_691 : i32 to index
    %get3A_694 = arith.constant 80 : index
    %get3A_695 = tpu.vector_load %arg4[%get3A_692, %get3A_693, %get3A_694] {strides = array<i32>} : memref<6x32x128xf32, #tpu.memory_space<vmem>>, vector<16xf32>,
    %scan3A_696 = arith.constant 1 : i32
    %scan3A_697 = arith.constant 31 : i32
    %scan3A_698 = arith.addi %scan3A_696, %scan3A_697 : i32
    %scan3A_699 = arith.constant 1 : i32
    %scan3A_700 = scf.for %scan3A_992 = %scan3A_696 to %scan3A_698 step %scan3A_699 iter_args(%scan3A_993 = %get3A_695) -> (vector<16xf32>)  : i32 {
      %get3A_994 = arith.constant 0 : i32
      %get3A_995 = arith.index_cast %get3A_994 : i32 to index
      %get3A_996 = arith.index_cast %scan3A_992 : i32 to index
      %get3A_997 = arith.constant 80 : index
      %get3A_998 = tpu.vector_load %arg4[%get3A_995, %get3A_996, %get3A_997] {strides = array<i32>} : memref<6x32x128xf32, #tpu.memory_space<vmem>>, vector<16xf32>,
      %add3A_999 = arith.addf %scan3A_993, %get3A_998 : vector<16xf32>
      scf.yield %add3A_999 : vector<16xf32>
    }
    %scan3A_701 = arith.constant 31 : i32
    %get3A_702 = arith.constant 1 : i32
    %get3A_703 = arith.constant 0 : i32
    %get3A_704 = arith.index_cast %get3A_702 : i32 to index
    %get3A_705 = arith.index_cast %get3A_703 : i32 to index
    %get3A_706 = arith.constant 80 : index
    %get3A_707 = tpu.vector_load %arg4[%get3A_704, %get3A_705, %get3A_706] {strides = array<i32>} : memref<6x32x128xf32, #tpu.memory_space<vmem>>, vector<16xf32>,
    %scan3A_708 = arith.constant 1 : i32
    %scan3A_709 = arith.constant 31 : i32
    %scan3A_710 = arith.addi %scan3A_708, %scan3A_709 : i32
    %scan3A_711 = arith.constant 1 : i32
    %scan3A_712 = scf.for %scan3A_992 = %scan3A_708 to %scan3A_710 step %scan3A_711 iter_args(%scan3A_993 = %get3A_707) -> (vector<16xf32>)  : i32 {
      %get3A_994 = arith.constant 1 : i32
      %get3A_995 = arith.index_cast %get3A_994 : i32 to index
      %get3A_996 = arith.index_cast %scan3A_992 : i32 to index
      %get3A_997 = arith.constant 80 : index
      %get3A_998 = tpu.vector_load %arg4[%get3A_995, %get3A_996, %get3A_997] {strides = array<i32>} : memref<6x32x128xf32, #tpu.memory_space<vmem>>, vector<16xf32>,
      %add3A_999 = arith.addf %scan3A_993, %get3A_998 : vector<16xf32>
      scf.yield %add3A_999 : vector<16xf32>
    }
    %scan3A_713 = arith.constant 31 : i32
    %get3A_714 = arith.constant 2 : i32
    %get3A_715 = arith.constant 0 : i32
    %get3A_716 = arith.index_cast %get3A_714 : i32 to index
    %get3A_717 = arith.index_cast %get3A_715 : i32 to index
    %get3A_718 = arith.constant 80 : index
    %get3A_719 = tpu.vector_load %arg4[%get3A_716, %get3A_717, %get3A_718] {strides = array<i32>} : memref<6x32x128xf32, #tpu.memory_space<vmem>>, vector<16xf32>,
    %scan3A_720 = arith.constant 1 : i32
    %scan3A_721 = arith.constant 31 : i32
    %scan3A_722 = arith.addi %scan3A_720, %scan3A_721 : i32
    %scan3A_723 = arith.constant 1 : i32
    %scan3A_724 = scf.for %scan3A_992 = %scan3A_720 to %scan3A_722 step %scan3A_723 iter_args(%scan3A_993 = %get3A_719) -> (vector<16xf32>)  : i32 {
      %get3A_994 = arith.constant 2 : i32
      %get3A_995 = arith.index_cast %get3A_994 : i32 to index
      %get3A_996 = arith.index_cast %scan3A_992 : i32 to index
      %get3A_997 = arith.constant 80 : index
      %get3A_998 = tpu.vector_load %arg4[%get3A_995, %get3A_996, %get3A_997] {strides = array<i32>} : memref<6x32x128xf32, #tpu.memory_space<vmem>>, vector<16xf32>,
      %add3A_999 = arith.addf %scan3A_993, %get3A_998 : vector<16xf32>
      scf.yield %add3A_999 : vector<16xf32>
    }
    %scan3A_725 = arith.constant 31 : i32
    %get3A_726 = arith.constant 3 : i32
    %get3A_727 = arith.constant 0 : i32
    %get3A_728 = arith.index_cast %get3A_726 : i32 to index
    %get3A_729 = arith.index_cast %get3A_727 : i32 to index
    %get3A_730 = arith.constant 80 : index
    %get3A_731 = tpu.vector_load %arg4[%get3A_728, %get3A_729, %get3A_730] {strides = array<i32>} : memref<6x32x128xf32, #tpu.memory_space<vmem>>, vector<16xf32>,
    %scan3A_732 = arith.constant 1 : i32
    %scan3A_733 = arith.constant 31 : i32
    %scan3A_734 = arith.addi %scan3A_732, %scan3A_733 : i32
    %scan3A_735 = arith.constant 1 : i32
    %scan3A_736 = scf.for %scan3A_992 = %scan3A_732 to %scan3A_734 step %scan3A_735 iter_args(%scan3A_993 = %get3A_731) -> (vector<16xf32>)  : i32 {
      %get3A_994 = arith.constant 3 : i32
      %get3A_995 = arith.index_cast %get3A_994 : i32 to index
      %get3A_996 = arith.index_cast %scan3A_992 : i32 to index
      %get3A_997 = arith.constant 80 : index
      %get3A_998 = tpu.vector_load %arg4[%get3A_995, %get3A_996, %get3A_997] {strides = array<i32>} : memref<6x32x128xf32, #tpu.memory_space<vmem>>, vector<16xf32>,
      %add3A_999 = arith.addf %scan3A_993, %get3A_998 : vector<16xf32>
      scf.yield %add3A_999 : vector<16xf32>
    }
    %scan3A_737 = arith.constant 31 : i32
    %get3A_738 = arith.constant 4 : i32
    %get3A_739 = arith.constant 0 : i32
    %get3A_740 = arith.index_cast %get3A_738 : i32 to index
    %get3A_741 = arith.index_cast %get3A_739 : i32 to index
    %get3A_742 = arith.constant 80 : index
    %get3A_743 = tpu.vector_load %arg4[%get3A_740, %get3A_741, %get3A_742] {strides = array<i32>} : memref<6x32x128xf32, #tpu.memory_space<vmem>>, vector<16xf32>,
    %scan3A_744 = arith.constant 1 : i32
    %scan3A_745 = arith.constant 31 : i32
    %scan3A_746 = arith.addi %scan3A_744, %scan3A_745 : i32
    %scan3A_747 = arith.constant 1 : i32
    %scan3A_748 = scf.for %scan3A_992 = %scan3A_744 to %scan3A_746 step %scan3A_747 iter_args(%scan3A_993 = %get3A_743) -> (vector<16xf32>)  : i32 {
      %get3A_994 = arith.constant 4 : i32
      %get3A_995 = arith.index_cast %get3A_994 : i32 to index
      %get3A_996 = arith.index_cast %scan3A_992 : i32 to index
      %get3A_997 = arith.constant 80 : index
      %get3A_998 = tpu.vector_load %arg4[%get3A_995, %get3A_996, %get3A_997] {strides = array<i32>} : memref<6x32x128xf32, #tpu.memory_space<vmem>>, vector<16xf32>,
      %add3A_999 = arith.addf %scan3A_993, %get3A_998 : vector<16xf32>
      scf.yield %add3A_999 : vector<16xf32>
    }
    %scan3A_749 = arith.constant 31 : i32
    %get3A_750 = arith.constant 5 : i32
    %get3A_751 = arith.constant 0 : i32
    %get3A_752 = arith.index_cast %get3A_750 : i32 to index
    %get3A_753 = arith.index_cast %get3A_751 : i32 to index
    %get3A_754 = arith.constant 80 : index
    %get3A_755 = tpu.vector_load %arg4[%get3A_752, %get3A_753, %get3A_754] {strides = array<i32>} : memref<6x32x128xf32, #tpu.memory_space<vmem>>, vector<16xf32>,
    %scan3A_756 = arith.constant 1 : i32
    %scan3A_757 = arith.constant 31 : i32
    %scan3A_758 = arith.addi %scan3A_756, %scan3A_757 : i32
    %scan3A_759 = arith.constant 1 : i32
    %scan3A_760 = scf.for %scan3A_992 = %scan3A_756 to %scan3A_758 step %scan3A_759 iter_args(%scan3A_993 = %get3A_755) -> (vector<16xf32>)  : i32 {
      %get3A_994 = arith.constant 5 : i32
      %get3A_995 = arith.index_cast %get3A_994 : i32 to index
      %get3A_996 = arith.index_cast %scan3A_992 : i32 to index
      %get3A_997 = arith.constant 80 : index
      %get3A_998 = tpu.vector_load %arg4[%get3A_995, %get3A_996, %get3A_997] {strides = array<i32>} : memref<6x32x128xf32, #tpu.memory_space<vmem>>, vector<16xf32>,
      %add3A_999 = arith.addf %scan3A_993, %get3A_998 : vector<16xf32>
      scf.yield %add3A_999 : vector<16xf32>
    }
    %scan3A_761 = arith.constant 31 : i32
    %add3A_762 = arith.constant 9.99999997E-7 : f32
    %add3A_763 = vector.broadcast %add3A_762 : f32 to vector<16xf32>
    %add3A_764 = arith.addf %scan3A_712, %add3A_763 : vector<16xf32>
    %div3A_765 = arith.constant 1.000000e+00 : f32
    %div3A_766 = vector.broadcast %div3A_765 : f32 to vector<16xf32>
    %div3A_767 = arith.divf %div3A_766, %add3A_764 : vector<16xf32>
    %add3A_768 = arith.constant 80 : i32
    %add3A_769 = vector.broadcast %add3A_768 : i32 to vector<16xi32>
    %add3A_770 = arith.addi %iota3A, %add3A_769 : vector<16xi32>
    %mul3A_771 = arith.constant 5 : i32
    %mul3A_772 = vector.broadcast %mul3A_771 : i32 to vector<16xi32>
    %mul3A_773 = arith.muli %add3A_770, %mul3A_772 : vector<16xi32>
    %mul3A_774 = arith.mulf %scan3A_724, %div3A_767 : vector<16xf32>
    tpu.vector_store_idx %arg5[%mul3A_773], %mul3A_774 : memref<640xf32, #tpu.memory_space<vmem>>[vector<16xi32>], vector<16xf32>,
    %add3A_775 = arith.constant 1 : i32
    %add3A_776 = vector.broadcast %add3A_775 : i32 to vector<16xi32>
    %add3A_777 = arith.addi %mul3A_773, %add3A_776 : vector<16xi32>
    %mul3A_778 = arith.mulf %scan3A_736, %div3A_767 : vector<16xf32>
    tpu.vector_store_idx %arg5[%add3A_777], %mul3A_778 : memref<640xf32, #tpu.memory_space<vmem>>[vector<16xi32>], vector<16xf32>,
    %add3A_779 = arith.constant 2 : i32
    %add3A_780 = vector.broadcast %add3A_779 : i32 to vector<16xi32>
    %add3A_781 = arith.addi %mul3A_773, %add3A_780 : vector<16xi32>
    %mul3A_782 = arith.mulf %scan3A_748, %div3A_767 : vector<16xf32>
    tpu.vector_store_idx %arg5[%add3A_781], %mul3A_782 : memref<640xf32, #tpu.memory_space<vmem>>[vector<16xi32>], vector<16xf32>,
    %add3A_783 = arith.constant 3 : i32
    %add3A_784 = vector.broadcast %add3A_783 : i32 to vector<16xi32>
    %add3A_785 = arith.addi %mul3A_773, %add3A_784 : vector<16xi32>
    %mul3A_786 = arith.mulf %scan3A_760, %div3A_767 : vector<16xf32>
    tpu.vector_store_idx %arg5[%add3A_785], %mul3A_786 : memref<640xf32, #tpu.memory_space<vmem>>[vector<16xi32>], vector<16xf32>,
    %add3A_787 = arith.constant 4 : i32
    %add3A_788 = vector.broadcast %add3A_787 : i32 to vector<16xi32>
    %add3A_789 = arith.addi %mul3A_773, %add3A_788 : vector<16xi32>
    tpu.vector_store_idx %arg5[%add3A_789], %scan3A_700 : memref<640xf32, #tpu.memory_space<vmem>>[vector<16xi32>], vector<16xf32>,
    %get3A_790 = arith.constant 0 : i32
    %get3A_791 = arith.constant 0 : i32
    %get3A_792 = arith.index_cast %get3A_790 : i32 to index
    %get3A_793 = arith.index_cast %get3A_791 : i32 to index
    %get3A_794 = arith.constant 96 : index
    %get3A_795 = tpu.vector_load %arg4[%get3A_792, %get3A_793, %get3A_794] {strides = array<i32>} : memref<6x32x128xf32, #tpu.memory_space<vmem>>, vector<16xf32>,
    %scan3A_796 = arith.constant 1 : i32
    %scan3A_797 = arith.constant 31 : i32
    %scan3A_798 = arith.addi %scan3A_796, %scan3A_797 : i32
    %scan3A_799 = arith.constant 1 : i32
    %scan3A_800 = scf.for %scan3A_992 = %scan3A_796 to %scan3A_798 step %scan3A_799 iter_args(%scan3A_993 = %get3A_795) -> (vector<16xf32>)  : i32 {
      %get3A_994 = arith.constant 0 : i32
      %get3A_995 = arith.index_cast %get3A_994 : i32 to index
      %get3A_996 = arith.index_cast %scan3A_992 : i32 to index
      %get3A_997 = arith.constant 96 : index
      %get3A_998 = tpu.vector_load %arg4[%get3A_995, %get3A_996, %get3A_997] {strides = array<i32>} : memref<6x32x128xf32, #tpu.memory_space<vmem>>, vector<16xf32>,
      %add3A_999 = arith.addf %scan3A_993, %get3A_998 : vector<16xf32>
      scf.yield %add3A_999 : vector<16xf32>
    }
    %scan3A_801 = arith.constant 31 : i32
    %get3A_802 = arith.constant 1 : i32
    %get3A_803 = arith.constant 0 : i32
    %get3A_804 = arith.index_cast %get3A_802 : i32 to index
    %get3A_805 = arith.index_cast %get3A_803 : i32 to index
    %get3A_806 = arith.constant 96 : index
    %get3A_807 = tpu.vector_load %arg4[%get3A_804, %get3A_805, %get3A_806] {strides = array<i32>} : memref<6x32x128xf32, #tpu.memory_space<vmem>>, vector<16xf32>,
    %scan3A_808 = arith.constant 1 : i32
    %scan3A_809 = arith.constant 31 : i32
    %scan3A_810 = arith.addi %scan3A_808, %scan3A_809 : i32
    %scan3A_811 = arith.constant 1 : i32
    %scan3A_812 = scf.for %scan3A_992 = %scan3A_808 to %scan3A_810 step %scan3A_811 iter_args(%scan3A_993 = %get3A_807) -> (vector<16xf32>)  : i32 {
      %get3A_994 = arith.constant 1 : i32
      %get3A_995 = arith.index_cast %get3A_994 : i32 to index
      %get3A_996 = arith.index_cast %scan3A_992 : i32 to index
      %get3A_997 = arith.constant 96 : index
      %get3A_998 = tpu.vector_load %arg4[%get3A_995, %get3A_996, %get3A_997] {strides = array<i32>} : memref<6x32x128xf32, #tpu.memory_space<vmem>>, vector<16xf32>,
      %add3A_999 = arith.addf %scan3A_993, %get3A_998 : vector<16xf32>
      scf.yield %add3A_999 : vector<16xf32>
    }
    %scan3A_813 = arith.constant 31 : i32
    %get3A_814 = arith.constant 2 : i32
    %get3A_815 = arith.constant 0 : i32
    %get3A_816 = arith.index_cast %get3A_814 : i32 to index
    %get3A_817 = arith.index_cast %get3A_815 : i32 to index
    %get3A_818 = arith.constant 96 : index
    %get3A_819 = tpu.vector_load %arg4[%get3A_816, %get3A_817, %get3A_818] {strides = array<i32>} : memref<6x32x128xf32, #tpu.memory_space<vmem>>, vector<16xf32>,
    %scan3A_820 = arith.constant 1 : i32
    %scan3A_821 = arith.constant 31 : i32
    %scan3A_822 = arith.addi %scan3A_820, %scan3A_821 : i32
    %scan3A_823 = arith.constant 1 : i32
    %scan3A_824 = scf.for %scan3A_992 = %scan3A_820 to %scan3A_822 step %scan3A_823 iter_args(%scan3A_993 = %get3A_819) -> (vector<16xf32>)  : i32 {
      %get3A_994 = arith.constant 2 : i32
      %get3A_995 = arith.index_cast %get3A_994 : i32 to index
      %get3A_996 = arith.index_cast %scan3A_992 : i32 to index
      %get3A_997 = arith.constant 96 : index
      %get3A_998 = tpu.vector_load %arg4[%get3A_995, %get3A_996, %get3A_997] {strides = array<i32>} : memref<6x32x128xf32, #tpu.memory_space<vmem>>, vector<16xf32>,
      %add3A_999 = arith.addf %scan3A_993, %get3A_998 : vector<16xf32>
      scf.yield %add3A_999 : vector<16xf32>
    }
    %scan3A_825 = arith.constant 31 : i32
    %get3A_826 = arith.constant 3 : i32
    %get3A_827 = arith.constant 0 : i32
    %get3A_828 = arith.index_cast %get3A_826 : i32 to index
    %get3A_829 = arith.index_cast %get3A_827 : i32 to index
    %get3A_830 = arith.constant 96 : index
    %get3A_831 = tpu.vector_load %arg4[%get3A_828, %get3A_829, %get3A_830] {strides = array<i32>} : memref<6x32x128xf32, #tpu.memory_space<vmem>>, vector<16xf32>,
    %scan3A_832 = arith.constant 1 : i32
    %scan3A_833 = arith.constant 31 : i32
    %scan3A_834 = arith.addi %scan3A_832, %scan3A_833 : i32
    %scan3A_835 = arith.constant 1 : i32
    %scan3A_836 = scf.for %scan3A_992 = %scan3A_832 to %scan3A_834 step %scan3A_835 iter_args(%scan3A_993 = %get3A_831) -> (vector<16xf32>)  : i32 {
      %get3A_994 = arith.constant 3 : i32
      %get3A_995 = arith.index_cast %get3A_994 : i32 to index
      %get3A_996 = arith.index_cast %scan3A_992 : i32 to index
      %get3A_997 = arith.constant 96 : index
      %get3A_998 = tpu.vector_load %arg4[%get3A_995, %get3A_996, %get3A_997] {strides = array<i32>} : memref<6x32x128xf32, #tpu.memory_space<vmem>>, vector<16xf32>,
      %add3A_999 = arith.addf %scan3A_993, %get3A_998 : vector<16xf32>
      scf.yield %add3A_999 : vector<16xf32>
    }
    %scan3A_837 = arith.constant 31 : i32
    %get3A_838 = arith.constant 4 : i32
    %get3A_839 = arith.constant 0 : i32
    %get3A_840 = arith.index_cast %get3A_838 : i32 to index
    %get3A_841 = arith.index_cast %get3A_839 : i32 to index
    %get3A_842 = arith.constant 96 : index
    %get3A_843 = tpu.vector_load %arg4[%get3A_840, %get3A_841, %get3A_842] {strides = array<i32>} : memref<6x32x128xf32, #tpu.memory_space<vmem>>, vector<16xf32>,
    %scan3A_844 = arith.constant 1 : i32
    %scan3A_845 = arith.constant 31 : i32
    %scan3A_846 = arith.addi %scan3A_844, %scan3A_845 : i32
    %scan3A_847 = arith.constant 1 : i32
    %scan3A_848 = scf.for %scan3A_992 = %scan3A_844 to %scan3A_846 step %scan3A_847 iter_args(%scan3A_993 = %get3A_843) -> (vector<16xf32>)  : i32 {
      %get3A_994 = arith.constant 4 : i32
      %get3A_995 = arith.index_cast %get3A_994 : i32 to index
      %get3A_996 = arith.index_cast %scan3A_992 : i32 to index
      %get3A_997 = arith.constant 96 : index
      %get3A_998 = tpu.vector_load %arg4[%get3A_995, %get3A_996, %get3A_997] {strides = array<i32>} : memref<6x32x128xf32, #tpu.memory_space<vmem>>, vector<16xf32>,
      %add3A_999 = arith.addf %scan3A_993, %get3A_998 : vector<16xf32>
      scf.yield %add3A_999 : vector<16xf32>
    }
    %scan3A_849 = arith.constant 31 : i32
    %get3A_850 = arith.constant 5 : i32
    %get3A_851 = arith.constant 0 : i32
    %get3A_852 = arith.index_cast %get3A_850 : i32 to index
    %get3A_853 = arith.index_cast %get3A_851 : i32 to index
    %get3A_854 = arith.constant 96 : index
    %get3A_855 = tpu.vector_load %arg4[%get3A_852, %get3A_853, %get3A_854] {strides = array<i32>} : memref<6x32x128xf32, #tpu.memory_space<vmem>>, vector<16xf32>,
    %scan3A_856 = arith.constant 1 : i32
    %scan3A_857 = arith.constant 31 : i32
    %scan3A_858 = arith.addi %scan3A_856, %scan3A_857 : i32
    %scan3A_859 = arith.constant 1 : i32
    %scan3A_860 = scf.for %scan3A_992 = %scan3A_856 to %scan3A_858 step %scan3A_859 iter_args(%scan3A_993 = %get3A_855) -> (vector<16xf32>)  : i32 {
      %get3A_994 = arith.constant 5 : i32
      %get3A_995 = arith.index_cast %get3A_994 : i32 to index
      %get3A_996 = arith.index_cast %scan3A_992 : i32 to index
      %get3A_997 = arith.constant 96 : index
      %get3A_998 = tpu.vector_load %arg4[%get3A_995, %get3A_996, %get3A_997] {strides = array<i32>} : memref<6x32x128xf32, #tpu.memory_space<vmem>>, vector<16xf32>,
      %add3A_999 = arith.addf %scan3A_993, %get3A_998 : vector<16xf32>
      scf.yield %add3A_999 : vector<16xf32>
    }
    %scan3A_861 = arith.constant 31 : i32
    %add3A_862 = arith.constant 9.99999997E-7 : f32
    %add3A_863 = vector.broadcast %add3A_862 : f32 to vector<16xf32>
    %add3A_864 = arith.addf %scan3A_812, %add3A_863 : vector<16xf32>
    %div3A_865 = arith.constant 1.000000e+00 : f32
    %div3A_866 = vector.broadcast %div3A_865 : f32 to vector<16xf32>
    %div3A_867 = arith.divf %div3A_866, %add3A_864 : vector<16xf32>
    %add3A_868 = arith.constant 96 : i32
    %add3A_869 = vector.broadcast %add3A_868 : i32 to vector<16xi32>
    %add3A_870 = arith.addi %iota3A, %add3A_869 : vector<16xi32>
    %mul3A_871 = arith.constant 5 : i32
    %mul3A_872 = vector.broadcast %mul3A_871 : i32 to vector<16xi32>
    %mul3A_873 = arith.muli %add3A_870, %mul3A_872 : vector<16xi32>
    %mul3A_874 = arith.mulf %scan3A_824, %div3A_867 : vector<16xf32>
    tpu.vector_store_idx %arg5[%mul3A_873], %mul3A_874 : memref<640xf32, #tpu.memory_space<vmem>>[vector<16xi32>], vector<16xf32>,
    %add3A_875 = arith.constant 1 : i32
    %add3A_876 = vector.broadcast %add3A_875 : i32 to vector<16xi32>
    %add3A_877 = arith.addi %mul3A_873, %add3A_876 : vector<16xi32>
    %mul3A_878 = arith.mulf %scan3A_836, %div3A_867 : vector<16xf32>
    tpu.vector_store_idx %arg5[%add3A_877], %mul3A_878 : memref<640xf32, #tpu.memory_space<vmem>>[vector<16xi32>], vector<16xf32>,
    %add3A_879 = arith.constant 2 : i32
    %add3A_880 = vector.broadcast %add3A_879 : i32 to vector<16xi32>
    %add3A_881 = arith.addi %mul3A_873, %add3A_880 : vector<16xi32>
    %mul3A_882 = arith.mulf %scan3A_848, %div3A_867 : vector<16xf32>
    tpu.vector_store_idx %arg5[%add3A_881], %mul3A_882 : memref<640xf32, #tpu.memory_space<vmem>>[vector<16xi32>], vector<16xf32>,
    %add3A_883 = arith.constant 3 : i32
    %add3A_884 = vector.broadcast %add3A_883 : i32 to vector<16xi32>
    %add3A_885 = arith.addi %mul3A_873, %add3A_884 : vector<16xi32>
    %mul3A_886 = arith.mulf %scan3A_860, %div3A_867 : vector<16xf32>
    tpu.vector_store_idx %arg5[%add3A_885], %mul3A_886 : memref<640xf32, #tpu.memory_space<vmem>>[vector<16xi32>], vector<16xf32>,
    %add3A_887 = arith.constant 4 : i32
    %add3A_888 = vector.broadcast %add3A_887 : i32 to vector<16xi32>
    %add3A_889 = arith.addi %mul3A_873, %add3A_888 : vector<16xi32>
    tpu.vector_store_idx %arg5[%add3A_889], %scan3A_800 : memref<640xf32, #tpu.memory_space<vmem>>[vector<16xi32>], vector<16xf32>,
    %get3A_890 = arith.constant 0 : i32
    %get3A_891 = arith.constant 0 : i32
    %get3A_892 = arith.index_cast %get3A_890 : i32 to index
    %get3A_893 = arith.index_cast %get3A_891 : i32 to index
    %get3A_894 = arith.constant 112 : index
    %get3A_895 = tpu.vector_load %arg4[%get3A_892, %get3A_893, %get3A_894] {strides = array<i32>} : memref<6x32x128xf32, #tpu.memory_space<vmem>>, vector<16xf32>,
    %scan3A_896 = arith.constant 1 : i32
    %scan3A_897 = arith.constant 31 : i32
    %scan3A_898 = arith.addi %scan3A_896, %scan3A_897 : i32
    %scan3A_899 = arith.constant 1 : i32
    %scan3A_900 = scf.for %scan3A_992 = %scan3A_896 to %scan3A_898 step %scan3A_899 iter_args(%scan3A_993 = %get3A_895) -> (vector<16xf32>)  : i32 {
      %get3A_994 = arith.constant 0 : i32
      %get3A_995 = arith.index_cast %get3A_994 : i32 to index
      %get3A_996 = arith.index_cast %scan3A_992 : i32 to index
      %get3A_997 = arith.constant 112 : index
      %get3A_998 = tpu.vector_load %arg4[%get3A_995, %get3A_996, %get3A_997] {strides = array<i32>} : memref<6x32x128xf32, #tpu.memory_space<vmem>>, vector<16xf32>,
      %add3A_999 = arith.addf %scan3A_993, %get3A_998 : vector<16xf32>
      scf.yield %add3A_999 : vector<16xf32>
    }
    %scan3A_901 = arith.constant 31 : i32
    %get3A_902 = arith.constant 1 : i32
    %get3A_903 = arith.constant 0 : i32
    %get3A_904 = arith.index_cast %get3A_902 : i32 to index
    %get3A_905 = arith.index_cast %get3A_903 : i32 to index
    %get3A_906 = arith.constant 112 : index
    %get3A_907 = tpu.vector_load %arg4[%get3A_904, %get3A_905, %get3A_906] {strides = array<i32>} : memref<6x32x128xf32, #tpu.memory_space<vmem>>, vector<16xf32>,
    %scan3A_908 = arith.constant 1 : i32
    %scan3A_909 = arith.constant 31 : i32
    %scan3A_910 = arith.addi %scan3A_908, %scan3A_909 : i32
    %scan3A_911 = arith.constant 1 : i32
    %scan3A_912 = scf.for %scan3A_992 = %scan3A_908 to %scan3A_910 step %scan3A_911 iter_args(%scan3A_993 = %get3A_907) -> (vector<16xf32>)  : i32 {
      %get3A_994 = arith.constant 1 : i32
      %get3A_995 = arith.index_cast %get3A_994 : i32 to index
      %get3A_996 = arith.index_cast %scan3A_992 : i32 to index
      %get3A_997 = arith.constant 112 : index
      %get3A_998 = tpu.vector_load %arg4[%get3A_995, %get3A_996, %get3A_997] {strides = array<i32>} : memref<6x32x128xf32, #tpu.memory_space<vmem>>, vector<16xf32>,
      %add3A_999 = arith.addf %scan3A_993, %get3A_998 : vector<16xf32>
      scf.yield %add3A_999 : vector<16xf32>
    }
    %scan3A_913 = arith.constant 31 : i32
    %get3A_914 = arith.constant 2 : i32
    %get3A_915 = arith.constant 0 : i32
    %get3A_916 = arith.index_cast %get3A_914 : i32 to index
    %get3A_917 = arith.index_cast %get3A_915 : i32 to index
    %get3A_918 = arith.constant 112 : index
    %get3A_919 = tpu.vector_load %arg4[%get3A_916, %get3A_917, %get3A_918] {strides = array<i32>} : memref<6x32x128xf32, #tpu.memory_space<vmem>>, vector<16xf32>,
    %scan3A_920 = arith.constant 1 : i32
    %scan3A_921 = arith.constant 31 : i32
    %scan3A_922 = arith.addi %scan3A_920, %scan3A_921 : i32
    %scan3A_923 = arith.constant 1 : i32
    %scan3A_924 = scf.for %scan3A_992 = %scan3A_920 to %scan3A_922 step %scan3A_923 iter_args(%scan3A_993 = %get3A_919) -> (vector<16xf32>)  : i32 {
      %get3A_994 = arith.constant 2 : i32
      %get3A_995 = arith.index_cast %get3A_994 : i32 to index
      %get3A_996 = arith.index_cast %scan3A_992 : i32 to index
      %get3A_997 = arith.constant 112 : index
      %get3A_998 = tpu.vector_load %arg4[%get3A_995, %get3A_996, %get3A_997] {strides = array<i32>} : memref<6x32x128xf32, #tpu.memory_space<vmem>>, vector<16xf32>,
      %add3A_999 = arith.addf %scan3A_993, %get3A_998 : vector<16xf32>
      scf.yield %add3A_999 : vector<16xf32>
    }
    %scan3A_925 = arith.constant 31 : i32
    %get3A_926 = arith.constant 3 : i32
    %get3A_927 = arith.constant 0 : i32
    %get3A_928 = arith.index_cast %get3A_926 : i32 to index
    %get3A_929 = arith.index_cast %get3A_927 : i32 to index
    %get3A_930 = arith.constant 112 : index
    %get3A_931 = tpu.vector_load %arg4[%get3A_928, %get3A_929, %get3A_930] {strides = array<i32>} : memref<6x32x128xf32, #tpu.memory_space<vmem>>, vector<16xf32>,
    %scan3A_932 = arith.constant 1 : i32
    %scan3A_933 = arith.constant 31 : i32
    %scan3A_934 = arith.addi %scan3A_932, %scan3A_933 : i32
    %scan3A_935 = arith.constant 1 : i32
    %scan3A_936 = scf.for %scan3A_992 = %scan3A_932 to %scan3A_934 step %scan3A_935 iter_args(%scan3A_993 = %get3A_931) -> (vector<16xf32>)  : i32 {
      %get3A_994 = arith.constant 3 : i32
      %get3A_995 = arith.index_cast %get3A_994 : i32 to index
      %get3A_996 = arith.index_cast %scan3A_992 : i32 to index
      %get3A_997 = arith.constant 112 : index
      %get3A_998 = tpu.vector_load %arg4[%get3A_995, %get3A_996, %get3A_997] {strides = array<i32>} : memref<6x32x128xf32, #tpu.memory_space<vmem>>, vector<16xf32>,
      %add3A_999 = arith.addf %scan3A_993, %get3A_998 : vector<16xf32>
      scf.yield %add3A_999 : vector<16xf32>
    }
    %scan3A_937 = arith.constant 31 : i32
    %get3A_938 = arith.constant 4 : i32
    %get3A_939 = arith.constant 0 : i32
    %get3A_940 = arith.index_cast %get3A_938 : i32 to index
    %get3A_941 = arith.index_cast %get3A_939 : i32 to index
    %get3A_942 = arith.constant 112 : index
    %get3A_943 = tpu.vector_load %arg4[%get3A_940, %get3A_941, %get3A_942] {strides = array<i32>} : memref<6x32x128xf32, #tpu.memory_space<vmem>>, vector<16xf32>,
    %scan3A_944 = arith.constant 1 : i32
    %scan3A_945 = arith.constant 31 : i32
    %scan3A_946 = arith.addi %scan3A_944, %scan3A_945 : i32
    %scan3A_947 = arith.constant 1 : i32
    %scan3A_948 = scf.for %scan3A_992 = %scan3A_944 to %scan3A_946 step %scan3A_947 iter_args(%scan3A_993 = %get3A_943) -> (vector<16xf32>)  : i32 {
      %get3A_994 = arith.constant 4 : i32
      %get3A_995 = arith.index_cast %get3A_994 : i32 to index
      %get3A_996 = arith.index_cast %scan3A_992 : i32 to index
      %get3A_997 = arith.constant 112 : index
      %get3A_998 = tpu.vector_load %arg4[%get3A_995, %get3A_996, %get3A_997] {strides = array<i32>} : memref<6x32x128xf32, #tpu.memory_space<vmem>>, vector<16xf32>,
      %add3A_999 = arith.addf %scan3A_993, %get3A_998 : vector<16xf32>
      scf.yield %add3A_999 : vector<16xf32>
    }
    %scan3A_949 = arith.constant 31 : i32
    %get3A_950 = arith.constant 5 : i32
    %get3A_951 = arith.constant 0 : i32
    %get3A_952 = arith.index_cast %get3A_950 : i32 to index
    %get3A_953 = arith.index_cast %get3A_951 : i32 to index
    %get3A_954 = arith.constant 112 : index
    %get3A_955 = tpu.vector_load %arg4[%get3A_952, %get3A_953, %get3A_954] {strides = array<i32>} : memref<6x32x128xf32, #tpu.memory_space<vmem>>, vector<16xf32>,
    %scan3A_956 = arith.constant 1 : i32
    %scan3A_957 = arith.constant 31 : i32
    %scan3A_958 = arith.addi %scan3A_956, %scan3A_957 : i32
    %scan3A_959 = arith.constant 1 : i32
    %scan3A_960 = scf.for %scan3A_992 = %scan3A_956 to %scan3A_958 step %scan3A_959 iter_args(%scan3A_993 = %get3A_955) -> (vector<16xf32>)  : i32 {
      %get3A_994 = arith.constant 5 : i32
      %get3A_995 = arith.index_cast %get3A_994 : i32 to index
      %get3A_996 = arith.index_cast %scan3A_992 : i32 to index
      %get3A_997 = arith.constant 112 : index
      %get3A_998 = tpu.vector_load %arg4[%get3A_995, %get3A_996, %get3A_997] {strides = array<i32>} : memref<6x32x128xf32, #tpu.memory_space<vmem>>, vector<16xf32>,
      %add3A_999 = arith.addf %scan3A_993, %get3A_998 : vector<16xf32>
      scf.yield %add3A_999 : vector<16xf32>
    }
    %scan3A_961 = arith.constant 31 : i32
    %add3A_962 = arith.constant 9.99999997E-7 : f32
    %add3A_963 = vector.broadcast %add3A_962 : f32 to vector<16xf32>
    %add3A_964 = arith.addf %scan3A_912, %add3A_963 : vector<16xf32>
    %div3A_965 = arith.constant 1.000000e+00 : f32
    %div3A_966 = vector.broadcast %div3A_965 : f32 to vector<16xf32>
    %div3A_967 = arith.divf %div3A_966, %add3A_964 : vector<16xf32>
    %add3A_968 = arith.constant 112 : i32
    %add3A_969 = vector.broadcast %add3A_968 : i32 to vector<16xi32>
    %add3A_970 = arith.addi %iota3A, %add3A_969 : vector<16xi32>
    %mul3A_971 = arith.constant 5 : i32
    %mul3A_972 = vector.broadcast %mul3A_971 : i32 to vector<16xi32>
    %mul3A_973 = arith.muli %add3A_970, %mul3A_972 : vector<16xi32>
    %mul3A_974 = arith.mulf %scan3A_924, %div3A_967 : vector<16xf32>
    tpu.vector_store_idx %arg5[%mul3A_973], %mul3A_974 : memref<640xf32, #tpu.memory_space<vmem>>[vector<16xi32>], vector<16xf32>,
    %add3A_975 = arith.constant 1 : i32
    %add3A_976 = vector.broadcast %add3A_975 : i32 to vector<16xi32>
    %add3A_977 = arith.addi %mul3A_973, %add3A_976 : vector<16xi32>
    %mul3A_978 = arith.mulf %scan3A_936, %div3A_967 : vector<16xf32>
    tpu.vector_store_idx %arg5[%add3A_977], %mul3A_978 : memref<640xf32, #tpu.memory_space<vmem>>[vector<16xi32>], vector<16xf32>,
    %add3A_979 = arith.constant 2 : i32
    %add3A_980 = vector.broadcast %add3A_979 : i32 to vector<16xi32>
    %add3A_981 = arith.addi %mul3A_973, %add3A_980 : vector<16xi32>
    %mul3A_982 = arith.mulf %scan3A_948, %div3A_967 : vector<16xf32>
    tpu.vector_store_idx %arg5[%add3A_981], %mul3A_982 : memref<640xf32, #tpu.memory_space<vmem>>[vector<16xi32>], vector<16xf32>,
    %add3A_983 = arith.constant 3 : i32
    %add3A_984 = vector.broadcast %add3A_983 : i32 to vector<16xi32>
    %add3A_985 = arith.addi %mul3A_973, %add3A_984 : vector<16xi32>
    %mul3A_986 = arith.mulf %scan3A_960, %div3A_967 : vector<16xf32>
    tpu.vector_store_idx %arg5[%add3A_985], %mul3A_986 : memref<640xf32, #tpu.memory_space<vmem>>[vector<16xi32>], vector<16xf32>,
    %add3A_987 = arith.constant 4 : i32
    %add3A_988 = vector.broadcast %add3A_987 : i32 to vector<16xi32>
    %add3A_989 = arith.addi %mul3A_973, %add3A_988 : vector<16xi32>
    tpu.vector_store_idx %arg5[%add3A_989], %scan3A_900 : memref<640xf32, #tpu.memory_space<vmem>>[vector<16xi32>], vector<16xf32>,
    %mul3A_990 = arith.constant 5 : i32
    %mul3A_991 = arith.muli %mul3A_2, %mul3A_990 : i32
    "tpu.region"() ({
      %run_scoped3A = tpu.sem_alloc : memref<!tpu.dma_semaphore, #tpu.memory_space<semaphore_mem>>
      %dma_start3A_992 = tpu.memref_slice %arg3[%mul3A_991] : memref<20480xf32, #tpu.memory_space<hbm>> -> memref<640xf32, #tpu.memory_space<hbm>>
      %dma_start3A_993 = tpu.memref_slice %arg3[%mul3A_991] : memref<20480xf32, #tpu.memory_space<hbm>> -> memref<640xf32, #tpu.memory_space<hbm>>
      tpu.enqueue_dma source(%arg5 : memref<640xf32, #tpu.memory_space<vmem>>) target(%dma_start3A_993 : memref<640xf32, #tpu.memory_space<hbm>>) target_semaphore(%run_scoped3A : memref<!tpu.dma_semaphore, #tpu.memory_space<semaphore_mem>>)
      %dma_wait3A_994 = tpu.memref_slice %arg3[%mul3A_991] : memref<20480xf32, #tpu.memory_space<hbm>> -> memref<640xf32, #tpu.memory_space<hbm>>
      %dma_wait3A_995 = tpu.memref_slice %arg3[%mul3A_991] : memref<20480xf32, #tpu.memory_space<hbm>> -> memref<640xf32, #tpu.memory_space<hbm>>
      tpu.wait_dma2 semaphore(%run_scoped3A : memref<!tpu.dma_semaphore, #tpu.memory_space<semaphore_mem>>) src(%arg5 : memref<640xf32, #tpu.memory_space<vmem>>) dst(%dma_wait3A_995 : memref<640xf32, #tpu.memory_space<hbm>>)
      tpu.yield
    }) : () -> ()
    return
  }
}

#map = affine_map<(d0, d1) -> (0)>
#map1 = affine_map<(d0, d1) -> (0, 0, 0)>
module attributes {stable_mosaic.version = 14 : i64} {
  func.func @_accumulate(%arg0: i32, %arg1: i32, %arg2: memref<1000000xi32, #tpu.memory_space<hbm>>, %arg3: memref<1000000xf32, #tpu.memory_space<hbm>>, %arg4: memref<1000000xf32, #tpu.memory_space<hbm>>, %arg5: memref<1000000xf32, #tpu.memory_space<hbm>>, %arg6: memref<1000000xf32, #tpu.memory_space<hbm>>, %arg7: memref<1000000xf32, #tpu.memory_space<hbm>>, %arg8: memref<32x6x4096xf32, #tpu.memory_space<hbm>>, %arg9: memref<4000xi32, #tpu.memory_space<vmem>>, %arg10: memref<4000xf32, #tpu.memory_space<vmem>>, %arg11: memref<4000xf32, #tpu.memory_space<vmem>>, %arg12: memref<4000xf32, #tpu.memory_space<vmem>>, %arg13: memref<4000xf32, #tpu.memory_space<vmem>>, %arg14: memref<4000xf32, #tpu.memory_space<vmem>>, %arg15: memref<4000xi32, #tpu.memory_space<vmem>>, %arg16: memref<4000xf32, #tpu.memory_space<vmem>>, %arg17: memref<4000xf32, #tpu.memory_space<vmem>>, %arg18: memref<4000xf32, #tpu.memory_space<vmem>>, %arg19: memref<4000xf32, #tpu.memory_space<vmem>>, %arg20: memref<4000xf32, #tpu.memory_space<vmem>>, %arg21: memref<24576xf32, #tpu.memory_space<vmem>>, %arg22: memref<!tpu.dma_semaphore, #tpu.memory_space<semaphore_mem>>, %arg23: memref<!tpu.dma_semaphore, #tpu.memory_space<semaphore_mem>>) attributes {dimension_semantics = [#tpu.dimension_semantics<core_parallel>, #tpu.dimension_semantics<subcore_parallel>], iteration_bounds = array<i64: 2, 16>, scalar_prefetch = 0 : i64, scratch_operands = 15 : i64, tpu.core_type = #tpu.core_type<sc_vector_subcore>, window_params = [{transform_indices = #map}, {transform_indices = #map}, {transform_indices = #map}, {transform_indices = #map}, {transform_indices = #map}, {transform_indices = #map}, {transform_indices = #map1}]} {
    %mul3A = arith.constant 2 : i32
    %mul3A_0 = arith.muli %arg1, %mul3A : i32
    %add3A = arith.addi %mul3A_0, %arg0 : i32
    %broadcast_in_dim3A = arith.constant 0.000000e+00 : f32
    %broadcast_in_dim3A_1 = vector.broadcast %broadcast_in_dim3A : f32 to vector<16xf32>
    %broadcast_in_dim3A_2 = arith.constant 1.000000e+00 : f32
    %broadcast_in_dim3A_3 = vector.broadcast %broadcast_in_dim3A_2 : f32 to vector<16xf32>
    %scan3A = arith.constant 0 : i32
    %scan3A_4 = arith.constant 0 : i32
    %scan3A_5 = arith.constant 192 : i32
    %scan3A_6 = arith.addi %scan3A_4, %scan3A_5 : i32
    %scan3A_7 = arith.constant 1 : i32
    scf.for %scan3A_47 = %scan3A_4 to %scan3A_6 step %scan3A_7  : i32 {
      %mul3A_48 = arith.constant 8 : i32
      %mul3A_49 = arith.muli %scan3A_47, %mul3A_48 : i32
      %add3A_50 = arith.constant 0 : i32
      %add3A_51 = arith.addi %mul3A_49, %add3A_50 : i32
      %mul3A_52 = arith.constant 16 : i32
      %mul3A_53 = arith.muli %add3A_51, %mul3A_52 : i32
      %swap3A = arith.index_cast %mul3A_53 : i32 to index
      %swap3A_54 = tpu.vector_load %arg21[%swap3A] {strides = array<i32>} : memref<24576xf32, #tpu.memory_space<vmem>>, vector<16xf32>,
      tpu.vector_store %arg21[%swap3A], %broadcast_in_dim3A_1 {strides = array<i32>} : memref<24576xf32, #tpu.memory_space<vmem>>, vector<16xf32>,
      %mul3A_55 = arith.constant 8 : i32
      %mul3A_56 = arith.muli %scan3A_47, %mul3A_55 : i32
      %add3A_57 = arith.constant 1 : i32
      %add3A_58 = arith.addi %mul3A_56, %add3A_57 : i32
      %mul3A_59 = arith.constant 16 : i32
      %mul3A_60 = arith.muli %add3A_58, %mul3A_59 : i32
      %swap3A_61 = arith.index_cast %mul3A_60 : i32 to index
      %swap3A_62 = tpu.vector_load %arg21[%swap3A_61] {strides = array<i32>} : memref<24576xf32, #tpu.memory_space<vmem>>, vector<16xf32>,
      tpu.vector_store %arg21[%swap3A_61], %broadcast_in_dim3A_1 {strides = array<i32>} : memref<24576xf32, #tpu.memory_space<vmem>>, vector<16xf32>,
      %mul3A_63 = arith.constant 8 : i32
      %mul3A_64 = arith.muli %scan3A_47, %mul3A_63 : i32
      %add3A_65 = arith.constant 2 : i32
      %add3A_66 = arith.addi %mul3A_64, %add3A_65 : i32
      %mul3A_67 = arith.constant 16 : i32
      %mul3A_68 = arith.muli %add3A_66, %mul3A_67 : i32
      %swap3A_69 = arith.index_cast %mul3A_68 : i32 to index
      %swap3A_70 = tpu.vector_load %arg21[%swap3A_69] {strides = array<i32>} : memref<24576xf32, #tpu.memory_space<vmem>>, vector<16xf32>,
      tpu.vector_store %arg21[%swap3A_69], %broadcast_in_dim3A_1 {strides = array<i32>} : memref<24576xf32, #tpu.memory_space<vmem>>, vector<16xf32>,
      %mul3A_71 = arith.constant 8 : i32
      %mul3A_72 = arith.muli %scan3A_47, %mul3A_71 : i32
      %add3A_73 = arith.constant 3 : i32
      %add3A_74 = arith.addi %mul3A_72, %add3A_73 : i32
      %mul3A_75 = arith.constant 16 : i32
      %mul3A_76 = arith.muli %add3A_74, %mul3A_75 : i32
      %swap3A_77 = arith.index_cast %mul3A_76 : i32 to index
      %swap3A_78 = tpu.vector_load %arg21[%swap3A_77] {strides = array<i32>} : memref<24576xf32, #tpu.memory_space<vmem>>, vector<16xf32>,
      tpu.vector_store %arg21[%swap3A_77], %broadcast_in_dim3A_1 {strides = array<i32>} : memref<24576xf32, #tpu.memory_space<vmem>>, vector<16xf32>,
      %mul3A_79 = arith.constant 8 : i32
      %mul3A_80 = arith.muli %scan3A_47, %mul3A_79 : i32
      %add3A_81 = arith.constant 4 : i32
      %add3A_82 = arith.addi %mul3A_80, %add3A_81 : i32
      %mul3A_83 = arith.constant 16 : i32
      %mul3A_84 = arith.muli %add3A_82, %mul3A_83 : i32
      %swap3A_85 = arith.index_cast %mul3A_84 : i32 to index
      %swap3A_86 = tpu.vector_load %arg21[%swap3A_85] {strides = array<i32>} : memref<24576xf32, #tpu.memory_space<vmem>>, vector<16xf32>,
      tpu.vector_store %arg21[%swap3A_85], %broadcast_in_dim3A_1 {strides = array<i32>} : memref<24576xf32, #tpu.memory_space<vmem>>, vector<16xf32>,
      %mul3A_87 = arith.constant 8 : i32
      %mul3A_88 = arith.muli %scan3A_47, %mul3A_87 : i32
      %add3A_89 = arith.constant 5 : i32
      %add3A_90 = arith.addi %mul3A_88, %add3A_89 : i32
      %mul3A_91 = arith.constant 16 : i32
      %mul3A_92 = arith.muli %add3A_90, %mul3A_91 : i32
      %swap3A_93 = arith.index_cast %mul3A_92 : i32 to index
      %swap3A_94 = tpu.vector_load %arg21[%swap3A_93] {strides = array<i32>} : memref<24576xf32, #tpu.memory_space<vmem>>, vector<16xf32>,
      tpu.vector_store %arg21[%swap3A_93], %broadcast_in_dim3A_1 {strides = array<i32>} : memref<24576xf32, #tpu.memory_space<vmem>>, vector<16xf32>,
      %mul3A_95 = arith.constant 8 : i32
      %mul3A_96 = arith.muli %scan3A_47, %mul3A_95 : i32
      %add3A_97 = arith.constant 6 : i32
      %add3A_98 = arith.addi %mul3A_96, %add3A_97 : i32
      %mul3A_99 = arith.constant 16 : i32
      %mul3A_100 = arith.muli %add3A_98, %mul3A_99 : i32
      %swap3A_101 = arith.index_cast %mul3A_100 : i32 to index
      %swap3A_102 = tpu.vector_load %arg21[%swap3A_101] {strides = array<i32>} : memref<24576xf32, #tpu.memory_space<vmem>>, vector<16xf32>,
      tpu.vector_store %arg21[%swap3A_101], %broadcast_in_dim3A_1 {strides = array<i32>} : memref<24576xf32, #tpu.memory_space<vmem>>, vector<16xf32>,
      %mul3A_103 = arith.constant 8 : i32
      %mul3A_104 = arith.muli %scan3A_47, %mul3A_103 : i32
      %add3A_105 = arith.constant 7 : i32
      %add3A_106 = arith.addi %mul3A_104, %add3A_105 : i32
      %mul3A_107 = arith.constant 16 : i32
      %mul3A_108 = arith.muli %add3A_106, %mul3A_107 : i32
      %swap3A_109 = arith.index_cast %mul3A_108 : i32 to index
      %swap3A_110 = tpu.vector_load %arg21[%swap3A_109] {strides = array<i32>} : memref<24576xf32, #tpu.memory_space<vmem>>, vector<16xf32>,
      tpu.vector_store %arg21[%swap3A_109], %broadcast_in_dim3A_1 {strides = array<i32>} : memref<24576xf32, #tpu.memory_space<vmem>>, vector<16xf32>,
    }
    %scan3A_8 = arith.constant 192 : i32
    %sub3A = arith.constant 250 : i32
    %sub3A_9 = arith.subi %sub3A, %add3A : i32
    %add3A_10 = arith.constant 32 : i32
    %add3A_11 = arith.addi %sub3A_9, %add3A_10 : i32
    %sub3A_12 = arith.constant 1 : i32
    %sub3A_13 = arith.subi %add3A_11, %sub3A_12 : i32
    %jit3A = arith.constant 32 : i32
    %div3A = arith.divsi %sub3A_13, %jit3A : i32
    %sign3A = arith.constant 0 : i32
    %sign3A_14 = arith.cmpi sgt, %sub3A_13, %sign3A : i32
    %sign3A_15 = arith.extui %sign3A_14 : i1 to i32
    %sign3A_16 = arith.constant 0 : i32
    %sign3A_17 = arith.cmpi slt, %sub3A_13, %sign3A_16 : i32
    %sign3A_18 = arith.extui %sign3A_17 : i1 to i32
    %sign3A_19 = arith.subi %sign3A_15, %sign3A_18 : i32
    %sign3A_20 = arith.constant 0 : i32
    %sign3A_21 = arith.cmpi sgt, %jit3A, %sign3A_20 : i32
    %sign3A_22 = arith.extui %sign3A_21 : i1 to i32
    %sign3A_23 = arith.constant 0 : i32
    %sign3A_24 = arith.cmpi slt, %jit3A, %sign3A_23 : i32
    %sign3A_25 = arith.extui %sign3A_24 : i1 to i32
    %sign3A_26 = arith.subi %sign3A_22, %sign3A_25 : i32
    %ne3A = arith.cmpi ne, %sign3A_19, %sign3A_26 : i32
    %rem3A = arith.remsi %sub3A_13, %jit3A : i32
    %ne3A_27 = arith.constant 0 : i32
    %ne3A_28 = arith.cmpi ne, %rem3A, %ne3A_27 : i32
    %and3A = arith.andi %ne3A, %ne3A_28 : i1
    %sub3A_29 = arith.constant 1 : i32
    %sub3A_30 = arith.subi %div3A, %sub3A_29 : i32
    %select_n3A = arith.select %and3A, %sub3A_30, %div3A : i32
    %gt3A = arith.constant 0 : i32
    %gt3A_31 = arith.cmpi sgt, %select_n3A, %gt3A : i32
    %convert_element_type3A = arith.extui %gt3A_31 : i1 to i32
    %cond3A = arith.constant 0 : i32
    %cond3A_32 = arith.cmpi ne, %convert_element_type3A, %cond3A : i32
    scf.if %cond3A_32 {
      %add3A_47 = arith.constant 0 : i32
      %add3A_48 = arith.addi %add3A, %add3A_47 : i32
      %mul3A_49 = arith.constant 4000 : i32
      %mul3A_50 = arith.muli %add3A_48, %mul3A_49 : i32
      %dma_start3A = tpu.memref_slice %arg2[%mul3A_50] : memref<1000000xi32, #tpu.memory_space<hbm>> -> memref<4000xi32, #tpu.memory_space<hbm>>
      %dma_start3A_51 = tpu.memref_slice %arg2[%mul3A_50] : memref<1000000xi32, #tpu.memory_space<hbm>> -> memref<4000xi32, #tpu.memory_space<hbm>>
      tpu.enqueue_dma source(%dma_start3A_51 : memref<4000xi32, #tpu.memory_space<hbm>>) target(%arg9 : memref<4000xi32, #tpu.memory_space<vmem>>) target_semaphore(%arg22 : memref<!tpu.dma_semaphore, #tpu.memory_space<semaphore_mem>>)
      %dma_start3A_52 = tpu.memref_slice %arg3[%mul3A_50] : memref<1000000xf32, #tpu.memory_space<hbm>> -> memref<4000xf32, #tpu.memory_space<hbm>>
      %dma_start3A_53 = tpu.memref_slice %arg3[%mul3A_50] : memref<1000000xf32, #tpu.memory_space<hbm>> -> memref<4000xf32, #tpu.memory_space<hbm>>
      tpu.enqueue_dma source(%dma_start3A_53 : memref<4000xf32, #tpu.memory_space<hbm>>) target(%arg10 : memref<4000xf32, #tpu.memory_space<vmem>>) target_semaphore(%arg22 : memref<!tpu.dma_semaphore, #tpu.memory_space<semaphore_mem>>)
      %dma_start3A_54 = tpu.memref_slice %arg4[%mul3A_50] : memref<1000000xf32, #tpu.memory_space<hbm>> -> memref<4000xf32, #tpu.memory_space<hbm>>
      %dma_start3A_55 = tpu.memref_slice %arg4[%mul3A_50] : memref<1000000xf32, #tpu.memory_space<hbm>> -> memref<4000xf32, #tpu.memory_space<hbm>>
      tpu.enqueue_dma source(%dma_start3A_55 : memref<4000xf32, #tpu.memory_space<hbm>>) target(%arg11 : memref<4000xf32, #tpu.memory_space<vmem>>) target_semaphore(%arg22 : memref<!tpu.dma_semaphore, #tpu.memory_space<semaphore_mem>>)
      %dma_start3A_56 = tpu.memref_slice %arg5[%mul3A_50] : memref<1000000xf32, #tpu.memory_space<hbm>> -> memref<4000xf32, #tpu.memory_space<hbm>>
      %dma_start3A_57 = tpu.memref_slice %arg5[%mul3A_50] : memref<1000000xf32, #tpu.memory_space<hbm>> -> memref<4000xf32, #tpu.memory_space<hbm>>
      tpu.enqueue_dma source(%dma_start3A_57 : memref<4000xf32, #tpu.memory_space<hbm>>) target(%arg12 : memref<4000xf32, #tpu.memory_space<vmem>>) target_semaphore(%arg22 : memref<!tpu.dma_semaphore, #tpu.memory_space<semaphore_mem>>)
      %dma_start3A_58 = tpu.memref_slice %arg6[%mul3A_50] : memref<1000000xf32, #tpu.memory_space<hbm>> -> memref<4000xf32, #tpu.memory_space<hbm>>
      %dma_start3A_59 = tpu.memref_slice %arg6[%mul3A_50] : memref<1000000xf32, #tpu.memory_space<hbm>> -> memref<4000xf32, #tpu.memory_space<hbm>>
      tpu.enqueue_dma source(%dma_start3A_59 : memref<4000xf32, #tpu.memory_space<hbm>>) target(%arg13 : memref<4000xf32, #tpu.memory_space<vmem>>) target_semaphore(%arg22 : memref<!tpu.dma_semaphore, #tpu.memory_space<semaphore_mem>>)
      %dma_start3A_60 = tpu.memref_slice %arg7[%mul3A_50] : memref<1000000xf32, #tpu.memory_space<hbm>> -> memref<4000xf32, #tpu.memory_space<hbm>>
      %dma_start3A_61 = tpu.memref_slice %arg7[%mul3A_50] : memref<1000000xf32, #tpu.memory_space<hbm>> -> memref<4000xf32, #tpu.memory_space<hbm>>
      tpu.enqueue_dma source(%dma_start3A_61 : memref<4000xf32, #tpu.memory_space<hbm>>) target(%arg14 : memref<4000xf32, #tpu.memory_space<vmem>>) target_semaphore(%arg22 : memref<!tpu.dma_semaphore, #tpu.memory_space<semaphore_mem>>)
    } else {
    }
    %while3A = arith.constant 0 : i32
    %while3A_33 = arith.constant 0 : i32
    %while3A_34 = arith.subi %select_n3A, %while3A_33 : i32
    %while3A_35 = arith.addi %while3A_33, %while3A_34 : i32
    %while3A_36 = arith.constant 1 : i32
    %while3A_37 = arith.divsi %while3A_34, %while3A_36 : i32
    %while3A_38 = arith.muli %while3A_37, %while3A_36 : i32
    %while3A_39 = arith.addi %while3A_33, %while3A_38 : i32
    %while3A_40 = arith.constant 1 : i32
    scf.for %while3A_47 = %while3A_33 to %while3A_39 step %while3A_40  : i32 {
      %rem3A_48 = arith.constant 2 : i32
      %rem3A_49 = arith.remsi %while3A_47, %rem3A_48 : i32
      %eq3A = arith.constant 0 : i32
      %eq3A_50 = arith.cmpi eq, %rem3A_49, %eq3A : i32
      %add3A_51 = arith.constant 1 : i32
      %add3A_52 = arith.addi %while3A_47, %add3A_51 : i32
      %lt3A = arith.cmpi slt, %add3A_52, %select_n3A : i32
      %and3A_53 = arith.andi %lt3A, %eq3A_50 : i1
      %convert_element_type3A_54 = arith.extui %and3A_53 : i1 to i32
      %cond3A_55 = arith.constant 0 : i32
      %cond3A_56 = arith.cmpi ne, %convert_element_type3A_54, %cond3A_55 : i32
      scf.if %cond3A_56 {
        %mul3A_71 = arith.constant 32 : i32
        %mul3A_72 = arith.muli %add3A_52, %mul3A_71 : i32
        %add3A_73 = arith.addi %add3A, %mul3A_72 : i32
        %mul3A_74 = arith.constant 4000 : i32
        %mul3A_75 = arith.muli %add3A_73, %mul3A_74 : i32
        %dma_start3A = tpu.memref_slice %arg2[%mul3A_75] : memref<1000000xi32, #tpu.memory_space<hbm>> -> memref<4000xi32, #tpu.memory_space<hbm>>
        %dma_start3A_76 = tpu.memref_slice %arg2[%mul3A_75] : memref<1000000xi32, #tpu.memory_space<hbm>> -> memref<4000xi32, #tpu.memory_space<hbm>>
        tpu.enqueue_dma source(%dma_start3A_76 : memref<4000xi32, #tpu.memory_space<hbm>>) target(%arg15 : memref<4000xi32, #tpu.memory_space<vmem>>) target_semaphore(%arg23 : memref<!tpu.dma_semaphore, #tpu.memory_space<semaphore_mem>>)
        %dma_start3A_77 = tpu.memref_slice %arg3[%mul3A_75] : memref<1000000xf32, #tpu.memory_space<hbm>> -> memref<4000xf32, #tpu.memory_space<hbm>>
        %dma_start3A_78 = tpu.memref_slice %arg3[%mul3A_75] : memref<1000000xf32, #tpu.memory_space<hbm>> -> memref<4000xf32, #tpu.memory_space<hbm>>
        tpu.enqueue_dma source(%dma_start3A_78 : memref<4000xf32, #tpu.memory_space<hbm>>) target(%arg16 : memref<4000xf32, #tpu.memory_space<vmem>>) target_semaphore(%arg23 : memref<!tpu.dma_semaphore, #tpu.memory_space<semaphore_mem>>)
        %dma_start3A_79 = tpu.memref_slice %arg4[%mul3A_75] : memref<1000000xf32, #tpu.memory_space<hbm>> -> memref<4000xf32, #tpu.memory_space<hbm>>
        %dma_start3A_80 = tpu.memref_slice %arg4[%mul3A_75] : memref<1000000xf32, #tpu.memory_space<hbm>> -> memref<4000xf32, #tpu.memory_space<hbm>>
        tpu.enqueue_dma source(%dma_start3A_80 : memref<4000xf32, #tpu.memory_space<hbm>>) target(%arg17 : memref<4000xf32, #tpu.memory_space<vmem>>) target_semaphore(%arg23 : memref<!tpu.dma_semaphore, #tpu.memory_space<semaphore_mem>>)
        %dma_start3A_81 = tpu.memref_slice %arg5[%mul3A_75] : memref<1000000xf32, #tpu.memory_space<hbm>> -> memref<4000xf32, #tpu.memory_space<hbm>>
        %dma_start3A_82 = tpu.memref_slice %arg5[%mul3A_75] : memref<1000000xf32, #tpu.memory_space<hbm>> -> memref<4000xf32, #tpu.memory_space<hbm>>
        tpu.enqueue_dma source(%dma_start3A_82 : memref<4000xf32, #tpu.memory_space<hbm>>) target(%arg18 : memref<4000xf32, #tpu.memory_space<vmem>>) target_semaphore(%arg23 : memref<!tpu.dma_semaphore, #tpu.memory_space<semaphore_mem>>)
        %dma_start3A_83 = tpu.memref_slice %arg6[%mul3A_75] : memref<1000000xf32, #tpu.memory_space<hbm>> -> memref<4000xf32, #tpu.memory_space<hbm>>
        %dma_start3A_84 = tpu.memref_slice %arg6[%mul3A_75] : memref<1000000xf32, #tpu.memory_space<hbm>> -> memref<4000xf32, #tpu.memory_space<hbm>>
        tpu.enqueue_dma source(%dma_start3A_84 : memref<4000xf32, #tpu.memory_space<hbm>>) target(%arg19 : memref<4000xf32, #tpu.memory_space<vmem>>) target_semaphore(%arg23 : memref<!tpu.dma_semaphore, #tpu.memory_space<semaphore_mem>>)
        %dma_start3A_85 = tpu.memref_slice %arg7[%mul3A_75] : memref<1000000xf32, #tpu.memory_space<hbm>> -> memref<4000xf32, #tpu.memory_space<hbm>>
        %dma_start3A_86 = tpu.memref_slice %arg7[%mul3A_75] : memref<1000000xf32, #tpu.memory_space<hbm>> -> memref<4000xf32, #tpu.memory_space<hbm>>
        tpu.enqueue_dma source(%dma_start3A_86 : memref<4000xf32, #tpu.memory_space<hbm>>) target(%arg20 : memref<4000xf32, #tpu.memory_space<vmem>>) target_semaphore(%arg23 : memref<!tpu.dma_semaphore, #tpu.memory_space<semaphore_mem>>)
      } else {
      }
      %lt3A_57 = arith.cmpi slt, %add3A_52, %select_n3A : i32
      %not3A = arith.constant true
      %not3A_58 = arith.xori %eq3A_50, %not3A : i1
      %and3A_59 = arith.andi %lt3A_57, %not3A_58 : i1
      %convert_element_type3A_60 = arith.extui %and3A_59 : i1 to i32
      %cond3A_61 = arith.constant 0 : i32
      %cond3A_62 = arith.cmpi ne, %convert_element_type3A_60, %cond3A_61 : i32
      scf.if %cond3A_62 {
        %mul3A_71 = arith.constant 32 : i32
        %mul3A_72 = arith.muli %add3A_52, %mul3A_71 : i32
        %add3A_73 = arith.addi %add3A, %mul3A_72 : i32
        %mul3A_74 = arith.constant 4000 : i32
        %mul3A_75 = arith.muli %add3A_73, %mul3A_74 : i32
        %dma_start3A = tpu.memref_slice %arg2[%mul3A_75] : memref<1000000xi32, #tpu.memory_space<hbm>> -> memref<4000xi32, #tpu.memory_space<hbm>>
        %dma_start3A_76 = tpu.memref_slice %arg2[%mul3A_75] : memref<1000000xi32, #tpu.memory_space<hbm>> -> memref<4000xi32, #tpu.memory_space<hbm>>
        tpu.enqueue_dma source(%dma_start3A_76 : memref<4000xi32, #tpu.memory_space<hbm>>) target(%arg9 : memref<4000xi32, #tpu.memory_space<vmem>>) target_semaphore(%arg22 : memref<!tpu.dma_semaphore, #tpu.memory_space<semaphore_mem>>)
        %dma_start3A_77 = tpu.memref_slice %arg3[%mul3A_75] : memref<1000000xf32, #tpu.memory_space<hbm>> -> memref<4000xf32, #tpu.memory_space<hbm>>
        %dma_start3A_78 = tpu.memref_slice %arg3[%mul3A_75] : memref<1000000xf32, #tpu.memory_space<hbm>> -> memref<4000xf32, #tpu.memory_space<hbm>>
        tpu.enqueue_dma source(%dma_start3A_78 : memref<4000xf32, #tpu.memory_space<hbm>>) target(%arg10 : memref<4000xf32, #tpu.memory_space<vmem>>) target_semaphore(%arg22 : memref<!tpu.dma_semaphore, #tpu.memory_space<semaphore_mem>>)
        %dma_start3A_79 = tpu.memref_slice %arg4[%mul3A_75] : memref<1000000xf32, #tpu.memory_space<hbm>> -> memref<4000xf32, #tpu.memory_space<hbm>>
        %dma_start3A_80 = tpu.memref_slice %arg4[%mul3A_75] : memref<1000000xf32, #tpu.memory_space<hbm>> -> memref<4000xf32, #tpu.memory_space<hbm>>
        tpu.enqueue_dma source(%dma_start3A_80 : memref<4000xf32, #tpu.memory_space<hbm>>) target(%arg11 : memref<4000xf32, #tpu.memory_space<vmem>>) target_semaphore(%arg22 : memref<!tpu.dma_semaphore, #tpu.memory_space<semaphore_mem>>)
        %dma_start3A_81 = tpu.memref_slice %arg5[%mul3A_75] : memref<1000000xf32, #tpu.memory_space<hbm>> -> memref<4000xf32, #tpu.memory_space<hbm>>
        %dma_start3A_82 = tpu.memref_slice %arg5[%mul3A_75] : memref<1000000xf32, #tpu.memory_space<hbm>> -> memref<4000xf32, #tpu.memory_space<hbm>>
        tpu.enqueue_dma source(%dma_start3A_82 : memref<4000xf32, #tpu.memory_space<hbm>>) target(%arg12 : memref<4000xf32, #tpu.memory_space<vmem>>) target_semaphore(%arg22 : memref<!tpu.dma_semaphore, #tpu.memory_space<semaphore_mem>>)
        %dma_start3A_83 = tpu.memref_slice %arg6[%mul3A_75] : memref<1000000xf32, #tpu.memory_space<hbm>> -> memref<4000xf32, #tpu.memory_space<hbm>>
        %dma_start3A_84 = tpu.memref_slice %arg6[%mul3A_75] : memref<1000000xf32, #tpu.memory_space<hbm>> -> memref<4000xf32, #tpu.memory_space<hbm>>
        tpu.enqueue_dma source(%dma_start3A_84 : memref<4000xf32, #tpu.memory_space<hbm>>) target(%arg13 : memref<4000xf32, #tpu.memory_space<vmem>>) target_semaphore(%arg22 : memref<!tpu.dma_semaphore, #tpu.memory_space<semaphore_mem>>)
        %dma_start3A_85 = tpu.memref_slice %arg7[%mul3A_75] : memref<1000000xf32, #tpu.memory_space<hbm>> -> memref<4000xf32, #tpu.memory_space<hbm>>
        %dma_start3A_86 = tpu.memref_slice %arg7[%mul3A_75] : memref<1000000xf32, #tpu.memory_space<hbm>> -> memref<4000xf32, #tpu.memory_space<hbm>>
        tpu.enqueue_dma source(%dma_start3A_86 : memref<4000xf32, #tpu.memory_space<hbm>>) target(%arg14 : memref<4000xf32, #tpu.memory_space<vmem>>) target_semaphore(%arg22 : memref<!tpu.dma_semaphore, #tpu.memory_space<semaphore_mem>>)
      } else {
      }
      %convert_element_type3A_63 = arith.extui %eq3A_50 : i1 to i32
      %cond3A_64 = arith.constant 0 : i32
      %cond3A_65 = arith.cmpi ne, %convert_element_type3A_63, %cond3A_64 : i32
      scf.if %cond3A_65 {
        %dma_wait3A = arith.constant 0 : i32
        %dma_wait3A_71 = tpu.memref_slice %arg2[%dma_wait3A] : memref<1000000xi32, #tpu.memory_space<hbm>> -> memref<4000xi32, #tpu.memory_space<hbm>>
        %dma_wait3A_72 = arith.constant 0 : i32
        %dma_wait3A_73 = tpu.memref_slice %arg2[%dma_wait3A_72] : memref<1000000xi32, #tpu.memory_space<hbm>> -> memref<4000xi32, #tpu.memory_space<hbm>>
        tpu.wait_dma2 semaphore(%arg22 : memref<!tpu.dma_semaphore, #tpu.memory_space<semaphore_mem>>) src(%dma_wait3A_73 : memref<4000xi32, #tpu.memory_space<hbm>>) dst(%arg9 : memref<4000xi32, #tpu.memory_space<vmem>>)
        %dma_wait3A_74 = arith.constant 0 : i32
        %dma_wait3A_75 = tpu.memref_slice %arg3[%dma_wait3A_74] : memref<1000000xf32, #tpu.memory_space<hbm>> -> memref<4000xf32, #tpu.memory_space<hbm>>
        %dma_wait3A_76 = arith.constant 0 : i32
        %dma_wait3A_77 = tpu.memref_slice %arg3[%dma_wait3A_76] : memref<1000000xf32, #tpu.memory_space<hbm>> -> memref<4000xf32, #tpu.memory_space<hbm>>
        tpu.wait_dma2 semaphore(%arg22 : memref<!tpu.dma_semaphore, #tpu.memory_space<semaphore_mem>>) src(%dma_wait3A_77 : memref<4000xf32, #tpu.memory_space<hbm>>) dst(%arg10 : memref<4000xf32, #tpu.memory_space<vmem>>)
        %dma_wait3A_78 = arith.constant 0 : i32
        %dma_wait3A_79 = tpu.memref_slice %arg4[%dma_wait3A_78] : memref<1000000xf32, #tpu.memory_space<hbm>> -> memref<4000xf32, #tpu.memory_space<hbm>>
        %dma_wait3A_80 = arith.constant 0 : i32
        %dma_wait3A_81 = tpu.memref_slice %arg4[%dma_wait3A_80] : memref<1000000xf32, #tpu.memory_space<hbm>> -> memref<4000xf32, #tpu.memory_space<hbm>>
        tpu.wait_dma2 semaphore(%arg22 : memref<!tpu.dma_semaphore, #tpu.memory_space<semaphore_mem>>) src(%dma_wait3A_81 : memref<4000xf32, #tpu.memory_space<hbm>>) dst(%arg11 : memref<4000xf32, #tpu.memory_space<vmem>>)
        %dma_wait3A_82 = arith.constant 0 : i32
        %dma_wait3A_83 = tpu.memref_slice %arg5[%dma_wait3A_82] : memref<1000000xf32, #tpu.memory_space<hbm>> -> memref<4000xf32, #tpu.memory_space<hbm>>
        %dma_wait3A_84 = arith.constant 0 : i32
        %dma_wait3A_85 = tpu.memref_slice %arg5[%dma_wait3A_84] : memref<1000000xf32, #tpu.memory_space<hbm>> -> memref<4000xf32, #tpu.memory_space<hbm>>
        tpu.wait_dma2 semaphore(%arg22 : memref<!tpu.dma_semaphore, #tpu.memory_space<semaphore_mem>>) src(%dma_wait3A_85 : memref<4000xf32, #tpu.memory_space<hbm>>) dst(%arg12 : memref<4000xf32, #tpu.memory_space<vmem>>)
        %dma_wait3A_86 = arith.constant 0 : i32
        %dma_wait3A_87 = tpu.memref_slice %arg6[%dma_wait3A_86] : memref<1000000xf32, #tpu.memory_space<hbm>> -> memref<4000xf32, #tpu.memory_space<hbm>>
        %dma_wait3A_88 = arith.constant 0 : i32
        %dma_wait3A_89 = tpu.memref_slice %arg6[%dma_wait3A_88] : memref<1000000xf32, #tpu.memory_space<hbm>> -> memref<4000xf32, #tpu.memory_space<hbm>>
        tpu.wait_dma2 semaphore(%arg22 : memref<!tpu.dma_semaphore, #tpu.memory_space<semaphore_mem>>) src(%dma_wait3A_89 : memref<4000xf32, #tpu.memory_space<hbm>>) dst(%arg13 : memref<4000xf32, #tpu.memory_space<vmem>>)
        %dma_wait3A_90 = arith.constant 0 : i32
        %dma_wait3A_91 = tpu.memref_slice %arg7[%dma_wait3A_90] : memref<1000000xf32, #tpu.memory_space<hbm>> -> memref<4000xf32, #tpu.memory_space<hbm>>
        %dma_wait3A_92 = arith.constant 0 : i32
        %dma_wait3A_93 = tpu.memref_slice %arg7[%dma_wait3A_92] : memref<1000000xf32, #tpu.memory_space<hbm>> -> memref<4000xf32, #tpu.memory_space<hbm>>
        tpu.wait_dma2 semaphore(%arg22 : memref<!tpu.dma_semaphore, #tpu.memory_space<semaphore_mem>>) src(%dma_wait3A_93 : memref<4000xf32, #tpu.memory_space<hbm>>) dst(%arg14 : memref<4000xf32, #tpu.memory_space<vmem>>)
        %scan3A_94 = arith.constant 0 : i32
        %scan3A_95 = arith.constant 0 : i32
        %scan3A_96 = arith.constant 50 : i32
        %scan3A_97 = arith.addi %scan3A_95, %scan3A_96 : i32
        %scan3A_98 = arith.constant 1 : i32
        scf.for %scan3A_100 = %scan3A_95 to %scan3A_97 step %scan3A_98  : i32 {
          %mul3A_101 = arith.constant 5 : i32
          %mul3A_102 = arith.muli %scan3A_100, %mul3A_101 : i32
          %add3A_103 = arith.constant 0 : i32
          %add3A_104 = arith.addi %mul3A_102, %add3A_103 : i32
          %mul3A_105 = arith.constant 16 : i32
          %mul3A_106 = arith.muli %add3A_104, %mul3A_105 : i32
          %get3A = arith.index_cast %mul3A_106 : i32 to index
          %get3A_107 = tpu.vector_load %arg9[%get3A] {strides = array<i32>} : memref<4000xi32, #tpu.memory_space<vmem>>, vector<16xi32>,
          %get3A_108 = arith.index_cast %mul3A_106 : i32 to index
          %get3A_109 = tpu.vector_load %arg10[%get3A_108] {strides = array<i32>} : memref<4000xf32, #tpu.memory_space<vmem>>, vector<16xf32>,
          %get3A_110 = arith.index_cast %mul3A_106 : i32 to index
          %get3A_111 = tpu.vector_load %arg11[%get3A_110] {strides = array<i32>} : memref<4000xf32, #tpu.memory_space<vmem>>, vector<16xf32>,
          %get3A_112 = arith.index_cast %mul3A_106 : i32 to index
          %get3A_113 = tpu.vector_load %arg12[%get3A_112] {strides = array<i32>} : memref<4000xf32, #tpu.memory_space<vmem>>, vector<16xf32>,
          %get3A_114 = arith.index_cast %mul3A_106 : i32 to index
          %get3A_115 = tpu.vector_load %arg13[%get3A_114] {strides = array<i32>} : memref<4000xf32, #tpu.memory_space<vmem>>, vector<16xf32>,
          %get3A_116 = arith.index_cast %mul3A_106 : i32 to index
          %get3A_117 = tpu.vector_load %arg14[%get3A_116] {strides = array<i32>} : memref<4000xf32, #tpu.memory_space<vmem>>, vector<16xf32>,
          tpu.vector_store_idx %arg21[%get3A_107], %broadcast_in_dim3A_3 {add = true} : memref<24576xf32, #tpu.memory_space<vmem>>[vector<16xi32>], vector<16xf32>,
          %add3A_118 = arith.constant 4096 : i32
          %add3A_119 = vector.broadcast %add3A_118 : i32 to vector<16xi32>
          %add3A_120 = arith.addi %get3A_107, %add3A_119 : vector<16xi32>
          tpu.vector_store_idx %arg21[%add3A_120], %get3A_115 {add = true} : memref<24576xf32, #tpu.memory_space<vmem>>[vector<16xi32>], vector<16xf32>,
          %add3A_121 = arith.constant 8192 : i32
          %add3A_122 = vector.broadcast %add3A_121 : i32 to vector<16xi32>
          %add3A_123 = arith.addi %get3A_107, %add3A_122 : vector<16xi32>
          %mul3A_124 = arith.mulf %get3A_115, %get3A_109 : vector<16xf32>
          tpu.vector_store_idx %arg21[%add3A_123], %mul3A_124 {add = true} : memref<24576xf32, #tpu.memory_space<vmem>>[vector<16xi32>], vector<16xf32>,
          %add3A_125 = arith.constant 12288 : i32
          %add3A_126 = vector.broadcast %add3A_125 : i32 to vector<16xi32>
          %add3A_127 = arith.addi %get3A_107, %add3A_126 : vector<16xi32>
          %mul3A_128 = arith.mulf %get3A_115, %get3A_111 : vector<16xf32>
          tpu.vector_store_idx %arg21[%add3A_127], %mul3A_128 {add = true} : memref<24576xf32, #tpu.memory_space<vmem>>[vector<16xi32>], vector<16xf32>,
          %add3A_129 = arith.constant 16384 : i32
          %add3A_130 = vector.broadcast %add3A_129 : i32 to vector<16xi32>
          %add3A_131 = arith.addi %get3A_107, %add3A_130 : vector<16xi32>
          %mul3A_132 = arith.mulf %get3A_115, %get3A_113 : vector<16xf32>
          tpu.vector_store_idx %arg21[%add3A_131], %mul3A_132 {add = true} : memref<24576xf32, #tpu.memory_space<vmem>>[vector<16xi32>], vector<16xf32>,
          %add3A_133 = arith.constant 20480 : i32
          %add3A_134 = vector.broadcast %add3A_133 : i32 to vector<16xi32>
          %add3A_135 = arith.addi %get3A_107, %add3A_134 : vector<16xi32>
          %mul3A_136 = arith.mulf %get3A_115, %get3A_117 : vector<16xf32>
          tpu.vector_store_idx %arg21[%add3A_135], %mul3A_136 {add = true} : memref<24576xf32, #tpu.memory_space<vmem>>[vector<16xi32>], vector<16xf32>,
          %mul3A_137 = arith.constant 5 : i32
          %mul3A_138 = arith.muli %scan3A_100, %mul3A_137 : i32
          %add3A_139 = arith.constant 1 : i32
          %add3A_140 = arith.addi %mul3A_138, %add3A_139 : i32
          %mul3A_141 = arith.constant 16 : i32
          %mul3A_142 = arith.muli %add3A_140, %mul3A_141 : i32
          %get3A_143 = arith.index_cast %mul3A_142 : i32 to index
          %get3A_144 = tpu.vector_load %arg9[%get3A_143] {strides = array<i32>} : memref<4000xi32, #tpu.memory_space<vmem>>, vector<16xi32>,
          %get3A_145 = arith.index_cast %mul3A_142 : i32 to index
          %get3A_146 = tpu.vector_load %arg10[%get3A_145] {strides = array<i32>} : memref<4000xf32, #tpu.memory_space<vmem>>, vector<16xf32>,
          %get3A_147 = arith.index_cast %mul3A_142 : i32 to index
          %get3A_148 = tpu.vector_load %arg11[%get3A_147] {strides = array<i32>} : memref<4000xf32, #tpu.memory_space<vmem>>, vector<16xf32>,
          %get3A_149 = arith.index_cast %mul3A_142 : i32 to index
          %get3A_150 = tpu.vector_load %arg12[%get3A_149] {strides = array<i32>} : memref<4000xf32, #tpu.memory_space<vmem>>, vector<16xf32>,
          %get3A_151 = arith.index_cast %mul3A_142 : i32 to index
          %get3A_152 = tpu.vector_load %arg13[%get3A_151] {strides = array<i32>} : memref<4000xf32, #tpu.memory_space<vmem>>, vector<16xf32>,
          %get3A_153 = arith.index_cast %mul3A_142 : i32 to index
          %get3A_154 = tpu.vector_load %arg14[%get3A_153] {strides = array<i32>} : memref<4000xf32, #tpu.memory_space<vmem>>, vector<16xf32>,
          tpu.vector_store_idx %arg21[%get3A_144], %broadcast_in_dim3A_3 {add = true} : memref<24576xf32, #tpu.memory_space<vmem>>[vector<16xi32>], vector<16xf32>,
          %add3A_155 = arith.constant 4096 : i32
          %add3A_156 = vector.broadcast %add3A_155 : i32 to vector<16xi32>
          %add3A_157 = arith.addi %get3A_144, %add3A_156 : vector<16xi32>
          tpu.vector_store_idx %arg21[%add3A_157], %get3A_152 {add = true} : memref<24576xf32, #tpu.memory_space<vmem>>[vector<16xi32>], vector<16xf32>,
          %add3A_158 = arith.constant 8192 : i32
          %add3A_159 = vector.broadcast %add3A_158 : i32 to vector<16xi32>
          %add3A_160 = arith.addi %get3A_144, %add3A_159 : vector<16xi32>
          %mul3A_161 = arith.mulf %get3A_152, %get3A_146 : vector<16xf32>
          tpu.vector_store_idx %arg21[%add3A_160], %mul3A_161 {add = true} : memref<24576xf32, #tpu.memory_space<vmem>>[vector<16xi32>], vector<16xf32>,
          %add3A_162 = arith.constant 12288 : i32
          %add3A_163 = vector.broadcast %add3A_162 : i32 to vector<16xi32>
          %add3A_164 = arith.addi %get3A_144, %add3A_163 : vector<16xi32>
          %mul3A_165 = arith.mulf %get3A_152, %get3A_148 : vector<16xf32>
          tpu.vector_store_idx %arg21[%add3A_164], %mul3A_165 {add = true} : memref<24576xf32, #tpu.memory_space<vmem>>[vector<16xi32>], vector<16xf32>,
          %add3A_166 = arith.constant 16384 : i32
          %add3A_167 = vector.broadcast %add3A_166 : i32 to vector<16xi32>
          %add3A_168 = arith.addi %get3A_144, %add3A_167 : vector<16xi32>
          %mul3A_169 = arith.mulf %get3A_152, %get3A_150 : vector<16xf32>
          tpu.vector_store_idx %arg21[%add3A_168], %mul3A_169 {add = true} : memref<24576xf32, #tpu.memory_space<vmem>>[vector<16xi32>], vector<16xf32>,
          %add3A_170 = arith.constant 20480 : i32
          %add3A_171 = vector.broadcast %add3A_170 : i32 to vector<16xi32>
          %add3A_172 = arith.addi %get3A_144, %add3A_171 : vector<16xi32>
          %mul3A_173 = arith.mulf %get3A_152, %get3A_154 : vector<16xf32>
          tpu.vector_store_idx %arg21[%add3A_172], %mul3A_173 {add = true} : memref<24576xf32, #tpu.memory_space<vmem>>[vector<16xi32>], vector<16xf32>,
          %mul3A_174 = arith.constant 5 : i32
          %mul3A_175 = arith.muli %scan3A_100, %mul3A_174 : i32
          %add3A_176 = arith.constant 2 : i32
          %add3A_177 = arith.addi %mul3A_175, %add3A_176 : i32
          %mul3A_178 = arith.constant 16 : i32
          %mul3A_179 = arith.muli %add3A_177, %mul3A_178 : i32
          %get3A_180 = arith.index_cast %mul3A_179 : i32 to index
          %get3A_181 = tpu.vector_load %arg9[%get3A_180] {strides = array<i32>} : memref<4000xi32, #tpu.memory_space<vmem>>, vector<16xi32>,
          %get3A_182 = arith.index_cast %mul3A_179 : i32 to index
          %get3A_183 = tpu.vector_load %arg10[%get3A_182] {strides = array<i32>} : memref<4000xf32, #tpu.memory_space<vmem>>, vector<16xf32>,
          %get3A_184 = arith.index_cast %mul3A_179 : i32 to index
          %get3A_185 = tpu.vector_load %arg11[%get3A_184] {strides = array<i32>} : memref<4000xf32, #tpu.memory_space<vmem>>, vector<16xf32>,
          %get3A_186 = arith.index_cast %mul3A_179 : i32 to index
          %get3A_187 = tpu.vector_load %arg12[%get3A_186] {strides = array<i32>} : memref<4000xf32, #tpu.memory_space<vmem>>, vector<16xf32>,
          %get3A_188 = arith.index_cast %mul3A_179 : i32 to index
          %get3A_189 = tpu.vector_load %arg13[%get3A_188] {strides = array<i32>} : memref<4000xf32, #tpu.memory_space<vmem>>, vector<16xf32>,
          %get3A_190 = arith.index_cast %mul3A_179 : i32 to index
          %get3A_191 = tpu.vector_load %arg14[%get3A_190] {strides = array<i32>} : memref<4000xf32, #tpu.memory_space<vmem>>, vector<16xf32>,
          tpu.vector_store_idx %arg21[%get3A_181], %broadcast_in_dim3A_3 {add = true} : memref<24576xf32, #tpu.memory_space<vmem>>[vector<16xi32>], vector<16xf32>,
          %add3A_192 = arith.constant 4096 : i32
          %add3A_193 = vector.broadcast %add3A_192 : i32 to vector<16xi32>
          %add3A_194 = arith.addi %get3A_181, %add3A_193 : vector<16xi32>
          tpu.vector_store_idx %arg21[%add3A_194], %get3A_189 {add = true} : memref<24576xf32, #tpu.memory_space<vmem>>[vector<16xi32>], vector<16xf32>,
          %add3A_195 = arith.constant 8192 : i32
          %add3A_196 = vector.broadcast %add3A_195 : i32 to vector<16xi32>
          %add3A_197 = arith.addi %get3A_181, %add3A_196 : vector<16xi32>
          %mul3A_198 = arith.mulf %get3A_189, %get3A_183 : vector<16xf32>
          tpu.vector_store_idx %arg21[%add3A_197], %mul3A_198 {add = true} : memref<24576xf32, #tpu.memory_space<vmem>>[vector<16xi32>], vector<16xf32>,
          %add3A_199 = arith.constant 12288 : i32
          %add3A_200 = vector.broadcast %add3A_199 : i32 to vector<16xi32>
          %add3A_201 = arith.addi %get3A_181, %add3A_200 : vector<16xi32>
          %mul3A_202 = arith.mulf %get3A_189, %get3A_185 : vector<16xf32>
          tpu.vector_store_idx %arg21[%add3A_201], %mul3A_202 {add = true} : memref<24576xf32, #tpu.memory_space<vmem>>[vector<16xi32>], vector<16xf32>,
          %add3A_203 = arith.constant 16384 : i32
          %add3A_204 = vector.broadcast %add3A_203 : i32 to vector<16xi32>
          %add3A_205 = arith.addi %get3A_181, %add3A_204 : vector<16xi32>
          %mul3A_206 = arith.mulf %get3A_189, %get3A_187 : vector<16xf32>
          tpu.vector_store_idx %arg21[%add3A_205], %mul3A_206 {add = true} : memref<24576xf32, #tpu.memory_space<vmem>>[vector<16xi32>], vector<16xf32>,
          %add3A_207 = arith.constant 20480 : i32
          %add3A_208 = vector.broadcast %add3A_207 : i32 to vector<16xi32>
          %add3A_209 = arith.addi %get3A_181, %add3A_208 : vector<16xi32>
          %mul3A_210 = arith.mulf %get3A_189, %get3A_191 : vector<16xf32>
          tpu.vector_store_idx %arg21[%add3A_209], %mul3A_210 {add = true} : memref<24576xf32, #tpu.memory_space<vmem>>[vector<16xi32>], vector<16xf32>,
          %mul3A_211 = arith.constant 5 : i32
          %mul3A_212 = arith.muli %scan3A_100, %mul3A_211 : i32
          %add3A_213 = arith.constant 3 : i32
          %add3A_214 = arith.addi %mul3A_212, %add3A_213 : i32
          %mul3A_215 = arith.constant 16 : i32
          %mul3A_216 = arith.muli %add3A_214, %mul3A_215 : i32
          %get3A_217 = arith.index_cast %mul3A_216 : i32 to index
          %get3A_218 = tpu.vector_load %arg9[%get3A_217] {strides = array<i32>} : memref<4000xi32, #tpu.memory_space<vmem>>, vector<16xi32>,
          %get3A_219 = arith.index_cast %mul3A_216 : i32 to index
          %get3A_220 = tpu.vector_load %arg10[%get3A_219] {strides = array<i32>} : memref<4000xf32, #tpu.memory_space<vmem>>, vector<16xf32>,
          %get3A_221 = arith.index_cast %mul3A_216 : i32 to index
          %get3A_222 = tpu.vector_load %arg11[%get3A_221] {strides = array<i32>} : memref<4000xf32, #tpu.memory_space<vmem>>, vector<16xf32>,
          %get3A_223 = arith.index_cast %mul3A_216 : i32 to index
          %get3A_224 = tpu.vector_load %arg12[%get3A_223] {strides = array<i32>} : memref<4000xf32, #tpu.memory_space<vmem>>, vector<16xf32>,
          %get3A_225 = arith.index_cast %mul3A_216 : i32 to index
          %get3A_226 = tpu.vector_load %arg13[%get3A_225] {strides = array<i32>} : memref<4000xf32, #tpu.memory_space<vmem>>, vector<16xf32>,
          %get3A_227 = arith.index_cast %mul3A_216 : i32 to index
          %get3A_228 = tpu.vector_load %arg14[%get3A_227] {strides = array<i32>} : memref<4000xf32, #tpu.memory_space<vmem>>, vector<16xf32>,
          tpu.vector_store_idx %arg21[%get3A_218], %broadcast_in_dim3A_3 {add = true} : memref<24576xf32, #tpu.memory_space<vmem>>[vector<16xi32>], vector<16xf32>,
          %add3A_229 = arith.constant 4096 : i32
          %add3A_230 = vector.broadcast %add3A_229 : i32 to vector<16xi32>
          %add3A_231 = arith.addi %get3A_218, %add3A_230 : vector<16xi32>
          tpu.vector_store_idx %arg21[%add3A_231], %get3A_226 {add = true} : memref<24576xf32, #tpu.memory_space<vmem>>[vector<16xi32>], vector<16xf32>,
          %add3A_232 = arith.constant 8192 : i32
          %add3A_233 = vector.broadcast %add3A_232 : i32 to vector<16xi32>
          %add3A_234 = arith.addi %get3A_218, %add3A_233 : vector<16xi32>
          %mul3A_235 = arith.mulf %get3A_226, %get3A_220 : vector<16xf32>
          tpu.vector_store_idx %arg21[%add3A_234], %mul3A_235 {add = true} : memref<24576xf32, #tpu.memory_space<vmem>>[vector<16xi32>], vector<16xf32>,
          %add3A_236 = arith.constant 12288 : i32
          %add3A_237 = vector.broadcast %add3A_236 : i32 to vector<16xi32>
          %add3A_238 = arith.addi %get3A_218, %add3A_237 : vector<16xi32>
          %mul3A_239 = arith.mulf %get3A_226, %get3A_222 : vector<16xf32>
          tpu.vector_store_idx %arg21[%add3A_238], %mul3A_239 {add = true} : memref<24576xf32, #tpu.memory_space<vmem>>[vector<16xi32>], vector<16xf32>,
          %add3A_240 = arith.constant 16384 : i32
          %add3A_241 = vector.broadcast %add3A_240 : i32 to vector<16xi32>
          %add3A_242 = arith.addi %get3A_218, %add3A_241 : vector<16xi32>
          %mul3A_243 = arith.mulf %get3A_226, %get3A_224 : vector<16xf32>
          tpu.vector_store_idx %arg21[%add3A_242], %mul3A_243 {add = true} : memref<24576xf32, #tpu.memory_space<vmem>>[vector<16xi32>], vector<16xf32>,
          %add3A_244 = arith.constant 20480 : i32
          %add3A_245 = vector.broadcast %add3A_244 : i32 to vector<16xi32>
          %add3A_246 = arith.addi %get3A_218, %add3A_245 : vector<16xi32>
          %mul3A_247 = arith.mulf %get3A_226, %get3A_228 : vector<16xf32>
          tpu.vector_store_idx %arg21[%add3A_246], %mul3A_247 {add = true} : memref<24576xf32, #tpu.memory_space<vmem>>[vector<16xi32>], vector<16xf32>,
          %mul3A_248 = arith.constant 5 : i32
          %mul3A_249 = arith.muli %scan3A_100, %mul3A_248 : i32
          %add3A_250 = arith.constant 4 : i32
          %add3A_251 = arith.addi %mul3A_249, %add3A_250 : i32
          %mul3A_252 = arith.constant 16 : i32
          %mul3A_253 = arith.muli %add3A_251, %mul3A_252 : i32
          %get3A_254 = arith.index_cast %mul3A_253 : i32 to index
          %get3A_255 = tpu.vector_load %arg9[%get3A_254] {strides = array<i32>} : memref<4000xi32, #tpu.memory_space<vmem>>, vector<16xi32>,
          %get3A_256 = arith.index_cast %mul3A_253 : i32 to index
          %get3A_257 = tpu.vector_load %arg10[%get3A_256] {strides = array<i32>} : memref<4000xf32, #tpu.memory_space<vmem>>, vector<16xf32>,
          %get3A_258 = arith.index_cast %mul3A_253 : i32 to index
          %get3A_259 = tpu.vector_load %arg11[%get3A_258] {strides = array<i32>} : memref<4000xf32, #tpu.memory_space<vmem>>, vector<16xf32>,
          %get3A_260 = arith.index_cast %mul3A_253 : i32 to index
          %get3A_261 = tpu.vector_load %arg12[%get3A_260] {strides = array<i32>} : memref<4000xf32, #tpu.memory_space<vmem>>, vector<16xf32>,
          %get3A_262 = arith.index_cast %mul3A_253 : i32 to index
          %get3A_263 = tpu.vector_load %arg13[%get3A_262] {strides = array<i32>} : memref<4000xf32, #tpu.memory_space<vmem>>, vector<16xf32>,
          %get3A_264 = arith.index_cast %mul3A_253 : i32 to index
          %get3A_265 = tpu.vector_load %arg14[%get3A_264] {strides = array<i32>} : memref<4000xf32, #tpu.memory_space<vmem>>, vector<16xf32>,
          tpu.vector_store_idx %arg21[%get3A_255], %broadcast_in_dim3A_3 {add = true} : memref<24576xf32, #tpu.memory_space<vmem>>[vector<16xi32>], vector<16xf32>,
          %add3A_266 = arith.constant 4096 : i32
          %add3A_267 = vector.broadcast %add3A_266 : i32 to vector<16xi32>
          %add3A_268 = arith.addi %get3A_255, %add3A_267 : vector<16xi32>
          tpu.vector_store_idx %arg21[%add3A_268], %get3A_263 {add = true} : memref<24576xf32, #tpu.memory_space<vmem>>[vector<16xi32>], vector<16xf32>,
          %add3A_269 = arith.constant 8192 : i32
          %add3A_270 = vector.broadcast %add3A_269 : i32 to vector<16xi32>
          %add3A_271 = arith.addi %get3A_255, %add3A_270 : vector<16xi32>
          %mul3A_272 = arith.mulf %get3A_263, %get3A_257 : vector<16xf32>
          tpu.vector_store_idx %arg21[%add3A_271], %mul3A_272 {add = true} : memref<24576xf32, #tpu.memory_space<vmem>>[vector<16xi32>], vector<16xf32>,
          %add3A_273 = arith.constant 12288 : i32
          %add3A_274 = vector.broadcast %add3A_273 : i32 to vector<16xi32>
          %add3A_275 = arith.addi %get3A_255, %add3A_274 : vector<16xi32>
          %mul3A_276 = arith.mulf %get3A_263, %get3A_259 : vector<16xf32>
          tpu.vector_store_idx %arg21[%add3A_275], %mul3A_276 {add = true} : memref<24576xf32, #tpu.memory_space<vmem>>[vector<16xi32>], vector<16xf32>,
          %add3A_277 = arith.constant 16384 : i32
          %add3A_278 = vector.broadcast %add3A_277 : i32 to vector<16xi32>
          %add3A_279 = arith.addi %get3A_255, %add3A_278 : vector<16xi32>
          %mul3A_280 = arith.mulf %get3A_263, %get3A_261 : vector<16xf32>
          tpu.vector_store_idx %arg21[%add3A_279], %mul3A_280 {add = true} : memref<24576xf32, #tpu.memory_space<vmem>>[vector<16xi32>], vector<16xf32>,
          %add3A_281 = arith.constant 20480 : i32
          %add3A_282 = vector.broadcast %add3A_281 : i32 to vector<16xi32>
          %add3A_283 = arith.addi %get3A_255, %add3A_282 : vector<16xi32>
          %mul3A_284 = arith.mulf %get3A_263, %get3A_265 : vector<16xf32>
          tpu.vector_store_idx %arg21[%add3A_283], %mul3A_284 {add = true} : memref<24576xf32, #tpu.memory_space<vmem>>[vector<16xi32>], vector<16xf32>,
        }
        %scan3A_99 = arith.constant 50 : i32
      } else {
      }
      %not3A_66 = arith.constant true
      %not3A_67 = arith.xori %eq3A_50, %not3A_66 : i1
      %convert_element_type3A_68 = arith.extui %not3A_67 : i1 to i32
      %cond3A_69 = arith.constant 0 : i32
      %cond3A_70 = arith.cmpi ne, %convert_element_type3A_68, %cond3A_69 : i32
      scf.if %cond3A_70 {
        %dma_wait3A = arith.constant 0 : i32
        %dma_wait3A_71 = tpu.memref_slice %arg2[%dma_wait3A] : memref<1000000xi32, #tpu.memory_space<hbm>> -> memref<4000xi32, #tpu.memory_space<hbm>>
        %dma_wait3A_72 = arith.constant 0 : i32
        %dma_wait3A_73 = tpu.memref_slice %arg2[%dma_wait3A_72] : memref<1000000xi32, #tpu.memory_space<hbm>> -> memref<4000xi32, #tpu.memory_space<hbm>>
        tpu.wait_dma2 semaphore(%arg23 : memref<!tpu.dma_semaphore, #tpu.memory_space<semaphore_mem>>) src(%dma_wait3A_73 : memref<4000xi32, #tpu.memory_space<hbm>>) dst(%arg15 : memref<4000xi32, #tpu.memory_space<vmem>>)
        %dma_wait3A_74 = arith.constant 0 : i32
        %dma_wait3A_75 = tpu.memref_slice %arg3[%dma_wait3A_74] : memref<1000000xf32, #tpu.memory_space<hbm>> -> memref<4000xf32, #tpu.memory_space<hbm>>
        %dma_wait3A_76 = arith.constant 0 : i32
        %dma_wait3A_77 = tpu.memref_slice %arg3[%dma_wait3A_76] : memref<1000000xf32, #tpu.memory_space<hbm>> -> memref<4000xf32, #tpu.memory_space<hbm>>
        tpu.wait_dma2 semaphore(%arg23 : memref<!tpu.dma_semaphore, #tpu.memory_space<semaphore_mem>>) src(%dma_wait3A_77 : memref<4000xf32, #tpu.memory_space<hbm>>) dst(%arg16 : memref<4000xf32, #tpu.memory_space<vmem>>)
        %dma_wait3A_78 = arith.constant 0 : i32
        %dma_wait3A_79 = tpu.memref_slice %arg4[%dma_wait3A_78] : memref<1000000xf32, #tpu.memory_space<hbm>> -> memref<4000xf32, #tpu.memory_space<hbm>>
        %dma_wait3A_80 = arith.constant 0 : i32
        %dma_wait3A_81 = tpu.memref_slice %arg4[%dma_wait3A_80] : memref<1000000xf32, #tpu.memory_space<hbm>> -> memref<4000xf32, #tpu.memory_space<hbm>>
        tpu.wait_dma2 semaphore(%arg23 : memref<!tpu.dma_semaphore, #tpu.memory_space<semaphore_mem>>) src(%dma_wait3A_81 : memref<4000xf32, #tpu.memory_space<hbm>>) dst(%arg17 : memref<4000xf32, #tpu.memory_space<vmem>>)
        %dma_wait3A_82 = arith.constant 0 : i32
        %dma_wait3A_83 = tpu.memref_slice %arg5[%dma_wait3A_82] : memref<1000000xf32, #tpu.memory_space<hbm>> -> memref<4000xf32, #tpu.memory_space<hbm>>
        %dma_wait3A_84 = arith.constant 0 : i32
        %dma_wait3A_85 = tpu.memref_slice %arg5[%dma_wait3A_84] : memref<1000000xf32, #tpu.memory_space<hbm>> -> memref<4000xf32, #tpu.memory_space<hbm>>
        tpu.wait_dma2 semaphore(%arg23 : memref<!tpu.dma_semaphore, #tpu.memory_space<semaphore_mem>>) src(%dma_wait3A_85 : memref<4000xf32, #tpu.memory_space<hbm>>) dst(%arg18 : memref<4000xf32, #tpu.memory_space<vmem>>)
        %dma_wait3A_86 = arith.constant 0 : i32
        %dma_wait3A_87 = tpu.memref_slice %arg6[%dma_wait3A_86] : memref<1000000xf32, #tpu.memory_space<hbm>> -> memref<4000xf32, #tpu.memory_space<hbm>>
        %dma_wait3A_88 = arith.constant 0 : i32
        %dma_wait3A_89 = tpu.memref_slice %arg6[%dma_wait3A_88] : memref<1000000xf32, #tpu.memory_space<hbm>> -> memref<4000xf32, #tpu.memory_space<hbm>>
        tpu.wait_dma2 semaphore(%arg23 : memref<!tpu.dma_semaphore, #tpu.memory_space<semaphore_mem>>) src(%dma_wait3A_89 : memref<4000xf32, #tpu.memory_space<hbm>>) dst(%arg19 : memref<4000xf32, #tpu.memory_space<vmem>>)
        %dma_wait3A_90 = arith.constant 0 : i32
        %dma_wait3A_91 = tpu.memref_slice %arg7[%dma_wait3A_90] : memref<1000000xf32, #tpu.memory_space<hbm>> -> memref<4000xf32, #tpu.memory_space<hbm>>
        %dma_wait3A_92 = arith.constant 0 : i32
        %dma_wait3A_93 = tpu.memref_slice %arg7[%dma_wait3A_92] : memref<1000000xf32, #tpu.memory_space<hbm>> -> memref<4000xf32, #tpu.memory_space<hbm>>
        tpu.wait_dma2 semaphore(%arg23 : memref<!tpu.dma_semaphore, #tpu.memory_space<semaphore_mem>>) src(%dma_wait3A_93 : memref<4000xf32, #tpu.memory_space<hbm>>) dst(%arg20 : memref<4000xf32, #tpu.memory_space<vmem>>)
        %scan3A_94 = arith.constant 0 : i32
        %scan3A_95 = arith.constant 0 : i32
        %scan3A_96 = arith.constant 50 : i32
        %scan3A_97 = arith.addi %scan3A_95, %scan3A_96 : i32
        %scan3A_98 = arith.constant 1 : i32
        scf.for %scan3A_100 = %scan3A_95 to %scan3A_97 step %scan3A_98  : i32 {
          %mul3A_101 = arith.constant 5 : i32
          %mul3A_102 = arith.muli %scan3A_100, %mul3A_101 : i32
          %add3A_103 = arith.constant 0 : i32
          %add3A_104 = arith.addi %mul3A_102, %add3A_103 : i32
          %mul3A_105 = arith.constant 16 : i32
          %mul3A_106 = arith.muli %add3A_104, %mul3A_105 : i32
          %get3A = arith.index_cast %mul3A_106 : i32 to index
          %get3A_107 = tpu.vector_load %arg15[%get3A] {strides = array<i32>} : memref<4000xi32, #tpu.memory_space<vmem>>, vector<16xi32>,
          %get3A_108 = arith.index_cast %mul3A_106 : i32 to index
          %get3A_109 = tpu.vector_load %arg16[%get3A_108] {strides = array<i32>} : memref<4000xf32, #tpu.memory_space<vmem>>, vector<16xf32>,
          %get3A_110 = arith.index_cast %mul3A_106 : i32 to index
          %get3A_111 = tpu.vector_load %arg17[%get3A_110] {strides = array<i32>} : memref<4000xf32, #tpu.memory_space<vmem>>, vector<16xf32>,
          %get3A_112 = arith.index_cast %mul3A_106 : i32 to index
          %get3A_113 = tpu.vector_load %arg18[%get3A_112] {strides = array<i32>} : memref<4000xf32, #tpu.memory_space<vmem>>, vector<16xf32>,
          %get3A_114 = arith.index_cast %mul3A_106 : i32 to index
          %get3A_115 = tpu.vector_load %arg19[%get3A_114] {strides = array<i32>} : memref<4000xf32, #tpu.memory_space<vmem>>, vector<16xf32>,
          %get3A_116 = arith.index_cast %mul3A_106 : i32 to index
          %get3A_117 = tpu.vector_load %arg20[%get3A_116] {strides = array<i32>} : memref<4000xf32, #tpu.memory_space<vmem>>, vector<16xf32>,
          tpu.vector_store_idx %arg21[%get3A_107], %broadcast_in_dim3A_3 {add = true} : memref<24576xf32, #tpu.memory_space<vmem>>[vector<16xi32>], vector<16xf32>,
          %add3A_118 = arith.constant 4096 : i32
          %add3A_119 = vector.broadcast %add3A_118 : i32 to vector<16xi32>
          %add3A_120 = arith.addi %get3A_107, %add3A_119 : vector<16xi32>
          tpu.vector_store_idx %arg21[%add3A_120], %get3A_115 {add = true} : memref<24576xf32, #tpu.memory_space<vmem>>[vector<16xi32>], vector<16xf32>,
          %add3A_121 = arith.constant 8192 : i32
          %add3A_122 = vector.broadcast %add3A_121 : i32 to vector<16xi32>
          %add3A_123 = arith.addi %get3A_107, %add3A_122 : vector<16xi32>
          %mul3A_124 = arith.mulf %get3A_115, %get3A_109 : vector<16xf32>
          tpu.vector_store_idx %arg21[%add3A_123], %mul3A_124 {add = true} : memref<24576xf32, #tpu.memory_space<vmem>>[vector<16xi32>], vector<16xf32>,
          %add3A_125 = arith.constant 12288 : i32
          %add3A_126 = vector.broadcast %add3A_125 : i32 to vector<16xi32>
          %add3A_127 = arith.addi %get3A_107, %add3A_126 : vector<16xi32>
          %mul3A_128 = arith.mulf %get3A_115, %get3A_111 : vector<16xf32>
          tpu.vector_store_idx %arg21[%add3A_127], %mul3A_128 {add = true} : memref<24576xf32, #tpu.memory_space<vmem>>[vector<16xi32>], vector<16xf32>,
          %add3A_129 = arith.constant 16384 : i32
          %add3A_130 = vector.broadcast %add3A_129 : i32 to vector<16xi32>
          %add3A_131 = arith.addi %get3A_107, %add3A_130 : vector<16xi32>
          %mul3A_132 = arith.mulf %get3A_115, %get3A_113 : vector<16xf32>
          tpu.vector_store_idx %arg21[%add3A_131], %mul3A_132 {add = true} : memref<24576xf32, #tpu.memory_space<vmem>>[vector<16xi32>], vector<16xf32>,
          %add3A_133 = arith.constant 20480 : i32
          %add3A_134 = vector.broadcast %add3A_133 : i32 to vector<16xi32>
          %add3A_135 = arith.addi %get3A_107, %add3A_134 : vector<16xi32>
          %mul3A_136 = arith.mulf %get3A_115, %get3A_117 : vector<16xf32>
          tpu.vector_store_idx %arg21[%add3A_135], %mul3A_136 {add = true} : memref<24576xf32, #tpu.memory_space<vmem>>[vector<16xi32>], vector<16xf32>,
          %mul3A_137 = arith.constant 5 : i32
          %mul3A_138 = arith.muli %scan3A_100, %mul3A_137 : i32
          %add3A_139 = arith.constant 1 : i32
          %add3A_140 = arith.addi %mul3A_138, %add3A_139 : i32
          %mul3A_141 = arith.constant 16 : i32
          %mul3A_142 = arith.muli %add3A_140, %mul3A_141 : i32
          %get3A_143 = arith.index_cast %mul3A_142 : i32 to index
          %get3A_144 = tpu.vector_load %arg15[%get3A_143] {strides = array<i32>} : memref<4000xi32, #tpu.memory_space<vmem>>, vector<16xi32>,
          %get3A_145 = arith.index_cast %mul3A_142 : i32 to index
          %get3A_146 = tpu.vector_load %arg16[%get3A_145] {strides = array<i32>} : memref<4000xf32, #tpu.memory_space<vmem>>, vector<16xf32>,
          %get3A_147 = arith.index_cast %mul3A_142 : i32 to index
          %get3A_148 = tpu.vector_load %arg17[%get3A_147] {strides = array<i32>} : memref<4000xf32, #tpu.memory_space<vmem>>, vector<16xf32>,
          %get3A_149 = arith.index_cast %mul3A_142 : i32 to index
          %get3A_150 = tpu.vector_load %arg18[%get3A_149] {strides = array<i32>} : memref<4000xf32, #tpu.memory_space<vmem>>, vector<16xf32>,
          %get3A_151 = arith.index_cast %mul3A_142 : i32 to index
          %get3A_152 = tpu.vector_load %arg19[%get3A_151] {strides = array<i32>} : memref<4000xf32, #tpu.memory_space<vmem>>, vector<16xf32>,
          %get3A_153 = arith.index_cast %mul3A_142 : i32 to index
          %get3A_154 = tpu.vector_load %arg20[%get3A_153] {strides = array<i32>} : memref<4000xf32, #tpu.memory_space<vmem>>, vector<16xf32>,
          tpu.vector_store_idx %arg21[%get3A_144], %broadcast_in_dim3A_3 {add = true} : memref<24576xf32, #tpu.memory_space<vmem>>[vector<16xi32>], vector<16xf32>,
          %add3A_155 = arith.constant 4096 : i32
          %add3A_156 = vector.broadcast %add3A_155 : i32 to vector<16xi32>
          %add3A_157 = arith.addi %get3A_144, %add3A_156 : vector<16xi32>
          tpu.vector_store_idx %arg21[%add3A_157], %get3A_152 {add = true} : memref<24576xf32, #tpu.memory_space<vmem>>[vector<16xi32>], vector<16xf32>,
          %add3A_158 = arith.constant 8192 : i32
          %add3A_159 = vector.broadcast %add3A_158 : i32 to vector<16xi32>
          %add3A_160 = arith.addi %get3A_144, %add3A_159 : vector<16xi32>
          %mul3A_161 = arith.mulf %get3A_152, %get3A_146 : vector<16xf32>
          tpu.vector_store_idx %arg21[%add3A_160], %mul3A_161 {add = true} : memref<24576xf32, #tpu.memory_space<vmem>>[vector<16xi32>], vector<16xf32>,
          %add3A_162 = arith.constant 12288 : i32
          %add3A_163 = vector.broadcast %add3A_162 : i32 to vector<16xi32>
          %add3A_164 = arith.addi %get3A_144, %add3A_163 : vector<16xi32>
          %mul3A_165 = arith.mulf %get3A_152, %get3A_148 : vector<16xf32>
          tpu.vector_store_idx %arg21[%add3A_164], %mul3A_165 {add = true} : memref<24576xf32, #tpu.memory_space<vmem>>[vector<16xi32>], vector<16xf32>,
          %add3A_166 = arith.constant 16384 : i32
          %add3A_167 = vector.broadcast %add3A_166 : i32 to vector<16xi32>
          %add3A_168 = arith.addi %get3A_144, %add3A_167 : vector<16xi32>
          %mul3A_169 = arith.mulf %get3A_152, %get3A_150 : vector<16xf32>
          tpu.vector_store_idx %arg21[%add3A_168], %mul3A_169 {add = true} : memref<24576xf32, #tpu.memory_space<vmem>>[vector<16xi32>], vector<16xf32>,
          %add3A_170 = arith.constant 20480 : i32
          %add3A_171 = vector.broadcast %add3A_170 : i32 to vector<16xi32>
          %add3A_172 = arith.addi %get3A_144, %add3A_171 : vector<16xi32>
          %mul3A_173 = arith.mulf %get3A_152, %get3A_154 : vector<16xf32>
          tpu.vector_store_idx %arg21[%add3A_172], %mul3A_173 {add = true} : memref<24576xf32, #tpu.memory_space<vmem>>[vector<16xi32>], vector<16xf32>,
          %mul3A_174 = arith.constant 5 : i32
          %mul3A_175 = arith.muli %scan3A_100, %mul3A_174 : i32
          %add3A_176 = arith.constant 2 : i32
          %add3A_177 = arith.addi %mul3A_175, %add3A_176 : i32
          %mul3A_178 = arith.constant 16 : i32
          %mul3A_179 = arith.muli %add3A_177, %mul3A_178 : i32
          %get3A_180 = arith.index_cast %mul3A_179 : i32 to index
          %get3A_181 = tpu.vector_load %arg15[%get3A_180] {strides = array<i32>} : memref<4000xi32, #tpu.memory_space<vmem>>, vector<16xi32>,
          %get3A_182 = arith.index_cast %mul3A_179 : i32 to index
          %get3A_183 = tpu.vector_load %arg16[%get3A_182] {strides = array<i32>} : memref<4000xf32, #tpu.memory_space<vmem>>, vector<16xf32>,
          %get3A_184 = arith.index_cast %mul3A_179 : i32 to index
          %get3A_185 = tpu.vector_load %arg17[%get3A_184] {strides = array<i32>} : memref<4000xf32, #tpu.memory_space<vmem>>, vector<16xf32>,
          %get3A_186 = arith.index_cast %mul3A_179 : i32 to index
          %get3A_187 = tpu.vector_load %arg18[%get3A_186] {strides = array<i32>} : memref<4000xf32, #tpu.memory_space<vmem>>, vector<16xf32>,
          %get3A_188 = arith.index_cast %mul3A_179 : i32 to index
          %get3A_189 = tpu.vector_load %arg19[%get3A_188] {strides = array<i32>} : memref<4000xf32, #tpu.memory_space<vmem>>, vector<16xf32>,
          %get3A_190 = arith.index_cast %mul3A_179 : i32 to index
          %get3A_191 = tpu.vector_load %arg20[%get3A_190] {strides = array<i32>} : memref<4000xf32, #tpu.memory_space<vmem>>, vector<16xf32>,
          tpu.vector_store_idx %arg21[%get3A_181], %broadcast_in_dim3A_3 {add = true} : memref<24576xf32, #tpu.memory_space<vmem>>[vector<16xi32>], vector<16xf32>,
          %add3A_192 = arith.constant 4096 : i32
          %add3A_193 = vector.broadcast %add3A_192 : i32 to vector<16xi32>
          %add3A_194 = arith.addi %get3A_181, %add3A_193 : vector<16xi32>
          tpu.vector_store_idx %arg21[%add3A_194], %get3A_189 {add = true} : memref<24576xf32, #tpu.memory_space<vmem>>[vector<16xi32>], vector<16xf32>,
          %add3A_195 = arith.constant 8192 : i32
          %add3A_196 = vector.broadcast %add3A_195 : i32 to vector<16xi32>
          %add3A_197 = arith.addi %get3A_181, %add3A_196 : vector<16xi32>
          %mul3A_198 = arith.mulf %get3A_189, %get3A_183 : vector<16xf32>
          tpu.vector_store_idx %arg21[%add3A_197], %mul3A_198 {add = true} : memref<24576xf32, #tpu.memory_space<vmem>>[vector<16xi32>], vector<16xf32>,
          %add3A_199 = arith.constant 12288 : i32
          %add3A_200 = vector.broadcast %add3A_199 : i32 to vector<16xi32>
          %add3A_201 = arith.addi %get3A_181, %add3A_200 : vector<16xi32>
          %mul3A_202 = arith.mulf %get3A_189, %get3A_185 : vector<16xf32>
          tpu.vector_store_idx %arg21[%add3A_201], %mul3A_202 {add = true} : memref<24576xf32, #tpu.memory_space<vmem>>[vector<16xi32>], vector<16xf32>,
          %add3A_203 = arith.constant 16384 : i32
          %add3A_204 = vector.broadcast %add3A_203 : i32 to vector<16xi32>
          %add3A_205 = arith.addi %get3A_181, %add3A_204 : vector<16xi32>
          %mul3A_206 = arith.mulf %get3A_189, %get3A_187 : vector<16xf32>
          tpu.vector_store_idx %arg21[%add3A_205], %mul3A_206 {add = true} : memref<24576xf32, #tpu.memory_space<vmem>>[vector<16xi32>], vector<16xf32>,
          %add3A_207 = arith.constant 20480 : i32
          %add3A_208 = vector.broadcast %add3A_207 : i32 to vector<16xi32>
          %add3A_209 = arith.addi %get3A_181, %add3A_208 : vector<16xi32>
          %mul3A_210 = arith.mulf %get3A_189, %get3A_191 : vector<16xf32>
          tpu.vector_store_idx %arg21[%add3A_209], %mul3A_210 {add = true} : memref<24576xf32, #tpu.memory_space<vmem>>[vector<16xi32>], vector<16xf32>,
          %mul3A_211 = arith.constant 5 : i32
          %mul3A_212 = arith.muli %scan3A_100, %mul3A_211 : i32
          %add3A_213 = arith.constant 3 : i32
          %add3A_214 = arith.addi %mul3A_212, %add3A_213 : i32
          %mul3A_215 = arith.constant 16 : i32
          %mul3A_216 = arith.muli %add3A_214, %mul3A_215 : i32
          %get3A_217 = arith.index_cast %mul3A_216 : i32 to index
          %get3A_218 = tpu.vector_load %arg15[%get3A_217] {strides = array<i32>} : memref<4000xi32, #tpu.memory_space<vmem>>, vector<16xi32>,
          %get3A_219 = arith.index_cast %mul3A_216 : i32 to index
          %get3A_220 = tpu.vector_load %arg16[%get3A_219] {strides = array<i32>} : memref<4000xf32, #tpu.memory_space<vmem>>, vector<16xf32>,
          %get3A_221 = arith.index_cast %mul3A_216 : i32 to index
          %get3A_222 = tpu.vector_load %arg17[%get3A_221] {strides = array<i32>} : memref<4000xf32, #tpu.memory_space<vmem>>, vector<16xf32>,
          %get3A_223 = arith.index_cast %mul3A_216 : i32 to index
          %get3A_224 = tpu.vector_load %arg18[%get3A_223] {strides = array<i32>} : memref<4000xf32, #tpu.memory_space<vmem>>, vector<16xf32>,
          %get3A_225 = arith.index_cast %mul3A_216 : i32 to index
          %get3A_226 = tpu.vector_load %arg19[%get3A_225] {strides = array<i32>} : memref<4000xf32, #tpu.memory_space<vmem>>, vector<16xf32>,
          %get3A_227 = arith.index_cast %mul3A_216 : i32 to index
          %get3A_228 = tpu.vector_load %arg20[%get3A_227] {strides = array<i32>} : memref<4000xf32, #tpu.memory_space<vmem>>, vector<16xf32>,
          tpu.vector_store_idx %arg21[%get3A_218], %broadcast_in_dim3A_3 {add = true} : memref<24576xf32, #tpu.memory_space<vmem>>[vector<16xi32>], vector<16xf32>,
          %add3A_229 = arith.constant 4096 : i32
          %add3A_230 = vector.broadcast %add3A_229 : i32 to vector<16xi32>
          %add3A_231 = arith.addi %get3A_218, %add3A_230 : vector<16xi32>
          tpu.vector_store_idx %arg21[%add3A_231], %get3A_226 {add = true} : memref<24576xf32, #tpu.memory_space<vmem>>[vector<16xi32>], vector<16xf32>,
          %add3A_232 = arith.constant 8192 : i32
          %add3A_233 = vector.broadcast %add3A_232 : i32 to vector<16xi32>
          %add3A_234 = arith.addi %get3A_218, %add3A_233 : vector<16xi32>
          %mul3A_235 = arith.mulf %get3A_226, %get3A_220 : vector<16xf32>
          tpu.vector_store_idx %arg21[%add3A_234], %mul3A_235 {add = true} : memref<24576xf32, #tpu.memory_space<vmem>>[vector<16xi32>], vector<16xf32>,
          %add3A_236 = arith.constant 12288 : i32
          %add3A_237 = vector.broadcast %add3A_236 : i32 to vector<16xi32>
          %add3A_238 = arith.addi %get3A_218, %add3A_237 : vector<16xi32>
          %mul3A_239 = arith.mulf %get3A_226, %get3A_222 : vector<16xf32>
          tpu.vector_store_idx %arg21[%add3A_238], %mul3A_239 {add = true} : memref<24576xf32, #tpu.memory_space<vmem>>[vector<16xi32>], vector<16xf32>,
          %add3A_240 = arith.constant 16384 : i32
          %add3A_241 = vector.broadcast %add3A_240 : i32 to vector<16xi32>
          %add3A_242 = arith.addi %get3A_218, %add3A_241 : vector<16xi32>
          %mul3A_243 = arith.mulf %get3A_226, %get3A_224 : vector<16xf32>
          tpu.vector_store_idx %arg21[%add3A_242], %mul3A_243 {add = true} : memref<24576xf32, #tpu.memory_space<vmem>>[vector<16xi32>], vector<16xf32>,
          %add3A_244 = arith.constant 20480 : i32
          %add3A_245 = vector.broadcast %add3A_244 : i32 to vector<16xi32>
          %add3A_246 = arith.addi %get3A_218, %add3A_245 : vector<16xi32>
          %mul3A_247 = arith.mulf %get3A_226, %get3A_228 : vector<16xf32>
          tpu.vector_store_idx %arg21[%add3A_246], %mul3A_247 {add = true} : memref<24576xf32, #tpu.memory_space<vmem>>[vector<16xi32>], vector<16xf32>,
          %mul3A_248 = arith.constant 5 : i32
          %mul3A_249 = arith.muli %scan3A_100, %mul3A_248 : i32
          %add3A_250 = arith.constant 4 : i32
          %add3A_251 = arith.addi %mul3A_249, %add3A_250 : i32
          %mul3A_252 = arith.constant 16 : i32
          %mul3A_253 = arith.muli %add3A_251, %mul3A_252 : i32
          %get3A_254 = arith.index_cast %mul3A_253 : i32 to index
          %get3A_255 = tpu.vector_load %arg15[%get3A_254] {strides = array<i32>} : memref<4000xi32, #tpu.memory_space<vmem>>, vector<16xi32>,
          %get3A_256 = arith.index_cast %mul3A_253 : i32 to index
          %get3A_257 = tpu.vector_load %arg16[%get3A_256] {strides = array<i32>} : memref<4000xf32, #tpu.memory_space<vmem>>, vector<16xf32>,
          %get3A_258 = arith.index_cast %mul3A_253 : i32 to index
          %get3A_259 = tpu.vector_load %arg17[%get3A_258] {strides = array<i32>} : memref<4000xf32, #tpu.memory_space<vmem>>, vector<16xf32>,
          %get3A_260 = arith.index_cast %mul3A_253 : i32 to index
          %get3A_261 = tpu.vector_load %arg18[%get3A_260] {strides = array<i32>} : memref<4000xf32, #tpu.memory_space<vmem>>, vector<16xf32>,
          %get3A_262 = arith.index_cast %mul3A_253 : i32 to index
          %get3A_263 = tpu.vector_load %arg19[%get3A_262] {strides = array<i32>} : memref<4000xf32, #tpu.memory_space<vmem>>, vector<16xf32>,
          %get3A_264 = arith.index_cast %mul3A_253 : i32 to index
          %get3A_265 = tpu.vector_load %arg20[%get3A_264] {strides = array<i32>} : memref<4000xf32, #tpu.memory_space<vmem>>, vector<16xf32>,
          tpu.vector_store_idx %arg21[%get3A_255], %broadcast_in_dim3A_3 {add = true} : memref<24576xf32, #tpu.memory_space<vmem>>[vector<16xi32>], vector<16xf32>,
          %add3A_266 = arith.constant 4096 : i32
          %add3A_267 = vector.broadcast %add3A_266 : i32 to vector<16xi32>
          %add3A_268 = arith.addi %get3A_255, %add3A_267 : vector<16xi32>
          tpu.vector_store_idx %arg21[%add3A_268], %get3A_263 {add = true} : memref<24576xf32, #tpu.memory_space<vmem>>[vector<16xi32>], vector<16xf32>,
          %add3A_269 = arith.constant 8192 : i32
          %add3A_270 = vector.broadcast %add3A_269 : i32 to vector<16xi32>
          %add3A_271 = arith.addi %get3A_255, %add3A_270 : vector<16xi32>
          %mul3A_272 = arith.mulf %get3A_263, %get3A_257 : vector<16xf32>
          tpu.vector_store_idx %arg21[%add3A_271], %mul3A_272 {add = true} : memref<24576xf32, #tpu.memory_space<vmem>>[vector<16xi32>], vector<16xf32>,
          %add3A_273 = arith.constant 12288 : i32
          %add3A_274 = vector.broadcast %add3A_273 : i32 to vector<16xi32>
          %add3A_275 = arith.addi %get3A_255, %add3A_274 : vector<16xi32>
          %mul3A_276 = arith.mulf %get3A_263, %get3A_259 : vector<16xf32>
          tpu.vector_store_idx %arg21[%add3A_275], %mul3A_276 {add = true} : memref<24576xf32, #tpu.memory_space<vmem>>[vector<16xi32>], vector<16xf32>,
          %add3A_277 = arith.constant 16384 : i32
          %add3A_278 = vector.broadcast %add3A_277 : i32 to vector<16xi32>
          %add3A_279 = arith.addi %get3A_255, %add3A_278 : vector<16xi32>
          %mul3A_280 = arith.mulf %get3A_263, %get3A_261 : vector<16xf32>
          tpu.vector_store_idx %arg21[%add3A_279], %mul3A_280 {add = true} : memref<24576xf32, #tpu.memory_space<vmem>>[vector<16xi32>], vector<16xf32>,
          %add3A_281 = arith.constant 20480 : i32
          %add3A_282 = vector.broadcast %add3A_281 : i32 to vector<16xi32>
          %add3A_283 = arith.addi %get3A_255, %add3A_282 : vector<16xi32>
          %mul3A_284 = arith.mulf %get3A_263, %get3A_265 : vector<16xf32>
          tpu.vector_store_idx %arg21[%add3A_283], %mul3A_284 {add = true} : memref<24576xf32, #tpu.memory_space<vmem>>[vector<16xi32>], vector<16xf32>,
        }
        %scan3A_99 = arith.constant 50 : i32
      } else {
      }
    }
    %while3A_41 = arith.constant 1 : i32
    scf.for %while3A_47 = %while3A_39 to %while3A_35 step %while3A_41  : i32 {
      %rem3A_48 = arith.constant 2 : i32
      %rem3A_49 = arith.remsi %while3A_47, %rem3A_48 : i32
      %eq3A = arith.constant 0 : i32
      %eq3A_50 = arith.cmpi eq, %rem3A_49, %eq3A : i32
      %add3A_51 = arith.constant 1 : i32
      %add3A_52 = arith.addi %while3A_47, %add3A_51 : i32
      %lt3A = arith.cmpi slt, %add3A_52, %select_n3A : i32
      %and3A_53 = arith.andi %lt3A, %eq3A_50 : i1
      %convert_element_type3A_54 = arith.extui %and3A_53 : i1 to i32
      %cond3A_55 = arith.constant 0 : i32
      %cond3A_56 = arith.cmpi ne, %convert_element_type3A_54, %cond3A_55 : i32
      scf.if %cond3A_56 {
        %mul3A_71 = arith.constant 32 : i32
        %mul3A_72 = arith.muli %add3A_52, %mul3A_71 : i32
        %add3A_73 = arith.addi %add3A, %mul3A_72 : i32
        %mul3A_74 = arith.constant 4000 : i32
        %mul3A_75 = arith.muli %add3A_73, %mul3A_74 : i32
        %dma_start3A = tpu.memref_slice %arg2[%mul3A_75] : memref<1000000xi32, #tpu.memory_space<hbm>> -> memref<4000xi32, #tpu.memory_space<hbm>>
        %dma_start3A_76 = tpu.memref_slice %arg2[%mul3A_75] : memref<1000000xi32, #tpu.memory_space<hbm>> -> memref<4000xi32, #tpu.memory_space<hbm>>
        tpu.enqueue_dma source(%dma_start3A_76 : memref<4000xi32, #tpu.memory_space<hbm>>) target(%arg15 : memref<4000xi32, #tpu.memory_space<vmem>>) target_semaphore(%arg23 : memref<!tpu.dma_semaphore, #tpu.memory_space<semaphore_mem>>)
        %dma_start3A_77 = tpu.memref_slice %arg3[%mul3A_75] : memref<1000000xf32, #tpu.memory_space<hbm>> -> memref<4000xf32, #tpu.memory_space<hbm>>
        %dma_start3A_78 = tpu.memref_slice %arg3[%mul3A_75] : memref<1000000xf32, #tpu.memory_space<hbm>> -> memref<4000xf32, #tpu.memory_space<hbm>>
        tpu.enqueue_dma source(%dma_start3A_78 : memref<4000xf32, #tpu.memory_space<hbm>>) target(%arg16 : memref<4000xf32, #tpu.memory_space<vmem>>) target_semaphore(%arg23 : memref<!tpu.dma_semaphore, #tpu.memory_space<semaphore_mem>>)
        %dma_start3A_79 = tpu.memref_slice %arg4[%mul3A_75] : memref<1000000xf32, #tpu.memory_space<hbm>> -> memref<4000xf32, #tpu.memory_space<hbm>>
        %dma_start3A_80 = tpu.memref_slice %arg4[%mul3A_75] : memref<1000000xf32, #tpu.memory_space<hbm>> -> memref<4000xf32, #tpu.memory_space<hbm>>
        tpu.enqueue_dma source(%dma_start3A_80 : memref<4000xf32, #tpu.memory_space<hbm>>) target(%arg17 : memref<4000xf32, #tpu.memory_space<vmem>>) target_semaphore(%arg23 : memref<!tpu.dma_semaphore, #tpu.memory_space<semaphore_mem>>)
        %dma_start3A_81 = tpu.memref_slice %arg5[%mul3A_75] : memref<1000000xf32, #tpu.memory_space<hbm>> -> memref<4000xf32, #tpu.memory_space<hbm>>
        %dma_start3A_82 = tpu.memref_slice %arg5[%mul3A_75] : memref<1000000xf32, #tpu.memory_space<hbm>> -> memref<4000xf32, #tpu.memory_space<hbm>>
        tpu.enqueue_dma source(%dma_start3A_82 : memref<4000xf32, #tpu.memory_space<hbm>>) target(%arg18 : memref<4000xf32, #tpu.memory_space<vmem>>) target_semaphore(%arg23 : memref<!tpu.dma_semaphore, #tpu.memory_space<semaphore_mem>>)
        %dma_start3A_83 = tpu.memref_slice %arg6[%mul3A_75] : memref<1000000xf32, #tpu.memory_space<hbm>> -> memref<4000xf32, #tpu.memory_space<hbm>>
        %dma_start3A_84 = tpu.memref_slice %arg6[%mul3A_75] : memref<1000000xf32, #tpu.memory_space<hbm>> -> memref<4000xf32, #tpu.memory_space<hbm>>
        tpu.enqueue_dma source(%dma_start3A_84 : memref<4000xf32, #tpu.memory_space<hbm>>) target(%arg19 : memref<4000xf32, #tpu.memory_space<vmem>>) target_semaphore(%arg23 : memref<!tpu.dma_semaphore, #tpu.memory_space<semaphore_mem>>)
        %dma_start3A_85 = tpu.memref_slice %arg7[%mul3A_75] : memref<1000000xf32, #tpu.memory_space<hbm>> -> memref<4000xf32, #tpu.memory_space<hbm>>
        %dma_start3A_86 = tpu.memref_slice %arg7[%mul3A_75] : memref<1000000xf32, #tpu.memory_space<hbm>> -> memref<4000xf32, #tpu.memory_space<hbm>>
        tpu.enqueue_dma source(%dma_start3A_86 : memref<4000xf32, #tpu.memory_space<hbm>>) target(%arg20 : memref<4000xf32, #tpu.memory_space<vmem>>) target_semaphore(%arg23 : memref<!tpu.dma_semaphore, #tpu.memory_space<semaphore_mem>>)
      } else {
      }
      %lt3A_57 = arith.cmpi slt, %add3A_52, %select_n3A : i32
      %not3A = arith.constant true
      %not3A_58 = arith.xori %eq3A_50, %not3A : i1
      %and3A_59 = arith.andi %lt3A_57, %not3A_58 : i1
      %convert_element_type3A_60 = arith.extui %and3A_59 : i1 to i32
      %cond3A_61 = arith.constant 0 : i32
      %cond3A_62 = arith.cmpi ne, %convert_element_type3A_60, %cond3A_61 : i32
      scf.if %cond3A_62 {
        %mul3A_71 = arith.constant 32 : i32
        %mul3A_72 = arith.muli %add3A_52, %mul3A_71 : i32
        %add3A_73 = arith.addi %add3A, %mul3A_72 : i32
        %mul3A_74 = arith.constant 4000 : i32
        %mul3A_75 = arith.muli %add3A_73, %mul3A_74 : i32
        %dma_start3A = tpu.memref_slice %arg2[%mul3A_75] : memref<1000000xi32, #tpu.memory_space<hbm>> -> memref<4000xi32, #tpu.memory_space<hbm>>
        %dma_start3A_76 = tpu.memref_slice %arg2[%mul3A_75] : memref<1000000xi32, #tpu.memory_space<hbm>> -> memref<4000xi32, #tpu.memory_space<hbm>>
        tpu.enqueue_dma source(%dma_start3A_76 : memref<4000xi32, #tpu.memory_space<hbm>>) target(%arg9 : memref<4000xi32, #tpu.memory_space<vmem>>) target_semaphore(%arg22 : memref<!tpu.dma_semaphore, #tpu.memory_space<semaphore_mem>>)
        %dma_start3A_77 = tpu.memref_slice %arg3[%mul3A_75] : memref<1000000xf32, #tpu.memory_space<hbm>> -> memref<4000xf32, #tpu.memory_space<hbm>>
        %dma_start3A_78 = tpu.memref_slice %arg3[%mul3A_75] : memref<1000000xf32, #tpu.memory_space<hbm>> -> memref<4000xf32, #tpu.memory_space<hbm>>
        tpu.enqueue_dma source(%dma_start3A_78 : memref<4000xf32, #tpu.memory_space<hbm>>) target(%arg10 : memref<4000xf32, #tpu.memory_space<vmem>>) target_semaphore(%arg22 : memref<!tpu.dma_semaphore, #tpu.memory_space<semaphore_mem>>)
        %dma_start3A_79 = tpu.memref_slice %arg4[%mul3A_75] : memref<1000000xf32, #tpu.memory_space<hbm>> -> memref<4000xf32, #tpu.memory_space<hbm>>
        %dma_start3A_80 = tpu.memref_slice %arg4[%mul3A_75] : memref<1000000xf32, #tpu.memory_space<hbm>> -> memref<4000xf32, #tpu.memory_space<hbm>>
        tpu.enqueue_dma source(%dma_start3A_80 : memref<4000xf32, #tpu.memory_space<hbm>>) target(%arg11 : memref<4000xf32, #tpu.memory_space<vmem>>) target_semaphore(%arg22 : memref<!tpu.dma_semaphore, #tpu.memory_space<semaphore_mem>>)
        %dma_start3A_81 = tpu.memref_slice %arg5[%mul3A_75] : memref<1000000xf32, #tpu.memory_space<hbm>> -> memref<4000xf32, #tpu.memory_space<hbm>>
        %dma_start3A_82 = tpu.memref_slice %arg5[%mul3A_75] : memref<1000000xf32, #tpu.memory_space<hbm>> -> memref<4000xf32, #tpu.memory_space<hbm>>
        tpu.enqueue_dma source(%dma_start3A_82 : memref<4000xf32, #tpu.memory_space<hbm>>) target(%arg12 : memref<4000xf32, #tpu.memory_space<vmem>>) target_semaphore(%arg22 : memref<!tpu.dma_semaphore, #tpu.memory_space<semaphore_mem>>)
        %dma_start3A_83 = tpu.memref_slice %arg6[%mul3A_75] : memref<1000000xf32, #tpu.memory_space<hbm>> -> memref<4000xf32, #tpu.memory_space<hbm>>
        %dma_start3A_84 = tpu.memref_slice %arg6[%mul3A_75] : memref<1000000xf32, #tpu.memory_space<hbm>> -> memref<4000xf32, #tpu.memory_space<hbm>>
        tpu.enqueue_dma source(%dma_start3A_84 : memref<4000xf32, #tpu.memory_space<hbm>>) target(%arg13 : memref<4000xf32, #tpu.memory_space<vmem>>) target_semaphore(%arg22 : memref<!tpu.dma_semaphore, #tpu.memory_space<semaphore_mem>>)
        %dma_start3A_85 = tpu.memref_slice %arg7[%mul3A_75] : memref<1000000xf32, #tpu.memory_space<hbm>> -> memref<4000xf32, #tpu.memory_space<hbm>>
        %dma_start3A_86 = tpu.memref_slice %arg7[%mul3A_75] : memref<1000000xf32, #tpu.memory_space<hbm>> -> memref<4000xf32, #tpu.memory_space<hbm>>
        tpu.enqueue_dma source(%dma_start3A_86 : memref<4000xf32, #tpu.memory_space<hbm>>) target(%arg14 : memref<4000xf32, #tpu.memory_space<vmem>>) target_semaphore(%arg22 : memref<!tpu.dma_semaphore, #tpu.memory_space<semaphore_mem>>)
      } else {
      }
      %convert_element_type3A_63 = arith.extui %eq3A_50 : i1 to i32
      %cond3A_64 = arith.constant 0 : i32
      %cond3A_65 = arith.cmpi ne, %convert_element_type3A_63, %cond3A_64 : i32
      scf.if %cond3A_65 {
        %dma_wait3A = arith.constant 0 : i32
        %dma_wait3A_71 = tpu.memref_slice %arg2[%dma_wait3A] : memref<1000000xi32, #tpu.memory_space<hbm>> -> memref<4000xi32, #tpu.memory_space<hbm>>
        %dma_wait3A_72 = arith.constant 0 : i32
        %dma_wait3A_73 = tpu.memref_slice %arg2[%dma_wait3A_72] : memref<1000000xi32, #tpu.memory_space<hbm>> -> memref<4000xi32, #tpu.memory_space<hbm>>
        tpu.wait_dma2 semaphore(%arg22 : memref<!tpu.dma_semaphore, #tpu.memory_space<semaphore_mem>>) src(%dma_wait3A_73 : memref<4000xi32, #tpu.memory_space<hbm>>) dst(%arg9 : memref<4000xi32, #tpu.memory_space<vmem>>)
        %dma_wait3A_74 = arith.constant 0 : i32
        %dma_wait3A_75 = tpu.memref_slice %arg3[%dma_wait3A_74] : memref<1000000xf32, #tpu.memory_space<hbm>> -> memref<4000xf32, #tpu.memory_space<hbm>>
        %dma_wait3A_76 = arith.constant 0 : i32
        %dma_wait3A_77 = tpu.memref_slice %arg3[%dma_wait3A_76] : memref<1000000xf32, #tpu.memory_space<hbm>> -> memref<4000xf32, #tpu.memory_space<hbm>>
        tpu.wait_dma2 semaphore(%arg22 : memref<!tpu.dma_semaphore, #tpu.memory_space<semaphore_mem>>) src(%dma_wait3A_77 : memref<4000xf32, #tpu.memory_space<hbm>>) dst(%arg10 : memref<4000xf32, #tpu.memory_space<vmem>>)
        %dma_wait3A_78 = arith.constant 0 : i32
        %dma_wait3A_79 = tpu.memref_slice %arg4[%dma_wait3A_78] : memref<1000000xf32, #tpu.memory_space<hbm>> -> memref<4000xf32, #tpu.memory_space<hbm>>
        %dma_wait3A_80 = arith.constant 0 : i32
        %dma_wait3A_81 = tpu.memref_slice %arg4[%dma_wait3A_80] : memref<1000000xf32, #tpu.memory_space<hbm>> -> memref<4000xf32, #tpu.memory_space<hbm>>
        tpu.wait_dma2 semaphore(%arg22 : memref<!tpu.dma_semaphore, #tpu.memory_space<semaphore_mem>>) src(%dma_wait3A_81 : memref<4000xf32, #tpu.memory_space<hbm>>) dst(%arg11 : memref<4000xf32, #tpu.memory_space<vmem>>)
        %dma_wait3A_82 = arith.constant 0 : i32
        %dma_wait3A_83 = tpu.memref_slice %arg5[%dma_wait3A_82] : memref<1000000xf32, #tpu.memory_space<hbm>> -> memref<4000xf32, #tpu.memory_space<hbm>>
        %dma_wait3A_84 = arith.constant 0 : i32
        %dma_wait3A_85 = tpu.memref_slice %arg5[%dma_wait3A_84] : memref<1000000xf32, #tpu.memory_space<hbm>> -> memref<4000xf32, #tpu.memory_space<hbm>>
        tpu.wait_dma2 semaphore(%arg22 : memref<!tpu.dma_semaphore, #tpu.memory_space<semaphore_mem>>) src(%dma_wait3A_85 : memref<4000xf32, #tpu.memory_space<hbm>>) dst(%arg12 : memref<4000xf32, #tpu.memory_space<vmem>>)
        %dma_wait3A_86 = arith.constant 0 : i32
        %dma_wait3A_87 = tpu.memref_slice %arg6[%dma_wait3A_86] : memref<1000000xf32, #tpu.memory_space<hbm>> -> memref<4000xf32, #tpu.memory_space<hbm>>
        %dma_wait3A_88 = arith.constant 0 : i32
        %dma_wait3A_89 = tpu.memref_slice %arg6[%dma_wait3A_88] : memref<1000000xf32, #tpu.memory_space<hbm>> -> memref<4000xf32, #tpu.memory_space<hbm>>
        tpu.wait_dma2 semaphore(%arg22 : memref<!tpu.dma_semaphore, #tpu.memory_space<semaphore_mem>>) src(%dma_wait3A_89 : memref<4000xf32, #tpu.memory_space<hbm>>) dst(%arg13 : memref<4000xf32, #tpu.memory_space<vmem>>)
        %dma_wait3A_90 = arith.constant 0 : i32
        %dma_wait3A_91 = tpu.memref_slice %arg7[%dma_wait3A_90] : memref<1000000xf32, #tpu.memory_space<hbm>> -> memref<4000xf32, #tpu.memory_space<hbm>>
        %dma_wait3A_92 = arith.constant 0 : i32
        %dma_wait3A_93 = tpu.memref_slice %arg7[%dma_wait3A_92] : memref<1000000xf32, #tpu.memory_space<hbm>> -> memref<4000xf32, #tpu.memory_space<hbm>>
        tpu.wait_dma2 semaphore(%arg22 : memref<!tpu.dma_semaphore, #tpu.memory_space<semaphore_mem>>) src(%dma_wait3A_93 : memref<4000xf32, #tpu.memory_space<hbm>>) dst(%arg14 : memref<4000xf32, #tpu.memory_space<vmem>>)
        %scan3A_94 = arith.constant 0 : i32
        %scan3A_95 = arith.constant 0 : i32
        %scan3A_96 = arith.constant 50 : i32
        %scan3A_97 = arith.addi %scan3A_95, %scan3A_96 : i32
        %scan3A_98 = arith.constant 1 : i32
        scf.for %scan3A_100 = %scan3A_95 to %scan3A_97 step %scan3A_98  : i32 {
          %mul3A_101 = arith.constant 5 : i32
          %mul3A_102 = arith.muli %scan3A_100, %mul3A_101 : i32
          %add3A_103 = arith.constant 0 : i32
          %add3A_104 = arith.addi %mul3A_102, %add3A_103 : i32
          %mul3A_105 = arith.constant 16 : i32
          %mul3A_106 = arith.muli %add3A_104, %mul3A_105 : i32
          %get3A = arith.index_cast %mul3A_106 : i32 to index
          %get3A_107 = tpu.vector_load %arg9[%get3A] {strides = array<i32>} : memref<4000xi32, #tpu.memory_space<vmem>>, vector<16xi32>,
          %get3A_108 = arith.index_cast %mul3A_106 : i32 to index
          %get3A_109 = tpu.vector_load %arg10[%get3A_108] {strides = array<i32>} : memref<4000xf32, #tpu.memory_space<vmem>>, vector<16xf32>,
          %get3A_110 = arith.index_cast %mul3A_106 : i32 to index
          %get3A_111 = tpu.vector_load %arg11[%get3A_110] {strides = array<i32>} : memref<4000xf32, #tpu.memory_space<vmem>>, vector<16xf32>,
          %get3A_112 = arith.index_cast %mul3A_106 : i32 to index
          %get3A_113 = tpu.vector_load %arg12[%get3A_112] {strides = array<i32>} : memref<4000xf32, #tpu.memory_space<vmem>>, vector<16xf32>,
          %get3A_114 = arith.index_cast %mul3A_106 : i32 to index
          %get3A_115 = tpu.vector_load %arg13[%get3A_114] {strides = array<i32>} : memref<4000xf32, #tpu.memory_space<vmem>>, vector<16xf32>,
          %get3A_116 = arith.index_cast %mul3A_106 : i32 to index
          %get3A_117 = tpu.vector_load %arg14[%get3A_116] {strides = array<i32>} : memref<4000xf32, #tpu.memory_space<vmem>>, vector<16xf32>,
          tpu.vector_store_idx %arg21[%get3A_107], %broadcast_in_dim3A_3 {add = true} : memref<24576xf32, #tpu.memory_space<vmem>>[vector<16xi32>], vector<16xf32>,
          %add3A_118 = arith.constant 4096 : i32
          %add3A_119 = vector.broadcast %add3A_118 : i32 to vector<16xi32>
          %add3A_120 = arith.addi %get3A_107, %add3A_119 : vector<16xi32>
          tpu.vector_store_idx %arg21[%add3A_120], %get3A_115 {add = true} : memref<24576xf32, #tpu.memory_space<vmem>>[vector<16xi32>], vector<16xf32>,
          %add3A_121 = arith.constant 8192 : i32
          %add3A_122 = vector.broadcast %add3A_121 : i32 to vector<16xi32>
          %add3A_123 = arith.addi %get3A_107, %add3A_122 : vector<16xi32>
          %mul3A_124 = arith.mulf %get3A_115, %get3A_109 : vector<16xf32>
          tpu.vector_store_idx %arg21[%add3A_123], %mul3A_124 {add = true} : memref<24576xf32, #tpu.memory_space<vmem>>[vector<16xi32>], vector<16xf32>,
          %add3A_125 = arith.constant 12288 : i32
          %add3A_126 = vector.broadcast %add3A_125 : i32 to vector<16xi32>
          %add3A_127 = arith.addi %get3A_107, %add3A_126 : vector<16xi32>
          %mul3A_128 = arith.mulf %get3A_115, %get3A_111 : vector<16xf32>
          tpu.vector_store_idx %arg21[%add3A_127], %mul3A_128 {add = true} : memref<24576xf32, #tpu.memory_space<vmem>>[vector<16xi32>], vector<16xf32>,
          %add3A_129 = arith.constant 16384 : i32
          %add3A_130 = vector.broadcast %add3A_129 : i32 to vector<16xi32>
          %add3A_131 = arith.addi %get3A_107, %add3A_130 : vector<16xi32>
          %mul3A_132 = arith.mulf %get3A_115, %get3A_113 : vector<16xf32>
          tpu.vector_store_idx %arg21[%add3A_131], %mul3A_132 {add = true} : memref<24576xf32, #tpu.memory_space<vmem>>[vector<16xi32>], vector<16xf32>,
          %add3A_133 = arith.constant 20480 : i32
          %add3A_134 = vector.broadcast %add3A_133 : i32 to vector<16xi32>
          %add3A_135 = arith.addi %get3A_107, %add3A_134 : vector<16xi32>
          %mul3A_136 = arith.mulf %get3A_115, %get3A_117 : vector<16xf32>
          tpu.vector_store_idx %arg21[%add3A_135], %mul3A_136 {add = true} : memref<24576xf32, #tpu.memory_space<vmem>>[vector<16xi32>], vector<16xf32>,
          %mul3A_137 = arith.constant 5 : i32
          %mul3A_138 = arith.muli %scan3A_100, %mul3A_137 : i32
          %add3A_139 = arith.constant 1 : i32
          %add3A_140 = arith.addi %mul3A_138, %add3A_139 : i32
          %mul3A_141 = arith.constant 16 : i32
          %mul3A_142 = arith.muli %add3A_140, %mul3A_141 : i32
          %get3A_143 = arith.index_cast %mul3A_142 : i32 to index
          %get3A_144 = tpu.vector_load %arg9[%get3A_143] {strides = array<i32>} : memref<4000xi32, #tpu.memory_space<vmem>>, vector<16xi32>,
          %get3A_145 = arith.index_cast %mul3A_142 : i32 to index
          %get3A_146 = tpu.vector_load %arg10[%get3A_145] {strides = array<i32>} : memref<4000xf32, #tpu.memory_space<vmem>>, vector<16xf32>,
          %get3A_147 = arith.index_cast %mul3A_142 : i32 to index
          %get3A_148 = tpu.vector_load %arg11[%get3A_147] {strides = array<i32>} : memref<4000xf32, #tpu.memory_space<vmem>>, vector<16xf32>,
          %get3A_149 = arith.index_cast %mul3A_142 : i32 to index
          %get3A_150 = tpu.vector_load %arg12[%get3A_149] {strides = array<i32>} : memref<4000xf32, #tpu.memory_space<vmem>>, vector<16xf32>,
          %get3A_151 = arith.index_cast %mul3A_142 : i32 to index
          %get3A_152 = tpu.vector_load %arg13[%get3A_151] {strides = array<i32>} : memref<4000xf32, #tpu.memory_space<vmem>>, vector<16xf32>,
          %get3A_153 = arith.index_cast %mul3A_142 : i32 to index
          %get3A_154 = tpu.vector_load %arg14[%get3A_153] {strides = array<i32>} : memref<4000xf32, #tpu.memory_space<vmem>>, vector<16xf32>,
          tpu.vector_store_idx %arg21[%get3A_144], %broadcast_in_dim3A_3 {add = true} : memref<24576xf32, #tpu.memory_space<vmem>>[vector<16xi32>], vector<16xf32>,
          %add3A_155 = arith.constant 4096 : i32
          %add3A_156 = vector.broadcast %add3A_155 : i32 to vector<16xi32>
          %add3A_157 = arith.addi %get3A_144, %add3A_156 : vector<16xi32>
          tpu.vector_store_idx %arg21[%add3A_157], %get3A_152 {add = true} : memref<24576xf32, #tpu.memory_space<vmem>>[vector<16xi32>], vector<16xf32>,
          %add3A_158 = arith.constant 8192 : i32
          %add3A_159 = vector.broadcast %add3A_158 : i32 to vector<16xi32>
          %add3A_160 = arith.addi %get3A_144, %add3A_159 : vector<16xi32>
          %mul3A_161 = arith.mulf %get3A_152, %get3A_146 : vector<16xf32>
          tpu.vector_store_idx %arg21[%add3A_160], %mul3A_161 {add = true} : memref<24576xf32, #tpu.memory_space<vmem>>[vector<16xi32>], vector<16xf32>,
          %add3A_162 = arith.constant 12288 : i32
          %add3A_163 = vector.broadcast %add3A_162 : i32 to vector<16xi32>
          %add3A_164 = arith.addi %get3A_144, %add3A_163 : vector<16xi32>
          %mul3A_165 = arith.mulf %get3A_152, %get3A_148 : vector<16xf32>
          tpu.vector_store_idx %arg21[%add3A_164], %mul3A_165 {add = true} : memref<24576xf32, #tpu.memory_space<vmem>>[vector<16xi32>], vector<16xf32>,
          %add3A_166 = arith.constant 16384 : i32
          %add3A_167 = vector.broadcast %add3A_166 : i32 to vector<16xi32>
          %add3A_168 = arith.addi %get3A_144, %add3A_167 : vector<16xi32>
          %mul3A_169 = arith.mulf %get3A_152, %get3A_150 : vector<16xf32>
          tpu.vector_store_idx %arg21[%add3A_168], %mul3A_169 {add = true} : memref<24576xf32, #tpu.memory_space<vmem>>[vector<16xi32>], vector<16xf32>,
          %add3A_170 = arith.constant 20480 : i32
          %add3A_171 = vector.broadcast %add3A_170 : i32 to vector<16xi32>
          %add3A_172 = arith.addi %get3A_144, %add3A_171 : vector<16xi32>
          %mul3A_173 = arith.mulf %get3A_152, %get3A_154 : vector<16xf32>
          tpu.vector_store_idx %arg21[%add3A_172], %mul3A_173 {add = true} : memref<24576xf32, #tpu.memory_space<vmem>>[vector<16xi32>], vector<16xf32>,
          %mul3A_174 = arith.constant 5 : i32
          %mul3A_175 = arith.muli %scan3A_100, %mul3A_174 : i32
          %add3A_176 = arith.constant 2 : i32
          %add3A_177 = arith.addi %mul3A_175, %add3A_176 : i32
          %mul3A_178 = arith.constant 16 : i32
          %mul3A_179 = arith.muli %add3A_177, %mul3A_178 : i32
          %get3A_180 = arith.index_cast %mul3A_179 : i32 to index
          %get3A_181 = tpu.vector_load %arg9[%get3A_180] {strides = array<i32>} : memref<4000xi32, #tpu.memory_space<vmem>>, vector<16xi32>,
          %get3A_182 = arith.index_cast %mul3A_179 : i32 to index
          %get3A_183 = tpu.vector_load %arg10[%get3A_182] {strides = array<i32>} : memref<4000xf32, #tpu.memory_space<vmem>>, vector<16xf32>,
          %get3A_184 = arith.index_cast %mul3A_179 : i32 to index
          %get3A_185 = tpu.vector_load %arg11[%get3A_184] {strides = array<i32>} : memref<4000xf32, #tpu.memory_space<vmem>>, vector<16xf32>,
          %get3A_186 = arith.index_cast %mul3A_179 : i32 to index
          %get3A_187 = tpu.vector_load %arg12[%get3A_186] {strides = array<i32>} : memref<4000xf32, #tpu.memory_space<vmem>>, vector<16xf32>,
          %get3A_188 = arith.index_cast %mul3A_179 : i32 to index
          %get3A_189 = tpu.vector_load %arg13[%get3A_188] {strides = array<i32>} : memref<4000xf32, #tpu.memory_space<vmem>>, vector<16xf32>,
          %get3A_190 = arith.index_cast %mul3A_179 : i32 to index
          %get3A_191 = tpu.vector_load %arg14[%get3A_190] {strides = array<i32>} : memref<4000xf32, #tpu.memory_space<vmem>>, vector<16xf32>,
          tpu.vector_store_idx %arg21[%get3A_181], %broadcast_in_dim3A_3 {add = true} : memref<24576xf32, #tpu.memory_space<vmem>>[vector<16xi32>], vector<16xf32>,
          %add3A_192 = arith.constant 4096 : i32
          %add3A_193 = vector.broadcast %add3A_192 : i32 to vector<16xi32>
          %add3A_194 = arith.addi %get3A_181, %add3A_193 : vector<16xi32>
          tpu.vector_store_idx %arg21[%add3A_194], %get3A_189 {add = true} : memref<24576xf32, #tpu.memory_space<vmem>>[vector<16xi32>], vector<16xf32>,
          %add3A_195 = arith.constant 8192 : i32
          %add3A_196 = vector.broadcast %add3A_195 : i32 to vector<16xi32>
          %add3A_197 = arith.addi %get3A_181, %add3A_196 : vector<16xi32>
          %mul3A_198 = arith.mulf %get3A_189, %get3A_183 : vector<16xf32>
          tpu.vector_store_idx %arg21[%add3A_197], %mul3A_198 {add = true} : memref<24576xf32, #tpu.memory_space<vmem>>[vector<16xi32>], vector<16xf32>,
          %add3A_199 = arith.constant 12288 : i32
          %add3A_200 = vector.broadcast %add3A_199 : i32 to vector<16xi32>
          %add3A_201 = arith.addi %get3A_181, %add3A_200 : vector<16xi32>
          %mul3A_202 = arith.mulf %get3A_189, %get3A_185 : vector<16xf32>
          tpu.vector_store_idx %arg21[%add3A_201], %mul3A_202 {add = true} : memref<24576xf32, #tpu.memory_space<vmem>>[vector<16xi32>], vector<16xf32>,
          %add3A_203 = arith.constant 16384 : i32
          %add3A_204 = vector.broadcast %add3A_203 : i32 to vector<16xi32>
          %add3A_205 = arith.addi %get3A_181, %add3A_204 : vector<16xi32>
          %mul3A_206 = arith.mulf %get3A_189, %get3A_187 : vector<16xf32>
          tpu.vector_store_idx %arg21[%add3A_205], %mul3A_206 {add = true} : memref<24576xf32, #tpu.memory_space<vmem>>[vector<16xi32>], vector<16xf32>,
          %add3A_207 = arith.constant 20480 : i32
          %add3A_208 = vector.broadcast %add3A_207 : i32 to vector<16xi32>
          %add3A_209 = arith.addi %get3A_181, %add3A_208 : vector<16xi32>
          %mul3A_210 = arith.mulf %get3A_189, %get3A_191 : vector<16xf32>
          tpu.vector_store_idx %arg21[%add3A_209], %mul3A_210 {add = true} : memref<24576xf32, #tpu.memory_space<vmem>>[vector<16xi32>], vector<16xf32>,
          %mul3A_211 = arith.constant 5 : i32
          %mul3A_212 = arith.muli %scan3A_100, %mul3A_211 : i32
          %add3A_213 = arith.constant 3 : i32
          %add3A_214 = arith.addi %mul3A_212, %add3A_213 : i32
          %mul3A_215 = arith.constant 16 : i32
          %mul3A_216 = arith.muli %add3A_214, %mul3A_215 : i32
          %get3A_217 = arith.index_cast %mul3A_216 : i32 to index
          %get3A_218 = tpu.vector_load %arg9[%get3A_217] {strides = array<i32>} : memref<4000xi32, #tpu.memory_space<vmem>>, vector<16xi32>,
          %get3A_219 = arith.index_cast %mul3A_216 : i32 to index
          %get3A_220 = tpu.vector_load %arg10[%get3A_219] {strides = array<i32>} : memref<4000xf32, #tpu.memory_space<vmem>>, vector<16xf32>,
          %get3A_221 = arith.index_cast %mul3A_216 : i32 to index
          %get3A_222 = tpu.vector_load %arg11[%get3A_221] {strides = array<i32>} : memref<4000xf32, #tpu.memory_space<vmem>>, vector<16xf32>,
          %get3A_223 = arith.index_cast %mul3A_216 : i32 to index
          %get3A_224 = tpu.vector_load %arg12[%get3A_223] {strides = array<i32>} : memref<4000xf32, #tpu.memory_space<vmem>>, vector<16xf32>,
          %get3A_225 = arith.index_cast %mul3A_216 : i32 to index
          %get3A_226 = tpu.vector_load %arg13[%get3A_225] {strides = array<i32>} : memref<4000xf32, #tpu.memory_space<vmem>>, vector<16xf32>,
          %get3A_227 = arith.index_cast %mul3A_216 : i32 to index
          %get3A_228 = tpu.vector_load %arg14[%get3A_227] {strides = array<i32>} : memref<4000xf32, #tpu.memory_space<vmem>>, vector<16xf32>,
          tpu.vector_store_idx %arg21[%get3A_218], %broadcast_in_dim3A_3 {add = true} : memref<24576xf32, #tpu.memory_space<vmem>>[vector<16xi32>], vector<16xf32>,
          %add3A_229 = arith.constant 4096 : i32
          %add3A_230 = vector.broadcast %add3A_229 : i32 to vector<16xi32>
          %add3A_231 = arith.addi %get3A_218, %add3A_230 : vector<16xi32>
          tpu.vector_store_idx %arg21[%add3A_231], %get3A_226 {add = true} : memref<24576xf32, #tpu.memory_space<vmem>>[vector<16xi32>], vector<16xf32>,
          %add3A_232 = arith.constant 8192 : i32
          %add3A_233 = vector.broadcast %add3A_232 : i32 to vector<16xi32>
          %add3A_234 = arith.addi %get3A_218, %add3A_233 : vector<16xi32>
          %mul3A_235 = arith.mulf %get3A_226, %get3A_220 : vector<16xf32>
          tpu.vector_store_idx %arg21[%add3A_234], %mul3A_235 {add = true} : memref<24576xf32, #tpu.memory_space<vmem>>[vector<16xi32>], vector<16xf32>,
          %add3A_236 = arith.constant 12288 : i32
          %add3A_237 = vector.broadcast %add3A_236 : i32 to vector<16xi32>
          %add3A_238 = arith.addi %get3A_218, %add3A_237 : vector<16xi32>
          %mul3A_239 = arith.mulf %get3A_226, %get3A_222 : vector<16xf32>
          tpu.vector_store_idx %arg21[%add3A_238], %mul3A_239 {add = true} : memref<24576xf32, #tpu.memory_space<vmem>>[vector<16xi32>], vector<16xf32>,
          %add3A_240 = arith.constant 16384 : i32
          %add3A_241 = vector.broadcast %add3A_240 : i32 to vector<16xi32>
          %add3A_242 = arith.addi %get3A_218, %add3A_241 : vector<16xi32>
          %mul3A_243 = arith.mulf %get3A_226, %get3A_224 : vector<16xf32>
          tpu.vector_store_idx %arg21[%add3A_242], %mul3A_243 {add = true} : memref<24576xf32, #tpu.memory_space<vmem>>[vector<16xi32>], vector<16xf32>,
          %add3A_244 = arith.constant 20480 : i32
          %add3A_245 = vector.broadcast %add3A_244 : i32 to vector<16xi32>
          %add3A_246 = arith.addi %get3A_218, %add3A_245 : vector<16xi32>
          %mul3A_247 = arith.mulf %get3A_226, %get3A_228 : vector<16xf32>
          tpu.vector_store_idx %arg21[%add3A_246], %mul3A_247 {add = true} : memref<24576xf32, #tpu.memory_space<vmem>>[vector<16xi32>], vector<16xf32>,
          %mul3A_248 = arith.constant 5 : i32
          %mul3A_249 = arith.muli %scan3A_100, %mul3A_248 : i32
          %add3A_250 = arith.constant 4 : i32
          %add3A_251 = arith.addi %mul3A_249, %add3A_250 : i32
          %mul3A_252 = arith.constant 16 : i32
          %mul3A_253 = arith.muli %add3A_251, %mul3A_252 : i32
          %get3A_254 = arith.index_cast %mul3A_253 : i32 to index
          %get3A_255 = tpu.vector_load %arg9[%get3A_254] {strides = array<i32>} : memref<4000xi32, #tpu.memory_space<vmem>>, vector<16xi32>,
          %get3A_256 = arith.index_cast %mul3A_253 : i32 to index
          %get3A_257 = tpu.vector_load %arg10[%get3A_256] {strides = array<i32>} : memref<4000xf32, #tpu.memory_space<vmem>>, vector<16xf32>,
          %get3A_258 = arith.index_cast %mul3A_253 : i32 to index
          %get3A_259 = tpu.vector_load %arg11[%get3A_258] {strides = array<i32>} : memref<4000xf32, #tpu.memory_space<vmem>>, vector<16xf32>,
          %get3A_260 = arith.index_cast %mul3A_253 : i32 to index
          %get3A_261 = tpu.vector_load %arg12[%get3A_260] {strides = array<i32>} : memref<4000xf32, #tpu.memory_space<vmem>>, vector<16xf32>,
          %get3A_262 = arith.index_cast %mul3A_253 : i32 to index
          %get3A_263 = tpu.vector_load %arg13[%get3A_262] {strides = array<i32>} : memref<4000xf32, #tpu.memory_space<vmem>>, vector<16xf32>,
          %get3A_264 = arith.index_cast %mul3A_253 : i32 to index
          %get3A_265 = tpu.vector_load %arg14[%get3A_264] {strides = array<i32>} : memref<4000xf32, #tpu.memory_space<vmem>>, vector<16xf32>,
          tpu.vector_store_idx %arg21[%get3A_255], %broadcast_in_dim3A_3 {add = true} : memref<24576xf32, #tpu.memory_space<vmem>>[vector<16xi32>], vector<16xf32>,
          %add3A_266 = arith.constant 4096 : i32
          %add3A_267 = vector.broadcast %add3A_266 : i32 to vector<16xi32>
          %add3A_268 = arith.addi %get3A_255, %add3A_267 : vector<16xi32>
          tpu.vector_store_idx %arg21[%add3A_268], %get3A_263 {add = true} : memref<24576xf32, #tpu.memory_space<vmem>>[vector<16xi32>], vector<16xf32>,
          %add3A_269 = arith.constant 8192 : i32
          %add3A_270 = vector.broadcast %add3A_269 : i32 to vector<16xi32>
          %add3A_271 = arith.addi %get3A_255, %add3A_270 : vector<16xi32>
          %mul3A_272 = arith.mulf %get3A_263, %get3A_257 : vector<16xf32>
          tpu.vector_store_idx %arg21[%add3A_271], %mul3A_272 {add = true} : memref<24576xf32, #tpu.memory_space<vmem>>[vector<16xi32>], vector<16xf32>,
          %add3A_273 = arith.constant 12288 : i32
          %add3A_274 = vector.broadcast %add3A_273 : i32 to vector<16xi32>
          %add3A_275 = arith.addi %get3A_255, %add3A_274 : vector<16xi32>
          %mul3A_276 = arith.mulf %get3A_263, %get3A_259 : vector<16xf32>
          tpu.vector_store_idx %arg21[%add3A_275], %mul3A_276 {add = true} : memref<24576xf32, #tpu.memory_space<vmem>>[vector<16xi32>], vector<16xf32>,
          %add3A_277 = arith.constant 16384 : i32
          %add3A_278 = vector.broadcast %add3A_277 : i32 to vector<16xi32>
          %add3A_279 = arith.addi %get3A_255, %add3A_278 : vector<16xi32>
          %mul3A_280 = arith.mulf %get3A_263, %get3A_261 : vector<16xf32>
          tpu.vector_store_idx %arg21[%add3A_279], %mul3A_280 {add = true} : memref<24576xf32, #tpu.memory_space<vmem>>[vector<16xi32>], vector<16xf32>,
          %add3A_281 = arith.constant 20480 : i32
          %add3A_282 = vector.broadcast %add3A_281 : i32 to vector<16xi32>
          %add3A_283 = arith.addi %get3A_255, %add3A_282 : vector<16xi32>
          %mul3A_284 = arith.mulf %get3A_263, %get3A_265 : vector<16xf32>
          tpu.vector_store_idx %arg21[%add3A_283], %mul3A_284 {add = true} : memref<24576xf32, #tpu.memory_space<vmem>>[vector<16xi32>], vector<16xf32>,
        }
        %scan3A_99 = arith.constant 50 : i32
      } else {
      }
      %not3A_66 = arith.constant true
      %not3A_67 = arith.xori %eq3A_50, %not3A_66 : i1
      %convert_element_type3A_68 = arith.extui %not3A_67 : i1 to i32
      %cond3A_69 = arith.constant 0 : i32
      %cond3A_70 = arith.cmpi ne, %convert_element_type3A_68, %cond3A_69 : i32
      scf.if %cond3A_70 {
        %dma_wait3A = arith.constant 0 : i32
        %dma_wait3A_71 = tpu.memref_slice %arg2[%dma_wait3A] : memref<1000000xi32, #tpu.memory_space<hbm>> -> memref<4000xi32, #tpu.memory_space<hbm>>
        %dma_wait3A_72 = arith.constant 0 : i32
        %dma_wait3A_73 = tpu.memref_slice %arg2[%dma_wait3A_72] : memref<1000000xi32, #tpu.memory_space<hbm>> -> memref<4000xi32, #tpu.memory_space<hbm>>
        tpu.wait_dma2 semaphore(%arg23 : memref<!tpu.dma_semaphore, #tpu.memory_space<semaphore_mem>>) src(%dma_wait3A_73 : memref<4000xi32, #tpu.memory_space<hbm>>) dst(%arg15 : memref<4000xi32, #tpu.memory_space<vmem>>)
        %dma_wait3A_74 = arith.constant 0 : i32
        %dma_wait3A_75 = tpu.memref_slice %arg3[%dma_wait3A_74] : memref<1000000xf32, #tpu.memory_space<hbm>> -> memref<4000xf32, #tpu.memory_space<hbm>>
        %dma_wait3A_76 = arith.constant 0 : i32
        %dma_wait3A_77 = tpu.memref_slice %arg3[%dma_wait3A_76] : memref<1000000xf32, #tpu.memory_space<hbm>> -> memref<4000xf32, #tpu.memory_space<hbm>>
        tpu.wait_dma2 semaphore(%arg23 : memref<!tpu.dma_semaphore, #tpu.memory_space<semaphore_mem>>) src(%dma_wait3A_77 : memref<4000xf32, #tpu.memory_space<hbm>>) dst(%arg16 : memref<4000xf32, #tpu.memory_space<vmem>>)
        %dma_wait3A_78 = arith.constant 0 : i32
        %dma_wait3A_79 = tpu.memref_slice %arg4[%dma_wait3A_78] : memref<1000000xf32, #tpu.memory_space<hbm>> -> memref<4000xf32, #tpu.memory_space<hbm>>
        %dma_wait3A_80 = arith.constant 0 : i32
        %dma_wait3A_81 = tpu.memref_slice %arg4[%dma_wait3A_80] : memref<1000000xf32, #tpu.memory_space<hbm>> -> memref<4000xf32, #tpu.memory_space<hbm>>
        tpu.wait_dma2 semaphore(%arg23 : memref<!tpu.dma_semaphore, #tpu.memory_space<semaphore_mem>>) src(%dma_wait3A_81 : memref<4000xf32, #tpu.memory_space<hbm>>) dst(%arg17 : memref<4000xf32, #tpu.memory_space<vmem>>)
        %dma_wait3A_82 = arith.constant 0 : i32
        %dma_wait3A_83 = tpu.memref_slice %arg5[%dma_wait3A_82] : memref<1000000xf32, #tpu.memory_space<hbm>> -> memref<4000xf32, #tpu.memory_space<hbm>>
        %dma_wait3A_84 = arith.constant 0 : i32
        %dma_wait3A_85 = tpu.memref_slice %arg5[%dma_wait3A_84] : memref<1000000xf32, #tpu.memory_space<hbm>> -> memref<4000xf32, #tpu.memory_space<hbm>>
        tpu.wait_dma2 semaphore(%arg23 : memref<!tpu.dma_semaphore, #tpu.memory_space<semaphore_mem>>) src(%dma_wait3A_85 : memref<4000xf32, #tpu.memory_space<hbm>>) dst(%arg18 : memref<4000xf32, #tpu.memory_space<vmem>>)
        %dma_wait3A_86 = arith.constant 0 : i32
        %dma_wait3A_87 = tpu.memref_slice %arg6[%dma_wait3A_86] : memref<1000000xf32, #tpu.memory_space<hbm>> -> memref<4000xf32, #tpu.memory_space<hbm>>
        %dma_wait3A_88 = arith.constant 0 : i32
        %dma_wait3A_89 = tpu.memref_slice %arg6[%dma_wait3A_88] : memref<1000000xf32, #tpu.memory_space<hbm>> -> memref<4000xf32, #tpu.memory_space<hbm>>
        tpu.wait_dma2 semaphore(%arg23 : memref<!tpu.dma_semaphore, #tpu.memory_space<semaphore_mem>>) src(%dma_wait3A_89 : memref<4000xf32, #tpu.memory_space<hbm>>) dst(%arg19 : memref<4000xf32, #tpu.memory_space<vmem>>)
        %dma_wait3A_90 = arith.constant 0 : i32
        %dma_wait3A_91 = tpu.memref_slice %arg7[%dma_wait3A_90] : memref<1000000xf32, #tpu.memory_space<hbm>> -> memref<4000xf32, #tpu.memory_space<hbm>>
        %dma_wait3A_92 = arith.constant 0 : i32
        %dma_wait3A_93 = tpu.memref_slice %arg7[%dma_wait3A_92] : memref<1000000xf32, #tpu.memory_space<hbm>> -> memref<4000xf32, #tpu.memory_space<hbm>>
        tpu.wait_dma2 semaphore(%arg23 : memref<!tpu.dma_semaphore, #tpu.memory_space<semaphore_mem>>) src(%dma_wait3A_93 : memref<4000xf32, #tpu.memory_space<hbm>>) dst(%arg20 : memref<4000xf32, #tpu.memory_space<vmem>>)
        %scan3A_94 = arith.constant 0 : i32
        %scan3A_95 = arith.constant 0 : i32
        %scan3A_96 = arith.constant 50 : i32
        %scan3A_97 = arith.addi %scan3A_95, %scan3A_96 : i32
        %scan3A_98 = arith.constant 1 : i32
        scf.for %scan3A_100 = %scan3A_95 to %scan3A_97 step %scan3A_98  : i32 {
          %mul3A_101 = arith.constant 5 : i32
          %mul3A_102 = arith.muli %scan3A_100, %mul3A_101 : i32
          %add3A_103 = arith.constant 0 : i32
          %add3A_104 = arith.addi %mul3A_102, %add3A_103 : i32
          %mul3A_105 = arith.constant 16 : i32
          %mul3A_106 = arith.muli %add3A_104, %mul3A_105 : i32
          %get3A = arith.index_cast %mul3A_106 : i32 to index
          %get3A_107 = tpu.vector_load %arg15[%get3A] {strides = array<i32>} : memref<4000xi32, #tpu.memory_space<vmem>>, vector<16xi32>,
          %get3A_108 = arith.index_cast %mul3A_106 : i32 to index
          %get3A_109 = tpu.vector_load %arg16[%get3A_108] {strides = array<i32>} : memref<4000xf32, #tpu.memory_space<vmem>>, vector<16xf32>,
          %get3A_110 = arith.index_cast %mul3A_106 : i32 to index
          %get3A_111 = tpu.vector_load %arg17[%get3A_110] {strides = array<i32>} : memref<4000xf32, #tpu.memory_space<vmem>>, vector<16xf32>,
          %get3A_112 = arith.index_cast %mul3A_106 : i32 to index
          %get3A_113 = tpu.vector_load %arg18[%get3A_112] {strides = array<i32>} : memref<4000xf32, #tpu.memory_space<vmem>>, vector<16xf32>,
          %get3A_114 = arith.index_cast %mul3A_106 : i32 to index
          %get3A_115 = tpu.vector_load %arg19[%get3A_114] {strides = array<i32>} : memref<4000xf32, #tpu.memory_space<vmem>>, vector<16xf32>,
          %get3A_116 = arith.index_cast %mul3A_106 : i32 to index
          %get3A_117 = tpu.vector_load %arg20[%get3A_116] {strides = array<i32>} : memref<4000xf32, #tpu.memory_space<vmem>>, vector<16xf32>,
          tpu.vector_store_idx %arg21[%get3A_107], %broadcast_in_dim3A_3 {add = true} : memref<24576xf32, #tpu.memory_space<vmem>>[vector<16xi32>], vector<16xf32>,
          %add3A_118 = arith.constant 4096 : i32
          %add3A_119 = vector.broadcast %add3A_118 : i32 to vector<16xi32>
          %add3A_120 = arith.addi %get3A_107, %add3A_119 : vector<16xi32>
          tpu.vector_store_idx %arg21[%add3A_120], %get3A_115 {add = true} : memref<24576xf32, #tpu.memory_space<vmem>>[vector<16xi32>], vector<16xf32>,
          %add3A_121 = arith.constant 8192 : i32
          %add3A_122 = vector.broadcast %add3A_121 : i32 to vector<16xi32>
          %add3A_123 = arith.addi %get3A_107, %add3A_122 : vector<16xi32>
          %mul3A_124 = arith.mulf %get3A_115, %get3A_109 : vector<16xf32>
          tpu.vector_store_idx %arg21[%add3A_123], %mul3A_124 {add = true} : memref<24576xf32, #tpu.memory_space<vmem>>[vector<16xi32>], vector<16xf32>,
          %add3A_125 = arith.constant 12288 : i32
          %add3A_126 = vector.broadcast %add3A_125 : i32 to vector<16xi32>
          %add3A_127 = arith.addi %get3A_107, %add3A_126 : vector<16xi32>
          %mul3A_128 = arith.mulf %get3A_115, %get3A_111 : vector<16xf32>
          tpu.vector_store_idx %arg21[%add3A_127], %mul3A_128 {add = true} : memref<24576xf32, #tpu.memory_space<vmem>>[vector<16xi32>], vector<16xf32>,
          %add3A_129 = arith.constant 16384 : i32
          %add3A_130 = vector.broadcast %add3A_129 : i32 to vector<16xi32>
          %add3A_131 = arith.addi %get3A_107, %add3A_130 : vector<16xi32>
          %mul3A_132 = arith.mulf %get3A_115, %get3A_113 : vector<16xf32>
          tpu.vector_store_idx %arg21[%add3A_131], %mul3A_132 {add = true} : memref<24576xf32, #tpu.memory_space<vmem>>[vector<16xi32>], vector<16xf32>,
          %add3A_133 = arith.constant 20480 : i32
          %add3A_134 = vector.broadcast %add3A_133 : i32 to vector<16xi32>
          %add3A_135 = arith.addi %get3A_107, %add3A_134 : vector<16xi32>
          %mul3A_136 = arith.mulf %get3A_115, %get3A_117 : vector<16xf32>
          tpu.vector_store_idx %arg21[%add3A_135], %mul3A_136 {add = true} : memref<24576xf32, #tpu.memory_space<vmem>>[vector<16xi32>], vector<16xf32>,
          %mul3A_137 = arith.constant 5 : i32
          %mul3A_138 = arith.muli %scan3A_100, %mul3A_137 : i32
          %add3A_139 = arith.constant 1 : i32
          %add3A_140 = arith.addi %mul3A_138, %add3A_139 : i32
          %mul3A_141 = arith.constant 16 : i32
          %mul3A_142 = arith.muli %add3A_140, %mul3A_141 : i32
          %get3A_143 = arith.index_cast %mul3A_142 : i32 to index
          %get3A_144 = tpu.vector_load %arg15[%get3A_143] {strides = array<i32>} : memref<4000xi32, #tpu.memory_space<vmem>>, vector<16xi32>,
          %get3A_145 = arith.index_cast %mul3A_142 : i32 to index
          %get3A_146 = tpu.vector_load %arg16[%get3A_145] {strides = array<i32>} : memref<4000xf32, #tpu.memory_space<vmem>>, vector<16xf32>,
          %get3A_147 = arith.index_cast %mul3A_142 : i32 to index
          %get3A_148 = tpu.vector_load %arg17[%get3A_147] {strides = array<i32>} : memref<4000xf32, #tpu.memory_space<vmem>>, vector<16xf32>,
          %get3A_149 = arith.index_cast %mul3A_142 : i32 to index
          %get3A_150 = tpu.vector_load %arg18[%get3A_149] {strides = array<i32>} : memref<4000xf32, #tpu.memory_space<vmem>>, vector<16xf32>,
          %get3A_151 = arith.index_cast %mul3A_142 : i32 to index
          %get3A_152 = tpu.vector_load %arg19[%get3A_151] {strides = array<i32>} : memref<4000xf32, #tpu.memory_space<vmem>>, vector<16xf32>,
          %get3A_153 = arith.index_cast %mul3A_142 : i32 to index
          %get3A_154 = tpu.vector_load %arg20[%get3A_153] {strides = array<i32>} : memref<4000xf32, #tpu.memory_space<vmem>>, vector<16xf32>,
          tpu.vector_store_idx %arg21[%get3A_144], %broadcast_in_dim3A_3 {add = true} : memref<24576xf32, #tpu.memory_space<vmem>>[vector<16xi32>], vector<16xf32>,
          %add3A_155 = arith.constant 4096 : i32
          %add3A_156 = vector.broadcast %add3A_155 : i32 to vector<16xi32>
          %add3A_157 = arith.addi %get3A_144, %add3A_156 : vector<16xi32>
          tpu.vector_store_idx %arg21[%add3A_157], %get3A_152 {add = true} : memref<24576xf32, #tpu.memory_space<vmem>>[vector<16xi32>], vector<16xf32>,
          %add3A_158 = arith.constant 8192 : i32
          %add3A_159 = vector.broadcast %add3A_158 : i32 to vector<16xi32>
          %add3A_160 = arith.addi %get3A_144, %add3A_159 : vector<16xi32>
          %mul3A_161 = arith.mulf %get3A_152, %get3A_146 : vector<16xf32>
          tpu.vector_store_idx %arg21[%add3A_160], %mul3A_161 {add = true} : memref<24576xf32, #tpu.memory_space<vmem>>[vector<16xi32>], vector<16xf32>,
          %add3A_162 = arith.constant 12288 : i32
          %add3A_163 = vector.broadcast %add3A_162 : i32 to vector<16xi32>
          %add3A_164 = arith.addi %get3A_144, %add3A_163 : vector<16xi32>
          %mul3A_165 = arith.mulf %get3A_152, %get3A_148 : vector<16xf32>
          tpu.vector_store_idx %arg21[%add3A_164], %mul3A_165 {add = true} : memref<24576xf32, #tpu.memory_space<vmem>>[vector<16xi32>], vector<16xf32>,
          %add3A_166 = arith.constant 16384 : i32
          %add3A_167 = vector.broadcast %add3A_166 : i32 to vector<16xi32>
          %add3A_168 = arith.addi %get3A_144, %add3A_167 : vector<16xi32>
          %mul3A_169 = arith.mulf %get3A_152, %get3A_150 : vector<16xf32>
          tpu.vector_store_idx %arg21[%add3A_168], %mul3A_169 {add = true} : memref<24576xf32, #tpu.memory_space<vmem>>[vector<16xi32>], vector<16xf32>,
          %add3A_170 = arith.constant 20480 : i32
          %add3A_171 = vector.broadcast %add3A_170 : i32 to vector<16xi32>
          %add3A_172 = arith.addi %get3A_144, %add3A_171 : vector<16xi32>
          %mul3A_173 = arith.mulf %get3A_152, %get3A_154 : vector<16xf32>
          tpu.vector_store_idx %arg21[%add3A_172], %mul3A_173 {add = true} : memref<24576xf32, #tpu.memory_space<vmem>>[vector<16xi32>], vector<16xf32>,
          %mul3A_174 = arith.constant 5 : i32
          %mul3A_175 = arith.muli %scan3A_100, %mul3A_174 : i32
          %add3A_176 = arith.constant 2 : i32
          %add3A_177 = arith.addi %mul3A_175, %add3A_176 : i32
          %mul3A_178 = arith.constant 16 : i32
          %mul3A_179 = arith.muli %add3A_177, %mul3A_178 : i32
          %get3A_180 = arith.index_cast %mul3A_179 : i32 to index
          %get3A_181 = tpu.vector_load %arg15[%get3A_180] {strides = array<i32>} : memref<4000xi32, #tpu.memory_space<vmem>>, vector<16xi32>,
          %get3A_182 = arith.index_cast %mul3A_179 : i32 to index
          %get3A_183 = tpu.vector_load %arg16[%get3A_182] {strides = array<i32>} : memref<4000xf32, #tpu.memory_space<vmem>>, vector<16xf32>,
          %get3A_184 = arith.index_cast %mul3A_179 : i32 to index
          %get3A_185 = tpu.vector_load %arg17[%get3A_184] {strides = array<i32>} : memref<4000xf32, #tpu.memory_space<vmem>>, vector<16xf32>,
          %get3A_186 = arith.index_cast %mul3A_179 : i32 to index
          %get3A_187 = tpu.vector_load %arg18[%get3A_186] {strides = array<i32>} : memref<4000xf32, #tpu.memory_space<vmem>>, vector<16xf32>,
          %get3A_188 = arith.index_cast %mul3A_179 : i32 to index
          %get3A_189 = tpu.vector_load %arg19[%get3A_188] {strides = array<i32>} : memref<4000xf32, #tpu.memory_space<vmem>>, vector<16xf32>,
          %get3A_190 = arith.index_cast %mul3A_179 : i32 to index
          %get3A_191 = tpu.vector_load %arg20[%get3A_190] {strides = array<i32>} : memref<4000xf32, #tpu.memory_space<vmem>>, vector<16xf32>,
          tpu.vector_store_idx %arg21[%get3A_181], %broadcast_in_dim3A_3 {add = true} : memref<24576xf32, #tpu.memory_space<vmem>>[vector<16xi32>], vector<16xf32>,
          %add3A_192 = arith.constant 4096 : i32
          %add3A_193 = vector.broadcast %add3A_192 : i32 to vector<16xi32>
          %add3A_194 = arith.addi %get3A_181, %add3A_193 : vector<16xi32>
          tpu.vector_store_idx %arg21[%add3A_194], %get3A_189 {add = true} : memref<24576xf32, #tpu.memory_space<vmem>>[vector<16xi32>], vector<16xf32>,
          %add3A_195 = arith.constant 8192 : i32
          %add3A_196 = vector.broadcast %add3A_195 : i32 to vector<16xi32>
          %add3A_197 = arith.addi %get3A_181, %add3A_196 : vector<16xi32>
          %mul3A_198 = arith.mulf %get3A_189, %get3A_183 : vector<16xf32>
          tpu.vector_store_idx %arg21[%add3A_197], %mul3A_198 {add = true} : memref<24576xf32, #tpu.memory_space<vmem>>[vector<16xi32>], vector<16xf32>,
          %add3A_199 = arith.constant 12288 : i32
          %add3A_200 = vector.broadcast %add3A_199 : i32 to vector<16xi32>
          %add3A_201 = arith.addi %get3A_181, %add3A_200 : vector<16xi32>
          %mul3A_202 = arith.mulf %get3A_189, %get3A_185 : vector<16xf32>
          tpu.vector_store_idx %arg21[%add3A_201], %mul3A_202 {add = true} : memref<24576xf32, #tpu.memory_space<vmem>>[vector<16xi32>], vector<16xf32>,
          %add3A_203 = arith.constant 16384 : i32
          %add3A_204 = vector.broadcast %add3A_203 : i32 to vector<16xi32>
          %add3A_205 = arith.addi %get3A_181, %add3A_204 : vector<16xi32>
          %mul3A_206 = arith.mulf %get3A_189, %get3A_187 : vector<16xf32>
          tpu.vector_store_idx %arg21[%add3A_205], %mul3A_206 {add = true} : memref<24576xf32, #tpu.memory_space<vmem>>[vector<16xi32>], vector<16xf32>,
          %add3A_207 = arith.constant 20480 : i32
          %add3A_208 = vector.broadcast %add3A_207 : i32 to vector<16xi32>
          %add3A_209 = arith.addi %get3A_181, %add3A_208 : vector<16xi32>
          %mul3A_210 = arith.mulf %get3A_189, %get3A_191 : vector<16xf32>
          tpu.vector_store_idx %arg21[%add3A_209], %mul3A_210 {add = true} : memref<24576xf32, #tpu.memory_space<vmem>>[vector<16xi32>], vector<16xf32>,
          %mul3A_211 = arith.constant 5 : i32
          %mul3A_212 = arith.muli %scan3A_100, %mul3A_211 : i32
          %add3A_213 = arith.constant 3 : i32
          %add3A_214 = arith.addi %mul3A_212, %add3A_213 : i32
          %mul3A_215 = arith.constant 16 : i32
          %mul3A_216 = arith.muli %add3A_214, %mul3A_215 : i32
          %get3A_217 = arith.index_cast %mul3A_216 : i32 to index
          %get3A_218 = tpu.vector_load %arg15[%get3A_217] {strides = array<i32>} : memref<4000xi32, #tpu.memory_space<vmem>>, vector<16xi32>,
          %get3A_219 = arith.index_cast %mul3A_216 : i32 to index
          %get3A_220 = tpu.vector_load %arg16[%get3A_219] {strides = array<i32>} : memref<4000xf32, #tpu.memory_space<vmem>>, vector<16xf32>,
          %get3A_221 = arith.index_cast %mul3A_216 : i32 to index
          %get3A_222 = tpu.vector_load %arg17[%get3A_221] {strides = array<i32>} : memref<4000xf32, #tpu.memory_space<vmem>>, vector<16xf32>,
          %get3A_223 = arith.index_cast %mul3A_216 : i32 to index
          %get3A_224 = tpu.vector_load %arg18[%get3A_223] {strides = array<i32>} : memref<4000xf32, #tpu.memory_space<vmem>>, vector<16xf32>,
          %get3A_225 = arith.index_cast %mul3A_216 : i32 to index
          %get3A_226 = tpu.vector_load %arg19[%get3A_225] {strides = array<i32>} : memref<4000xf32, #tpu.memory_space<vmem>>, vector<16xf32>,
          %get3A_227 = arith.index_cast %mul3A_216 : i32 to index
          %get3A_228 = tpu.vector_load %arg20[%get3A_227] {strides = array<i32>} : memref<4000xf32, #tpu.memory_space<vmem>>, vector<16xf32>,
          tpu.vector_store_idx %arg21[%get3A_218], %broadcast_in_dim3A_3 {add = true} : memref<24576xf32, #tpu.memory_space<vmem>>[vector<16xi32>], vector<16xf32>,
          %add3A_229 = arith.constant 4096 : i32
          %add3A_230 = vector.broadcast %add3A_229 : i32 to vector<16xi32>
          %add3A_231 = arith.addi %get3A_218, %add3A_230 : vector<16xi32>
          tpu.vector_store_idx %arg21[%add3A_231], %get3A_226 {add = true} : memref<24576xf32, #tpu.memory_space<vmem>>[vector<16xi32>], vector<16xf32>,
          %add3A_232 = arith.constant 8192 : i32
          %add3A_233 = vector.broadcast %add3A_232 : i32 to vector<16xi32>
          %add3A_234 = arith.addi %get3A_218, %add3A_233 : vector<16xi32>
          %mul3A_235 = arith.mulf %get3A_226, %get3A_220 : vector<16xf32>
          tpu.vector_store_idx %arg21[%add3A_234], %mul3A_235 {add = true} : memref<24576xf32, #tpu.memory_space<vmem>>[vector<16xi32>], vector<16xf32>,
          %add3A_236 = arith.constant 12288 : i32
          %add3A_237 = vector.broadcast %add3A_236 : i32 to vector<16xi32>
          %add3A_238 = arith.addi %get3A_218, %add3A_237 : vector<16xi32>
          %mul3A_239 = arith.mulf %get3A_226, %get3A_222 : vector<16xf32>
          tpu.vector_store_idx %arg21[%add3A_238], %mul3A_239 {add = true} : memref<24576xf32, #tpu.memory_space<vmem>>[vector<16xi32>], vector<16xf32>,
          %add3A_240 = arith.constant 16384 : i32
          %add3A_241 = vector.broadcast %add3A_240 : i32 to vector<16xi32>
          %add3A_242 = arith.addi %get3A_218, %add3A_241 : vector<16xi32>
          %mul3A_243 = arith.mulf %get3A_226, %get3A_224 : vector<16xf32>
          tpu.vector_store_idx %arg21[%add3A_242], %mul3A_243 {add = true} : memref<24576xf32, #tpu.memory_space<vmem>>[vector<16xi32>], vector<16xf32>,
          %add3A_244 = arith.constant 20480 : i32
          %add3A_245 = vector.broadcast %add3A_244 : i32 to vector<16xi32>
          %add3A_246 = arith.addi %get3A_218, %add3A_245 : vector<16xi32>
          %mul3A_247 = arith.mulf %get3A_226, %get3A_228 : vector<16xf32>
          tpu.vector_store_idx %arg21[%add3A_246], %mul3A_247 {add = true} : memref<24576xf32, #tpu.memory_space<vmem>>[vector<16xi32>], vector<16xf32>,
          %mul3A_248 = arith.constant 5 : i32
          %mul3A_249 = arith.muli %scan3A_100, %mul3A_248 : i32
          %add3A_250 = arith.constant 4 : i32
          %add3A_251 = arith.addi %mul3A_249, %add3A_250 : i32
          %mul3A_252 = arith.constant 16 : i32
          %mul3A_253 = arith.muli %add3A_251, %mul3A_252 : i32
          %get3A_254 = arith.index_cast %mul3A_253 : i32 to index
          %get3A_255 = tpu.vector_load %arg15[%get3A_254] {strides = array<i32>} : memref<4000xi32, #tpu.memory_space<vmem>>, vector<16xi32>,
          %get3A_256 = arith.index_cast %mul3A_253 : i32 to index
          %get3A_257 = tpu.vector_load %arg16[%get3A_256] {strides = array<i32>} : memref<4000xf32, #tpu.memory_space<vmem>>, vector<16xf32>,
          %get3A_258 = arith.index_cast %mul3A_253 : i32 to index
          %get3A_259 = tpu.vector_load %arg17[%get3A_258] {strides = array<i32>} : memref<4000xf32, #tpu.memory_space<vmem>>, vector<16xf32>,
          %get3A_260 = arith.index_cast %mul3A_253 : i32 to index
          %get3A_261 = tpu.vector_load %arg18[%get3A_260] {strides = array<i32>} : memref<4000xf32, #tpu.memory_space<vmem>>, vector<16xf32>,
          %get3A_262 = arith.index_cast %mul3A_253 : i32 to index
          %get3A_263 = tpu.vector_load %arg19[%get3A_262] {strides = array<i32>} : memref<4000xf32, #tpu.memory_space<vmem>>, vector<16xf32>,
          %get3A_264 = arith.index_cast %mul3A_253 : i32 to index
          %get3A_265 = tpu.vector_load %arg20[%get3A_264] {strides = array<i32>} : memref<4000xf32, #tpu.memory_space<vmem>>, vector<16xf32>,
          tpu.vector_store_idx %arg21[%get3A_255], %broadcast_in_dim3A_3 {add = true} : memref<24576xf32, #tpu.memory_space<vmem>>[vector<16xi32>], vector<16xf32>,
          %add3A_266 = arith.constant 4096 : i32
          %add3A_267 = vector.broadcast %add3A_266 : i32 to vector<16xi32>
          %add3A_268 = arith.addi %get3A_255, %add3A_267 : vector<16xi32>
          tpu.vector_store_idx %arg21[%add3A_268], %get3A_263 {add = true} : memref<24576xf32, #tpu.memory_space<vmem>>[vector<16xi32>], vector<16xf32>,
          %add3A_269 = arith.constant 8192 : i32
          %add3A_270 = vector.broadcast %add3A_269 : i32 to vector<16xi32>
          %add3A_271 = arith.addi %get3A_255, %add3A_270 : vector<16xi32>
          %mul3A_272 = arith.mulf %get3A_263, %get3A_257 : vector<16xf32>
          tpu.vector_store_idx %arg21[%add3A_271], %mul3A_272 {add = true} : memref<24576xf32, #tpu.memory_space<vmem>>[vector<16xi32>], vector<16xf32>,
          %add3A_273 = arith.constant 12288 : i32
          %add3A_274 = vector.broadcast %add3A_273 : i32 to vector<16xi32>
          %add3A_275 = arith.addi %get3A_255, %add3A_274 : vector<16xi32>
          %mul3A_276 = arith.mulf %get3A_263, %get3A_259 : vector<16xf32>
          tpu.vector_store_idx %arg21[%add3A_275], %mul3A_276 {add = true} : memref<24576xf32, #tpu.memory_space<vmem>>[vector<16xi32>], vector<16xf32>,
          %add3A_277 = arith.constant 16384 : i32
          %add3A_278 = vector.broadcast %add3A_277 : i32 to vector<16xi32>
          %add3A_279 = arith.addi %get3A_255, %add3A_278 : vector<16xi32>
          %mul3A_280 = arith.mulf %get3A_263, %get3A_261 : vector<16xf32>
          tpu.vector_store_idx %arg21[%add3A_279], %mul3A_280 {add = true} : memref<24576xf32, #tpu.memory_space<vmem>>[vector<16xi32>], vector<16xf32>,
          %add3A_281 = arith.constant 20480 : i32
          %add3A_282 = vector.broadcast %add3A_281 : i32 to vector<16xi32>
          %add3A_283 = arith.addi %get3A_255, %add3A_282 : vector<16xi32>
          %mul3A_284 = arith.mulf %get3A_263, %get3A_265 : vector<16xf32>
          tpu.vector_store_idx %arg21[%add3A_283], %mul3A_284 {add = true} : memref<24576xf32, #tpu.memory_space<vmem>>[vector<16xi32>], vector<16xf32>,
        }
        %scan3A_99 = arith.constant 50 : i32
      } else {
      }
    }
    %run_scoped3A = arith.constant 0 : i32
    "tpu.region"() ({
      %run_scoped3A_47 = tpu.sem_alloc : memref<!tpu.dma_semaphore, #tpu.memory_space<semaphore_mem>>
      %dma_start3A = arith.constant 0 : i32
      %dma_start3A_48 = tpu.memref_slice %arg21[%dma_start3A] : memref<24576xf32, #tpu.memory_space<vmem>> -> memref<4096xf32, #tpu.memory_space<vmem>>
      %dma_start3A_49 = arith.constant 0 : i32
      %dma_start3A_50 = tpu.memref_slice %arg8[%add3A, %run_scoped3A, %dma_start3A_49] : memref<32x6x4096xf32, #tpu.memory_space<hbm>> -> memref<1x1x4096xf32, #tpu.memory_space<hbm>>
      %dma_start3A_51 = tpu.memref_squeeze %dma_start3A_50 : memref<1x1x4096xf32, #tpu.memory_space<hbm>> -> memref<4096xf32, #tpu.memory_space<hbm>>
      %dma_start3A_52 = arith.constant 0 : i32
      %dma_start3A_53 = tpu.memref_slice %arg8[%add3A, %run_scoped3A, %dma_start3A_52] : memref<32x6x4096xf32, #tpu.memory_space<hbm>> -> memref<1x1x4096xf32, #tpu.memory_space<hbm>>
      %dma_start3A_54 = tpu.memref_squeeze %dma_start3A_53 : memref<1x1x4096xf32, #tpu.memory_space<hbm>> -> memref<4096xf32, #tpu.memory_space<hbm>>
      %dma_start3A_55 = arith.constant 0 : i32
      %dma_start3A_56 = tpu.memref_slice %arg21[%dma_start3A_55] : memref<24576xf32, #tpu.memory_space<vmem>> -> memref<4096xf32, #tpu.memory_space<vmem>>
      tpu.enqueue_dma source(%dma_start3A_56 : memref<4096xf32, #tpu.memory_space<vmem>>) target(%dma_start3A_54 : memref<4096xf32, #tpu.memory_space<hbm>>) target_semaphore(%run_scoped3A_47 : memref<!tpu.dma_semaphore, #tpu.memory_space<semaphore_mem>>)
      %dma_wait3A = arith.constant 0 : i32
      %dma_wait3A_57 = tpu.memref_slice %arg21[%dma_wait3A] : memref<24576xf32, #tpu.memory_space<vmem>> -> memref<4096xf32, #tpu.memory_space<vmem>>
      %dma_wait3A_58 = arith.constant 0 : i32
      %dma_wait3A_59 = tpu.memref_slice %arg8[%add3A, %run_scoped3A, %dma_wait3A_58] : memref<32x6x4096xf32, #tpu.memory_space<hbm>> -> memref<1x1x4096xf32, #tpu.memory_space<hbm>>
      %dma_wait3A_60 = tpu.memref_squeeze %dma_wait3A_59 : memref<1x1x4096xf32, #tpu.memory_space<hbm>> -> memref<4096xf32, #tpu.memory_space<hbm>>
      %dma_wait3A_61 = arith.constant 0 : i32
      %dma_wait3A_62 = tpu.memref_slice %arg8[%add3A, %run_scoped3A, %dma_wait3A_61] : memref<32x6x4096xf32, #tpu.memory_space<hbm>> -> memref<1x1x4096xf32, #tpu.memory_space<hbm>>
      %dma_wait3A_63 = tpu.memref_squeeze %dma_wait3A_62 : memref<1x1x4096xf32, #tpu.memory_space<hbm>> -> memref<4096xf32, #tpu.memory_space<hbm>>
      %dma_wait3A_64 = arith.constant 0 : i32
      %dma_wait3A_65 = tpu.memref_slice %arg21[%dma_wait3A_64] : memref<24576xf32, #tpu.memory_space<vmem>> -> memref<4096xf32, #tpu.memory_space<vmem>>
      tpu.wait_dma2 semaphore(%run_scoped3A_47 : memref<!tpu.dma_semaphore, #tpu.memory_space<semaphore_mem>>) src(%dma_wait3A_65 : memref<4096xf32, #tpu.memory_space<vmem>>) dst(%dma_wait3A_63 : memref<4096xf32, #tpu.memory_space<hbm>>)
      tpu.yield
    }) : () -> ()
    %run_scoped3A_42 = arith.constant 1 : i32
    "tpu.region"() ({
      %run_scoped3A_47 = tpu.sem_alloc : memref<!tpu.dma_semaphore, #tpu.memory_space<semaphore_mem>>
      %dma_start3A = arith.constant 4096 : i32
      %dma_start3A_48 = tpu.memref_slice %arg21[%dma_start3A] : memref<24576xf32, #tpu.memory_space<vmem>> -> memref<4096xf32, #tpu.memory_space<vmem>>
      %dma_start3A_49 = arith.constant 0 : i32
      %dma_start3A_50 = tpu.memref_slice %arg8[%add3A, %run_scoped3A_42, %dma_start3A_49] : memref<32x6x4096xf32, #tpu.memory_space<hbm>> -> memref<1x1x4096xf32, #tpu.memory_space<hbm>>
      %dma_start3A_51 = tpu.memref_squeeze %dma_start3A_50 : memref<1x1x4096xf32, #tpu.memory_space<hbm>> -> memref<4096xf32, #tpu.memory_space<hbm>>
      %dma_start3A_52 = arith.constant 0 : i32
      %dma_start3A_53 = tpu.memref_slice %arg8[%add3A, %run_scoped3A_42, %dma_start3A_52] : memref<32x6x4096xf32, #tpu.memory_space<hbm>> -> memref<1x1x4096xf32, #tpu.memory_space<hbm>>
      %dma_start3A_54 = tpu.memref_squeeze %dma_start3A_53 : memref<1x1x4096xf32, #tpu.memory_space<hbm>> -> memref<4096xf32, #tpu.memory_space<hbm>>
      %dma_start3A_55 = arith.constant 4096 : i32
      %dma_start3A_56 = tpu.memref_slice %arg21[%dma_start3A_55] : memref<24576xf32, #tpu.memory_space<vmem>> -> memref<4096xf32, #tpu.memory_space<vmem>>
      tpu.enqueue_dma source(%dma_start3A_56 : memref<4096xf32, #tpu.memory_space<vmem>>) target(%dma_start3A_54 : memref<4096xf32, #tpu.memory_space<hbm>>) target_semaphore(%run_scoped3A_47 : memref<!tpu.dma_semaphore, #tpu.memory_space<semaphore_mem>>)
      %dma_wait3A = arith.constant 4096 : i32
      %dma_wait3A_57 = tpu.memref_slice %arg21[%dma_wait3A] : memref<24576xf32, #tpu.memory_space<vmem>> -> memref<4096xf32, #tpu.memory_space<vmem>>
      %dma_wait3A_58 = arith.constant 0 : i32
      %dma_wait3A_59 = tpu.memref_slice %arg8[%add3A, %run_scoped3A_42, %dma_wait3A_58] : memref<32x6x4096xf32, #tpu.memory_space<hbm>> -> memref<1x1x4096xf32, #tpu.memory_space<hbm>>
      %dma_wait3A_60 = tpu.memref_squeeze %dma_wait3A_59 : memref<1x1x4096xf32, #tpu.memory_space<hbm>> -> memref<4096xf32, #tpu.memory_space<hbm>>
      %dma_wait3A_61 = arith.constant 0 : i32
      %dma_wait3A_62 = tpu.memref_slice %arg8[%add3A, %run_scoped3A_42, %dma_wait3A_61] : memref<32x6x4096xf32, #tpu.memory_space<hbm>> -> memref<1x1x4096xf32, #tpu.memory_space<hbm>>
      %dma_wait3A_63 = tpu.memref_squeeze %dma_wait3A_62 : memref<1x1x4096xf32, #tpu.memory_space<hbm>> -> memref<4096xf32, #tpu.memory_space<hbm>>
      %dma_wait3A_64 = arith.constant 4096 : i32
      %dma_wait3A_65 = tpu.memref_slice %arg21[%dma_wait3A_64] : memref<24576xf32, #tpu.memory_space<vmem>> -> memref<4096xf32, #tpu.memory_space<vmem>>
      tpu.wait_dma2 semaphore(%run_scoped3A_47 : memref<!tpu.dma_semaphore, #tpu.memory_space<semaphore_mem>>) src(%dma_wait3A_65 : memref<4096xf32, #tpu.memory_space<vmem>>) dst(%dma_wait3A_63 : memref<4096xf32, #tpu.memory_space<hbm>>)
      tpu.yield
    }) : () -> ()
    %run_scoped3A_43 = arith.constant 2 : i32
    "tpu.region"() ({
      %run_scoped3A_47 = tpu.sem_alloc : memref<!tpu.dma_semaphore, #tpu.memory_space<semaphore_mem>>
      %dma_start3A = arith.constant 8192 : i32
      %dma_start3A_48 = tpu.memref_slice %arg21[%dma_start3A] : memref<24576xf32, #tpu.memory_space<vmem>> -> memref<4096xf32, #tpu.memory_space<vmem>>
      %dma_start3A_49 = arith.constant 0 : i32
      %dma_start3A_50 = tpu.memref_slice %arg8[%add3A, %run_scoped3A_43, %dma_start3A_49] : memref<32x6x4096xf32, #tpu.memory_space<hbm>> -> memref<1x1x4096xf32, #tpu.memory_space<hbm>>
      %dma_start3A_51 = tpu.memref_squeeze %dma_start3A_50 : memref<1x1x4096xf32, #tpu.memory_space<hbm>> -> memref<4096xf32, #tpu.memory_space<hbm>>
      %dma_start3A_52 = arith.constant 0 : i32
      %dma_start3A_53 = tpu.memref_slice %arg8[%add3A, %run_scoped3A_43, %dma_start3A_52] : memref<32x6x4096xf32, #tpu.memory_space<hbm>> -> memref<1x1x4096xf32, #tpu.memory_space<hbm>>
      %dma_start3A_54 = tpu.memref_squeeze %dma_start3A_53 : memref<1x1x4096xf32, #tpu.memory_space<hbm>> -> memref<4096xf32, #tpu.memory_space<hbm>>
      %dma_start3A_55 = arith.constant 8192 : i32
      %dma_start3A_56 = tpu.memref_slice %arg21[%dma_start3A_55] : memref<24576xf32, #tpu.memory_space<vmem>> -> memref<4096xf32, #tpu.memory_space<vmem>>
      tpu.enqueue_dma source(%dma_start3A_56 : memref<4096xf32, #tpu.memory_space<vmem>>) target(%dma_start3A_54 : memref<4096xf32, #tpu.memory_space<hbm>>) target_semaphore(%run_scoped3A_47 : memref<!tpu.dma_semaphore, #tpu.memory_space<semaphore_mem>>)
      %dma_wait3A = arith.constant 8192 : i32
      %dma_wait3A_57 = tpu.memref_slice %arg21[%dma_wait3A] : memref<24576xf32, #tpu.memory_space<vmem>> -> memref<4096xf32, #tpu.memory_space<vmem>>
      %dma_wait3A_58 = arith.constant 0 : i32
      %dma_wait3A_59 = tpu.memref_slice %arg8[%add3A, %run_scoped3A_43, %dma_wait3A_58] : memref<32x6x4096xf32, #tpu.memory_space<hbm>> -> memref<1x1x4096xf32, #tpu.memory_space<hbm>>
      %dma_wait3A_60 = tpu.memref_squeeze %dma_wait3A_59 : memref<1x1x4096xf32, #tpu.memory_space<hbm>> -> memref<4096xf32, #tpu.memory_space<hbm>>
      %dma_wait3A_61 = arith.constant 0 : i32
      %dma_wait3A_62 = tpu.memref_slice %arg8[%add3A, %run_scoped3A_43, %dma_wait3A_61] : memref<32x6x4096xf32, #tpu.memory_space<hbm>> -> memref<1x1x4096xf32, #tpu.memory_space<hbm>>
      %dma_wait3A_63 = tpu.memref_squeeze %dma_wait3A_62 : memref<1x1x4096xf32, #tpu.memory_space<hbm>> -> memref<4096xf32, #tpu.memory_space<hbm>>
      %dma_wait3A_64 = arith.constant 8192 : i32
      %dma_wait3A_65 = tpu.memref_slice %arg21[%dma_wait3A_64] : memref<24576xf32, #tpu.memory_space<vmem>> -> memref<4096xf32, #tpu.memory_space<vmem>>
      tpu.wait_dma2 semaphore(%run_scoped3A_47 : memref<!tpu.dma_semaphore, #tpu.memory_space<semaphore_mem>>) src(%dma_wait3A_65 : memref<4096xf32, #tpu.memory_space<vmem>>) dst(%dma_wait3A_63 : memref<4096xf32, #tpu.memory_space<hbm>>)
      tpu.yield
    }) : () -> ()
    %run_scoped3A_44 = arith.constant 3 : i32
    "tpu.region"() ({
      %run_scoped3A_47 = tpu.sem_alloc : memref<!tpu.dma_semaphore, #tpu.memory_space<semaphore_mem>>
      %dma_start3A = arith.constant 12288 : i32
      %dma_start3A_48 = tpu.memref_slice %arg21[%dma_start3A] : memref<24576xf32, #tpu.memory_space<vmem>> -> memref<4096xf32, #tpu.memory_space<vmem>>
      %dma_start3A_49 = arith.constant 0 : i32
      %dma_start3A_50 = tpu.memref_slice %arg8[%add3A, %run_scoped3A_44, %dma_start3A_49] : memref<32x6x4096xf32, #tpu.memory_space<hbm>> -> memref<1x1x4096xf32, #tpu.memory_space<hbm>>
      %dma_start3A_51 = tpu.memref_squeeze %dma_start3A_50 : memref<1x1x4096xf32, #tpu.memory_space<hbm>> -> memref<4096xf32, #tpu.memory_space<hbm>>
      %dma_start3A_52 = arith.constant 0 : i32
      %dma_start3A_53 = tpu.memref_slice %arg8[%add3A, %run_scoped3A_44, %dma_start3A_52] : memref<32x6x4096xf32, #tpu.memory_space<hbm>> -> memref<1x1x4096xf32, #tpu.memory_space<hbm>>
      %dma_start3A_54 = tpu.memref_squeeze %dma_start3A_53 : memref<1x1x4096xf32, #tpu.memory_space<hbm>> -> memref<4096xf32, #tpu.memory_space<hbm>>
      %dma_start3A_55 = arith.constant 12288 : i32
      %dma_start3A_56 = tpu.memref_slice %arg21[%dma_start3A_55] : memref<24576xf32, #tpu.memory_space<vmem>> -> memref<4096xf32, #tpu.memory_space<vmem>>
      tpu.enqueue_dma source(%dma_start3A_56 : memref<4096xf32, #tpu.memory_space<vmem>>) target(%dma_start3A_54 : memref<4096xf32, #tpu.memory_space<hbm>>) target_semaphore(%run_scoped3A_47 : memref<!tpu.dma_semaphore, #tpu.memory_space<semaphore_mem>>)
      %dma_wait3A = arith.constant 12288 : i32
      %dma_wait3A_57 = tpu.memref_slice %arg21[%dma_wait3A] : memref<24576xf32, #tpu.memory_space<vmem>> -> memref<4096xf32, #tpu.memory_space<vmem>>
      %dma_wait3A_58 = arith.constant 0 : i32
      %dma_wait3A_59 = tpu.memref_slice %arg8[%add3A, %run_scoped3A_44, %dma_wait3A_58] : memref<32x6x4096xf32, #tpu.memory_space<hbm>> -> memref<1x1x4096xf32, #tpu.memory_space<hbm>>
      %dma_wait3A_60 = tpu.memref_squeeze %dma_wait3A_59 : memref<1x1x4096xf32, #tpu.memory_space<hbm>> -> memref<4096xf32, #tpu.memory_space<hbm>>
      %dma_wait3A_61 = arith.constant 0 : i32
      %dma_wait3A_62 = tpu.memref_slice %arg8[%add3A, %run_scoped3A_44, %dma_wait3A_61] : memref<32x6x4096xf32, #tpu.memory_space<hbm>> -> memref<1x1x4096xf32, #tpu.memory_space<hbm>>
      %dma_wait3A_63 = tpu.memref_squeeze %dma_wait3A_62 : memref<1x1x4096xf32, #tpu.memory_space<hbm>> -> memref<4096xf32, #tpu.memory_space<hbm>>
      %dma_wait3A_64 = arith.constant 12288 : i32
      %dma_wait3A_65 = tpu.memref_slice %arg21[%dma_wait3A_64] : memref<24576xf32, #tpu.memory_space<vmem>> -> memref<4096xf32, #tpu.memory_space<vmem>>
      tpu.wait_dma2 semaphore(%run_scoped3A_47 : memref<!tpu.dma_semaphore, #tpu.memory_space<semaphore_mem>>) src(%dma_wait3A_65 : memref<4096xf32, #tpu.memory_space<vmem>>) dst(%dma_wait3A_63 : memref<4096xf32, #tpu.memory_space<hbm>>)
      tpu.yield
    }) : () -> ()
    %run_scoped3A_45 = arith.constant 4 : i32
    "tpu.region"() ({
      %run_scoped3A_47 = tpu.sem_alloc : memref<!tpu.dma_semaphore, #tpu.memory_space<semaphore_mem>>
      %dma_start3A = arith.constant 16384 : i32
      %dma_start3A_48 = tpu.memref_slice %arg21[%dma_start3A] : memref<24576xf32, #tpu.memory_space<vmem>> -> memref<4096xf32, #tpu.memory_space<vmem>>
      %dma_start3A_49 = arith.constant 0 : i32
      %dma_start3A_50 = tpu.memref_slice %arg8[%add3A, %run_scoped3A_45, %dma_start3A_49] : memref<32x6x4096xf32, #tpu.memory_space<hbm>> -> memref<1x1x4096xf32, #tpu.memory_space<hbm>>
      %dma_start3A_51 = tpu.memref_squeeze %dma_start3A_50 : memref<1x1x4096xf32, #tpu.memory_space<hbm>> -> memref<4096xf32, #tpu.memory_space<hbm>>
      %dma_start3A_52 = arith.constant 0 : i32
      %dma_start3A_53 = tpu.memref_slice %arg8[%add3A, %run_scoped3A_45, %dma_start3A_52] : memref<32x6x4096xf32, #tpu.memory_space<hbm>> -> memref<1x1x4096xf32, #tpu.memory_space<hbm>>
      %dma_start3A_54 = tpu.memref_squeeze %dma_start3A_53 : memref<1x1x4096xf32, #tpu.memory_space<hbm>> -> memref<4096xf32, #tpu.memory_space<hbm>>
      %dma_start3A_55 = arith.constant 16384 : i32
      %dma_start3A_56 = tpu.memref_slice %arg21[%dma_start3A_55] : memref<24576xf32, #tpu.memory_space<vmem>> -> memref<4096xf32, #tpu.memory_space<vmem>>
      tpu.enqueue_dma source(%dma_start3A_56 : memref<4096xf32, #tpu.memory_space<vmem>>) target(%dma_start3A_54 : memref<4096xf32, #tpu.memory_space<hbm>>) target_semaphore(%run_scoped3A_47 : memref<!tpu.dma_semaphore, #tpu.memory_space<semaphore_mem>>)
      %dma_wait3A = arith.constant 16384 : i32
      %dma_wait3A_57 = tpu.memref_slice %arg21[%dma_wait3A] : memref<24576xf32, #tpu.memory_space<vmem>> -> memref<4096xf32, #tpu.memory_space<vmem>>
      %dma_wait3A_58 = arith.constant 0 : i32
      %dma_wait3A_59 = tpu.memref_slice %arg8[%add3A, %run_scoped3A_45, %dma_wait3A_58] : memref<32x6x4096xf32, #tpu.memory_space<hbm>> -> memref<1x1x4096xf32, #tpu.memory_space<hbm>>
      %dma_wait3A_60 = tpu.memref_squeeze %dma_wait3A_59 : memref<1x1x4096xf32, #tpu.memory_space<hbm>> -> memref<4096xf32, #tpu.memory_space<hbm>>
      %dma_wait3A_61 = arith.constant 0 : i32
      %dma_wait3A_62 = tpu.memref_slice %arg8[%add3A, %run_scoped3A_45, %dma_wait3A_61] : memref<32x6x4096xf32, #tpu.memory_space<hbm>> -> memref<1x1x4096xf32, #tpu.memory_space<hbm>>
      %dma_wait3A_63 = tpu.memref_squeeze %dma_wait3A_62 : memref<1x1x4096xf32, #tpu.memory_space<hbm>> -> memref<4096xf32, #tpu.memory_space<hbm>>
      %dma_wait3A_64 = arith.constant 16384 : i32
      %dma_wait3A_65 = tpu.memref_slice %arg21[%dma_wait3A_64] : memref<24576xf32, #tpu.memory_space<vmem>> -> memref<4096xf32, #tpu.memory_space<vmem>>
      tpu.wait_dma2 semaphore(%run_scoped3A_47 : memref<!tpu.dma_semaphore, #tpu.memory_space<semaphore_mem>>) src(%dma_wait3A_65 : memref<4096xf32, #tpu.memory_space<vmem>>) dst(%dma_wait3A_63 : memref<4096xf32, #tpu.memory_space<hbm>>)
      tpu.yield
    }) : () -> ()
    %run_scoped3A_46 = arith.constant 5 : i32
    "tpu.region"() ({
      %run_scoped3A_47 = tpu.sem_alloc : memref<!tpu.dma_semaphore, #tpu.memory_space<semaphore_mem>>
      %dma_start3A = arith.constant 20480 : i32
      %dma_start3A_48 = tpu.memref_slice %arg21[%dma_start3A] : memref<24576xf32, #tpu.memory_space<vmem>> -> memref<4096xf32, #tpu.memory_space<vmem>>
      %dma_start3A_49 = arith.constant 0 : i32
      %dma_start3A_50 = tpu.memref_slice %arg8[%add3A, %run_scoped3A_46, %dma_start3A_49] : memref<32x6x4096xf32, #tpu.memory_space<hbm>> -> memref<1x1x4096xf32, #tpu.memory_space<hbm>>
      %dma_start3A_51 = tpu.memref_squeeze %dma_start3A_50 : memref<1x1x4096xf32, #tpu.memory_space<hbm>> -> memref<4096xf32, #tpu.memory_space<hbm>>
      %dma_start3A_52 = arith.constant 0 : i32
      %dma_start3A_53 = tpu.memref_slice %arg8[%add3A, %run_scoped3A_46, %dma_start3A_52] : memref<32x6x4096xf32, #tpu.memory_space<hbm>> -> memref<1x1x4096xf32, #tpu.memory_space<hbm>>
      %dma_start3A_54 = tpu.memref_squeeze %dma_start3A_53 : memref<1x1x4096xf32, #tpu.memory_space<hbm>> -> memref<4096xf32, #tpu.memory_space<hbm>>
      %dma_start3A_55 = arith.constant 20480 : i32
      %dma_start3A_56 = tpu.memref_slice %arg21[%dma_start3A_55] : memref<24576xf32, #tpu.memory_space<vmem>> -> memref<4096xf32, #tpu.memory_space<vmem>>
      tpu.enqueue_dma source(%dma_start3A_56 : memref<4096xf32, #tpu.memory_space<vmem>>) target(%dma_start3A_54 : memref<4096xf32, #tpu.memory_space<hbm>>) target_semaphore(%run_scoped3A_47 : memref<!tpu.dma_semaphore, #tpu.memory_space<semaphore_mem>>)
      %dma_wait3A = arith.constant 20480 : i32
      %dma_wait3A_57 = tpu.memref_slice %arg21[%dma_wait3A] : memref<24576xf32, #tpu.memory_space<vmem>> -> memref<4096xf32, #tpu.memory_space<vmem>>
      %dma_wait3A_58 = arith.constant 0 : i32
      %dma_wait3A_59 = tpu.memref_slice %arg8[%add3A, %run_scoped3A_46, %dma_wait3A_58] : memref<32x6x4096xf32, #tpu.memory_space<hbm>> -> memref<1x1x4096xf32, #tpu.memory_space<hbm>>
      %dma_wait3A_60 = tpu.memref_squeeze %dma_wait3A_59 : memref<1x1x4096xf32, #tpu.memory_space<hbm>> -> memref<4096xf32, #tpu.memory_space<hbm>>
      %dma_wait3A_61 = arith.constant 0 : i32
      %dma_wait3A_62 = tpu.memref_slice %arg8[%add3A, %run_scoped3A_46, %dma_wait3A_61] : memref<32x6x4096xf32, #tpu.memory_space<hbm>> -> memref<1x1x4096xf32, #tpu.memory_space<hbm>>
      %dma_wait3A_63 = tpu.memref_squeeze %dma_wait3A_62 : memref<1x1x4096xf32, #tpu.memory_space<hbm>> -> memref<4096xf32, #tpu.memory_space<hbm>>
      %dma_wait3A_64 = arith.constant 20480 : i32
      %dma_wait3A_65 = tpu.memref_slice %arg21[%dma_wait3A_64] : memref<24576xf32, #tpu.memory_space<vmem>> -> memref<4096xf32, #tpu.memory_space<vmem>>
      tpu.wait_dma2 semaphore(%run_scoped3A_47 : memref<!tpu.dma_semaphore, #tpu.memory_space<semaphore_mem>>) src(%dma_wait3A_65 : memref<4096xf32, #tpu.memory_space<vmem>>) dst(%dma_wait3A_63 : memref<4096xf32, #tpu.memory_space<hbm>>)
      tpu.yield
    }) : () -> ()
    return
  }
}

module attributes {stable_mosaic.version = 14 : i64} {
  func.func @_prep_body(%arg0: i32, %arg1: memref<2x131072xf32, #tpu.memory_space<vmem>>, %arg2: memref<3x131072xf32, #tpu.memory_space<vmem>>, %arg3: memref<131072xi32, #tpu.memory_space<vmem>>, %arg4: memref<131072xf32, #tpu.memory_space<vmem>>, %arg5: memref<131072xf32, #tpu.memory_space<vmem>>, %arg6: memref<131072xf32, #tpu.memory_space<vmem>>) attributes {dimension_semantics = [#tpu.dimension_semantics<arbitrary>], iteration_bounds = array<i64: 8>, scalar_prefetch = 0 : i64, scratch_operands = 0 : i64, tpu.core_type = #tpu.core_type<tc>, window_params = [{transform_indices = @transform_0, window_bounds = array<i64: 2, 131072>}, {transform_indices = @transform_1, window_bounds = array<i64: 3, 131072>}, {transform_indices = @transform_2, window_bounds = array<i64: 131072>}, {transform_indices = @transform_3, window_bounds = array<i64: 131072>}, {transform_indices = @transform_4, window_bounds = array<i64: 131072>}, {transform_indices = @transform_5, window_bounds = array<i64: 131072>}]} {
    %get3A = arith.constant 0 : index
    %get3A_0 = arith.constant 0 : index
    %get3A_1 = vector.load %arg1[%get3A, %get3A_0] : memref<2x131072xf32, #tpu.memory_space<vmem>>, vector<1x131072xf32>
    %get3A_2 = vector.shape_cast %get3A_1 : vector<1x131072xf32> to vector<131072xf32>
    %get3A_3 = arith.constant 1 : index
    %get3A_4 = arith.constant 0 : index
    %get3A_5 = vector.load %arg1[%get3A_3, %get3A_4] : memref<2x131072xf32, #tpu.memory_space<vmem>>, vector<1x131072xf32>
    %get3A_6 = vector.shape_cast %get3A_5 : vector<1x131072xf32> to vector<131072xf32>
    %mul3A = arith.constant 6.250000e-02 : f32
    %mul3A_7 = vector.broadcast %mul3A : f32 to vector<131072xf32>
    %mul3A_8 = arith.mulf %get3A_2, %mul3A_7 : vector<131072xf32>
    %convert_element_type3A = arith.fptosi %mul3A_8 : vector<131072xf32> to vector<131072xi32>
    %mul3A_9 = arith.constant 6.250000e-02 : f32
    %mul3A_10 = vector.broadcast %mul3A_9 : f32 to vector<131072xf32>
    %mul3A_11 = arith.mulf %get3A_6, %mul3A_10 : vector<131072xf32>
    %convert_element_type3A_12 = arith.fptosi %mul3A_11 : vector<131072xf32> to vector<131072xi32>
    %shift_left3A = arith.constant 6 : i32
    %shift_left3A_13 = vector.broadcast %shift_left3A : i32 to vector<131072xi32>
    %shift_left3A_14 = arith.shli %convert_element_type3A_12, %shift_left3A_13 : vector<131072xi32>
    %or3A = arith.ori %shift_left3A_14, %convert_element_type3A : vector<131072xi32>
    %and3A = arith.constant 4095 : i32
    %and3A_15 = vector.broadcast %and3A : i32 to vector<131072xi32>
    %and3A_16 = arith.andi %or3A, %and3A_15 : vector<131072xi32>
    %swap3A = arith.constant 0 : index
    %swap3A_17 = vector.load %arg3[%swap3A] : memref<131072xi32, #tpu.memory_space<vmem>>, vector<131072xi32>
    tpu.vector_store %arg3[%swap3A], %and3A_16 {strides = array<i32>} : memref<131072xi32, #tpu.memory_space<vmem>>, vector<131072xi32>,
    %get3A_18 = arith.constant 0 : index
    %get3A_19 = arith.constant 0 : index
    %get3A_20 = vector.load %arg2[%get3A_18, %get3A_19] : memref<3x131072xf32, #tpu.memory_space<vmem>>, vector<1x131072xf32>
    %get3A_21 = vector.shape_cast %get3A_20 : vector<1x131072xf32> to vector<131072xf32>
    %swap3A_22 = arith.constant 0 : index
    %swap3A_23 = vector.load %arg4[%swap3A_22] : memref<131072xf32, #tpu.memory_space<vmem>>, vector<131072xf32>
    tpu.vector_store %arg4[%swap3A_22], %get3A_21 {strides = array<i32>} : memref<131072xf32, #tpu.memory_space<vmem>>, vector<131072xf32>,
    %get3A_24 = arith.constant 1 : index
    %get3A_25 = arith.constant 0 : index
    %get3A_26 = vector.load %arg2[%get3A_24, %get3A_25] : memref<3x131072xf32, #tpu.memory_space<vmem>>, vector<1x131072xf32>
    %get3A_27 = vector.shape_cast %get3A_26 : vector<1x131072xf32> to vector<131072xf32>
    %swap3A_28 = arith.constant 0 : index
    %swap3A_29 = vector.load %arg5[%swap3A_28] : memref<131072xf32, #tpu.memory_space<vmem>>, vector<131072xf32>
    tpu.vector_store %arg5[%swap3A_28], %get3A_27 {strides = array<i32>} : memref<131072xf32, #tpu.memory_space<vmem>>, vector<131072xf32>,
    %get3A_30 = arith.constant 2 : index
    %get3A_31 = arith.constant 0 : index
    %get3A_32 = vector.load %arg2[%get3A_30, %get3A_31] : memref<3x131072xf32, #tpu.memory_space<vmem>>, vector<1x131072xf32>
    %get3A_33 = vector.shape_cast %get3A_32 : vector<1x131072xf32> to vector<131072xf32>
    %swap3A_34 = arith.constant 0 : index
    %swap3A_35 = vector.load %arg6[%swap3A_34] : memref<131072xf32, #tpu.memory_space<vmem>>, vector<131072xf32>
    tpu.vector_store %arg6[%swap3A_34], %get3A_33 {strides = array<i32>} : memref<131072xf32, #tpu.memory_space<vmem>>, vector<131072xf32>,
    return
  }
  func.func @transform_0(%arg0: i32) -> (i32, i32) {
    %c0_i32 = arith.constant 0 : i32
    %c0_i32_0 = arith.constant 0 : i32
    return %c0_i32, %arg0 : i32, i32
  }
  func.func @transform_1(%arg0: i32) -> (i32, i32) {
    %c0_i32 = arith.constant 0 : i32
    %c0_i32_0 = arith.constant 0 : i32
    return %c0_i32, %arg0 : i32, i32
  }
  func.func @transform_2(%arg0: i32) -> i32 {
    %c0_i32 = arith.constant 0 : i32
    return %arg0 : i32
  }
  func.func @transform_3(%arg0: i32) -> i32 {
    %c0_i32 = arith.constant 0 : i32
    return %arg0 : i32
  }
  func.func @transform_4(%arg0: i32) -> i32 {
    %c0_i32 = arith.constant 0 : i32
    return %arg0 : i32
  }
  func.func @transform_5(%arg0: i32) -> i32 {
    %c0_i32 = arith.constant 0 : i32
    return %arg0 : i32
  }
}

</mosaic_0001>

<sc_bundles>
// kernel: kernel.5.cloned.1.call-start
scs
__scs_entry_jumppad:
0x0: {  	(pc) =	sbr.rel $0x88, $3  }
0x1: {  	(tag) =	ssettag $0x0;
	lr =	simm.s32 $0x1  }
0x2: {  	[smem:$0x3F9D] =	sst lr;
	_ =	strace $0xD0000000  }
0x3: {  	_ = 	snop  }
0x4: {  	_ = 	snop  }
0x5: {  	_ = 	snop  }
0x6: {  	_ = 	snop  }
0x7: {  	_ = 	snop  }
__scs_overlays_trampoline_lowered:
0x8: {  	[smem:$0x3FAC] =	sst s0  }
0x9: {  	[smem:$0x3FAD] =	sst s1  }
0xa: {  	[smem:$0x3FAE] =	sst s2  }
0xb: {  	[smem:$0x3FAF] =	sst s3  }
0xc: {  	[smem:$0x3FB0] =	sst s4  }
0xd: {  	[smem:$0x3FB1] =	sst s5  }
0xe: {  	[smem:$0x3FB2] =	sst s6  }
0xf: {  	[smem:$0x3FB3] =	sst s7  }
0x10: {  	[smem:$0x3FB4] =	sst s8  }
0x11: {  	[smem:$0x3FB5] =	sst s9;
	s0 =	simm.s32 @!p0 $0x0  }
0x12: {  	s1 =	sld [smem:$0x3F9B];
	s0 =	simm.s32 @p0 $0x1  }
0x13: {  	[smem:$0x3FB6] =	sst s0;
	s0 =	simm.s32 @!p1 $0x0  }
0x14: {  	s2 =	sld [smem:$0x3F9A];
	s0 =	simm.s32 @p1 $0x1  }
0x15: {  	[smem:$0x3FB7] =	sst s0;
	s0 =	simm.s32 @!p2 $0x0  }
0x16: {  	s3 =	sld [smem:$0x3FDB];
	s0 =	simm.s32 @p2 $0x1  }
0x17: {  	s4 =	simm.s32 $0x1BF5;
	[smem:$0x3FB9] =	sst s0  }
0x18: {  	s0 =	sld [smem:$0x3F9C];
	_ =	swait.ge [sflag:s4], $0x0  }
0x19: {  	s7 =	sld [smem:$0x3F9D]  }
0x1a: {  	s8 =	sadd.s32 $0xFFFFE003, lr  }
0x1b: {  	s9 =	sadd.s32 $0xFFFFFEF7, lr;
	s5 =	simm.s32 $0xFFFFFFFF;
	p2 =	slt.u32 s8, $0xFFFFF086  }
0x1c: {  	p1 =	slt.u32 s9, $0xF7A;
	s5 =	simm.s32 @!p2 $0x0  }
0x1d: {  	s5 =	simm.s32 @p1 $0x1;
	p0 =	seq.s32 s7, s2  }
0x1e: {  	s7 =	smul.u32 @!p0 $0xF7A, s2;
	p2 =	seq.s32 @!p0 s5, $0x0  }
0x1f: {  	s9 =	smul.u32 $0xF7A, s1;
	s8 =	simm.s32 @!p0 $0x1BF5;
	p2 =	por !p2, p0  }
0x20: {  	[sflag:s8] =	ssyncset.s32 @!p0 $0xFFFFF086;
	s6 =	sadd.s32 @!p0 s3, s7;
	s7 =	simm.s32 @!p0 $0x108  }
0x21: {  	s3 =	sadd.s32 s3, s9;
	s6 =	sadd.s32 @!p0 $0x88, s6;
	s7 =	simm.s32 @p2 $0x1082  }
0x22: {  	[simem:s7], [sflag:s8] =	dma.local @!p0 [hbm:s6], $0xF7A  }
0x23: {  	s9 =	sor.u32 $0xD0000000, s2;
	s6 =	simm.s32 $0x108;
	_ =	swait.ge @!p0 [sflag:s8], $0x0  }
0x24: {  	s3 =	sadd.s32 $0x88, s3;
	s6 =	simm.s32 @!p1 $0x1082;
	[sflag:s4] =	ssyncset.s32 $0xFFFFF086  }
0x25: {  	[simem:s6], [sflag:s4] =	dma.local [hbm:s3], $0xF7A  }
0x26: {  	[smem:$0x3F9D] =	sst s1;
	(tag) =	ssettag s2;
	_ =	strace s9  }
0x27: {  	s1 =	sld [smem:$0x3FAD]  }
0x28: {  	s2 =	sld [smem:$0x3FAE]  }
0x29: {  	s4 =	sld [smem:$0x3FB0]  }
0x2a: {  	p0 =	seq.s32 s5, $0x0;
	s5 =	sld [smem:$0x3FB1]  }
0x2b: {  	s6 =	sld [smem:$0x3FB2]  }
0x2c: {  	s7 =	sld [smem:$0x3FB3]  }
0x2d: {  	s3 =	simm.s32 $0x108;
	s8 =	sld [smem:$0x3FB4]  }
0x2e: {  	s3 =	simm.s32 @!p0 $0x1082;
	s9 =	sld [smem:$0x3FB5]  }
0x2f: {  	lr =	sadd.s32 s0, s3;
	s0 =	sld [smem:$0x3FAC]  }
0x30: {  	s3 =	sld [smem:$0x3FAF]  }
0x31: {  	[smem:$0x3FB8] =	sst s10  }
0x32: {  	s10 =	sld [smem:$0x3FB6];
	_ =	sdelay $0x3  }
0x33: {  	p0 =	seq.s32 s10, $0x1;
	s10 =	sld [smem:$0x3FB8];
	_ =	sdelay $0x3  }
0x34: {  	[smem:$0x3FB8] =	sst s10  }
0x35: {  	s10 =	sld [smem:$0x3FB7];
	_ =	sdelay $0x3  }
0x36: {  	p1 =	seq.s32 s10, $0x1;
	s10 =	sld [smem:$0x3FB8];
	_ =	sdelay $0x3  }
0x37: {  	[smem:$0x3FB8] =	sst s10  }
0x38: {  	s10 =	sld [smem:$0x3FB9]  }
0x39: {  	_ = 	snop;
	(pc) =	sbr.ind lr, $3  }
0x3a: {  	_ = 	snop  }
0x3b: {  	_ = 	snop  }
0x3c: {  	p2 =	seq.s32 s10, $0x1;
	s10 =	sld [smem:$0x3FB8]  }
0x3d: {  	_ =	shalt  }
0x3e: {  	_ =	shalt  }
0x3f: {  	_ =	shalt  }
0x40: {  	_ =	shalt  }
0x41: {  	_ =	shalt  }
0x42: {  	_ =	shalt  }
0x43: {  	_ =	shalt  }
0x44: {  	_ =	shalt  }
0x45: {  	_ =	shalt  }
0x46: {  	_ =	shalt  }
0x47: {  	_ =	shalt  }
0x48: {  	_ =	shalt  }
0x49: {  	_ =	shalt  }
0x4a: {  	_ =	shalt  }
0x4b: {  	_ =	shalt  }
0x4c: {  	_ =	shalt  }
0x4d: {  	_ =	shalt  }
0x4e: {  	_ =	shalt  }
0x4f: {  	_ =	shalt  }
0x50: {  	_ =	shalt  }
0x51: {  	_ =	shalt  }
0x52: {  	_ =	shalt  }
0x53: {  	_ =	shalt  }
0x54: {  	_ =	shalt  }
0x55: {  	_ =	shalt  }
0x56: {  	_ =	shalt  }
0x57: {  	_ =	shalt  }
0x58: {  	_ =	shalt  }
0x59: {  	_ =	shalt  }
0x5a: {  	_ =	shalt  }
0x5b: {  	_ =	shalt  }
0x5c: {  	_ =	shalt  }
0x5d: {  	_ =	shalt  }
0x5e: {  	_ =	shalt  }
0x5f: {  	_ =	shalt  }
0x60: {  	_ =	shalt  }
0x61: {  	_ =	shalt  }
0x62: {  	_ =	shalt  }
0x63: {  	_ =	shalt  }
0x64: {  	_ =	shalt  }
0x65: {  	_ =	shalt  }
0x66: {  	_ =	shalt  }
0x67: {  	_ =	shalt  }
0x68: {  	_ =	shalt  }
0x69: {  	_ =	shalt  }
0x6a: {  	_ =	shalt  }
0x6b: {  	_ =	shalt  }
0x6c: {  	_ =	shalt  }
0x6d: {  	_ =	shalt  }
0x6e: {  	_ =	shalt  }
0x6f: {  	_ =	shalt  }
0x70: {  	_ =	shalt  }
0x71: {  	_ =	shalt  }
0x72: {  	_ =	shalt  }
0x73: {  	_ =	shalt  }
0x74: {  	_ =	shalt  }
0x75: {  	_ =	shalt  }
0x76: {  	_ =	shalt  }
0x77: {  	_ =	shalt  }
0x78: {  	_ =	shalt  }
0x79: {  	_ =	shalt  }
0x7a: {  	_ =	shalt  }
0x7b: {  	_ =	shalt  }
0x7c: {  	_ =	shalt  }
0x7d: {  	_ =	shalt  }
0x7e: {  	_ =	shalt  }
0x7f: {  	_ =	shalt  }
0x80: {  	_ =	shalt  }
0x81: {  	_ =	shalt  }
0x82: {  	_ =	shalt  }
0x83: {  	_ =	shalt  }
0x84: {  	_ =	shalt  }
0x85: {  	_ =	shalt  }
0x86: {  	_ =	shalt  }
0x87: {  	_ =	shalt  }
.Lfunc_end0:
.L_simem_size_0:
called_computation_lowered:
.L_overlay_start_0:
0x88: {  	s2 =	sld [smem:$0x3FD9]  }
0x89: {  	s3 =	sld [smem:$0x3FFE];
	_ =	sdelay $0x1  }
0x8a: {  	s1 =	srdreg.scid  }
0x8b: {  	s0 =	sand.u32 $0x1, s1  }
0x8c: {  	s17 =	sshll.u32 s0, $0xA;
	s2 =	sadd.s32 s3, s2  }
0x8d: {  	s2 =	sadd.s32 s2, s17  }
0x8e: {  	[smem:$0x3FC4] =	sst s2  }
0x8f: {  	_ = 	snop  }
0x90: {  	s2 =	sld [smem:$0x3FC8]  }
0x91: {  	s18 =	sld [smem:$0x3FC6];
	(tm) =	ssettm $0x1  }
0x92: {  	s4 =	sld [smem:$0x3FFB];
	_ =	sdelay $0x3  }
0x93: {  	_ =	strace s4  }
0x94: {  	s4 =	sld [smem:$0x3FFC];
	_ =	sdelay $0x3  }
0x95: {  	_ =	strace s4  }
0x96: {  	s4 =	sld [smem:$0x3FFD];
	_ =	sdelay $0x3  }
0x97: {  	_ =	strace s4  }
0x98: {  	_ =	strace $0x8FFFFFFF  }
0x99: {  	s19 =	sld [smem:$0x3FDB];
	_ =	sdelay $0x1  }
0x9a: {  	s5 =	simm.s32 $_scs_section_size  }
0x9b: {  	s6 =	simm.s32 $_size__tile_overlayer_lowered;
	s7 =	simm.s32 $_tile_overlayer_lowered  }
0x9c: {  	s22 =	simm.s32 $0x1BFF;
	s21 =	sshll.u32 s7, $0x1;
	s4 =	sadd.s32 s5, s19  }
0x9d: {  	s8 =	simm.s32 $0x0;
	s20 =	sshll.u32 s6, $0x1;
	s6 =	sadd.s32 s21, s4  }
0x9e: {  	[timem:s8], [sflag:s22] =	dma.local [hbm:s6], s20  }
0x9f: {  	_ =	swait.ge [sflag:s22], s20  }
0xa0: {  	s5 =	ssub.s32 $0x0, s20;
	[sflag:s22] =	ssyncset.done $0x0  }
0xa1: {  	[sflag:s22] =	ssyncadd.s32 s5;
	_ =	sdelay $0x1  }
0xa2: {  	s23 =	simm.s32 $0x1B8B  }
0xa3: {  	_ =	swait.ge [sflag:s23], $0x1  }
0xa4: {  	[sflag:s23] =	ssyncset.done $0x0  }
0xa5: {  	s25 =	simm.s32 $0x1B8E;
	s24 =	sld [smem:$0x3FFE];
	[sflag:s23] =	ssyncadd.s32 $0xFFFFFFFF  }
0xa6: {  	s26 =	simm.s32 $execute0_lowered;
	[smem:$0x3FD2] =	sst s25  }
0xa7: {  	s6 =	sshll.u32 s26, $0x1;
	_ =	strace $0x80000046;
	[dreg:$0x1] =	wrdreg $0xFFFFFFFF  }
0xa8: {  	s28 =	simm.s32 $_size_execute0_lowered;
	s4 =	sadd.s32 s4, s6;
	[dreg:$0x0] =	wrdreg $0x0  }
0xa9: {  	s6 =	sshll.u32 s28, $0x1;
	[dreg:$0x2] =	wrdreg s4  }
0xaa: {  	[dreg:$0x3] =	wrdreg s6  }
0xab: {  	[dreg:$0x4] =	wrdreg $0xC0  }
0xac: {  	_ =	task [dreg:s8], $0x5FFFF  }
0xad: {  	[dreg:$0x1] =	wrdreg $0xFFFFFFFF  }
0xae: {  	[dreg:$0x0] =	wrdreg $0x60  }
0xaf: {  	[dreg:$0x2] =	wrdreg s24  }
0xb0: {  	[dreg:$0x3] =	wrdreg s2  }
0xb1: {  	[dreg:$0x4] =	wrdreg s18  }
0xb2: {  	[dreg:$0x5] =	wrdreg $0x9  }
0xb3: {  	_ =	task.clear_ibuf [dreg:s8], $0x6FFFF;
	_ =	strace $0x90000046  }
0xb4: {  	s29 =	simm.s32 $0x9;
	_ =	strace $0x80000048  }
0xb5: {  	_ =	swait.ge [sflag:s29], $0x1  }
0xb6: {  	[sflag:s29] =	ssyncadd.s32 $0xFFFFFFFF  }
0xb7: {  	_ =	strace $0x90000048  }
0xb8: {  	_ =	sfence  }
0xb9: {  	s30 =	sld [smem:$0x0];
	_ =	sdelay $0x2  }
0xba: {  	s31 =	sshll.u32 s1, $0xD;
	s1 =	sshrl.u32 s1, $0x2  }
0xbb: {  	s3 =	sand.u32 $0x4000, s31;
	s1 =	sadd.s32 s1, s30  }
0xbc: {  	s0 =	sor.u32 s3, s0;
	s1 =	sshll.u32 s1, $0x11  }
0xbd: {  	s0 =	sor.u32 s1, s0  }
0xbe: {  	s0 =	sadd.s32 $0x8F2B, s0  }
0xbf: {  	[sflag:s0] =	ssyncadd.remote.s32 $0x1  }
0xc0: {  	_ =	sfence.sel $0xFFFF  }
0xc1: {  	[dreg:$0x0] =	wrdreg $0xFFFFFFFF;
	(pc) =	sbr.abs _section_cstart, $3  }
0xc2: {  	[dreg:$0x1] =	wrdreg $0xFFFFFFFF  }
0xc3: {  	_ =	task.clear_ibuf [dreg:s8], $0x2FFFF;
	_ =	strace $0x9FFFFFFF  }
0xc4: {  	(tm) =	ssettm $0x7FFFFFFF  }
0xc5: {  	_ =	shalt  }
tec
execute0_lowered:
.L_overlay_start_1:
0x0: {  	(tag) =	ssettag $0x1  }
0x1: {  	s0 =	rddreg [dreg:$0x0]  }
0x2: {  	s1 =	rddreg [dreg:$0x1]  }
0x3: {  	s2 =	rddreg [dreg:$0x2];
	s3 =	simm.s32 $0x0  }
0x4: {  	s4 =	srdreg.scid;
	s8 =	stileid.u32;
	s30 =	simm.s32 $0x1  }
0x5: {  	s31 =	simm.s32 $0xC000;
	s24 =	simm.s32 $0x400;
	[smem:$0x7FF] =	sst s3  }
0x6: {  	s5 =	sadd.s32 $0x1200, s0;
	s6 =	sadd.s32 $0x1FC00, s0;
	s7 =	sadd.s32 $0x3E600, s0  }
0x7: {  	s4 =	sand.u32 $0x1, s4;
	s9 =	sshll.u32 s8, $0x1;
	s8 =	sadd.s32 $0x5D000, s0  }
0x8: {  	_ =	strace $0x80000047;
	s9 =	sor.u32 s4, s9;
	s4 =	ssub.s32 $0x2, s4  }
0x9: {  	s10 =	sshll.u32 s9, $0xC;
	s11 =	sshrl.u32 s4, $0x1;
	s16 =	smul.u32 $0x1F4, s9  }
0xa: {  	s25 =	ssub.s32 $0x119, s9;
	s0 =	sadd.s32 s10, s0;
	s4 =	ssub.s32 s4, s11  }
0xb: {  	s10 =	sshrl.u32 s25, $0x5;
	s25 =	simm.s32 $0x3;
	s26 =	sadd.s32 s5, s16  }
0xc: {  	s28 =	sadd.s32 s6, s16;
	s29 =	sadd.s32 s7, s16;
	s14 =	sadd.s32 s8, s16  }
.Ltmp0:
0xd: {  	s15 =	sadd.s32 s1, s16;
	s16 =	sadd.s32 s2, s16;
	(pc) =	sbr.rel .LBB2_1-.Ltmp0, $4  }
0xe: {  	s17 =	sadd.s32 $0x7BA00, s0;
	s18 =	sadd.s32 $0x7BA10, s0;
	s19 =	sadd.s32 $0x7BA20, s0  }
0xf: {  	s20 =	sadd.s32 $0x7BA30, s0;
	s21 =	sadd.s32 $0x7BA40, s0;
	[dreg:$0x4] =	wrdreg s26  }
0x10: {  	s22 =	sadd.s32 $0x7BA50, s0;
	s23 =	smax.u32 s4, $0x1;
	[dreg:$0x5] =	wrdreg s28  }
0x11: {  	v0 =	vimm.f32 $0.0e+00;
	v1 =	vimm.f32 $1.000000000e+00;
	s0 =	simm.s32 $0x2;
	s4 =	simm.s32 $0x80;
	[dreg:$0x6] =	wrdreg s29  }
.LBB2_11:
0x12: {  	[hbm4b:s17+s4] =	stream.strided.scatter [tilespmem:s31], [sflag:$0x3], $0x1000, s24, s4, $0x38;
	[tilespmem:$0x12000] =	vst v63  }
0x13: {  	_ =	swait.ge [sflag:s25], $0x1000  }
0x14: {  	[sflag:s25] =	ssyncset.done $0x0  }
0x15: {  	s11 =	simm.s32 $0xD000;
	[sflag:s25] =	ssyncadd.s32 $0xFFFFF000  }
0x16: {  	[hbm4b:s18+s4] =	stream.strided.scatter [tilespmem:s11], [sflag:$0x3], $0x1000, s24, s4, $0x38;
	[tilespmem:$0x12000] =	vst v63  }
0x17: {  	_ =	swait.ge [sflag:s25], $0x1000  }
0x18: {  	[sflag:s25] =	ssyncset.done $0x0  }
0x19: {  	s13 =	simm.s32 $0xE000;
	[sflag:s25] =	ssyncadd.s32 $0xFFFFF000  }
0x1a: {  	[hbm4b:s19+s4] =	stream.strided.scatter [tilespmem:s13], [sflag:$0x3], $0x1000, s24, s4, $0x38;
	[tilespmem:$0x12000] =	vst v63  }
0x1b: {  	_ =	swait.ge [sflag:s25], $0x1000  }
0x1c: {  	[sflag:s25] =	ssyncset.done $0x0  }
0x1d: {  	s26 =	simm.s32 $0xF000;
	[sflag:s25] =	ssyncadd.s32 $0xFFFFF000  }
0x1e: {  	[hbm4b:s20+s4] =	stream.strided.scatter [tilespmem:s26], [sflag:$0x3], $0x1000, s24, s4, $0x38;
	[tilespmem:$0x12000] =	vst v63  }
0x1f: {  	_ =	swait.ge [sflag:s25], $0x1000  }
0x20: {  	[sflag:s25] =	ssyncset.done $0x0  }
0x21: {  	s28 =	simm.s32 $0x10000;
	[sflag:s25] =	ssyncadd.s32 $0xFFFFF000  }
0x22: {  	[hbm4b:s21+s4] =	stream.strided.scatter [tilespmem:s28], [sflag:$0x3], $0x1000, s24, s4, $0x38;
	[tilespmem:$0x12000] =	vst v63  }
0x23: {  	s3 =	sadd.s32 $0x1, s3;
	_ =	swait.ge [sflag:s25], $0x1000  }
0x24: {  	p0 =	sne.s32 s3, s23;
	[sflag:s25] =	ssyncset.done $0x0  }
.Ltmp1:
0x25: {  	s29 =	simm.s32 $0x11000;
	[sflag:s25] =	ssyncadd.s32 $0xFFFFF000;
	(pc) =	sbr.rel @!p0 .LBB2_12-.Ltmp1, $4  }
0x26: {  	[hbm4b:s22+s4] =	stream.strided.scatter [tilespmem:s29], [sflag:$0x3], $0x1000, s24, s4, $0x38;
	[tilespmem:$0x12000] =	vst v63  }
0x27: {  	_ =	swait.ge [sflag:s25], $0x1000  }
0x28: {  	[sflag:s25] =	ssyncset.done $0x0  }
0x29: {  	[sflag:s25] =	ssyncadd.s32 $0xFFFFF000  }
.LBB2_1:
0x2a: {  	s26 =	simm.s32 $0x0;
	s28 =	simm.s32 $0x200  }
.LBB2_2:
0x2b: {  	p0 =	sne.s32 s28, $0x17E00;
	[tilespmem:s26+$0xC070] =	vst v0  }
0x2c: {  	[tilespmem:s26+$0xC000] =	vst v0  }
0x2d: {  	[tilespmem:s26+$0xC010] =	vst v0  }
.Ltmp2:
0x2e: {  	[tilespmem:s26+$0xC020] =	vst v0;
	(pc) =	sbr.rel @p0 .LBB2_2-.Ltmp2, $4  }
0x2f: {  	[tilespmem:s26+$0xC030] =	vst v0  }
0x30: {  	[tilespmem:s26+$0xC040] =	vst v0  }
0x31: {  	[tilespmem:s26+$0xC050] =	vst v0  }
0x32: {  	[tilespmem:s26+$0xC060] =	vst v0;
	s26 =	sshra.s32 s28, $0x2;
	s28 =	sadd.s32 $0x200, s28  }
0x33: {  	[tilespmem:s26+$0xC070] =	vst v0  }
0x34: {  	[tilespmem:s26+$0xC000] =	vst v0  }
0x35: {  	[tilespmem:s26+$0xC010] =	vst v0  }
0x36: {  	[tilespmem:s26+$0xC020] =	vst v0  }
0x37: {  	[tilespmem:s26+$0xC030] =	vst v0  }
0x38: {  	[tilespmem:s26+$0xC040] =	vst v0  }
0x39: {  	[tilespmem:s26+$0xC050] =	vst v0  }
0x3a: {  	[tilespmem:s26+$0xC060] =	vst v0;
	s29 =	simm.s32 $0x0;
	s11 =	rddreg [dreg:$0x4]  }
0x3b: {  	[tilespmem:s29], [sflag:$0x1] =	stream.linear.gather [hbm4b:s11+s29], $0xFA0, $0x38;
	[tilespmem:$0x12000] =	vst v63  }
0x3c: {  	s13 =	rddreg [dreg:$0x5];
	s12 =	simm.s32 $0x1000  }
0x3d: {  	[tilespmem:s12], [sflag:$0x1] =	stream.linear.gather [hbm4b:s13+s29], $0xFA0, $0x38;
	[tilespmem:$0x12000] =	vst v63  }
0x3e: {  	s26 =	rddreg [dreg:$0x6];
	s28 =	simm.s32 $0x2000  }
0x3f: {  	[tilespmem:s28], [sflag:$0x1] =	stream.linear.gather [hbm4b:s26+s29], $0xFA0, $0x38;
	[tilespmem:$0x12000] =	vst v63  }
0x40: {  	s13 =	simm.s32 $0x3000  }
0x41: {  	[tilespmem:s13], [sflag:$0x1] =	stream.linear.gather [hbm4b:s14+s29], $0xFA0, $0x38;
	[tilespmem:$0x12000] =	vst v63  }
.Ltmp3:
0x42: {  	_ = 	snop;
	(pc) =	sbr.rel .LBB2_4-.Ltmp3, $4  }
0x43: {  	s26 =	simm.s32 $0x4000  }
0x44: {  	[tilespmem:s26], [sflag:$0x1] =	stream.linear.gather [hbm4b:s15+s29], $0xFA0, $0x38;
	[tilespmem:$0x12000] =	vst v63  }
0x45: {  	s28 =	simm.s32 $0x5000  }
0x46: {  	[tilespmem:s28], [sflag:$0x1] =	stream.linear.gather [hbm4b:s16+s29], $0xFA0, $0x38;
	[tilespmem:$0x12000] =	vst v63  }
.LBB2_10:
0x47: {  	p0 =	sne.s32 s29, s10  }
.Ltmp4:
0x48: {  	_ = 	snop;
	(pc) =	sbr.rel @!p0 .LBB2_11-.Ltmp4, $1  }
0x49: {  	_ =	sdelay $0x3  }
.LBB2_4:
0x4a: {  	s26 =	sand.u32 $0x1, s29;
	s29 =	sadd.s32 $0x1, s29  }
0x4b: {  	p2 =	sge.u32 s29, s10  }
0x4c: {  	p0 =	sne.s32 @!p2 s26, $0x0  }
0x4d: {  	p1 =	por p0, p2  }
0x4e: {  	s28 =	sshll.u32 @!p1 s29, $0x5  }
0x4f: {  	s28 =	sor.u32 @!p1 s9, s28  }
0x50: {  	s28 =	smul.u32 @!p1 $0x1F4, s28;
	_ =	sdelay $0x1  }
0x51: {  	s12 =	simm.s32 @!p1 $0x0;
	s13 =	simm.s32 @!p1 $0x6000;
	s11 =	sadd.s32 @!p1 s5, s28  }
0x52: {  	[tilespmem:s13], [sflag:$0x2] =	stream.linear.gather @!p1 [hbm4b:s11+s12], $0xFA0, $0x38;
	[tilespmem:$0x12000] =	vst v63  }
0x53: {  	s11 =	sadd.s32 @!p1 s6, s28;
	s13 =	simm.s32 @!p1 $0x7000  }
0x54: {  	[tilespmem:s13], [sflag:$0x2] =	stream.linear.gather @!p1 [hbm4b:s11+s12], $0xFA0, $0x38;
	[tilespmem:$0x12000] =	vst v63  }
0x55: {  	s11 =	sadd.s32 @!p1 s7, s28;
	s13 =	simm.s32 @!p1 $0x8000  }
0x56: {  	[tilespmem:s13], [sflag:$0x2] =	stream.linear.gather @!p1 [hbm4b:s11+s12], $0xFA0, $0x38;
	[tilespmem:$0x12000] =	vst v63  }
0x57: {  	p0 =	seq.s32 s26, $0x1;
	s11 =	sadd.s32 @!p1 s8, s28;
	s13 =	simm.s32 @!p1 $0x9000  }
0x58: {  	[tilespmem:s13], [sflag:$0x2] =	stream.linear.gather @!p1 [hbm4b:s11+s12], $0xFA0, $0x38;
	[tilespmem:$0x12000] =	vst v63  }
0x59: {  	p2 =	por !p0, p2;
	s11 =	sadd.s32 @!p1 s1, s28;
	s13 =	simm.s32 @!p1 $0xA000  }
0x5a: {  	[tilespmem:s13], [sflag:$0x2] =	stream.linear.gather @!p1 [hbm4b:s11+s12], $0xFA0, $0x38;
	[tilespmem:$0x12000] =	vst v63  }
0x5b: {  	s11 =	sshll.u32 @!p2 s29, $0x5  }
0x5c: {  	s11 =	sor.u32 @!p2 s9, s11  }
0x5d: {  	s13 =	sadd.s32 @!p1 s2, s28;
	s28 =	simm.s32 @!p1 $0xB000;
	s11 =	smul.u32 @!p2 $0x1F4, s11  }
0x5e: {  	[tilespmem:s28], [sflag:$0x2] =	stream.linear.gather @!p1 [hbm4b:s13+s12], $0xFA0, $0x38;
	[tilespmem:$0x12000] =	vst v63  }
0x5f: {  	s13 =	simm.s32 @!p2 $0x0;
	s12 =	sadd.s32 @!p2 s5, s11  }
0x60: {  	[tilespmem:s13], [sflag:$0x1] =	stream.linear.gather @!p2 [hbm4b:s12+s13], $0xFA0, $0x38;
	[tilespmem:$0x12000] =	vst v63  }
0x61: {  	s28 =	simm.s32 @!p2 $0x1000;
	s12 =	sadd.s32 @!p2 s6, s11  }
0x62: {  	[tilespmem:s28], [sflag:$0x1] =	stream.linear.gather @!p2 [hbm4b:s12+s13], $0xFA0, $0x38;
	[tilespmem:$0x12000] =	vst v63  }
0x63: {  	s12 =	sadd.s32 @!p2 s7, s11;
	s28 =	simm.s32 @!p2 $0x2000  }
0x64: {  	[tilespmem:s28], [sflag:$0x1] =	stream.linear.gather @!p2 [hbm4b:s12+s13], $0xFA0, $0x38;
	[tilespmem:$0x12000] =	vst v63  }
0x65: {  	p1 =	sne.s32 s26, $0x0;
	s12 =	sadd.s32 @!p2 s8, s11;
	s28 =	simm.s32 @!p2 $0x3000  }
0x66: {  	[tilespmem:s28], [sflag:$0x1] =	stream.linear.gather @!p2 [hbm4b:s12+s13], $0xFA0, $0x38;
	[tilespmem:$0x12000] =	vst v63  }
.Ltmp5:
0x67: {  	_ = 	snop;
	(pc) =	sbr.rel @p1 .LBB2_7-.Ltmp5, $4  }
0x68: {  	s12 =	sadd.s32 @!p2 s1, s11;
	s28 =	simm.s32 @!p2 $0x4000  }
0x69: {  	[tilespmem:s28], [sflag:$0x1] =	stream.linear.gather @!p2 [hbm4b:s12+s13], $0xFA0, $0x38;
	[tilespmem:$0x12000] =	vst v63  }
0x6a: {  	s11 =	sadd.s32 @!p2 s2, s11;
	s12 =	simm.s32 @!p2 $0x5000  }
0x6b: {  	[tilespmem:s12], [sflag:$0x1] =	stream.linear.gather @!p2 [hbm4b:s11+s13], $0xFA0, $0x38;
	[tilespmem:$0x12000] =	vst v63  }
0x6c: {  	_ =	swait.ge [sflag:s30], $0xFA0  }
0x6d: {  	[sflag:s30] =	ssyncset.done $0x0  }
0x6e: {  	[sflag:s30] =	ssyncadd.s32 $0xFFFFF060  }
0x6f: {  	_ =	swait.ge [sflag:s30], $0xFA0  }
0x70: {  	[sflag:s30] =	ssyncset.done $0x0  }
0x71: {  	[sflag:s30] =	ssyncadd.s32 $0xFFFFF060  }
0x72: {  	_ =	swait.ge [sflag:s30], $0xFA0  }
0x73: {  	[sflag:s30] =	ssyncset.done $0x0  }
0x74: {  	[sflag:s30] =	ssyncadd.s32 $0xFFFFF060  }
0x75: {  	_ =	swait.ge [sflag:s30], $0xFA0  }
0x76: {  	[sflag:s30] =	ssyncset.done $0x0  }
0x77: {  	[sflag:s30] =	ssyncadd.s32 $0xFFFFF060  }
0x78: {  	_ =	swait.ge [sflag:s30], $0xFA0  }
0x79: {  	[sflag:s30] =	ssyncset.done $0x0  }
0x7a: {  	[sflag:s30] =	ssyncadd.s32 $0xFFFFF060  }
0x7b: {  	_ =	swait.ge [sflag:s30], $0xFA0  }
0x7c: {  	[sflag:s30] =	ssyncset.done $0x0  }
0x7d: {  	s26 =	simm.s32 $0x0;
	[sflag:s30] =	ssyncadd.s32 $0xFFFFF060  }
.LBB2_6:
0x7e: {  	s28 =	sshra.s32 s26, $0x2  }
0x7f: {  	v2 =	vld [tilespmem:s28+$0x0];
	_ =	sdelay $0x2  }
0x80: {  	v3 =	vld [tilespmem:s28+$0x1000]  }
0x81: {  	v4 =	vld [tilespmem:s28+$0x4000]  }
0x82: {  	v5 =	vld [tilespmem:s28+$0x2000];
	v6 =	vadd.s32 $0x1000, v2  }
0x83: {  	v7 =	vld [tilespmem:s28+$0x3000];
	v8 =	vadd.s32 $0x2000, v2  }
0x84: {  	v9 =	vld [tilespmem:s28+$0x5000];
	v10 =	vadd.s32 $0x3000, v2  }
0x85: {  	v11 =	vadd.s32 $0x4000, v2  }
0x86: {  	v3 =	vmul.f32 v4, v3;
	[tilespmem:v2+s31+$0x0] =	vst.idx.add.f32.msk $0xffff, v1;
	v2 =	vadd.s32 $0x5000, v2  }
0x87: {  	v5 =	vmul.f32 v4, v5;
	[tilespmem:v6+s31+$0x0] =	vst.idx.add.f32.msk $0xffff, v4  }
0x88: {  	[tilespmem:v8+s31+$0x0] =	vst.idx.add.f32.msk $0xffff, v3;
	v3 =	vmul.f32 v4, v7  }
0x89: {  	v4 =	vmul.f32 v9, v4;
	[tilespmem:v10+s31+$0x0] =	vst.idx.add.f32.msk $0xffff, v5  }
0x8a: {  	[tilespmem:v11+s31+$0x0] =	vst.idx.add.f32.msk $0xffff, v3  }
0x8b: {  	[tilespmem:v2+s31+$0x0] =	vst.idx.add.f32.msk $0xffff, v4  }
0x8c: {  	v2 =	vld [tilespmem:s28+$0x10];
	_ =	sdelay $0x2  }
0x8d: {  	v3 =	vld [tilespmem:s28+$0x1010]  }
0x8e: {  	v4 =	vld [tilespmem:s28+$0x4010]  }
0x8f: {  	v5 =	vld [tilespmem:s28+$0x2010];
	v40 =	vadd.s32 $0x1000, v2  }
0x90: {  	v41 =	vld [tilespmem:s28+$0x3010];
	v42 =	vadd.s32 $0x2000, v2  }
0x91: {  	v43 =	vld [tilespmem:s28+$0x5010];
	v44 =	vadd.s32 $0x3000, v2  }
0x92: {  	v45 =	vadd.s32 $0x4000, v2  }
0x93: {  	v3 =	vmul.f32 v4, v3;
	[tilespmem:v2+s31+$0x0] =	vst.idx.add.f32.msk $0xffff, v1;
	v2 =	vadd.s32 $0x5000, v2  }
0x94: {  	v5 =	vmul.f32 v4, v5;
	[tilespmem:v40+s31+$0x0] =	vst.idx.add.f32.msk $0xffff, v4  }
0x95: {  	[tilespmem:v42+s31+$0x0] =	vst.idx.add.f32.msk $0xffff, v3;
	v3 =	vmul.f32 v4, v41  }
0x96: {  	v4 =	vmul.f32 v43, v4;
	[tilespmem:v44+s31+$0x0] =	vst.idx.add.f32.msk $0xffff, v5  }
0x97: {  	[tilespmem:v45+s31+$0x0] =	vst.idx.add.f32.msk $0xffff, v3  }
0x98: {  	[tilespmem:v2+s31+$0x0] =	vst.idx.add.f32.msk $0xffff, v4  }
0x99: {  	v2 =	vld [tilespmem:s28+$0x20];
	_ =	sdelay $0x2  }
0x9a: {  	v3 =	vld [tilespmem:s28+$0x1020]  }
0x9b: {  	v4 =	vld [tilespmem:s28+$0x4020]  }
0x9c: {  	v5 =	vld [tilespmem:s28+$0x2020];
	v46 =	vadd.s32 $0x1000, v2  }
0x9d: {  	v47 =	vld [tilespmem:s28+$0x3020];
	v48 =	vadd.s32 $0x2000, v2  }
0x9e: {  	v49 =	vld [tilespmem:s28+$0x5020];
	v50 =	vadd.s32 $0x3000, v2  }
0x9f: {  	v51 =	vadd.s32 $0x4000, v2  }
0xa0: {  	v3 =	vmul.f32 v4, v3;
	[tilespmem:v2+s31+$0x0] =	vst.idx.add.f32.msk $0xffff, v1;
	v2 =	vadd.s32 $0x5000, v2  }
0xa1: {  	v5 =	vmul.f32 v4, v5;
	[tilespmem:v46+s31+$0x0] =	vst.idx.add.f32.msk $0xffff, v4  }
0xa2: {  	[tilespmem:v48+s31+$0x0] =	vst.idx.add.f32.msk $0xffff, v3;
	v3 =	vmul.f32 v4, v47  }
0xa3: {  	v4 =	vmul.f32 v49, v4;
	[tilespmem:v50+s31+$0x0] =	vst.idx.add.f32.msk $0xffff, v5  }
0xa4: {  	[tilespmem:v51+s31+$0x0] =	vst.idx.add.f32.msk $0xffff, v3  }
0xa5: {  	[tilespmem:v2+s31+$0x0] =	vst.idx.add.f32.msk $0xffff, v4  }
0xa6: {  	v2 =	vld [tilespmem:s28+$0x30];
	_ =	sdelay $0x2  }
0xa7: {  	v3 =	vld [tilespmem:s28+$0x1030]  }
0xa8: {  	v4 =	vld [tilespmem:s28+$0x4030]  }
0xa9: {  	v5 =	vld [tilespmem:s28+$0x2030];
	v52 =	vadd.s32 $0x1000, v2  }
0xaa: {  	v53 =	vld [tilespmem:s28+$0x3030];
	v54 =	vadd.s32 $0x2000, v2  }
0xab: {  	v55 =	vld [tilespmem:s28+$0x5030];
	v56 =	vadd.s32 $0x3000, v2  }
0xac: {  	v57 =	vadd.s32 $0x4000, v2  }
0xad: {  	v3 =	vmul.f32 v4, v3;
	[tilespmem:v2+s31+$0x0] =	vst.idx.add.f32.msk $0xffff, v1;
	v2 =	vadd.s32 $0x5000, v2  }
0xae: {  	v5 =	vmul.f32 v4, v5;
	[tilespmem:v52+s31+$0x0] =	vst.idx.add.f32.msk $0xffff, v4  }
0xaf: {  	[tilespmem:v54+s31+$0x0] =	vst.idx.add.f32.msk $0xffff, v3;
	v3 =	vmul.f32 v4, v53  }
0xb0: {  	v4 =	vmul.f32 v55, v4;
	[tilespmem:v56+s31+$0x0] =	vst.idx.add.f32.msk $0xffff, v5  }
0xb1: {  	[tilespmem:v57+s31+$0x0] =	vst.idx.add.f32.msk $0xffff, v3  }
0xb2: {  	[tilespmem:v2+s31+$0x0] =	vst.idx.add.f32.msk $0xffff, v4  }
0xb3: {  	v2 =	vld [tilespmem:s28+$0x40];
	_ =	sdelay $0x2  }
0xb4: {  	v3 =	vld [tilespmem:s28+$0x1040]  }
0xb5: {  	v4 =	vld [tilespmem:s28+$0x4040]  }
0xb6: {  	v5 =	vld [tilespmem:s28+$0x2040];
	v58 =	vadd.s32 $0x1000, v2  }
0xb7: {  	v59 =	vld [tilespmem:s28+$0x3040];
	v60 =	vadd.s32 $0x2000, v2  }
0xb8: {  	v61 =	vld [tilespmem:s28+$0x5040];
	v62 =	vadd.s32 $0x3000, v2  }
0xb9: {  	v63 =	vadd.s32 $0x4000, v2  }
0xba: {  	p1 =	sne.s32 s26, $0x3D40;
	v3 =	vmul.f32 v4, v3;
	[tilespmem:v2+s31+$0x0] =	vst.idx.add.f32.msk $0xffff, v1;
	v2 =	vadd.s32 $0x5000, v2  }
.Ltmp6:
0xbb: {  	v5 =	vmul.f32 v4, v5;
	[tilespmem:v58+s31+$0x0] =	vst.idx.add.f32.msk $0xffff, v4;
	(pc) =	sbr.rel @p1 .LBB2_6-.Ltmp6, $4  }
0xbc: {  	[tilespmem:v60+s31+$0x0] =	vst.idx.add.f32.msk $0xffff, v3;
	v3 =	vmul.f32 v4, v59  }
0xbd: {  	v4 =	vmul.f32 v61, v4;
	[tilespmem:v62+s31+$0x0] =	vst.idx.add.f32.msk $0xffff, v5  }
0xbe: {  	[tilespmem:v63+s31+$0x0] =	vst.idx.add.f32.msk $0xffff, v3  }
0xbf: {  	s26 =	sadd.s32 $0x140, s26;
	[tilespmem:v2+s31+$0x0] =	vst.idx.add.f32.msk $0xffff, v4  }
.LBB2_7:
.Ltmp7:
0xc0: {  	(pc) =	sbr.rel @!p0 .LBB2_10-.Ltmp7, $1  }
0xc1: {  	_ =	sdelay $0x3  }
0xc2: {  	_ =	swait.ge [sflag:s0], $0xFA0  }
0xc3: {  	[sflag:s0] =	ssyncset.done $0x0  }
0xc4: {  	[sflag:s0] =	ssyncadd.s32 $0xFFFFF060  }
0xc5: {  	_ =	swait.ge [sflag:s0], $0xFA0  }
0xc6: {  	[sflag:s0] =	ssyncset.done $0x0  }
0xc7: {  	[sflag:s0] =	ssyncadd.s32 $0xFFFFF060  }
0xc8: {  	_ =	swait.ge [sflag:s0], $0xFA0  }
0xc9: {  	[sflag:s0] =	ssyncset.done $0x0  }
0xca: {  	[sflag:s0] =	ssyncadd.s32 $0xFFFFF060  }
0xcb: {  	_ =	swait.ge [sflag:s0], $0xFA0  }
0xcc: {  	[sflag:s0] =	ssyncset.done $0x0  }
0xcd: {  	[sflag:s0] =	ssyncadd.s32 $0xFFFFF060  }
0xce: {  	_ =	swait.ge [sflag:s0], $0xFA0  }
0xcf: {  	[sflag:s0] =	ssyncset.done $0x0  }
0xd0: {  	[sflag:s0] =	ssyncadd.s32 $0xFFFFF060  }
0xd1: {  	_ =	swait.ge [sflag:s0], $0xFA0  }
0xd2: {  	[sflag:s0] =	ssyncset.done $0x0  }
0xd3: {  	s26 =	simm.s32 $0x0;
	[sflag:s0] =	ssyncadd.s32 $0xFFFFF060  }
.LBB2_9:
0xd4: {  	s28 =	sshra.s32 s26, $0x2  }
0xd5: {  	v2 =	vld [tilespmem:s28+$0x6000];
	_ =	sdelay $0x2  }
0xd6: {  	v3 =	vld [tilespmem:s28+$0x7000]  }
0xd7: {  	v4 =	vld [tilespmem:s28+$0xA000]  }
0xd8: {  	v5 =	vld [tilespmem:s28+$0x8000];
	v6 =	vadd.s32 $0x1000, v2  }
0xd9: {  	v7 =	vld [tilespmem:s28+$0x9000];
	v8 =	vadd.s32 $0x2000, v2  }
0xda: {  	v9 =	vld [tilespmem:s28+$0xB000];
	v10 =	vadd.s32 $0x3000, v2  }
0xdb: {  	v11 =	vadd.s32 $0x4000, v2  }
0xdc: {  	v3 =	vmul.f32 v4, v3;
	[tilespmem:v2+s31+$0x0] =	vst.idx.add.f32.msk $0xffff, v1;
	v2 =	vadd.s32 $0x5000, v2  }
0xdd: {  	v5 =	vmul.f32 v4, v5;
	[tilespmem:v6+s31+$0x0] =	vst.idx.add.f32.msk $0xffff, v4  }
0xde: {  	[tilespmem:v8+s31+$0x0] =	vst.idx.add.f32.msk $0xffff, v3;
	v3 =	vmul.f32 v4, v7  }
0xdf: {  	v4 =	vmul.f32 v9, v4;
	[tilespmem:v10+s31+$0x0] =	vst.idx.add.f32.msk $0xffff, v5  }
0xe0: {  	[tilespmem:v11+s31+$0x0] =	vst.idx.add.f32.msk $0xffff, v3  }
0xe1: {  	[tilespmem:v2+s31+$0x0] =	vst.idx.add.f32.msk $0xffff, v4  }
0xe2: {  	v2 =	vld [tilespmem:s28+$0x6010];
	_ =	sdelay $0x2  }
0xe3: {  	v3 =	vld [tilespmem:s28+$0x7010]  }
0xe4: {  	v4 =	vld [tilespmem:s28+$0xA010]  }
0xe5: {  	v5 =	vld [tilespmem:s28+$0x8010];
	v40 =	vadd.s32 $0x1000, v2  }
0xe6: {  	v41 =	vld [tilespmem:s28+$0x9010];
	v42 =	vadd.s32 $0x2000, v2  }
0xe7: {  	v43 =	vld [tilespmem:s28+$0xB010];
	v44 =	vadd.s32 $0x3000, v2  }
0xe8: {  	v45 =	vadd.s32 $0x4000, v2  }
0xe9: {  	v3 =	vmul.f32 v4, v3;
	[tilespmem:v2+s31+$0x0] =	vst.idx.add.f32.msk $0xffff, v1;
	v2 =	vadd.s32 $0x5000, v2  }
0xea: {  	v5 =	vmul.f32 v4, v5;
	[tilespmem:v40+s31+$0x0] =	vst.idx.add.f32.msk $0xffff, v4  }
0xeb: {  	[tilespmem:v42+s31+$0x0] =	vst.idx.add.f32.msk $0xffff, v3;
	v3 =	vmul.f32 v4, v41  }
0xec: {  	v4 =	vmul.f32 v43, v4;
	[tilespmem:v44+s31+$0x0] =	vst.idx.add.f32.msk $0xffff, v5  }
0xed: {  	[tilespmem:v45+s31+$0x0] =	vst.idx.add.f32.msk $0xffff, v3  }
0xee: {  	[tilespmem:v2+s31+$0x0] =	vst.idx.add.f32.msk $0xffff, v4  }
0xef: {  	v2 =	vld [tilespmem:s28+$0x6020];
	_ =	sdelay $0x2  }
0xf0: {  	v3 =	vld [tilespmem:s28+$0x7020]  }
0xf1: {  	v4 =	vld [tilespmem:s28+$0xA020]  }
0xf2: {  	v5 =	vld [tilespmem:s28+$0x8020];
	v46 =	vadd.s32 $0x1000, v2  }
0xf3: {  	v47 =	vld [tilespmem:s28+$0x9020];
	v48 =	vadd.s32 $0x2000, v2  }
0xf4: {  	v49 =	vld [tilespmem:s28+$0xB020];
	v50 =	vadd.s32 $0x3000, v2  }
0xf5: {  	v51 =	vadd.s32 $0x4000, v2  }
0xf6: {  	v3 =	vmul.f32 v4, v3;
	[tilespmem:v2+s31+$0x0] =	vst.idx.add.f32.msk $0xffff, v1;
	v2 =	vadd.s32 $0x5000, v2  }
0xf7: {  	v5 =	vmul.f32 v4, v5;
	[tilespmem:v46+s31+$0x0] =	vst.idx.add.f32.msk $0xffff, v4  }
0xf8: {  	[tilespmem:v48+s31+$0x0] =	vst.idx.add.f32.msk $0xffff, v3;
	v3 =	vmul.f32 v4, v47  }
0xf9: {  	v4 =	vmul.f32 v49, v4;
	[tilespmem:v50+s31+$0x0] =	vst.idx.add.f32.msk $0xffff, v5  }
0xfa: {  	[tilespmem:v51+s31+$0x0] =	vst.idx.add.f32.msk $0xffff, v3  }
0xfb: {  	[tilespmem:v2+s31+$0x0] =	vst.idx.add.f32.msk $0xffff, v4  }
0xfc: {  	v2 =	vld [tilespmem:s28+$0x6030];
	_ =	sdelay $0x2  }
0xfd: {  	v3 =	vld [tilespmem:s28+$0x7030]  }
0xfe: {  	v4 =	vld [tilespmem:s28+$0xA030]  }
0xff: {  	v5 =	vld [tilespmem:s28+$0x8030];
	v52 =	vadd.s32 $0x1000, v2  }
0x100: {  	v53 =	vld [tilespmem:s28+$0x9030];
	v54 =	vadd.s32 $0x2000, v2  }
0x101: {  	v55 =	vld [tilespmem:s28+$0xB030];
	v56 =	vadd.s32 $0x3000, v2  }
0x102: {  	v57 =	vadd.s32 $0x4000, v2  }
0x103: {  	v3 =	vmul.f32 v4, v3;
	[tilespmem:v2+s31+$0x0] =	vst.idx.add.f32.msk $0xffff, v1;
	v2 =	vadd.s32 $0x5000, v2  }
0x104: {  	v5 =	vmul.f32 v4, v5;
	[tilespmem:v52+s31+$0x0] =	vst.idx.add.f32.msk $0xffff, v4  }
0x105: {  	[tilespmem:v54+s31+$0x0] =	vst.idx.add.f32.msk $0xffff, v3;
	v3 =	vmul.f32 v4, v53  }
0x106: {  	v4 =	vmul.f32 v55, v4;
	[tilespmem:v56+s31+$0x0] =	vst.idx.add.f32.msk $0xffff, v5  }
0x107: {  	[tilespmem:v57+s31+$0x0] =	vst.idx.add.f32.msk $0xffff, v3  }
0x108: {  	[tilespmem:v2+s31+$0x0] =	vst.idx.add.f32.msk $0xffff, v4  }
0x109: {  	v2 =	vld [tilespmem:s28+$0x6040];
	_ =	sdelay $0x2  }
0x10a: {  	v3 =	vld [tilespmem:s28+$0x7040]  }
0x10b: {  	v4 =	vld [tilespmem:s28+$0xA040]  }
0x10c: {  	v5 =	vld [tilespmem:s28+$0x8040];
	v58 =	vadd.s32 $0x1000, v2  }
0x10d: {  	v59 =	vld [tilespmem:s28+$0x9040];
	v60 =	vadd.s32 $0x2000, v2  }
0x10e: {  	v61 =	vld [tilespmem:s28+$0xB040];
	v62 =	vadd.s32 $0x3000, v2  }
0x10f: {  	v63 =	vadd.s32 $0x4000, v2  }
0x110: {  	p0 =	sne.s32 s26, $0x3D40;
	v3 =	vmul.f32 v4, v3;
	[tilespmem:v2+s31+$0x0] =	vst.idx.add.f32.msk $0xffff, v1;
	v2 =	vadd.s32 $0x5000, v2  }
.Ltmp8:
0x111: {  	v5 =	vmul.f32 v4, v5;
	[tilespmem:v58+s31+$0x0] =	vst.idx.add.f32.msk $0xffff, v4;
	(pc) =	sbr.rel @p0 .LBB2_9-.Ltmp8, $4  }
0x112: {  	[tilespmem:v60+s31+$0x0] =	vst.idx.add.f32.msk $0xffff, v3;
	v3 =	vmul.f32 v4, v59  }
0x113: {  	v4 =	vmul.f32 v61, v4;
	[tilespmem:v62+s31+$0x0] =	vst.idx.add.f32.msk $0xffff, v5  }
0x114: {  	[tilespmem:v63+s31+$0x0] =	vst.idx.add.f32.msk $0xffff, v3  }
0x115: {  	s26 =	sadd.s32 $0x140, s26;
	[tilespmem:v2+s31+$0x0] =	vst.idx.add.f32.msk $0xffff, v4  }
.Ltmp9:
0x116: {  	_ = 	snop;
	(pc) =	sbr.rel .LBB2_10-.Ltmp9, $1  }
0x117: {  	_ =	sdelay $0x3  }
.LBB2_12:
0x118: {  	_ =	sfence.sel $0x180000  }
0x119: {  	[bflag:$0x0] =	sbarrier.arrive $0xFFFF  }
0x11a: {  	_ =	strace $0x90000047  }
0x11b: {  	s0 =	stileid.u32;
	[bflag:$0x2] =	sbarrier.arrive $0xFFFF  }
0x11c: {  	p0 =	sne.s32 s0, $0x0;
	s0 =	rddreg [dreg:$0x3]  }
0x11d: {  	s0 =	sadd.s32 @!p0 $0x100000, s0  }
0x11e: {  	[sflag:s0] =	ssyncadd.tile.s32 @!p0 $0x1;
	_ =	shalt  }
.Lfunc_end2:
_tile_overlayer_lowered:
.L_overlay_start_2:
0x11f: {  	(tag) =	ssettag $0x2  }
0x120: {  	s0 =	rddreg [dreg:$0x0];
	s2 =	stileid.u32  }
0x121: {  	s1 =	rddreg [dreg:$0x1];
	p0 =	sne.s32 s2, $0x0  }
0x122: {  	s3 =	rddreg [dreg:$0x2];
	[bflag:$0x3] =	sbarrier.arrive $0xFFFF;
	s2 =	simm.s32 @!p0 $0x1C03  }
0x123: {  	[timem:s3], [sflag:s2] =	dma.local @!p0 [hbm:s0], s1  }
0x124: {  	s0 =	simm.s32 @!p0 $0x3  }
0x125: {  	_ =	swait.ge @!p0 [sflag:s0], s1  }
0x126: {  	s1 =	ssub.s32 @!p0 $0x0, s1;
	[sflag:s0] =	ssyncset.done @!p0 $0x0  }
0x127: {  	[sflag:s0] =	ssyncadd.s32 @!p0 s1  }
0x128: {  	[bflag:$0x3] =	sbarrier.arrive $0xFFFF  }
0x129: {  	_ =	shalt  }

// kernel: kernel.8.cloned.1.call-start
scs
__scs_entry_jumppad:
0x0: {  	(pc) =	sbr.rel $0x88, $3  }
0x1: {  	(tag) =	ssettag $0x0;
	lr =	simm.s32 $0x1  }
0x2: {  	[smem:$0x3F9D] =	sst lr;
	_ =	strace $0xD0000000  }
0x3: {  	_ = 	snop  }
0x4: {  	_ = 	snop  }
0x5: {  	_ = 	snop  }
0x6: {  	_ = 	snop  }
0x7: {  	_ = 	snop  }
__scs_overlays_trampoline_lowered:
0x8: {  	[smem:$0x3FAC] =	sst s0  }
0x9: {  	[smem:$0x3FAD] =	sst s1  }
0xa: {  	[smem:$0x3FAE] =	sst s2  }
0xb: {  	[smem:$0x3FAF] =	sst s3  }
0xc: {  	[smem:$0x3FB0] =	sst s4  }
0xd: {  	[smem:$0x3FB1] =	sst s5  }
0xe: {  	[smem:$0x3FB2] =	sst s6  }
0xf: {  	[smem:$0x3FB3] =	sst s7  }
0x10: {  	[smem:$0x3FB4] =	sst s8  }
0x11: {  	[smem:$0x3FB5] =	sst s9;
	s0 =	simm.s32 @!p0 $0x0  }
0x12: {  	s1 =	sld [smem:$0x3F9B];
	s0 =	simm.s32 @p0 $0x1  }
0x13: {  	[smem:$0x3FB6] =	sst s0;
	s0 =	simm.s32 @!p1 $0x0  }
0x14: {  	s2 =	sld [smem:$0x3F9A];
	s0 =	simm.s32 @p1 $0x1  }
0x15: {  	[smem:$0x3FB7] =	sst s0;
	s0 =	simm.s32 @!p2 $0x0  }
0x16: {  	s3 =	sld [smem:$0x3FDB];
	s0 =	simm.s32 @p2 $0x1  }
0x17: {  	s4 =	simm.s32 $0x1BF5;
	[smem:$0x3FB9] =	sst s0  }
0x18: {  	s0 =	sld [smem:$0x3F9C];
	_ =	swait.ge [sflag:s4], $0x0  }
0x19: {  	s7 =	sld [smem:$0x3F9D]  }
0x1a: {  	s8 =	sadd.s32 $0xFFFFE003, lr  }
0x1b: {  	s9 =	sadd.s32 $0xFFFFFEF7, lr;
	s5 =	simm.s32 $0xFFFFFFFF;
	p2 =	slt.u32 s8, $0xFFFFF086  }
0x1c: {  	p1 =	slt.u32 s9, $0xF7A;
	s5 =	simm.s32 @!p2 $0x0  }
0x1d: {  	s5 =	simm.s32 @p1 $0x1;
	p0 =	seq.s32 s7, s2  }
0x1e: {  	s7 =	smul.u32 @!p0 $0xF7A, s2;
	p2 =	seq.s32 @!p0 s5, $0x0  }
0x1f: {  	s9 =	smul.u32 $0xF7A, s1;
	s8 =	simm.s32 @!p0 $0x1BF5;
	p2 =	por !p2, p0  }
0x20: {  	[sflag:s8] =	ssyncset.s32 @!p0 $0xFFFFF086;
	s6 =	sadd.s32 @!p0 s3, s7;
	s7 =	simm.s32 @!p0 $0x108  }
0x21: {  	s3 =	sadd.s32 s3, s9;
	s6 =	sadd.s32 @!p0 $0x88, s6;
	s7 =	simm.s32 @p2 $0x1082  }
0x22: {  	[simem:s7], [sflag:s8] =	dma.local @!p0 [hbm:s6], $0xF7A  }
0x23: {  	s9 =	sor.u32 $0xD0000000, s2;
	s6 =	simm.s32 $0x108;
	_ =	swait.ge @!p0 [sflag:s8], $0x0  }
0x24: {  	s3 =	sadd.s32 $0x88, s3;
	s6 =	simm.s32 @!p1 $0x1082;
	[sflag:s4] =	ssyncset.s32 $0xFFFFF086  }
0x25: {  	[simem:s6], [sflag:s4] =	dma.local [hbm:s3], $0xF7A  }
0x26: {  	[smem:$0x3F9D] =	sst s1;
	(tag) =	ssettag s2;
	_ =	strace s9  }
0x27: {  	s1 =	sld [smem:$0x3FAD]  }
0x28: {  	s2 =	sld [smem:$0x3FAE]  }
0x29: {  	s4 =	sld [smem:$0x3FB0]  }
0x2a: {  	p0 =	seq.s32 s5, $0x0;
	s5 =	sld [smem:$0x3FB1]  }
0x2b: {  	s6 =	sld [smem:$0x3FB2]  }
0x2c: {  	s7 =	sld [smem:$0x3FB3]  }
0x2d: {  	s3 =	simm.s32 $0x108;
	s8 =	sld [smem:$0x3FB4]  }
0x2e: {  	s3 =	simm.s32 @!p0 $0x1082;
	s9 =	sld [smem:$0x3FB5]  }
0x2f: {  	lr =	sadd.s32 s0, s3;
	s0 =	sld [smem:$0x3FAC]  }
0x30: {  	s3 =	sld [smem:$0x3FAF]  }
0x31: {  	[smem:$0x3FB8] =	sst s10  }
0x32: {  	s10 =	sld [smem:$0x3FB6];
	_ =	sdelay $0x3  }
0x33: {  	p0 =	seq.s32 s10, $0x1;
	s10 =	sld [smem:$0x3FB8];
	_ =	sdelay $0x3  }
0x34: {  	[smem:$0x3FB8] =	sst s10  }
0x35: {  	s10 =	sld [smem:$0x3FB7];
	_ =	sdelay $0x3  }
0x36: {  	p1 =	seq.s32 s10, $0x1;
	s10 =	sld [smem:$0x3FB8];
	_ =	sdelay $0x3  }
0x37: {  	[smem:$0x3FB8] =	sst s10  }
0x38: {  	s10 =	sld [smem:$0x3FB9]  }
0x39: {  	_ = 	snop;
	(pc) =	sbr.ind lr, $3  }
0x3a: {  	_ = 	snop  }
0x3b: {  	_ = 	snop  }
0x3c: {  	p2 =	seq.s32 s10, $0x1;
	s10 =	sld [smem:$0x3FB8]  }
0x3d: {  	_ =	shalt  }
0x3e: {  	_ =	shalt  }
0x3f: {  	_ =	shalt  }
0x40: {  	_ =	shalt  }
0x41: {  	_ =	shalt  }
0x42: {  	_ =	shalt  }
0x43: {  	_ =	shalt  }
0x44: {  	_ =	shalt  }
0x45: {  	_ =	shalt  }
0x46: {  	_ =	shalt  }
0x47: {  	_ =	shalt  }
0x48: {  	_ =	shalt  }
0x49: {  	_ =	shalt  }
0x4a: {  	_ =	shalt  }
0x4b: {  	_ =	shalt  }
0x4c: {  	_ =	shalt  }
0x4d: {  	_ =	shalt  }
0x4e: {  	_ =	shalt  }
0x4f: {  	_ =	shalt  }
0x50: {  	_ =	shalt  }
0x51: {  	_ =	shalt  }
0x52: {  	_ =	shalt  }
0x53: {  	_ =	shalt  }
0x54: {  	_ =	shalt  }
0x55: {  	_ =	shalt  }
0x56: {  	_ =	shalt  }
0x57: {  	_ =	shalt  }
0x58: {  	_ =	shalt  }
0x59: {  	_ =	shalt  }
0x5a: {  	_ =	shalt  }
0x5b: {  	_ =	shalt  }
0x5c: {  	_ =	shalt  }
0x5d: {  	_ =	shalt  }
0x5e: {  	_ =	shalt  }
0x5f: {  	_ =	shalt  }
0x60: {  	_ =	shalt  }
0x61: {  	_ =	shalt  }
0x62: {  	_ =	shalt  }
0x63: {  	_ =	shalt  }
0x64: {  	_ =	shalt  }
0x65: {  	_ =	shalt  }
0x66: {  	_ =	shalt  }
0x67: {  	_ =	shalt  }
0x68: {  	_ =	shalt  }
0x69: {  	_ =	shalt  }
0x6a: {  	_ =	shalt  }
0x6b: {  	_ =	shalt  }
0x6c: {  	_ =	shalt  }
0x6d: {  	_ =	shalt  }
0x6e: {  	_ =	shalt  }
0x6f: {  	_ =	shalt  }
0x70: {  	_ =	shalt  }
0x71: {  	_ =	shalt  }
0x72: {  	_ =	shalt  }
0x73: {  	_ =	shalt  }
0x74: {  	_ =	shalt  }
0x75: {  	_ =	shalt  }
0x76: {  	_ =	shalt  }
0x77: {  	_ =	shalt  }
0x78: {  	_ =	shalt  }
0x79: {  	_ =	shalt  }
0x7a: {  	_ =	shalt  }
0x7b: {  	_ =	shalt  }
0x7c: {  	_ =	shalt  }
0x7d: {  	_ =	shalt  }
0x7e: {  	_ =	shalt  }
0x7f: {  	_ =	shalt  }
0x80: {  	_ =	shalt  }
0x81: {  	_ =	shalt  }
0x82: {  	_ =	shalt  }
0x83: {  	_ =	shalt  }
0x84: {  	_ =	shalt  }
0x85: {  	_ =	shalt  }
0x86: {  	_ =	shalt  }
0x87: {  	_ =	shalt  }
.Lfunc_end0:
.L_simem_size_0:
called_computation.1_lowered:
.L_overlay_start_0:
0x88: {  	s2 =	sld [smem:$0x3FD9]  }
0x89: {  	s3 =	sld [smem:$0x3FFE];
	_ =	sdelay $0x1  }
0x8a: {  	s1 =	srdreg.scid  }
0x8b: {  	s0 =	sand.u32 $0x1, s1  }
0x8c: {  	s17 =	sshll.u32 s0, $0xA;
	s2 =	sadd.s32 s3, s2  }
0x8d: {  	s2 =	sadd.s32 s2, s17  }
0x8e: {  	[smem:$0x3FC4] =	sst s2  }
0x8f: {  	_ = 	snop  }
0x90: {  	s2 =	sld [smem:$0x3FD0];
	(tm) =	ssettm $0x1  }
0x91: {  	s18 =	sld [smem:$0x3FFB];
	_ =	sdelay $0x3  }
0x92: {  	_ =	strace s18  }
0x93: {  	s3 =	sld [smem:$0x3FFC];
	_ =	sdelay $0x3  }
0x94: {  	_ =	strace s3  }
0x95: {  	s3 =	sld [smem:$0x3FFD];
	_ =	sdelay $0x3  }
0x96: {  	_ =	strace s3  }
0x97: {  	_ =	strace $0x8FFFFFFF  }
0x98: {  	s19 =	sld [smem:$0x3FDB];
	_ =	sdelay $0x1  }
0x99: {  	s4 =	simm.s32 $_scs_section_size  }
0x9a: {  	s5 =	simm.s32 $_size__tile_overlayer_lowered;
	s6 =	simm.s32 $_tile_overlayer_lowered  }
0x9b: {  	s22 =	simm.s32 $0x1BFF;
	s21 =	sshll.u32 s6, $0x1;
	s3 =	sadd.s32 s4, s19  }
0x9c: {  	s7 =	simm.s32 $0x0;
	s20 =	sshll.u32 s5, $0x1;
	s5 =	sadd.s32 s21, s3  }
0x9d: {  	[timem:s7], [sflag:s22] =	dma.local [hbm:s5], s20  }
0x9e: {  	_ =	swait.ge [sflag:s22], s20  }
0x9f: {  	s4 =	ssub.s32 $0x0, s20;
	[sflag:s22] =	ssyncset.done $0x0  }
0xa0: {  	[sflag:s22] =	ssyncadd.s32 s4;
	_ =	sdelay $0x1  }
0xa1: {  	s23 =	simm.s32 $0x1B8B  }
0xa2: {  	_ =	swait.ge [sflag:s23], $0x1  }
0xa3: {  	[sflag:s23] =	ssyncset.done $0x0  }
0xa4: {  	s25 =	simm.s32 $0x1B8E;
	s24 =	sld [smem:$0x3FFE];
	[sflag:s23] =	ssyncadd.s32 $0xFFFFFFFF  }
0xa5: {  	s26 =	simm.s32 $execute0_lowered;
	[smem:$0x3FD2] =	sst s25  }
0xa6: {  	s5 =	sshll.u32 s26, $0x1;
	_ =	strace $0x80000049;
	[dreg:$0x1] =	wrdreg $0xFFFFFFFF  }
0xa7: {  	s28 =	simm.s32 $_size_execute0_lowered;
	s3 =	sadd.s32 s3, s5;
	[dreg:$0x0] =	wrdreg $0x0  }
0xa8: {  	s5 =	sshll.u32 s28, $0x1;
	[dreg:$0x2] =	wrdreg s3  }
0xa9: {  	[dreg:$0x3] =	wrdreg s5  }
0xaa: {  	[dreg:$0x4] =	wrdreg $0xC0  }
0xab: {  	_ =	task [dreg:s7], $0x5FFFF  }
0xac: {  	[dreg:$0x1] =	wrdreg $0xFFFFFFFF  }
0xad: {  	[dreg:$0x0] =	wrdreg $0x60  }
0xae: {  	[dreg:$0x2] =	wrdreg s24  }
0xaf: {  	[dreg:$0x3] =	wrdreg s2  }
0xb0: {  	[dreg:$0x4] =	wrdreg $0x9  }
0xb1: {  	_ =	task.clear_ibuf [dreg:s7], $0x5FFFF;
	_ =	strace $0x90000049  }
0xb2: {  	s29 =	simm.s32 $0x9;
	_ =	strace $0x8000004B  }
0xb3: {  	_ =	swait.ge [sflag:s29], $0x1  }
0xb4: {  	[sflag:s29] =	ssyncadd.s32 $0xFFFFFFFF  }
0xb5: {  	_ =	strace $0x9000004B  }
0xb6: {  	_ =	sfence  }
0xb7: {  	s30 =	sld [smem:$0x0];
	_ =	sdelay $0x2  }
0xb8: {  	s31 =	sshll.u32 s1, $0xD;
	s1 =	sshrl.u32 s1, $0x2  }
0xb9: {  	s3 =	sand.u32 $0x4000, s31;
	s1 =	sadd.s32 s1, s30  }
0xba: {  	s0 =	sor.u32 s3, s0;
	s1 =	sshll.u32 s1, $0x11  }
0xbb: {  	s0 =	sor.u32 s1, s0  }
0xbc: {  	s0 =	sadd.s32 $0x8F2B, s0  }
0xbd: {  	[sflag:s0] =	ssyncadd.remote.s32 $0x1  }
0xbe: {  	_ =	sfence.sel $0xFFFF  }
0xbf: {  	[dreg:$0x0] =	wrdreg $0xFFFFFFFF;
	(pc) =	sbr.abs _section_cstart, $3  }
0xc0: {  	[dreg:$0x1] =	wrdreg $0xFFFFFFFF  }
0xc1: {  	_ =	task.clear_ibuf [dreg:s7], $0x2FFFF;
	_ =	strace $0x9FFFFFFF  }
0xc2: {  	(tm) =	ssettm $0x7FFFFFFF  }
0xc3: {  	_ =	shalt  }
tec
execute0_lowered:
.L_overlay_start_1:
0x0: {  	(tag) =	ssettag $0x1  }
0x1: {  	s3 =	rddreg [dreg:$0x0]  }
0x2: {  	s1 =	srdreg.scid;
	s0 =	stileid.u32  }
0x3: {  	s9 =	rddreg [dreg:$0x1];
	s2 =	simm.s32 $0x0;
	s12 =	simm.s32 $0x8000  }
0x4: {  	s13 =	simm.s32 $0x1000;
	s14 =	simm.s32 $0x2000;
	s15 =	simm.s32 $0x3000  }
0x5: {  	s16 =	simm.s32 $0x4000;
	s17 =	simm.s32 $0x5000;
	s18 =	simm.s32 $0x1  }
0x6: {  	s19 =	simm.s32 $0x6000;
	s20 =	simm.s32 $0x2;
	s21 =	simm.s32 $0x0  }
0x7: {  	s4 =	sand.u32 $0x1, s1;
	s5 =	sshll.u32 s0, $0x1;
	s1 =	rddreg [dreg:$0x2]  }
0x8: {  	[smem:$0x7FF] =	sst s2;
	s5 =	sor.u32 s4, s5;
	s4 =	ssub.s32 $0x2, s4  }
0x9: {  	_ =	strace $0x8000004A;
	s6 =	sshll.u32 s5, $0x7;
	s31 =	sshrl.u32 s4, $0x1  }
0xa: {  	s11 =	smul.u32 $0x50, s5;
	s8 =	sadd.s32 s6, s3;
	s10 =	ssub.s32 s4, s31  }
0xb: {  	s3 =	sadd.s32 $0x7BA00, s8;
	s4 =	sadd.s32 $0x7BA10, s8;
	s5 =	sadd.s32 $0x7BA20, s8  }
0xc: {  	v0 =	vlaneseq.u32;
	s6 =	sadd.s32 $0x7BA30, s8;
	s7 =	sadd.s32 $0x7BA40, s8;
	s8 =	sadd.s32 $0x7BA50, s8  }
0xd: {  	v0 =	vmul.u32 $0x5, v0;
	s9 =	sadd.s32 s9, s11;
	s10 =	smax.u32 s10, $0x1;
	s11 =	simm.s32 $0x80  }
.LBB2_1:
0xe: {  	[tilespmem:s2], [sflag:$0x1] =	stream.strided.gather [hbm4b:s3+s11], $0x1000, s12, s11, $0x38;
	[tilespmem:$0x6280] =	vst v63  }
0xf: {  	_ = 	snop  }
0x10: {  	[tilespmem:s13], [sflag:$0x1] =	stream.strided.gather [hbm4b:s4+s11], $0x1000, s12, s11, $0x38;
	[tilespmem:$0x6280] =	vst v63  }
0x11: {  	_ = 	snop  }
0x12: {  	[tilespmem:s14], [sflag:$0x1] =	stream.strided.gather [hbm4b:s5+s11], $0x1000, s12, s11, $0x38;
	[tilespmem:$0x6280] =	vst v63  }
0x13: {  	_ = 	snop  }
0x14: {  	[tilespmem:s15], [sflag:$0x1] =	stream.strided.gather [hbm4b:s6+s11], $0x1000, s12, s11, $0x38;
	[tilespmem:$0x6280] =	vst v63  }
0x15: {  	_ = 	snop  }
0x16: {  	[tilespmem:s16], [sflag:$0x1] =	stream.strided.gather [hbm4b:s7+s11], $0x1000, s12, s11, $0x38;
	[tilespmem:$0x6280] =	vst v63  }
0x17: {  	_ = 	snop  }
0x18: {  	[tilespmem:s17], [sflag:$0x1] =	stream.strided.gather [hbm4b:s8+s11], $0x1000, s12, s11, $0x38;
	[tilespmem:$0x6280] =	vst v63  }
0x19: {  	_ =	swait.ge [sflag:s18], $0x1000  }
0x1a: {  	[sflag:s18] =	ssyncset.done $0x0  }
0x1b: {  	[sflag:s18] =	ssyncadd.s32 $0xFFFFF000  }
0x1c: {  	_ =	swait.ge [sflag:s18], $0x1000  }
0x1d: {  	[sflag:s18] =	ssyncset.done $0x0  }
0x1e: {  	[sflag:s18] =	ssyncadd.s32 $0xFFFFF000  }
0x1f: {  	_ =	swait.ge [sflag:s18], $0x1000  }
0x20: {  	[sflag:s18] =	ssyncset.done $0x0  }
0x21: {  	[sflag:s18] =	ssyncadd.s32 $0xFFFFF000  }
0x22: {  	_ =	swait.ge [sflag:s18], $0x1000  }
0x23: {  	[sflag:s18] =	ssyncset.done $0x0  }
0x24: {  	[sflag:s18] =	ssyncadd.s32 $0xFFFFF000  }
0x25: {  	_ =	swait.ge [sflag:s18], $0x1000  }
0x26: {  	[sflag:s18] =	ssyncset.done $0x0  }
0x27: {  	[sflag:s18] =	ssyncadd.s32 $0xFFFFF000  }
0x28: {  	_ =	swait.ge [sflag:s18], $0x1000  }
0x29: {  	[sflag:s18] =	ssyncset.done $0x0  }
0x2a: {  	[sflag:s18] =	ssyncadd.s32 $0xFFFFF000  }
0x2b: {  	v1 =	vld [tilespmem:$0x0];
	_ =	sdelay $0x4  }
0x2c: {  	[tilespmem:$0x1FBC0] =	vst v1;
	v1 =	vld [tilespmem:$0x80];
	_ =	sdelay $0x4  }
0x2d: {  	[tilespmem:$0x1FBD0] =	vst v1;
	v1 =	vld [tilespmem:$0x100];
	_ =	sdelay $0x4  }
0x2e: {  	[tilespmem:$0x1FBE0] =	vst v1;
	v1 =	vld [tilespmem:$0x180];
	_ =	sdelay $0x4  }
0x2f: {  	[tilespmem:$0x1FBF0] =	vst v1;
	v1 =	vld [tilespmem:$0x200];
	_ =	sdelay $0x4  }
0x30: {  	[tilespmem:$0x1FC00] =	vst v1;
	v1 =	vld [tilespmem:$0x280];
	_ =	sdelay $0x4  }
0x31: {  	[tilespmem:$0x1FC10] =	vst v1;
	v1 =	vld [tilespmem:$0x300];
	_ =	sdelay $0x4  }
0x32: {  	[tilespmem:$0x1FC20] =	vst v1;
	v1 =	vld [tilespmem:$0x380];
	_ =	sdelay $0x4  }
0x33: {  	[tilespmem:$0x1FC30] =	vst v1;
	v1 =	vld [tilespmem:$0x400];
	_ =	sdelay $0x4  }
0x34: {  	[tilespmem:$0x1FC40] =	vst v1;
	v1 =	vld [tilespmem:$0x480];
	_ =	sdelay $0x4  }
0x35: {  	[tilespmem:$0x1FC50] =	vst v1;
	v1 =	vld [tilespmem:$0x500];
	_ =	sdelay $0x4  }
0x36: {  	[tilespmem:$0x1FC60] =	vst v1;
	v1 =	vld [tilespmem:$0x580];
	_ =	sdelay $0x4  }
0x37: {  	[tilespmem:$0x1FC70] =	vst v1;
	v1 =	vld [tilespmem:$0x600];
	_ =	sdelay $0x4  }
0x38: {  	[tilespmem:$0x1FC80] =	vst v1;
	v1 =	vld [tilespmem:$0x680];
	_ =	sdelay $0x4  }
0x39: {  	[tilespmem:$0x1FC90] =	vst v1;
	v1 =	vld [tilespmem:$0x700];
	_ =	sdelay $0x4  }
0x3a: {  	[tilespmem:$0x1FCA0] =	vst v1;
	v1 =	vld [tilespmem:$0x780];
	_ =	sdelay $0x4  }
0x3b: {  	[tilespmem:$0x1FCB0] =	vst v1;
	v1 =	vld [tilespmem:$0x800];
	_ =	sdelay $0x4  }
0x3c: {  	[tilespmem:$0x1FCC0] =	vst v1;
	v1 =	vld [tilespmem:$0x880];
	_ =	sdelay $0x4  }
0x3d: {  	[tilespmem:$0x1FCD0] =	vst v1;
	v1 =	vld [tilespmem:$0x900];
	_ =	sdelay $0x4  }
0x3e: {  	[tilespmem:$0x1FCE0] =	vst v1;
	v1 =	vld [tilespmem:$0x980];
	_ =	sdelay $0x4  }
0x3f: {  	[tilespmem:$0x1FCF0] =	vst v1;
	v1 =	vld [tilespmem:$0xA00];
	_ =	sdelay $0x4  }
0x40: {  	[tilespmem:$0x1FD00] =	vst v1;
	v1 =	vld [tilespmem:$0xA80];
	_ =	sdelay $0x4  }
0x41: {  	[tilespmem:$0x1FD10] =	vst v1;
	v1 =	vld [tilespmem:$0xB00];
	_ =	sdelay $0x4  }
0x42: {  	[tilespmem:$0x1FD20] =	vst v1;
	v1 =	vld [tilespmem:$0xB80];
	_ =	sdelay $0x4  }
0x43: {  	[tilespmem:$0x1FD30] =	vst v1;
	v1 =	vld [tilespmem:$0xC00];
	_ =	sdelay $0x4  }
0x44: {  	[tilespmem:$0x1FD40] =	vst v1;
	v1 =	vld [tilespmem:$0xC80];
	_ =	sdelay $0x4  }
0x45: {  	[tilespmem:$0x1FD50] =	vst v1;
	v1 =	vld [tilespmem:$0xD00];
	_ =	sdelay $0x4  }
0x46: {  	[tilespmem:$0x1FD60] =	vst v1;
	v1 =	vld [tilespmem:$0xD80];
	_ =	sdelay $0x4  }
0x47: {  	[tilespmem:$0x1FD70] =	vst v1;
	v1 =	vld [tilespmem:$0xE00];
	_ =	sdelay $0x4  }
0x48: {  	[tilespmem:$0x1FD80] =	vst v1;
	v1 =	vld [tilespmem:$0xE80];
	_ =	sdelay $0x4  }
0x49: {  	[tilespmem:$0x1FD90] =	vst v1;
	v1 =	vld [tilespmem:$0xF00];
	_ =	sdelay $0x4  }
0x4a: {  	[tilespmem:$0x1FDA0] =	vst v1;
	v1 =	vld [tilespmem:$0xF80];
	_ =	sdelay $0x4  }
0x4b: {  	[tilespmem:$0x1FDB0] =	vst v1;
	v1 =	vld [tilespmem:$0x1780];
	_ =	sdelay $0x4  }
0x4c: {  	[tilespmem:$0x1FDC0] =	vst v1;
	v1 =	vld [tilespmem:$0x1800];
	_ =	sdelay $0x4  }
0x4d: {  	[tilespmem:$0x1FDD0] =	vst v1;
	v1 =	vld [tilespmem:$0x1880];
	_ =	sdelay $0x4  }
0x4e: {  	[tilespmem:$0x1FDE0] =	vst v1;
	v1 =	vld [tilespmem:$0x1900];
	_ =	sdelay $0x4  }
0x4f: {  	[tilespmem:$0x1FDF0] =	vst v1;
	v1 =	vld [tilespmem:$0x1980];
	_ =	sdelay $0x4  }
0x50: {  	[tilespmem:$0x1FE00] =	vst v1;
	v1 =	vld [tilespmem:$0x1A00];
	_ =	sdelay $0x4  }
0x51: {  	[tilespmem:$0x1FE10] =	vst v1;
	v1 =	vld [tilespmem:$0x1A80];
	_ =	sdelay $0x4  }
0x52: {  	[tilespmem:$0x1FE20] =	vst v1;
	v1 =	vld [tilespmem:$0x1B00];
	_ =	sdelay $0x4  }
0x53: {  	[tilespmem:$0x1FE30] =	vst v1;
	v1 =	vld [tilespmem:$0x1B80];
	_ =	sdelay $0x4  }
0x54: {  	[tilespmem:$0x1FE40] =	vst v1;
	v1 =	vld [tilespmem:$0x1C00];
	_ =	sdelay $0x4  }
0x55: {  	[tilespmem:$0x1FE50] =	vst v1;
	v1 =	vld [tilespmem:$0x1C80];
	_ =	sdelay $0x4  }
0x56: {  	[tilespmem:$0x1FE60] =	vst v1;
	v1 =	vld [tilespmem:$0x1D00];
	_ =	sdelay $0x4  }
0x57: {  	[tilespmem:$0x1FE70] =	vst v1;
	v1 =	vld [tilespmem:$0x1D80];
	_ =	sdelay $0x4  }
0x58: {  	[tilespmem:$0x1FE80] =	vst v1;
	v1 =	vld [tilespmem:$0x1E00];
	_ =	sdelay $0x4  }
0x59: {  	[tilespmem:$0x1FE90] =	vst v1;
	v1 =	vld [tilespmem:$0x1E80];
	_ =	sdelay $0x2  }
0x5a: {  	v28 =	vld [tilespmem:$0x1000]  }
0x5b: {  	v31 =	vld [tilespmem:$0x1080]  }
0x5c: {  	[tilespmem:$0x1FEA0] =	vst v1;
	v1 =	vld [tilespmem:$0x1F00]  }
0x5d: {  	v32 =	vld [tilespmem:$0x1100]  }
0x5e: {  	v33 =	vld [tilespmem:$0x1180]  }
0x5f: {  	v34 =	vld [tilespmem:$0x1200]  }
0x60: {  	v35 =	vld [tilespmem:$0x1280]  }
0x61: {  	[tilespmem:$0x1FEB0] =	vst v1;
	v1 =	vld [tilespmem:$0x1F80]  }
0x62: {  	v36 =	vld [tilespmem:$0x1300]  }
0x63: {  	v29 =	vld [tilespmem:$0x1380]  }
0x64: {  	v26 =	vld [tilespmem:$0x1400]  }
0x65: {  	v23 =	vld [tilespmem:$0x1480]  }
0x66: {  	[tilespmem:$0x1FEC0] =	vst v1;
	v1 =	vld [tilespmem:$0x2900]  }
0x67: {  	v21 =	vld [tilespmem:$0x1500]  }
0x68: {  	v18 =	vld [tilespmem:$0x1580]  }
0x69: {  	v14 =	vld [tilespmem:$0x1600]  }
0x6a: {  	v11 =	vld [tilespmem:$0x1680]  }
0x6b: {  	[tilespmem:$0x1FED0] =	vst v1;
	v1 =	vld [tilespmem:$0x2980]  }
0x6c: {  	v7 =	vld [tilespmem:$0x1700]  }
0x6d: {  	v54 =	vld [tilespmem:$0x2000]  }
0x6e: {  	v56 =	vld [tilespmem:$0x2080]  }
0x6f: {  	v53 =	vld [tilespmem:$0x2100]  }
0x70: {  	[tilespmem:$0x1FEE0] =	vst v1;
	v1 =	vld [tilespmem:$0x2A00]  }
0x71: {  	v51 =	vld [tilespmem:$0x2180]  }
0x72: {  	v50 =	vld [tilespmem:$0x2200]  }
0x73: {  	v48 =	vld [tilespmem:$0x2280]  }
0x74: {  	v46 =	vld [tilespmem:$0x2300]  }
0x75: {  	[tilespmem:$0x1FEF0] =	vst v1;
	v1 =	vld [tilespmem:$0x2A80]  }
0x76: {  	v44 =	vld [tilespmem:$0x2380]  }
0x77: {  	v42 =	vld [tilespmem:$0x2400]  }
0x78: {  	v40 =	vld [tilespmem:$0x2480]  }
0x79: {  	v38 =	vld [tilespmem:$0x2500]  }
0x7a: {  	[tilespmem:$0x1FF00] =	vst v1;
	v1 =	vld [tilespmem:$0x2B00]  }
0x7b: {  	v30 =	vld [tilespmem:$0x2580]  }
0x7c: {  	v25 =	vld [tilespmem:$0x2600]  }
0x7d: {  	v22 =	vld [tilespmem:$0x2680]  }
0x7e: {  	v19 =	vld [tilespmem:$0x2700]  }
0x7f: {  	[tilespmem:$0x1FF10] =	vst v1;
	v1 =	vld [tilespmem:$0x2B80]  }
0x80: {  	v15 =	vld [tilespmem:$0x2780]  }
0x81: {  	v12 =	vld [tilespmem:$0x2800]  }
0x82: {  	v8 =	vld [tilespmem:$0x2880]  }
0x83: {  	v4 =	vld [tilespmem:$0x3000]  }
0x84: {  	[tilespmem:$0x1FF20] =	vst v1;
	v1 =	vld [tilespmem:$0x2C00]  }
0x85: {  	v5 =	vld [tilespmem:$0x3080]  }
0x86: {  	v3 =	vld [tilespmem:$0x3100]  }
0x87: {  	v2 =	vld [tilespmem:$0x3180]  }
0x88: {  	v63 =	vld [tilespmem:$0x3280]  }
0x89: {  	[tilespmem:$0x1FF30] =	vst v1;
	v1 =	vld [tilespmem:$0x2C80]  }
0x8a: {  	v62 =	vld [tilespmem:$0x3300]  }
0x8b: {  	v61 =	vld [tilespmem:$0x3380]  }
0x8c: {  	v60 =	vld [tilespmem:$0x3400]  }
0x8d: {  	v59 =	vld [tilespmem:$0x3480]  }
0x8e: {  	[tilespmem:$0x1FF40] =	vst v1;
	v1 =	vld [tilespmem:$0x2D00]  }
0x8f: {  	v58 =	vld [tilespmem:$0x3500]  }
0x90: {  	v57 =	vld [tilespmem:$0x3580]  }
0x91: {  	v55 =	vld [tilespmem:$0x3600]  }
0x92: {  	v6 =	vld [tilespmem:$0x3D80]  }
0x93: {  	[tilespmem:$0x1FF50] =	vst v1;
	v1 =	vld [tilespmem:$0x2D80]  }
0x94: {  	v52 =	vld [tilespmem:$0x3680]  }
0x95: {  	v49 =	vld [tilespmem:$0x3700]  }
0x96: {  	v47 =	vld [tilespmem:$0x3780]  }
0x97: {  	[tilespmem:$0x1FFB0] =	vst v6;
	v6 =	vld [tilespmem:$0x3E00]  }
0x98: {  	[tilespmem:$0x1FF60] =	vst v1;
	v1 =	vld [tilespmem:$0x2E00]  }
0x99: {  	v45 =	vld [tilespmem:$0x3800]  }
0x9a: {  	v43 =	vld [tilespmem:$0x3880]  }
0x9b: {  	v41 =	vld [tilespmem:$0x3900]  }
0x9c: {  	[tilespmem:$0x1FFC0] =	vst v6;
	v6 =	vld [tilespmem:$0x3E80]  }
0x9d: {  	[tilespmem:$0x1FF70] =	vst v1;
	v1 =	vld [tilespmem:$0x2E80]  }
0x9e: {  	v39 =	vld [tilespmem:$0x3980]  }
0x9f: {  	v37 =	vld [tilespmem:$0x3A00]  }
0xa0: {  	v27 =	vld [tilespmem:$0x3A80]  }
0xa1: {  	[tilespmem:$0x1FFD0] =	vst v6;
	v6 =	vld [tilespmem:$0x3F00]  }
0xa2: {  	[tilespmem:$0x1FF80] =	vst v1;
	v1 =	vld [tilespmem:$0x2F00]  }
0xa3: {  	v24 =	vld [tilespmem:$0x3B00]  }
0xa4: {  	v20 =	vld [tilespmem:$0x3B80]  }
0xa5: {  	v17 =	vld [tilespmem:$0x3C00]  }
0xa6: {  	[tilespmem:$0x1FFE0] =	vst v6;
	v6 =	vld [tilespmem:$0x3F80]  }
0xa7: {  	[tilespmem:$0x1FF90] =	vst v1;
	v1 =	vld [tilespmem:$0x2F80]  }
0xa8: {  	v13 =	vld [tilespmem:$0x3C80]  }
0xa9: {  	v10 =	vld [tilespmem:$0x3D00]  }
0xaa: {  	s23 =	simm.s32 $0x0;
	v16 =	vld [tilespmem:$0x4000]  }
0xab: {  	[tilespmem:$0x1FFF0] =	vst v6;
	v6 =	vld [tilespmem:s23+$0x4080]  }
0xac: {  	s22 =	simm.s32 $0x200;
	[tilespmem:$0x1FFA0] =	vst v1;
	v1 =	vld [tilespmem:$0x3200]  }
.LBB2_2:
0xad: {  	p0 =	sne.s32 s22, $0x3C00  }
.Ltmp0:
0xae: {  	_ = 	snop;
	(pc) =	sbr.rel @p0 .LBB2_2-.Ltmp0, $3  }
0xaf: {  	_ =	sdelay $0x1  }
0xb0: {  	s23 =	sshra.s32 s22, $0x2;
	s22 =	sadd.s32 $0x200, s22;
	v16 =	vadd.f32 v6, v16  }
0xb1: {  	v6 =	vld [tilespmem:s23+$0x4080]  }
0xb2: {  	_ =	sdelay $0x3  }
0xb3: {  	v6 =	vadd.f32 v6, v16  }
0xb4: {  	v9 =	vld [tilespmem:$0x5000];
	s23 =	simm.s32 $0x0  }
0xb5: {  	s22 =	simm.s32 $0x200;
	v16 =	vld [tilespmem:s23+$0x5080];
	[tilespmem:$0x1FBB0] =	vst v6  }
.LBB2_4:
0xb6: {  	p0 =	sne.s32 s22, $0x3C00  }
.Ltmp1:
0xb7: {  	_ = 	snop;
	(pc) =	sbr.rel @p0 .LBB2_4-.Ltmp1, $3  }
0xb8: {  	_ =	sdelay $0x1  }
0xb9: {  	s23 =	sshra.s32 s22, $0x2;
	s22 =	sadd.s32 $0x200, s22;
	v9 =	vadd.f32 v16, v9  }
0xba: {  	v16 =	vld [tilespmem:s23+$0x5080]  }
0xbb: {  	v6 =	vadd.f32 v31, v28;
	_ =	sdelay $0x1  }
0xbc: {  	v6 =	vadd.f32 v32, v6;
	_ =	sdelay $0x1  }
0xbd: {  	v6 =	vadd.f32 v33, v6;
	_ =	sdelay $0x1  }
0xbe: {  	v6 =	vadd.f32 v34, v6;
	_ =	sdelay $0x1  }
0xbf: {  	v6 =	vadd.f32 v35, v6;
	_ =	sdelay $0x1  }
0xc0: {  	v6 =	vadd.f32 v36, v6;
	_ =	sdelay $0x1  }
0xc1: {  	v28 =	vadd.f32 v56, v54;
	v6 =	vadd.f32 v29, v6  }
0xc2: {  	v4 =	vadd.f32 v5, v4  }
0xc3: {  	v5 =	vadd.f32 v53, v28;
	v6 =	vadd.f32 v26, v6  }
0xc4: {  	v3 =	vadd.f32 v3, v4  }
0xc5: {  	v4 =	vadd.f32 v51, v5;
	v5 =	vadd.f32 v23, v6  }
0xc6: {  	v2 =	vadd.f32 v2, v3;
	v6 =	vld [tilespmem:$0x1FBD0]  }
0xc7: {  	v3 =	vadd.f32 v50, v4;
	v4 =	vadd.f32 v21, v5;
	v5 =	vld [tilespmem:$0x1FBC0]  }
0xc8: {  	v1 =	vadd.f32 v1, v2  }
0xc9: {  	v2 =	vadd.f32 v48, v3;
	v3 =	vadd.f32 v18, v4;
	v4 =	vld [tilespmem:$0x1FBE0];
	_ =	sdelay $0x2  }
0xca: {  	v5 =	vadd.f32 v6, v5;
	_ =	sdelay $0x1  }
0xcb: {  	v4 =	vadd.f32 v4, v5;
	v5 =	vld [tilespmem:$0x1FBF0];
	_ =	sdelay $0x4  }
0xcc: {  	v4 =	vadd.f32 v5, v4;
	v5 =	vld [tilespmem:$0x1FC00];
	_ =	sdelay $0x4  }
0xcd: {  	v4 =	vadd.f32 v5, v4;
	v5 =	vld [tilespmem:$0x1FC10];
	_ =	sdelay $0x3  }
0xce: {  	v3 =	vadd.f32 v14, v3  }
0xcf: {  	v4 =	vadd.f32 v5, v4;
	v5 =	vld [tilespmem:$0x1FDC0]  }
0xd0: {  	v3 =	vadd.f32 v11, v3;
	_ =	sdelay $0x1  }
0xd1: {  	v3 =	vadd.f32 v7, v3;
	_ =	sdelay $0x1  }
0xd2: {  	v3 =	vadd.f32 v5, v3;
	v5 =	vld [tilespmem:$0x1FC20];
	_ =	sdelay $0x4  }
0xd3: {  	v4 =	vadd.f32 v5, v4;
	v5 =	vld [tilespmem:$0x1FDD0];
	_ =	sdelay $0x4  }
0xd4: {  	v3 =	vadd.f32 v5, v3;
	v5 =	vld [tilespmem:$0x1FC30];
	_ =	sdelay $0x4  }
0xd5: {  	v4 =	vadd.f32 v5, v4;
	v5 =	vld [tilespmem:$0x1FDE0];
	_ =	sdelay $0x4  }
0xd6: {  	v3 =	vadd.f32 v5, v3;
	v5 =	vld [tilespmem:$0x1FC40];
	_ =	sdelay $0x4  }
0xd7: {  	v4 =	vadd.f32 v5, v4;
	v5 =	vld [tilespmem:$0x1FDF0];
	_ =	sdelay $0x4  }
0xd8: {  	v3 =	vadd.f32 v5, v3;
	v5 =	vld [tilespmem:$0x1FC50];
	_ =	sdelay $0x4  }
0xd9: {  	v4 =	vadd.f32 v5, v4;
	v5 =	vld [tilespmem:$0x1FE00];
	_ =	sdelay $0x4  }
0xda: {  	v3 =	vadd.f32 v5, v3;
	v5 =	vld [tilespmem:$0x1FC60];
	_ =	sdelay $0x4  }
0xdb: {  	v4 =	vadd.f32 v5, v4;
	v5 =	vld [tilespmem:$0x1FE10];
	_ =	sdelay $0x4  }
0xdc: {  	v3 =	vadd.f32 v5, v3;
	v5 =	vld [tilespmem:$0x1FC70];
	_ =	sdelay $0x4  }
0xdd: {  	v4 =	vadd.f32 v5, v4;
	v5 =	vld [tilespmem:$0x1FE20];
	_ =	sdelay $0x4  }
0xde: {  	v3 =	vadd.f32 v5, v3;
	v5 =	vld [tilespmem:$0x1FC80];
	_ =	sdelay $0x4  }
0xdf: {  	v4 =	vadd.f32 v5, v4;
	v5 =	vld [tilespmem:$0x1FE30]  }
0xe0: {  	v2 =	vadd.f32 v46, v2;
	_ =	sdelay $0x1  }
0xe1: {  	v2 =	vadd.f32 v44, v2;
	_ =	sdelay $0x1  }
0xe2: {  	v2 =	vadd.f32 v42, v2;
	v3 =	vadd.f32 v5, v3;
	v5 =	vld [tilespmem:$0x1FC90];
	_ =	sdelay $0x1  }
0xe3: {  	v2 =	vadd.f32 v40, v2;
	_ =	sdelay $0x1  }
0xe4: {  	v2 =	vadd.f32 v38, v2  }
0xe5: {  	v4 =	vadd.f32 v5, v4;
	v5 =	vld [tilespmem:$0x1FE40]  }
0xe6: {  	v2 =	vadd.f32 v30, v2;
	_ =	sdelay $0x1  }
0xe7: {  	v2 =	vadd.f32 v25, v2;
	_ =	sdelay $0x1  }
0xe8: {  	v2 =	vadd.f32 v22, v2;
	v3 =	vadd.f32 v5, v3;
	v5 =	vld [tilespmem:$0x1FCA0];
	_ =	sdelay $0x1  }
0xe9: {  	v2 =	vadd.f32 v19, v2;
	_ =	sdelay $0x1  }
0xea: {  	v2 =	vadd.f32 v15, v2  }
0xeb: {  	v4 =	vadd.f32 v5, v4;
	v5 =	vld [tilespmem:$0x1FED0]  }
0xec: {  	v2 =	vadd.f32 v12, v2;
	_ =	sdelay $0x1  }
0xed: {  	v2 =	vadd.f32 v8, v2;
	_ =	sdelay $0x1  }
0xee: {  	v2 =	vadd.f32 v5, v2;
	v5 =	vld [tilespmem:$0x1FE50];
	_ =	sdelay $0x4  }
0xef: {  	v3 =	vadd.f32 v5, v3;
	v5 =	vld [tilespmem:$0x1FCB0];
	_ =	sdelay $0x4  }
0xf0: {  	v4 =	vadd.f32 v5, v4;
	v5 =	vld [tilespmem:$0x1FEE0];
	_ =	sdelay $0x4  }
0xf1: {  	v2 =	vadd.f32 v5, v2;
	v5 =	vld [tilespmem:$0x1FE60];
	_ =	sdelay $0x4  }
0xf2: {  	v3 =	vadd.f32 v5, v3;
	v5 =	vld [tilespmem:$0x1FCC0];
	_ =	sdelay $0x4  }
0xf3: {  	v4 =	vadd.f32 v5, v4;
	v5 =	vld [tilespmem:$0x1FEF0];
	_ =	sdelay $0x4  }
0xf4: {  	v2 =	vadd.f32 v5, v2;
	v5 =	vld [tilespmem:$0x1FE70];
	_ =	sdelay $0x4  }
0xf5: {  	v3 =	vadd.f32 v5, v3;
	v5 =	vld [tilespmem:$0x1FCD0];
	_ =	sdelay $0x4  }
0xf6: {  	v4 =	vadd.f32 v5, v4;
	v5 =	vld [tilespmem:$0x1FF00];
	_ =	sdelay $0x4  }
0xf7: {  	v2 =	vadd.f32 v5, v2;
	v5 =	vld [tilespmem:$0x1FE80];
	_ =	sdelay $0x4  }
0xf8: {  	v3 =	vadd.f32 v5, v3;
	v5 =	vld [tilespmem:$0x1FCE0];
	_ =	sdelay $0x4  }
0xf9: {  	v4 =	vadd.f32 v5, v4;
	v5 =	vld [tilespmem:$0x1FF10];
	_ =	sdelay $0x4  }
0xfa: {  	v2 =	vadd.f32 v5, v2;
	v5 =	vld [tilespmem:$0x1FE90];
	_ =	sdelay $0x4  }
0xfb: {  	v3 =	vadd.f32 v5, v3;
	v5 =	vld [tilespmem:$0x1FCF0];
	_ =	sdelay $0x4  }
0xfc: {  	v4 =	vadd.f32 v5, v4;
	v5 =	vld [tilespmem:$0x1FF20];
	_ =	sdelay $0x4  }
0xfd: {  	v2 =	vadd.f32 v5, v2;
	v5 =	vld [tilespmem:$0x1FEA0];
	_ =	sdelay $0x4  }
0xfe: {  	v3 =	vadd.f32 v5, v3;
	v5 =	vld [tilespmem:$0x1FD00];
	_ =	sdelay $0x2  }
0xff: {  	v1 =	vadd.f32 v63, v1;
	_ =	sdelay $0x1  }
0x100: {  	v1 =	vadd.f32 v62, v1;
	v4 =	vadd.f32 v5, v4;
	v5 =	vld [tilespmem:$0x1FF30];
	_ =	sdelay $0x1  }
0x101: {  	v1 =	vadd.f32 v61, v1;
	_ =	sdelay $0x1  }
0x102: {  	v1 =	vadd.f32 v60, v1  }
0x103: {  	v2 =	vadd.f32 v5, v2;
	v5 =	vld [tilespmem:$0x1FEB0]  }
0x104: {  	v1 =	vadd.f32 v59, v1;
	_ =	sdelay $0x1  }
0x105: {  	v1 =	vadd.f32 v58, v1;
	_ =	sdelay $0x1  }
0x106: {  	v1 =	vadd.f32 v57, v1;
	v3 =	vadd.f32 v5, v3;
	v5 =	vld [tilespmem:$0x1FD10];
	_ =	sdelay $0x1  }
0x107: {  	v1 =	vadd.f32 v55, v1;
	_ =	sdelay $0x1  }
0x108: {  	v1 =	vadd.f32 v52, v1  }
0x109: {  	v4 =	vadd.f32 v5, v4;
	v5 =	vld [tilespmem:$0x1FF40]  }
0x10a: {  	v1 =	vadd.f32 v49, v1;
	_ =	sdelay $0x1  }
0x10b: {  	v1 =	vadd.f32 v47, v1;
	_ =	sdelay $0x1  }
0x10c: {  	v1 =	vadd.f32 v45, v1;
	v2 =	vadd.f32 v5, v2;
	v5 =	vld [tilespmem:$0x1FEC0];
	_ =	sdelay $0x1  }
0x10d: {  	v1 =	vadd.f32 v43, v1;
	_ =	sdelay $0x1  }
0x10e: {  	v1 =	vadd.f32 v41, v1  }
0x10f: {  	v3 =	vadd.f32 v5, v3;
	v5 =	vld [tilespmem:$0x1FD20]  }
0x110: {  	v1 =	vadd.f32 v39, v1;
	_ =	sdelay $0x1  }
0x111: {  	v1 =	vadd.f32 v37, v1;
	_ =	sdelay $0x1  }
0x112: {  	v1 =	vadd.f32 v27, v1;
	v4 =	vadd.f32 v5, v4;
	v5 =	vld [tilespmem:$0x1FF50];
	_ =	sdelay $0x1  }
0x113: {  	v1 =	vadd.f32 v24, v1;
	_ =	sdelay $0x1  }
0x114: {  	v1 =	vadd.f32 v20, v1  }
0x115: {  	v3 =	vadd.f32 $9.999999970e-07, v3;
	v2 =	vadd.f32 v5, v2;
	v5 =	vld [tilespmem:$0x1FD30]  }
0x116: {  	v1 =	vadd.f32 v17, v1  }
0x117: {  	(erf) = vrcp.f32 v3;
	v3 =	vld [tilespmem:$0x1FFB0]  }
0x118: {  	v1 =	vadd.f32 v13, v1;
	_ =	sdelay $0x1  }
0x119: {  	v1 =	vadd.f32 v10, v1;
	v4 =	vadd.f32 v5, v4;
	v5 =	vld [tilespmem:$0x1FF60];
	_ =	sdelay $0x1  }
0x11a: {  	v1 =	vadd.f32 v3, v1;
	v3 =	vld [tilespmem:$0x1FF70];
	_ =	sdelay $0x2  }
0x11b: {  	v2 =	vadd.f32 v5, v2;
	v5 =	vld [tilespmem:$0x1FD40];
	_ =	sdelay $0x1  }
0x11c: {  	v2 =	vadd.f32 v3, v2;
	v3 =	vld [tilespmem:$0x1FD50];
	_ =	sdelay $0x2  }
0x11d: {  	v4 =	vadd.f32 v5, v4;
	_ =	sdelay $0x1  }
0x11e: {  	v3 =	vadd.f32 v3, v4;
	v4 =	vld [tilespmem:$0x1FFC0];
	_ =	sdelay $0x4  }
0x11f: {  	v1 =	vadd.f32 v4, v1;
	v4 =	vld [tilespmem:$0x1FF80];
	_ =	sdelay $0x4  }
0x120: {  	v2 =	vadd.f32 v4, v2;
	v4 =	vld [tilespmem:$0x1FD60];
	_ =	sdelay $0x4  }
0x121: {  	v3 =	vadd.f32 v4, v3;
	v4 =	vld [tilespmem:$0x1FFD0];
	_ =	sdelay $0x4  }
0x122: {  	v1 =	vadd.f32 v4, v1;
	v4 =	vld [tilespmem:$0x1FF90];
	_ =	sdelay $0x4  }
0x123: {  	v2 =	vadd.f32 v4, v2;
	v4 =	vld [tilespmem:$0x1FD70];
	_ =	sdelay $0x4  }
0x124: {  	v3 =	vadd.f32 v4, v3;
	v4 =	vld [tilespmem:$0x1FFE0];
	_ =	sdelay $0x4  }
0x125: {  	v1 =	vadd.f32 v4, v1;
	v4 =	vld [tilespmem:$0x1FFA0];
	_ =	sdelay $0x3  }
0x126: {  	v5 =	vld [tilespmem:$0x1FFF0]  }
0x127: {  	v2 =	vadd.f32 v4, v2;
	v4 =	vld [tilespmem:$0x1FD80];
	_ =	sdelay $0x4  }
0x128: {  	v1 =	vadd.f32 v5, v1;
	v5 =	vpop (erf);
	v3 =	vadd.f32 v4, v3;
	v4 =	vadd.s32 $0x1, v0  }
0x129: {  	v7 =	vld [tilespmem:$0x1FD90];
	v2 =	vmul.f32 v2, v5  }
0x12a: {  	v10 =	vld [tilespmem:$0x1FDA0]  }
0x12b: {  	v1 =	vmul.f32 v1, v5;
	[tilespmem:v0+s19+$0x0] =	vst.idx.msk $0xffff, v2;
	v2 =	vld [tilespmem:$0x1FBB0];
	_ =	sdelay $0x1  }
0x12c: {  	v6 =	vadd.s32 $0x2, v0;
	[tilespmem:v4+s19+$0x0] =	vst.idx.msk $0xffff, v1;
	v4 =	vld [tilespmem:$0x1FDB0]  }
0x12d: {  	v3 =	vadd.f32 v7, v3;
	v7 =	vadd.s32 $0x3, v0  }
0x12e: {  	v8 =	vadd.f32 v16, v9;
	v9 =	vadd.s32 $0x4, v0  }
0x12f: {  	v3 =	vadd.f32 v10, v3;
	v2 =	vmul.f32 v2, v5  }
0x130: {  	v1 =	vmul.f32 v8, v5  }
0x131: {  	[tilespmem:v6+s19+$0x0] =	vst.idx.msk $0xffff, v2;
	v3 =	vadd.f32 v4, v3  }
0x132: {  	[tilespmem:v7+s19+$0x0] =	vst.idx.msk $0xffff, v1  }
0x133: {  	[tilespmem:v9+s19+$0x0] =	vst.idx.msk $0xffff, v3  }
0x134: {  	v1 =	vld [tilespmem:$0x10];
	_ =	sdelay $0x4  }
0x135: {  	[tilespmem:$0x1F770] =	vst v1;
	v1 =	vld [tilespmem:$0x90];
	_ =	sdelay $0x4  }
0x136: {  	[tilespmem:$0x1F780] =	vst v1;
	v1 =	vld [tilespmem:$0x110];
	_ =	sdelay $0x4  }
0x137: {  	[tilespmem:$0x1F790] =	vst v1;
	v1 =	vld [tilespmem:$0x190];
	_ =	sdelay $0x4  }
0x138: {  	[tilespmem:$0x1F7A0] =	vst v1;
	v1 =	vld [tilespmem:$0x210];
	_ =	sdelay $0x4  }
0x139: {  	[tilespmem:$0x1F7B0] =	vst v1;
	v1 =	vld [tilespmem:$0x290];
	_ =	sdelay $0x4  }
0x13a: {  	[tilespmem:$0x1F7C0] =	vst v1;
	v1 =	vld [tilespmem:$0x310];
	_ =	sdelay $0x4  }
0x13b: {  	[tilespmem:$0x1F7D0] =	vst v1;
	v1 =	vld [tilespmem:$0x390];
	_ =	sdelay $0x4  }
0x13c: {  	[tilespmem:$0x1F7E0] =	vst v1;
	v1 =	vld [tilespmem:$0x410];
	_ =	sdelay $0x4  }
0x13d: {  	[tilespmem:$0x1F7F0] =	vst v1;
	v1 =	vld [tilespmem:$0x490];
	_ =	sdelay $0x4  }
0x13e: {  	[tilespmem:$0x1F800] =	vst v1;
	v1 =	vld [tilespmem:$0x510];
	_ =	sdelay $0x4  }
0x13f: {  	[tilespmem:$0x1F810] =	vst v1;
	v1 =	vld [tilespmem:$0x590];
	_ =	sdelay $0x4  }
0x140: {  	[tilespmem:$0x1F820] =	vst v1;
	v1 =	vld [tilespmem:$0x610];
	_ =	sdelay $0x4  }
0x141: {  	[tilespmem:$0x1F830] =	vst v1;
	v1 =	vld [tilespmem:$0x690];
	_ =	sdelay $0x4  }
0x142: {  	[tilespmem:$0x1F840] =	vst v1;
	v1 =	vld [tilespmem:$0x710];
	_ =	sdelay $0x4  }
0x143: {  	[tilespmem:$0x1F850] =	vst v1;
	v1 =	vld [tilespmem:$0x790];
	_ =	sdelay $0x4  }
0x144: {  	[tilespmem:$0x1F860] =	vst v1;
	v1 =	vld [tilespmem:$0x810];
	_ =	sdelay $0x4  }
0x145: {  	[tilespmem:$0x1F870] =	vst v1;
	v1 =	vld [tilespmem:$0x890];
	_ =	sdelay $0x4  }
0x146: {  	[tilespmem:$0x1F880] =	vst v1;
	v1 =	vld [tilespmem:$0x910];
	_ =	sdelay $0x4  }
0x147: {  	[tilespmem:$0x1F890] =	vst v1;
	v1 =	vld [tilespmem:$0x990];
	_ =	sdelay $0x4  }
0x148: {  	[tilespmem:$0x1F8A0] =	vst v1;
	v1 =	vld [tilespmem:$0xA10];
	_ =	sdelay $0x4  }
0x149: {  	[tilespmem:$0x1F8B0] =	vst v1;
	v1 =	vld [tilespmem:$0xA90];
	_ =	sdelay $0x4  }
0x14a: {  	[tilespmem:$0x1F8C0] =	vst v1;
	v1 =	vld [tilespmem:$0xB10];
	_ =	sdelay $0x4  }
0x14b: {  	[tilespmem:$0x1F8D0] =	vst v1;
	v1 =	vld [tilespmem:$0xB90];
	_ =	sdelay $0x4  }
0x14c: {  	[tilespmem:$0x1F8E0] =	vst v1;
	v1 =	vld [tilespmem:$0xC10];
	_ =	sdelay $0x4  }
0x14d: {  	[tilespmem:$0x1F8F0] =	vst v1;
	v1 =	vld [tilespmem:$0xC90];
	_ =	sdelay $0x4  }
0x14e: {  	[tilespmem:$0x1F900] =	vst v1;
	v1 =	vld [tilespmem:$0xD10];
	_ =	sdelay $0x4  }
0x14f: {  	[tilespmem:$0x1F910] =	vst v1;
	v1 =	vld [tilespmem:$0xD90];
	_ =	sdelay $0x4  }
0x150: {  	[tilespmem:$0x1F920] =	vst v1;
	v1 =	vld [tilespmem:$0xE10];
	_ =	sdelay $0x4  }
0x151: {  	[tilespmem:$0x1F930] =	vst v1;
	v1 =	vld [tilespmem:$0xE90];
	_ =	sdelay $0x4  }
0x152: {  	[tilespmem:$0x1F940] =	vst v1;
	v1 =	vld [tilespmem:$0xF10];
	_ =	sdelay $0x4  }
0x153: {  	[tilespmem:$0x1F950] =	vst v1;
	v1 =	vld [tilespmem:$0xF90];
	_ =	sdelay $0x4  }
0x154: {  	[tilespmem:$0x1F960] =	vst v1;
	v1 =	vld [tilespmem:$0x1790];
	_ =	sdelay $0x4  }
0x155: {  	[tilespmem:$0x1F970] =	vst v1;
	v1 =	vld [tilespmem:$0x1810];
	_ =	sdelay $0x4  }
0x156: {  	[tilespmem:$0x1F980] =	vst v1;
	v1 =	vld [tilespmem:$0x1890];
	_ =	sdelay $0x4  }
0x157: {  	[tilespmem:$0x1F990] =	vst v1;
	v1 =	vld [tilespmem:$0x1910];
	_ =	sdelay $0x4  }
0x158: {  	[tilespmem:$0x1F9A0] =	vst v1;
	v1 =	vld [tilespmem:$0x1990];
	_ =	sdelay $0x4  }
0x159: {  	[tilespmem:$0x1F9B0] =	vst v1;
	v1 =	vld [tilespmem:$0x1A10];
	_ =	sdelay $0x4  }
0x15a: {  	[tilespmem:$0x1F9C0] =	vst v1;
	v1 =	vld [tilespmem:$0x1A90];
	_ =	sdelay $0x4  }
0x15b: {  	[tilespmem:$0x1F9D0] =	vst v1;
	v1 =	vld [tilespmem:$0x1B10];
	_ =	sdelay $0x4  }
0x15c: {  	[tilespmem:$0x1F9E0] =	vst v1;
	v1 =	vld [tilespmem:$0x1B90];
	_ =	sdelay $0x4  }
0x15d: {  	[tilespmem:$0x1F9F0] =	vst v1;
	v1 =	vld [tilespmem:$0x1C10];
	_ =	sdelay $0x4  }
0x15e: {  	[tilespmem:$0x1FA00] =	vst v1;
	v1 =	vld [tilespmem:$0x1C90];
	_ =	sdelay $0x4  }
0x15f: {  	[tilespmem:$0x1FA10] =	vst v1;
	v1 =	vld [tilespmem:$0x1D10];
	_ =	sdelay $0x4  }
0x160: {  	[tilespmem:$0x1FA20] =	vst v1;
	v1 =	vld [tilespmem:$0x1D90];
	_ =	sdelay $0x4  }
0x161: {  	[tilespmem:$0x1FA30] =	vst v1;
	v1 =	vld [tilespmem:$0x1E10];
	_ =	sdelay $0x4  }
0x162: {  	[tilespmem:$0x1FA40] =	vst v1;
	v1 =	vld [tilespmem:$0x1E90];
	_ =	sdelay $0x2  }
0x163: {  	v28 =	vld [tilespmem:$0x1010]  }
0x164: {  	v31 =	vld [tilespmem:$0x1090]  }
0x165: {  	[tilespmem:$0x1FA50] =	vst v1;
	v1 =	vld [tilespmem:$0x1F10]  }
0x166: {  	v32 =	vld [tilespmem:$0x1110]  }
0x167: {  	v33 =	vld [tilespmem:$0x1190]  }
0x168: {  	v34 =	vld [tilespmem:$0x1210]  }
0x169: {  	v35 =	vld [tilespmem:$0x1290]  }
0x16a: {  	[tilespmem:$0x1FA60] =	vst v1;
	v1 =	vld [tilespmem:$0x1F90]  }
0x16b: {  	v36 =	vld [tilespmem:$0x1310]  }
0x16c: {  	v29 =	vld [tilespmem:$0x1390]  }
0x16d: {  	v26 =	vld [tilespmem:$0x1410]  }
0x16e: {  	v23 =	vld [tilespmem:$0x1490]  }
0x16f: {  	[tilespmem:$0x1FA70] =	vst v1;
	v1 =	vld [tilespmem:$0x2910]  }
0x170: {  	v21 =	vld [tilespmem:$0x1510]  }
0x171: {  	v18 =	vld [tilespmem:$0x1590]  }
0x172: {  	v15 =	vld [tilespmem:$0x1610]  }
0x173: {  	v11 =	vld [tilespmem:$0x1690]  }
0x174: {  	[tilespmem:$0x1FA80] =	vst v1;
	v1 =	vld [tilespmem:$0x2990]  }
0x175: {  	v8 =	vld [tilespmem:$0x1710]  }
0x176: {  	v54 =	vld [tilespmem:$0x2010]  }
0x177: {  	v56 =	vld [tilespmem:$0x2090]  }
0x178: {  	v53 =	vld [tilespmem:$0x2110]  }
0x179: {  	[tilespmem:$0x1FA90] =	vst v1;
	v1 =	vld [tilespmem:$0x2A10]  }
0x17a: {  	v51 =	vld [tilespmem:$0x2190]  }
0x17b: {  	v50 =	vld [tilespmem:$0x2210]  }
0x17c: {  	v48 =	vld [tilespmem:$0x2290]  }
0x17d: {  	v46 =	vld [tilespmem:$0x2310]  }
0x17e: {  	[tilespmem:$0x1FAA0] =	vst v1;
	v1 =	vld [tilespmem:$0x2A90]  }
0x17f: {  	v44 =	vld [tilespmem:$0x2390]  }
0x180: {  	v42 =	vld [tilespmem:$0x2410]  }
0x181: {  	v40 =	vld [tilespmem:$0x2490]  }
0x182: {  	v38 =	vld [tilespmem:$0x2510]  }
0x183: {  	[tilespmem:$0x1FAB0] =	vst v1;
	v1 =	vld [tilespmem:$0x2B10]  }
0x184: {  	v30 =	vld [tilespmem:$0x2590]  }
0x185: {  	v25 =	vld [tilespmem:$0x2610]  }
0x186: {  	v22 =	vld [tilespmem:$0x2690]  }
0x187: {  	v19 =	vld [tilespmem:$0x2710]  }
0x188: {  	[tilespmem:$0x1FAC0] =	vst v1;
	v1 =	vld [tilespmem:$0x2B90]  }
0x189: {  	v16 =	vld [tilespmem:$0x2790]  }
0x18a: {  	v12 =	vld [tilespmem:$0x2810]  }
0x18b: {  	v9 =	vld [tilespmem:$0x2890]  }
0x18c: {  	v4 =	vld [tilespmem:$0x3010]  }
0x18d: {  	[tilespmem:$0x1FAD0] =	vst v1;
	v1 =	vld [tilespmem:$0x2C10]  }
0x18e: {  	v5 =	vld [tilespmem:$0x3090]  }
0x18f: {  	v3 =	vld [tilespmem:$0x3110]  }
0x190: {  	v2 =	vld [tilespmem:$0x3190]  }
0x191: {  	v63 =	vld [tilespmem:$0x3290]  }
0x192: {  	[tilespmem:$0x1FAE0] =	vst v1;
	v1 =	vld [tilespmem:$0x2C90]  }
0x193: {  	v62 =	vld [tilespmem:$0x3310]  }
0x194: {  	v61 =	vld [tilespmem:$0x3390]  }
0x195: {  	v60 =	vld [tilespmem:$0x3410]  }
0x196: {  	v59 =	vld [tilespmem:$0x3490]  }
0x197: {  	[tilespmem:$0x1FAF0] =	vst v1;
	v1 =	vld [tilespmem:$0x2D10]  }
0x198: {  	v58 =	vld [tilespmem:$0x3510]  }
0x199: {  	v57 =	vld [tilespmem:$0x3590]  }
0x19a: {  	v55 =	vld [tilespmem:$0x3610]  }
0x19b: {  	v6 =	vld [tilespmem:$0x3D90]  }
0x19c: {  	[tilespmem:$0x1FB00] =	vst v1;
	v1 =	vld [tilespmem:$0x2D90]  }
0x19d: {  	v52 =	vld [tilespmem:$0x3690]  }
0x19e: {  	v49 =	vld [tilespmem:$0x3710]  }
0x19f: {  	v47 =	vld [tilespmem:$0x3790]  }
0x1a0: {  	[tilespmem:$0x1FB60] =	vst v6;
	v6 =	vld [tilespmem:$0x3E10]  }
0x1a1: {  	[tilespmem:$0x1FB10] =	vst v1;
	v1 =	vld [tilespmem:$0x2E10]  }
0x1a2: {  	v45 =	vld [tilespmem:$0x3810]  }
0x1a3: {  	v43 =	vld [tilespmem:$0x3890]  }
0x1a4: {  	v41 =	vld [tilespmem:$0x3910]  }
0x1a5: {  	[tilespmem:$0x1FB70] =	vst v6;
	v6 =	vld [tilespmem:$0x3E90]  }
0x1a6: {  	[tilespmem:$0x1FB20] =	vst v1;
	v1 =	vld [tilespmem:$0x2E90]  }
0x1a7: {  	v39 =	vld [tilespmem:$0x3990]  }
0x1a8: {  	v37 =	vld [tilespmem:$0x3A10]  }
0x1a9: {  	v27 =	vld [tilespmem:$0x3A90]  }
0x1aa: {  	[tilespmem:$0x1FB80] =	vst v6;
	v6 =	vld [tilespmem:$0x3F10]  }
0x1ab: {  	[tilespmem:$0x1FB30] =	vst v1;
	v1 =	vld [tilespmem:$0x2F10]  }
0x1ac: {  	v24 =	vld [tilespmem:$0x3B10]  }
0x1ad: {  	v20 =	vld [tilespmem:$0x3B90]  }
0x1ae: {  	v17 =	vld [tilespmem:$0x3C10]  }
0x1af: {  	[tilespmem:$0x1FB90] =	vst v6;
	v6 =	vld [tilespmem:$0x3F90]  }
0x1b0: {  	[tilespmem:$0x1FB40] =	vst v1;
	v1 =	vld [tilespmem:$0x2F90]  }
0x1b1: {  	v13 =	vld [tilespmem:$0x3C90]  }
0x1b2: {  	v10 =	vld [tilespmem:$0x3D10]  }
0x1b3: {  	s23 =	simm.s32 $0x0;
	v14 =	vld [tilespmem:$0x4010]  }
0x1b4: {  	[tilespmem:$0x1FBA0] =	vst v6;
	v6 =	vld [tilespmem:s23+$0x4090]  }
0x1b5: {  	s22 =	simm.s32 $0x200;
	[tilespmem:$0x1FB50] =	vst v1;
	v1 =	vld [tilespmem:$0x3210]  }
.LBB2_6:
0x1b6: {  	p0 =	sne.s32 s22, $0x3C00  }
.Ltmp2:
0x1b7: {  	_ = 	snop;
	(pc) =	sbr.rel @p0 .LBB2_6-.Ltmp2, $3  }
0x1b8: {  	_ =	sdelay $0x1  }
0x1b9: {  	s23 =	sshra.s32 s22, $0x2;
	s22 =	sadd.s32 $0x200, s22;
	v14 =	vadd.f32 v6, v14  }
0x1ba: {  	v6 =	vld [tilespmem:s23+$0x4090]  }
0x1bb: {  	_ =	sdelay $0x3  }
0x1bc: {  	v6 =	vadd.f32 v6, v14  }
0x1bd: {  	v7 =	vld [tilespmem:$0x5010];
	s23 =	simm.s32 $0x0  }
0x1be: {  	s22 =	simm.s32 $0x200;
	v14 =	vld [tilespmem:s23+$0x5090];
	[tilespmem:$0x1F760] =	vst v6  }
.LBB2_8:
0x1bf: {  	p0 =	sne.s32 s22, $0x3C00  }
.Ltmp3:
0x1c0: {  	_ = 	snop;
	(pc) =	sbr.rel @p0 .LBB2_8-.Ltmp3, $3  }
0x1c1: {  	_ =	sdelay $0x1  }
0x1c2: {  	s23 =	sshra.s32 s22, $0x2;
	s22 =	sadd.s32 $0x200, s22;
	v7 =	vadd.f32 v14, v7  }
0x1c3: {  	v14 =	vld [tilespmem:s23+$0x5090]  }
0x1c4: {  	v6 =	vadd.f32 v31, v28;
	_ =	sdelay $0x1  }
0x1c5: {  	v6 =	vadd.f32 v32, v6;
	_ =	sdelay $0x1  }
0x1c6: {  	v6 =	vadd.f32 v33, v6;
	_ =	sdelay $0x1  }
0x1c7: {  	v6 =	vadd.f32 v34, v6;
	_ =	sdelay $0x1  }
0x1c8: {  	v6 =	vadd.f32 v35, v6;
	_ =	sdelay $0x1  }
0x1c9: {  	v6 =	vadd.f32 v36, v6;
	_ =	sdelay $0x1  }
0x1ca: {  	v28 =	vadd.f32 v56, v54;
	v6 =	vadd.f32 v29, v6  }
0x1cb: {  	v4 =	vadd.f32 v5, v4  }
0x1cc: {  	v5 =	vadd.f32 v53, v28;
	v6 =	vadd.f32 v26, v6  }
0x1cd: {  	v3 =	vadd.f32 v3, v4  }
0x1ce: {  	v4 =	vadd.f32 v51, v5;
	v5 =	vadd.f32 v23, v6  }
0x1cf: {  	v2 =	vadd.f32 v2, v3;
	v6 =	vld [tilespmem:$0x1F780]  }
0x1d0: {  	v3 =	vadd.f32 v50, v4;
	v4 =	vadd.f32 v21, v5;
	v5 =	vld [tilespmem:$0x1F770]  }
0x1d1: {  	v1 =	vadd.f32 v1, v2  }
0x1d2: {  	v2 =	vadd.f32 v48, v3;
	v3 =	vadd.f32 v18, v4;
	v4 =	vld [tilespmem:$0x1F790];
	_ =	sdelay $0x2  }
0x1d3: {  	v5 =	vadd.f32 v6, v5;
	_ =	sdelay $0x1  }
0x1d4: {  	v4 =	vadd.f32 v4, v5;
	v5 =	vld [tilespmem:$0x1F7A0];
	_ =	sdelay $0x4  }
0x1d5: {  	v4 =	vadd.f32 v5, v4;
	v5 =	vld [tilespmem:$0x1F7B0];
	_ =	sdelay $0x4  }
0x1d6: {  	v4 =	vadd.f32 v5, v4;
	v5 =	vld [tilespmem:$0x1F7C0];
	_ =	sdelay $0x3  }
0x1d7: {  	v3 =	vadd.f32 v15, v3  }
0x1d8: {  	v4 =	vadd.f32 v5, v4;
	v5 =	vld [tilespmem:$0x1F970]  }
0x1d9: {  	v3 =	vadd.f32 v11, v3;
	_ =	sdelay $0x1  }
0x1da: {  	v3 =	vadd.f32 v8, v3;
	_ =	sdelay $0x1  }
0x1db: {  	v3 =	vadd.f32 v5, v3;
	v5 =	vld [tilespmem:$0x1F7D0];
	_ =	sdelay $0x4  }
0x1dc: {  	v4 =	vadd.f32 v5, v4;
	v5 =	vld [tilespmem:$0x1F980];
	_ =	sdelay $0x4  }
0x1dd: {  	v3 =	vadd.f32 v5, v3;
	v5 =	vld [tilespmem:$0x1F7E0];
	_ =	sdelay $0x4  }
0x1de: {  	v4 =	vadd.f32 v5, v4;
	v5 =	vld [tilespmem:$0x1F990];
	_ =	sdelay $0x4  }
0x1df: {  	v3 =	vadd.f32 v5, v3;
	v5 =	vld [tilespmem:$0x1F7F0];
	_ =	sdelay $0x4  }
0x1e0: {  	v4 =	vadd.f32 v5, v4;
	v5 =	vld [tilespmem:$0x1F9A0];
	_ =	sdelay $0x4  }
0x1e1: {  	v3 =	vadd.f32 v5, v3;
	v5 =	vld [tilespmem:$0x1F800];
	_ =	sdelay $0x4  }
0x1e2: {  	v4 =	vadd.f32 v5, v4;
	v5 =	vld [tilespmem:$0x1F9B0];
	_ =	sdelay $0x4  }
0x1e3: {  	v3 =	vadd.f32 v5, v3;
	v5 =	vld [tilespmem:$0x1F810];
	_ =	sdelay $0x4  }
0x1e4: {  	v4 =	vadd.f32 v5, v4;
	v5 =	vld [tilespmem:$0x1F9C0];
	_ =	sdelay $0x4  }
0x1e5: {  	v3 =	vadd.f32 v5, v3;
	v5 =	vld [tilespmem:$0x1F820];
	_ =	sdelay $0x4  }
0x1e6: {  	v4 =	vadd.f32 v5, v4;
	v5 =	vld [tilespmem:$0x1F9D0];
	_ =	sdelay $0x4  }
0x1e7: {  	v3 =	vadd.f32 v5, v3;
	v5 =	vld [tilespmem:$0x1F830];
	_ =	sdelay $0x4  }
0x1e8: {  	v4 =	vadd.f32 v5, v4;
	v5 =	vld [tilespmem:$0x1F9E0]  }
0x1e9: {  	v2 =	vadd.f32 v46, v2;
	_ =	sdelay $0x1  }
0x1ea: {  	v2 =	vadd.f32 v44, v2;
	_ =	sdelay $0x1  }
0x1eb: {  	v2 =	vadd.f32 v42, v2;
	v3 =	vadd.f32 v5, v3;
	v5 =	vld [tilespmem:$0x1F840];
	_ =	sdelay $0x1  }
0x1ec: {  	v2 =	vadd.f32 v40, v2;
	_ =	sdelay $0x1  }
0x1ed: {  	v2 =	vadd.f32 v38, v2  }
0x1ee: {  	v4 =	vadd.f32 v5, v4;
	v5 =	vld [tilespmem:$0x1F9F0]  }
0x1ef: {  	v2 =	vadd.f32 v30, v2;
	_ =	sdelay $0x1  }
0x1f0: {  	v2 =	vadd.f32 v25, v2;
	_ =	sdelay $0x1  }
0x1f1: {  	v2 =	vadd.f32 v22, v2;
	v3 =	vadd.f32 v5, v3;
	v5 =	vld [tilespmem:$0x1F850];
	_ =	sdelay $0x1  }
0x1f2: {  	v2 =	vadd.f32 v19, v2;
	_ =	sdelay $0x1  }
0x1f3: {  	v2 =	vadd.f32 v16, v2  }
0x1f4: {  	v4 =	vadd.f32 v5, v4;
	v5 =	vld [tilespmem:$0x1FA80]  }
0x1f5: {  	v2 =	vadd.f32 v12, v2;
	_ =	sdelay $0x1  }
0x1f6: {  	v2 =	vadd.f32 v9, v2;
	_ =	sdelay $0x1  }
0x1f7: {  	v2 =	vadd.f32 v5, v2;
	v5 =	vld [tilespmem:$0x1FA00];
	_ =	sdelay $0x4  }
0x1f8: {  	v3 =	vadd.f32 v5, v3;
	v5 =	vld [tilespmem:$0x1F860];
	_ =	sdelay $0x4  }
0x1f9: {  	v4 =	vadd.f32 v5, v4;
	v5 =	vld [tilespmem:$0x1FA90];
	_ =	sdelay $0x4  }
0x1fa: {  	v2 =	vadd.f32 v5, v2;
	v5 =	vld [tilespmem:$0x1FA10];
	_ =	sdelay $0x4  }
0x1fb: {  	v3 =	vadd.f32 v5, v3;
	v5 =	vld [tilespmem:$0x1F870];
	_ =	sdelay $0x4  }
0x1fc: {  	v4 =	vadd.f32 v5, v4;
	v5 =	vld [tilespmem:$0x1FAA0];
	_ =	sdelay $0x4  }
0x1fd: {  	v2 =	vadd.f32 v5, v2;
	v5 =	vld [tilespmem:$0x1FA20];
	_ =	sdelay $0x4  }
0x1fe: {  	v3 =	vadd.f32 v5, v3;
	v5 =	vld [tilespmem:$0x1F880];
	_ =	sdelay $0x4  }
0x1ff: {  	v4 =	vadd.f32 v5, v4;
	v5 =	vld [tilespmem:$0x1FAB0];
	_ =	sdelay $0x4  }
0x200: {  	v2 =	vadd.f32 v5, v2;
	v5 =	vld [tilespmem:$0x1FA30];
	_ =	sdelay $0x4  }
0x201: {  	v3 =	vadd.f32 v5, v3;
	v5 =	vld [tilespmem:$0x1F890];
	_ =	sdelay $0x4  }
0x202: {  	v4 =	vadd.f32 v5, v4;
	v5 =	vld [tilespmem:$0x1FAC0];
	_ =	sdelay $0x4  }
0x203: {  	v2 =	vadd.f32 v5, v2;
	v5 =	vld [tilespmem:$0x1FA40];
	_ =	sdelay $0x4  }
0x204: {  	v3 =	vadd.f32 v5, v3;
	v5 =	vld [tilespmem:$0x1F8A0];
	_ =	sdelay $0x4  }
0x205: {  	v4 =	vadd.f32 v5, v4;
	v5 =	vld [tilespmem:$0x1FAD0];
	_ =	sdelay $0x4  }
0x206: {  	v2 =	vadd.f32 v5, v2;
	v5 =	vld [tilespmem:$0x1FA50];
	_ =	sdelay $0x4  }
0x207: {  	v3 =	vadd.f32 v5, v3;
	v5 =	vld [tilespmem:$0x1F8B0];
	_ =	sdelay $0x2  }
0x208: {  	v1 =	vadd.f32 v63, v1;
	_ =	sdelay $0x1  }
0x209: {  	v1 =	vadd.f32 v62, v1;
	v4 =	vadd.f32 v5, v4;
	v5 =	vld [tilespmem:$0x1FAE0];
	_ =	sdelay $0x1  }
0x20a: {  	v1 =	vadd.f32 v61, v1;
	_ =	sdelay $0x1  }
0x20b: {  	v1 =	vadd.f32 v60, v1  }
0x20c: {  	v2 =	vadd.f32 v5, v2;
	v5 =	vld [tilespmem:$0x1FA60]  }
0x20d: {  	v1 =	vadd.f32 v59, v1;
	_ =	sdelay $0x1  }
0x20e: {  	v1 =	vadd.f32 v58, v1;
	_ =	sdelay $0x1  }
0x20f: {  	v1 =	vadd.f32 v57, v1;
	v3 =	vadd.f32 v5, v3;
	v5 =	vld [tilespmem:$0x1F8C0];
	_ =	sdelay $0x1  }
0x210: {  	v1 =	vadd.f32 v55, v1;
	_ =	sdelay $0x1  }
0x211: {  	v1 =	vadd.f32 v52, v1  }
0x212: {  	v4 =	vadd.f32 v5, v4;
	v5 =	vld [tilespmem:$0x1FAF0]  }
0x213: {  	v1 =	vadd.f32 v49, v1;
	_ =	sdelay $0x1  }
0x214: {  	v1 =	vadd.f32 v47, v1;
	_ =	sdelay $0x1  }
0x215: {  	v1 =	vadd.f32 v45, v1;
	v2 =	vadd.f32 v5, v2;
	v5 =	vld [tilespmem:$0x1FA70];
	_ =	sdelay $0x1  }
0x216: {  	v1 =	vadd.f32 v43, v1;
	_ =	sdelay $0x1  }
0x217: {  	v1 =	vadd.f32 v41, v1  }
0x218: {  	v3 =	vadd.f32 v5, v3;
	v5 =	vld [tilespmem:$0x1F8D0]  }
0x219: {  	v1 =	vadd.f32 v39, v1;
	_ =	sdelay $0x1  }
0x21a: {  	v1 =	vadd.f32 v37, v1;
	_ =	sdelay $0x1  }
0x21b: {  	v1 =	vadd.f32 v27, v1;
	v4 =	vadd.f32 v5, v4;
	v5 =	vld [tilespmem:$0x1FB00];
	_ =	sdelay $0x1  }
0x21c: {  	v1 =	vadd.f32 v24, v1;
	_ =	sdelay $0x1  }
0x21d: {  	v1 =	vadd.f32 v20, v1  }
0x21e: {  	v3 =	vadd.f32 $9.999999970e-07, v3;
	v2 =	vadd.f32 v5, v2;
	v5 =	vld [tilespmem:$0x1F8E0]  }
0x21f: {  	v1 =	vadd.f32 v17, v1  }
0x220: {  	(erf) = vrcp.f32 v3;
	v3 =	vld [tilespmem:$0x1FB60]  }
0x221: {  	v1 =	vadd.f32 v13, v1;
	_ =	sdelay $0x1  }
0x222: {  	v1 =	vadd.f32 v10, v1;
	v4 =	vadd.f32 v5, v4;
	v5 =	vld [tilespmem:$0x1FB10];
	_ =	sdelay $0x1  }
0x223: {  	v1 =	vadd.f32 v3, v1;
	v3 =	vld [tilespmem:$0x1FB20];
	_ =	sdelay $0x2  }
0x224: {  	v2 =	vadd.f32 v5, v2;
	v5 =	vld [tilespmem:$0x1F8F0];
	_ =	sdelay $0x1  }
0x225: {  	v2 =	vadd.f32 v3, v2;
	v3 =	vld [tilespmem:$0x1F900];
	_ =	sdelay $0x2  }
0x226: {  	v4 =	vadd.f32 v5, v4;
	_ =	sdelay $0x1  }
0x227: {  	v3 =	vadd.f32 v3, v4;
	v4 =	vld [tilespmem:$0x1FB70];
	_ =	sdelay $0x4  }
0x228: {  	v1 =	vadd.f32 v4, v1;
	v4 =	vld [tilespmem:$0x1FB30];
	_ =	sdelay $0x4  }
0x229: {  	v2 =	vadd.f32 v4, v2;
	v4 =	vld [tilespmem:$0x1F910];
	_ =	sdelay $0x4  }
0x22a: {  	v3 =	vadd.f32 v4, v3;
	v4 =	vld [tilespmem:$0x1FB80];
	_ =	sdelay $0x4  }
0x22b: {  	v1 =	vadd.f32 v4, v1;
	v4 =	vld [tilespmem:$0x1FB40];
	_ =	sdelay $0x4  }
0x22c: {  	v2 =	vadd.f32 v4, v2;
	v4 =	vld [tilespmem:$0x1F920];
	_ =	sdelay $0x4  }
0x22d: {  	v3 =	vadd.f32 v4, v3;
	v4 =	vld [tilespmem:$0x1FB90]  }
0x22e: {  	v5 =	vld [tilespmem:$0x1FB50]  }
0x22f: {  	v6 =	vld [tilespmem:$0x1FBA0];
	_ =	sdelay $0x2  }
0x230: {  	v1 =	vadd.f32 v4, v1;
	v4 =	vadd.s32 $0x50, v0  }
0x231: {  	v2 =	vadd.f32 v5, v2;
	v5 =	vld [tilespmem:$0x1F930]  }
0x232: {  	v1 =	vadd.f32 v6, v1;
	v6 =	vpop (erf)  }
0x233: {  	v9 =	vld [tilespmem:$0x1F940];
	v2 =	vmul.f32 v2, v6  }
0x234: {  	v11 =	vld [tilespmem:$0x1F950]  }
0x235: {  	[tilespmem:v4+s19+$0x0] =	vst.idx.msk $0xffff, v2;
	v2 =	vld [tilespmem:$0x1F760]  }
0x236: {  	v3 =	vadd.f32 v5, v3;
	v5 =	vadd.s32 $0x51, v0  }
0x237: {  	v8 =	vadd.s32 $0x52, v0;
	v4 =	vld [tilespmem:$0x1F960]  }
0x238: {  	v3 =	vadd.f32 v9, v3;
	v9 =	vadd.s32 $0x53, v0  }
0x239: {  	v7 =	vadd.f32 v14, v7;
	v10 =	vadd.s32 $0x54, v0;
	v1 =	vmul.f32 v1, v6  }
0x23a: {  	v3 =	vadd.f32 v11, v3;
	v2 =	vmul.f32 v2, v6  }
0x23b: {  	[tilespmem:v5+s19+$0x0] =	vst.idx.msk $0xffff, v1;
	v1 =	vmul.f32 v7, v6  }
0x23c: {  	v3 =	vadd.f32 v4, v3;
	[tilespmem:v8+s19+$0x0] =	vst.idx.msk $0xffff, v2  }
0x23d: {  	[tilespmem:v9+s19+$0x0] =	vst.idx.msk $0xffff, v1  }
0x23e: {  	[tilespmem:v10+s19+$0x0] =	vst.idx.msk $0xffff, v3  }
0x23f: {  	v1 =	vld [tilespmem:$0x20];
	_ =	sdelay $0x4  }
0x240: {  	[tilespmem:$0x1F320] =	vst v1;
	v1 =	vld [tilespmem:$0xA0];
	_ =	sdelay $0x4  }
0x241: {  	[tilespmem:$0x1F330] =	vst v1;
	v1 =	vld [tilespmem:$0x120];
	_ =	sdelay $0x4  }
0x242: {  	[tilespmem:$0x1F340] =	vst v1;
	v1 =	vld [tilespmem:$0x1A0];
	_ =	sdelay $0x4  }
0x243: {  	[tilespmem:$0x1F350] =	vst v1;
	v1 =	vld [tilespmem:$0x220];
	_ =	sdelay $0x4  }
0x244: {  	[tilespmem:$0x1F360] =	vst v1;
	v1 =	vld [tilespmem:$0x2A0];
	_ =	sdelay $0x4  }
0x245: {  	[tilespmem:$0x1F370] =	vst v1;
	v1 =	vld [tilespmem:$0x320];
	_ =	sdelay $0x4  }
0x246: {  	[tilespmem:$0x1F380] =	vst v1;
	v1 =	vld [tilespmem:$0x3A0];
	_ =	sdelay $0x4  }
0x247: {  	[tilespmem:$0x1F390] =	vst v1;
	v1 =	vld [tilespmem:$0x420];
	_ =	sdelay $0x4  }
0x248: {  	[tilespmem:$0x1F3A0] =	vst v1;
	v1 =	vld [tilespmem:$0x4A0];
	_ =	sdelay $0x4  }
0x249: {  	[tilespmem:$0x1F3B0] =	vst v1;
	v1 =	vld [tilespmem:$0x520];
	_ =	sdelay $0x4  }
0x24a: {  	[tilespmem:$0x1F3C0] =	vst v1;
	v1 =	vld [tilespmem:$0x5A0];
	_ =	sdelay $0x4  }
0x24b: {  	[tilespmem:$0x1F3D0] =	vst v1;
	v1 =	vld [tilespmem:$0x620];
	_ =	sdelay $0x4  }
0x24c: {  	[tilespmem:$0x1F3E0] =	vst v1;
	v1 =	vld [tilespmem:$0x6A0];
	_ =	sdelay $0x4  }
0x24d: {  	[tilespmem:$0x1F3F0] =	vst v1;
	v1 =	vld [tilespmem:$0x720];
	_ =	sdelay $0x4  }
0x24e: {  	[tilespmem:$0x1F400] =	vst v1;
	v1 =	vld [tilespmem:$0x7A0];
	_ =	sdelay $0x4  }
0x24f: {  	[tilespmem:$0x1F410] =	vst v1;
	v1 =	vld [tilespmem:$0x820];
	_ =	sdelay $0x4  }
0x250: {  	[tilespmem:$0x1F420] =	vst v1;
	v1 =	vld [tilespmem:$0x8A0];
	_ =	sdelay $0x4  }
0x251: {  	[tilespmem:$0x1F430] =	vst v1;
	v1 =	vld [tilespmem:$0x920];
	_ =	sdelay $0x4  }
0x252: {  	[tilespmem:$0x1F440] =	vst v1;
	v1 =	vld [tilespmem:$0x9A0];
	_ =	sdelay $0x4  }
0x253: {  	[tilespmem:$0x1F450] =	vst v1;
	v1 =	vld [tilespmem:$0xA20];
	_ =	sdelay $0x4  }
0x254: {  	[tilespmem:$0x1F460] =	vst v1;
	v1 =	vld [tilespmem:$0xAA0];
	_ =	sdelay $0x4  }
0x255: {  	[tilespmem:$0x1F470] =	vst v1;
	v1 =	vld [tilespmem:$0xB20];
	_ =	sdelay $0x4  }
0x256: {  	[tilespmem:$0x1F480] =	vst v1;
	v1 =	vld [tilespmem:$0xBA0];
	_ =	sdelay $0x4  }
0x257: {  	[tilespmem:$0x1F490] =	vst v1;
	v1 =	vld [tilespmem:$0xC20];
	_ =	sdelay $0x4  }
0x258: {  	[tilespmem:$0x1F4A0] =	vst v1;
	v1 =	vld [tilespmem:$0xCA0];
	_ =	sdelay $0x4  }
0x259: {  	[tilespmem:$0x1F4B0] =	vst v1;
	v1 =	vld [tilespmem:$0xD20];
	_ =	sdelay $0x4  }
0x25a: {  	[tilespmem:$0x1F4C0] =	vst v1;
	v1 =	vld [tilespmem:$0xDA0];
	_ =	sdelay $0x4  }
0x25b: {  	[tilespmem:$0x1F4D0] =	vst v1;
	v1 =	vld [tilespmem:$0xE20];
	_ =	sdelay $0x4  }
0x25c: {  	[tilespmem:$0x1F4E0] =	vst v1;
	v1 =	vld [tilespmem:$0xEA0];
	_ =	sdelay $0x4  }
0x25d: {  	[tilespmem:$0x1F4F0] =	vst v1;
	v1 =	vld [tilespmem:$0xF20];
	_ =	sdelay $0x4  }
0x25e: {  	[tilespmem:$0x1F500] =	vst v1;
	v1 =	vld [tilespmem:$0xFA0];
	_ =	sdelay $0x4  }
0x25f: {  	[tilespmem:$0x1F510] =	vst v1;
	v1 =	vld [tilespmem:$0x17A0];
	_ =	sdelay $0x4  }
0x260: {  	[tilespmem:$0x1F520] =	vst v1;
	v1 =	vld [tilespmem:$0x1820];
	_ =	sdelay $0x4  }
0x261: {  	[tilespmem:$0x1F530] =	vst v1;
	v1 =	vld [tilespmem:$0x18A0];
	_ =	sdelay $0x4  }
0x262: {  	[tilespmem:$0x1F540] =	vst v1;
	v1 =	vld [tilespmem:$0x1920];
	_ =	sdelay $0x4  }
0x263: {  	[tilespmem:$0x1F550] =	vst v1;
	v1 =	vld [tilespmem:$0x19A0];
	_ =	sdelay $0x4  }
0x264: {  	[tilespmem:$0x1F560] =	vst v1;
	v1 =	vld [tilespmem:$0x1A20];
	_ =	sdelay $0x4  }
0x265: {  	[tilespmem:$0x1F570] =	vst v1;
	v1 =	vld [tilespmem:$0x1AA0];
	_ =	sdelay $0x4  }
0x266: {  	[tilespmem:$0x1F580] =	vst v1;
	v1 =	vld [tilespmem:$0x1B20];
	_ =	sdelay $0x4  }
0x267: {  	[tilespmem:$0x1F590] =	vst v1;
	v1 =	vld [tilespmem:$0x1BA0];
	_ =	sdelay $0x4  }
0x268: {  	[tilespmem:$0x1F5A0] =	vst v1;
	v1 =	vld [tilespmem:$0x1C20];
	_ =	sdelay $0x4  }
0x269: {  	[tilespmem:$0x1F5B0] =	vst v1;
	v1 =	vld [tilespmem:$0x1CA0];
	_ =	sdelay $0x4  }
0x26a: {  	[tilespmem:$0x1F5C0] =	vst v1;
	v1 =	vld [tilespmem:$0x1D20];
	_ =	sdelay $0x4  }
0x26b: {  	[tilespmem:$0x1F5D0] =	vst v1;
	v1 =	vld [tilespmem:$0x1DA0];
	_ =	sdelay $0x4  }
0x26c: {  	[tilespmem:$0x1F5E0] =	vst v1;
	v1 =	vld [tilespmem:$0x1E20];
	_ =	sdelay $0x4  }
0x26d: {  	[tilespmem:$0x1F5F0] =	vst v1;
	v1 =	vld [tilespmem:$0x1EA0];
	_ =	sdelay $0x2  }
0x26e: {  	v28 =	vld [tilespmem:$0x1020]  }
0x26f: {  	v31 =	vld [tilespmem:$0x10A0]  }
0x270: {  	[tilespmem:$0x1F600] =	vst v1;
	v1 =	vld [tilespmem:$0x1F20]  }
0x271: {  	v32 =	vld [tilespmem:$0x1120]  }
0x272: {  	v33 =	vld [tilespmem:$0x11A0]  }
0x273: {  	v34 =	vld [tilespmem:$0x1220]  }
0x274: {  	v35 =	vld [tilespmem:$0x12A0]  }
0x275: {  	[tilespmem:$0x1F610] =	vst v1;
	v1 =	vld [tilespmem:$0x1FA0]  }
0x276: {  	v36 =	vld [tilespmem:$0x1320]  }
0x277: {  	v29 =	vld [tilespmem:$0x13A0]  }
0x278: {  	v26 =	vld [tilespmem:$0x1420]  }
0x279: {  	v23 =	vld [tilespmem:$0x14A0]  }
0x27a: {  	[tilespmem:$0x1F620] =	vst v1;
	v1 =	vld [tilespmem:$0x2920]  }
0x27b: {  	v21 =	vld [tilespmem:$0x1520]  }
0x27c: {  	v18 =	vld [tilespmem:$0x15A0]  }
0x27d: {  	v15 =	vld [tilespmem:$0x1620]  }
0x27e: {  	v11 =	vld [tilespmem:$0x16A0]  }
0x27f: {  	[tilespmem:$0x1F630] =	vst v1;
	v1 =	vld [tilespmem:$0x29A0]  }
0x280: {  	v8 =	vld [tilespmem:$0x1720]  }
0x281: {  	v54 =	vld [tilespmem:$0x2020]  }
0x282: {  	v56 =	vld [tilespmem:$0x20A0]  }
0x283: {  	v53 =	vld [tilespmem:$0x2120]  }
0x284: {  	[tilespmem:$0x1F640] =	vst v1;
	v1 =	vld [tilespmem:$0x2A20]  }
0x285: {  	v51 =	vld [tilespmem:$0x21A0]  }
0x286: {  	v50 =	vld [tilespmem:$0x2220]  }
0x287: {  	v48 =	vld [tilespmem:$0x22A0]  }
0x288: {  	v46 =	vld [tilespmem:$0x2320]  }
0x289: {  	[tilespmem:$0x1F650] =	vst v1;
	v1 =	vld [tilespmem:$0x2AA0]  }
0x28a: {  	v44 =	vld [tilespmem:$0x23A0]  }
0x28b: {  	v42 =	vld [tilespmem:$0x2420]  }
0x28c: {  	v40 =	vld [tilespmem:$0x24A0]  }
0x28d: {  	v38 =	vld [tilespmem:$0x2520]  }
0x28e: {  	[tilespmem:$0x1F660] =	vst v1;
	v1 =	vld [tilespmem:$0x2B20]  }
0x28f: {  	v30 =	vld [tilespmem:$0x25A0]  }
0x290: {  	v25 =	vld [tilespmem:$0x2620]  }
0x291: {  	v22 =	vld [tilespmem:$0x26A0]  }
0x292: {  	v19 =	vld [tilespmem:$0x2720]  }
0x293: {  	[tilespmem:$0x1F670] =	vst v1;
	v1 =	vld [tilespmem:$0x2BA0]  }
0x294: {  	v16 =	vld [tilespmem:$0x27A0]  }
0x295: {  	v12 =	vld [tilespmem:$0x2820]  }
0x296: {  	v9 =	vld [tilespmem:$0x28A0]  }
0x297: {  	v4 =	vld [tilespmem:$0x3020]  }
0x298: {  	[tilespmem:$0x1F680] =	vst v1;
	v1 =	vld [tilespmem:$0x2C20]  }
0x299: {  	v5 =	vld [tilespmem:$0x30A0]  }
0x29a: {  	v3 =	vld [tilespmem:$0x3120]  }
0x29b: {  	v2 =	vld [tilespmem:$0x31A0]  }
0x29c: {  	v63 =	vld [tilespmem:$0x32A0]  }
0x29d: {  	[tilespmem:$0x1F690] =	vst v1;
	v1 =	vld [tilespmem:$0x2CA0]  }
0x29e: {  	v62 =	vld [tilespmem:$0x3320]  }
0x29f: {  	v61 =	vld [tilespmem:$0x33A0]  }
0x2a0: {  	v60 =	vld [tilespmem:$0x3420]  }
0x2a1: {  	v59 =	vld [tilespmem:$0x34A0]  }
0x2a2: {  	[tilespmem:$0x1F6A0] =	vst v1;
	v1 =	vld [tilespmem:$0x2D20]  }
0x2a3: {  	v58 =	vld [tilespmem:$0x3520]  }
0x2a4: {  	v57 =	vld [tilespmem:$0x35A0]  }
0x2a5: {  	v55 =	vld [tilespmem:$0x3620]  }
0x2a6: {  	v6 =	vld [tilespmem:$0x3DA0]  }
0x2a7: {  	[tilespmem:$0x1F6B0] =	vst v1;
	v1 =	vld [tilespmem:$0x2DA0]  }
0x2a8: {  	v52 =	vld [tilespmem:$0x36A0]  }
0x2a9: {  	v49 =	vld [tilespmem:$0x3720]  }
0x2aa: {  	v47 =	vld [tilespmem:$0x37A0]  }
0x2ab: {  	[tilespmem:$0x1F710] =	vst v6;
	v6 =	vld [tilespmem:$0x3E20]  }
0x2ac: {  	[tilespmem:$0x1F6C0] =	vst v1;
	v1 =	vld [tilespmem:$0x2E20]  }
0x2ad: {  	v45 =	vld [tilespmem:$0x3820]  }
0x2ae: {  	v43 =	vld [tilespmem:$0x38A0]  }
0x2af: {  	v41 =	vld [tilespmem:$0x3920]  }
0x2b0: {  	[tilespmem:$0x1F720] =	vst v6;
	v6 =	vld [tilespmem:$0x3EA0]  }
0x2b1: {  	[tilespmem:$0x1F6D0] =	vst v1;
	v1 =	vld [tilespmem:$0x2EA0]  }
0x2b2: {  	v39 =	vld [tilespmem:$0x39A0]  }
0x2b3: {  	v37 =	vld [tilespmem:$0x3A20]  }
0x2b4: {  	v27 =	vld [tilespmem:$0x3AA0]  }
0x2b5: {  	[tilespmem:$0x1F730] =	vst v6;
	v6 =	vld [tilespmem:$0x3F20]  }
0x2b6: {  	[tilespmem:$0x1F6E0] =	vst v1;
	v1 =	vld [tilespmem:$0x2F20]  }
0x2b7: {  	v24 =	vld [tilespmem:$0x3B20]  }
0x2b8: {  	v20 =	vld [tilespmem:$0x3BA0]  }
0x2b9: {  	v17 =	vld [tilespmem:$0x3C20]  }
0x2ba: {  	[tilespmem:$0x1F740] =	vst v6;
	v6 =	vld [tilespmem:$0x3FA0]  }
0x2bb: {  	[tilespmem:$0x1F6F0] =	vst v1;
	v1 =	vld [tilespmem:$0x2FA0]  }
0x2bc: {  	v13 =	vld [tilespmem:$0x3CA0]  }
0x2bd: {  	v10 =	vld [tilespmem:$0x3D20]  }
0x2be: {  	s23 =	simm.s32 $0x0;
	v14 =	vld [tilespmem:$0x4020]  }
0x2bf: {  	[tilespmem:$0x1F750] =	vst v6;
	v6 =	vld [tilespmem:s23+$0x40A0]  }
0x2c0: {  	s22 =	simm.s32 $0x200;
	[tilespmem:$0x1F700] =	vst v1;
	v1 =	vld [tilespmem:$0x3220]  }
.LBB2_10:
0x2c1: {  	p0 =	sne.s32 s22, $0x3C00  }
.Ltmp4:
0x2c2: {  	_ = 	snop;
	(pc) =	sbr.rel @p0 .LBB2_10-.Ltmp4, $3  }
0x2c3: {  	_ =	sdelay $0x1  }
0x2c4: {  	s23 =	sshra.s32 s22, $0x2;
	s22 =	sadd.s32 $0x200, s22;
	v14 =	vadd.f32 v6, v14  }
0x2c5: {  	v6 =	vld [tilespmem:s23+$0x40A0]  }
0x2c6: {  	_ =	sdelay $0x3  }
0x2c7: {  	v6 =	vadd.f32 v6, v14  }
0x2c8: {  	v7 =	vld [tilespmem:$0x5020];
	s23 =	simm.s32 $0x0  }
0x2c9: {  	s22 =	simm.s32 $0x200;
	v14 =	vld [tilespmem:s23+$0x50A0];
	[tilespmem:$0x1F310] =	vst v6  }
.LBB2_12:
0x2ca: {  	p0 =	sne.s32 s22, $0x3C00  }
.Ltmp5:
0x2cb: {  	_ = 	snop;
	(pc) =	sbr.rel @p0 .LBB2_12-.Ltmp5, $3  }
0x2cc: {  	_ =	sdelay $0x1  }
0x2cd: {  	s23 =	sshra.s32 s22, $0x2;
	s22 =	sadd.s32 $0x200, s22;
	v7 =	vadd.f32 v14, v7  }
0x2ce: {  	v14 =	vld [tilespmem:s23+$0x50A0]  }
0x2cf: {  	v6 =	vadd.f32 v31, v28;
	_ =	sdelay $0x1  }
0x2d0: {  	v6 =	vadd.f32 v32, v6;
	_ =	sdelay $0x1  }
0x2d1: {  	v6 =	vadd.f32 v33, v6;
	_ =	sdelay $0x1  }
0x2d2: {  	v6 =	vadd.f32 v34, v6;
	_ =	sdelay $0x1  }
0x2d3: {  	v6 =	vadd.f32 v35, v6;
	_ =	sdelay $0x1  }
0x2d4: {  	v6 =	vadd.f32 v36, v6;
	_ =	sdelay $0x1  }
0x2d5: {  	v28 =	vadd.f32 v56, v54;
	v6 =	vadd.f32 v29, v6  }
0x2d6: {  	v4 =	vadd.f32 v5, v4  }
0x2d7: {  	v5 =	vadd.f32 v53, v28;
	v6 =	vadd.f32 v26, v6  }
0x2d8: {  	v3 =	vadd.f32 v3, v4  }
0x2d9: {  	v4 =	vadd.f32 v51, v5;
	v5 =	vadd.f32 v23, v6  }
0x2da: {  	v2 =	vadd.f32 v2, v3;
	v6 =	vld [tilespmem:$0x1F330]  }
0x2db: {  	v3 =	vadd.f32 v50, v4;
	v4 =	vadd.f32 v21, v5;
	v5 =	vld [tilespmem:$0x1F320]  }
0x2dc: {  	v1 =	vadd.f32 v1, v2  }
0x2dd: {  	v2 =	vadd.f32 v48, v3;
	v3 =	vadd.f32 v18, v4;
	v4 =	vld [tilespmem:$0x1F340];
	_ =	sdelay $0x2  }
0x2de: {  	v5 =	vadd.f32 v6, v5;
	_ =	sdelay $0x1  }
0x2df: {  	v4 =	vadd.f32 v4, v5;
	v5 =	vld [tilespmem:$0x1F350];
	_ =	sdelay $0x4  }
0x2e0: {  	v4 =	vadd.f32 v5, v4;
	v5 =	vld [tilespmem:$0x1F360];
	_ =	sdelay $0x4  }
0x2e1: {  	v4 =	vadd.f32 v5, v4;
	v5 =	vld [tilespmem:$0x1F370];
	_ =	sdelay $0x3  }
0x2e2: {  	v3 =	vadd.f32 v15, v3  }
0x2e3: {  	v4 =	vadd.f32 v5, v4;
	v5 =	vld [tilespmem:$0x1F520]  }
0x2e4: {  	v3 =	vadd.f32 v11, v3;
	_ =	sdelay $0x1  }
0x2e5: {  	v3 =	vadd.f32 v8, v3;
	_ =	sdelay $0x1  }
0x2e6: {  	v3 =	vadd.f32 v5, v3;
	v5 =	vld [tilespmem:$0x1F380];
	_ =	sdelay $0x4  }
0x2e7: {  	v4 =	vadd.f32 v5, v4;
	v5 =	vld [tilespmem:$0x1F530];
	_ =	sdelay $0x4  }
0x2e8: {  	v3 =	vadd.f32 v5, v3;
	v5 =	vld [tilespmem:$0x1F390];
	_ =	sdelay $0x4  }
0x2e9: {  	v4 =	vadd.f32 v5, v4;
	v5 =	vld [tilespmem:$0x1F540];
	_ =	sdelay $0x4  }
0x2ea: {  	v3 =	vadd.f32 v5, v3;
	v5 =	vld [tilespmem:$0x1F3A0];
	_ =	sdelay $0x4  }
0x2eb: {  	v4 =	vadd.f32 v5, v4;
	v5 =	vld [tilespmem:$0x1F550];
	_ =	sdelay $0x4  }
0x2ec: {  	v3 =	vadd.f32 v5, v3;
	v5 =	vld [tilespmem:$0x1F3B0];
	_ =	sdelay $0x4  }
0x2ed: {  	v4 =	vadd.f32 v5, v4;
	v5 =	vld [tilespmem:$0x1F560];
	_ =	sdelay $0x4  }
0x2ee: {  	v3 =	vadd.f32 v5, v3;
	v5 =	vld [tilespmem:$0x1F3C0];
	_ =	sdelay $0x4  }
0x2ef: {  	v4 =	vadd.f32 v5, v4;
	v5 =	vld [tilespmem:$0x1F570];
	_ =	sdelay $0x4  }
0x2f0: {  	v3 =	vadd.f32 v5, v3;
	v5 =	vld [tilespmem:$0x1F3D0];
	_ =	sdelay $0x4  }
0x2f1: {  	v4 =	vadd.f32 v5, v4;
	v5 =	vld [tilespmem:$0x1F580];
	_ =	sdelay $0x4  }
0x2f2: {  	v3 =	vadd.f32 v5, v3;
	v5 =	vld [tilespmem:$0x1F3E0];
	_ =	sdelay $0x4  }
0x2f3: {  	v4 =	vadd.f32 v5, v4;
	v5 =	vld [tilespmem:$0x1F590]  }
0x2f4: {  	v2 =	vadd.f32 v46, v2;
	_ =	sdelay $0x1  }
0x2f5: {  	v2 =	vadd.f32 v44, v2;
	_ =	sdelay $0x1  }
0x2f6: {  	v2 =	vadd.f32 v42, v2;
	v3 =	vadd.f32 v5, v3;
	v5 =	vld [tilespmem:$0x1F3F0];
	_ =	sdelay $0x1  }
0x2f7: {  	v2 =	vadd.f32 v40, v2;
	_ =	sdelay $0x1  }
0x2f8: {  	v2 =	vadd.f32 v38, v2  }
0x2f9: {  	v4 =	vadd.f32 v5, v4;
	v5 =	vld [tilespmem:$0x1F5A0]  }
0x2fa: {  	v2 =	vadd.f32 v30, v2;
	_ =	sdelay $0x1  }
0x2fb: {  	v2 =	vadd.f32 v25, v2;
	_ =	sdelay $0x1  }
0x2fc: {  	v2 =	vadd.f32 v22, v2;
	v3 =	vadd.f32 v5, v3;
	v5 =	vld [tilespmem:$0x1F400];
	_ =	sdelay $0x1  }
0x2fd: {  	v2 =	vadd.f32 v19, v2;
	_ =	sdelay $0x1  }
0x2fe: {  	v2 =	vadd.f32 v16, v2  }
0x2ff: {  	v4 =	vadd.f32 v5, v4;
	v5 =	vld [tilespmem:$0x1F630]  }
0x300: {  	v2 =	vadd.f32 v12, v2;
	_ =	sdelay $0x1  }
0x301: {  	v2 =	vadd.f32 v9, v2;
	_ =	sdelay $0x1  }
0x302: {  	v2 =	vadd.f32 v5, v2;
	v5 =	vld [tilespmem:$0x1F5B0];
	_ =	sdelay $0x4  }
0x303: {  	v3 =	vadd.f32 v5, v3;
	v5 =	vld [tilespmem:$0x1F410];
	_ =	sdelay $0x4  }
0x304: {  	v4 =	vadd.f32 v5, v4;
	v5 =	vld [tilespmem:$0x1F640];
	_ =	sdelay $0x4  }
0x305: {  	v2 =	vadd.f32 v5, v2;
	v5 =	vld [tilespmem:$0x1F5C0];
	_ =	sdelay $0x4  }
0x306: {  	v3 =	vadd.f32 v5, v3;
	v5 =	vld [tilespmem:$0x1F420];
	_ =	sdelay $0x4  }
0x307: {  	v4 =	vadd.f32 v5, v4;
	v5 =	vld [tilespmem:$0x1F650];
	_ =	sdelay $0x4  }
0x308: {  	v2 =	vadd.f32 v5, v2;
	v5 =	vld [tilespmem:$0x1F5D0];
	_ =	sdelay $0x4  }
0x309: {  	v3 =	vadd.f32 v5, v3;
	v5 =	vld [tilespmem:$0x1F430];
	_ =	sdelay $0x4  }
0x30a: {  	v4 =	vadd.f32 v5, v4;
	v5 =	vld [tilespmem:$0x1F660];
	_ =	sdelay $0x4  }
0x30b: {  	v2 =	vadd.f32 v5, v2;
	v5 =	vld [tilespmem:$0x1F5E0];
	_ =	sdelay $0x4  }
0x30c: {  	v3 =	vadd.f32 v5, v3;
	v5 =	vld [tilespmem:$0x1F440];
	_ =	sdelay $0x4  }
0x30d: {  	v4 =	vadd.f32 v5, v4;
	v5 =	vld [tilespmem:$0x1F670];
	_ =	sdelay $0x4  }
0x30e: {  	v2 =	vadd.f32 v5, v2;
	v5 =	vld [tilespmem:$0x1F5F0];
	_ =	sdelay $0x4  }
0x30f: {  	v3 =	vadd.f32 v5, v3;
	v5 =	vld [tilespmem:$0x1F450];
	_ =	sdelay $0x4  }
0x310: {  	v4 =	vadd.f32 v5, v4;
	v5 =	vld [tilespmem:$0x1F680];
	_ =	sdelay $0x4  }
0x311: {  	v2 =	vadd.f32 v5, v2;
	v5 =	vld [tilespmem:$0x1F600];
	_ =	sdelay $0x4  }
0x312: {  	v3 =	vadd.f32 v5, v3;
	v5 =	vld [tilespmem:$0x1F460];
	_ =	sdelay $0x2  }
0x313: {  	v1 =	vadd.f32 v63, v1;
	_ =	sdelay $0x1  }
0x314: {  	v1 =	vadd.f32 v62, v1;
	v4 =	vadd.f32 v5, v4;
	v5 =	vld [tilespmem:$0x1F690];
	_ =	sdelay $0x1  }
0x315: {  	v1 =	vadd.f32 v61, v1;
	_ =	sdelay $0x1  }
0x316: {  	v1 =	vadd.f32 v60, v1  }
0x317: {  	v2 =	vadd.f32 v5, v2;
	v5 =	vld [tilespmem:$0x1F610]  }
0x318: {  	v1 =	vadd.f32 v59, v1;
	_ =	sdelay $0x1  }
0x319: {  	v1 =	vadd.f32 v58, v1;
	_ =	sdelay $0x1  }
0x31a: {  	v1 =	vadd.f32 v57, v1;
	v3 =	vadd.f32 v5, v3;
	v5 =	vld [tilespmem:$0x1F470];
	_ =	sdelay $0x1  }
0x31b: {  	v1 =	vadd.f32 v55, v1;
	_ =	sdelay $0x1  }
0x31c: {  	v1 =	vadd.f32 v52, v1  }
0x31d: {  	v4 =	vadd.f32 v5, v4;
	v5 =	vld [tilespmem:$0x1F6A0]  }
0x31e: {  	v1 =	vadd.f32 v49, v1;
	_ =	sdelay $0x1  }
0x31f: {  	v1 =	vadd.f32 v47, v1;
	_ =	sdelay $0x1  }
0x320: {  	v1 =	vadd.f32 v45, v1;
	v2 =	vadd.f32 v5, v2;
	v5 =	vld [tilespmem:$0x1F620];
	_ =	sdelay $0x1  }
0x321: {  	v1 =	vadd.f32 v43, v1;
	_ =	sdelay $0x1  }
0x322: {  	v1 =	vadd.f32 v41, v1  }
0x323: {  	v3 =	vadd.f32 v5, v3;
	v5 =	vld [tilespmem:$0x1F480]  }
0x324: {  	v1 =	vadd.f32 v39, v1;
	_ =	sdelay $0x1  }
0x325: {  	v1 =	vadd.f32 v37, v1;
	_ =	sdelay $0x1  }
0x326: {  	v1 =	vadd.f32 v27, v1;
	v4 =	vadd.f32 v5, v4;
	v5 =	vld [tilespmem:$0x1F6B0];
	_ =	sdelay $0x1  }
0x327: {  	v1 =	vadd.f32 v24, v1;
	_ =	sdelay $0x1  }
0x328: {  	v1 =	vadd.f32 v20, v1  }
0x329: {  	v3 =	vadd.f32 $9.999999970e-07, v3;
	v2 =	vadd.f32 v5, v2;
	v5 =	vld [tilespmem:$0x1F490]  }
0x32a: {  	v1 =	vadd.f32 v17, v1  }
0x32b: {  	(erf) = vrcp.f32 v3;
	v3 =	vld [tilespmem:$0x1F710]  }
0x32c: {  	v1 =	vadd.f32 v13, v1;
	_ =	sdelay $0x1  }
0x32d: {  	v1 =	vadd.f32 v10, v1;
	v4 =	vadd.f32 v5, v4;
	v5 =	vld [tilespmem:$0x1F6C0];
	_ =	sdelay $0x1  }
0x32e: {  	v1 =	vadd.f32 v3, v1;
	v3 =	vld [tilespmem:$0x1F6D0];
	_ =	sdelay $0x2  }
0x32f: {  	v2 =	vadd.f32 v5, v2;
	v5 =	vld [tilespmem:$0x1F4A0];
	_ =	sdelay $0x1  }
0x330: {  	v2 =	vadd.f32 v3, v2;
	v3 =	vld [tilespmem:$0x1F4B0];
	_ =	sdelay $0x2  }
0x331: {  	v4 =	vadd.f32 v5, v4;
	_ =	sdelay $0x1  }
0x332: {  	v3 =	vadd.f32 v3, v4;
	v4 =	vld [tilespmem:$0x1F720];
	_ =	sdelay $0x4  }
0x333: {  	v1 =	vadd.f32 v4, v1;
	v4 =	vld [tilespmem:$0x1F6E0];
	_ =	sdelay $0x4  }
0x334: {  	v2 =	vadd.f32 v4, v2;
	v4 =	vld [tilespmem:$0x1F4C0];
	_ =	sdelay $0x4  }
0x335: {  	v3 =	vadd.f32 v4, v3;
	v4 =	vld [tilespmem:$0x1F730];
	_ =	sdelay $0x4  }
0x336: {  	v1 =	vadd.f32 v4, v1;
	v4 =	vld [tilespmem:$0x1F6F0];
	_ =	sdelay $0x4  }
0x337: {  	v2 =	vadd.f32 v4, v2;
	v4 =	vld [tilespmem:$0x1F4D0];
	_ =	sdelay $0x4  }
0x338: {  	v3 =	vadd.f32 v4, v3;
	v4 =	vld [tilespmem:$0x1F740]  }
0x339: {  	v5 =	vld [tilespmem:$0x1F700]  }
0x33a: {  	v6 =	vld [tilespmem:$0x1F750];
	_ =	sdelay $0x2  }
0x33b: {  	v1 =	vadd.f32 v4, v1;
	v4 =	vadd.s32 $0xA0, v0  }
0x33c: {  	v2 =	vadd.f32 v5, v2;
	v5 =	vld [tilespmem:$0x1F4E0]  }
0x33d: {  	v1 =	vadd.f32 v6, v1;
	v6 =	vpop (erf)  }
0x33e: {  	v9 =	vld [tilespmem:$0x1F4F0];
	v2 =	vmul.f32 v2, v6  }
0x33f: {  	v11 =	vld [tilespmem:$0x1F500]  }
0x340: {  	[tilespmem:v4+s19+$0x0] =	vst.idx.msk $0xffff, v2;
	v2 =	vld [tilespmem:$0x1F310]  }
0x341: {  	v3 =	vadd.f32 v5, v3;
	v5 =	vadd.s32 $0xA1, v0  }
0x342: {  	v8 =	vadd.s32 $0xA2, v0;
	v4 =	vld [tilespmem:$0x1F510]  }
0x343: {  	v3 =	vadd.f32 v9, v3;
	v9 =	vadd.s32 $0xA3, v0  }
0x344: {  	v7 =	vadd.f32 v14, v7;
	v10 =	vadd.s32 $0xA4, v0;
	v1 =	vmul.f32 v1, v6  }
0x345: {  	v3 =	vadd.f32 v11, v3;
	v2 =	vmul.f32 v2, v6  }
0x346: {  	[tilespmem:v5+s19+$0x0] =	vst.idx.msk $0xffff, v1;
	v1 =	vmul.f32 v7, v6  }
0x347: {  	v3 =	vadd.f32 v4, v3;
	[tilespmem:v8+s19+$0x0] =	vst.idx.msk $0xffff, v2  }
0x348: {  	[tilespmem:v9+s19+$0x0] =	vst.idx.msk $0xffff, v1  }
0x349: {  	[tilespmem:v10+s19+$0x0] =	vst.idx.msk $0xffff, v3  }
0x34a: {  	v1 =	vld [tilespmem:$0x30];
	_ =	sdelay $0x4  }
0x34b: {  	[tilespmem:$0x1EED0] =	vst v1;
	v1 =	vld [tilespmem:$0xB0];
	_ =	sdelay $0x4  }
0x34c: {  	[tilespmem:$0x1EEE0] =	vst v1;
	v1 =	vld [tilespmem:$0x130];
	_ =	sdelay $0x4  }
0x34d: {  	[tilespmem:$0x1EEF0] =	vst v1;
	v1 =	vld [tilespmem:$0x1B0];
	_ =	sdelay $0x4  }
0x34e: {  	[tilespmem:$0x1EF00] =	vst v1;
	v1 =	vld [tilespmem:$0x230];
	_ =	sdelay $0x4  }
0x34f: {  	[tilespmem:$0x1EF10] =	vst v1;
	v1 =	vld [tilespmem:$0x2B0];
	_ =	sdelay $0x4  }
0x350: {  	[tilespmem:$0x1EF20] =	vst v1;
	v1 =	vld [tilespmem:$0x330];
	_ =	sdelay $0x4  }
0x351: {  	[tilespmem:$0x1EF30] =	vst v1;
	v1 =	vld [tilespmem:$0x3B0];
	_ =	sdelay $0x4  }
0x352: {  	[tilespmem:$0x1EF40] =	vst v1;
	v1 =	vld [tilespmem:$0x430];
	_ =	sdelay $0x4  }
0x353: {  	[tilespmem:$0x1EF50] =	vst v1;
	v1 =	vld [tilespmem:$0x4B0];
	_ =	sdelay $0x4  }
0x354: {  	[tilespmem:$0x1EF60] =	vst v1;
	v1 =	vld [tilespmem:$0x530];
	_ =	sdelay $0x4  }
0x355: {  	[tilespmem:$0x1EF70] =	vst v1;
	v1 =	vld [tilespmem:$0x5B0];
	_ =	sdelay $0x4  }
0x356: {  	[tilespmem:$0x1EF80] =	vst v1;
	v1 =	vld [tilespmem:$0x630];
	_ =	sdelay $0x4  }
0x357: {  	[tilespmem:$0x1EF90] =	vst v1;
	v1 =	vld [tilespmem:$0x6B0];
	_ =	sdelay $0x4  }
0x358: {  	[tilespmem:$0x1EFA0] =	vst v1;
	v1 =	vld [tilespmem:$0x730];
	_ =	sdelay $0x4  }
0x359: {  	[tilespmem:$0x1EFB0] =	vst v1;
	v1 =	vld [tilespmem:$0x7B0];
	_ =	sdelay $0x4  }
0x35a: {  	[tilespmem:$0x1EFC0] =	vst v1;
	v1 =	vld [tilespmem:$0x830];
	_ =	sdelay $0x4  }
0x35b: {  	[tilespmem:$0x1EFD0] =	vst v1;
	v1 =	vld [tilespmem:$0x8B0];
	_ =	sdelay $0x4  }
0x35c: {  	[tilespmem:$0x1EFE0] =	vst v1;
	v1 =	vld [tilespmem:$0x930];
	_ =	sdelay $0x4  }
0x35d: {  	[tilespmem:$0x1EFF0] =	vst v1;
	v1 =	vld [tilespmem:$0x9B0];
	_ =	sdelay $0x4  }
0x35e: {  	[tilespmem:$0x1F000] =	vst v1;
	v1 =	vld [tilespmem:$0xA30];
	_ =	sdelay $0x4  }
0x35f: {  	[tilespmem:$0x1F010] =	vst v1;
	v1 =	vld [tilespmem:$0xAB0];
	_ =	sdelay $0x4  }
0x360: {  	[tilespmem:$0x1F020] =	vst v1;
	v1 =	vld [tilespmem:$0xB30];
	_ =	sdelay $0x4  }
0x361: {  	[tilespmem:$0x1F030] =	vst v1;
	v1 =	vld [tilespmem:$0xBB0];
	_ =	sdelay $0x4  }
0x362: {  	[tilespmem:$0x1F040] =	vst v1;
	v1 =	vld [tilespmem:$0xC30];
	_ =	sdelay $0x4  }
0x363: {  	[tilespmem:$0x1F050] =	vst v1;
	v1 =	vld [tilespmem:$0xCB0];
	_ =	sdelay $0x4  }
0x364: {  	[tilespmem:$0x1F060] =	vst v1;
	v1 =	vld [tilespmem:$0xD30];
	_ =	sdelay $0x4  }
0x365: {  	[tilespmem:$0x1F070] =	vst v1;
	v1 =	vld [tilespmem:$0xDB0];
	_ =	sdelay $0x4  }
0x366: {  	[tilespmem:$0x1F080] =	vst v1;
	v1 =	vld [tilespmem:$0xE30];
	_ =	sdelay $0x4  }
0x367: {  	[tilespmem:$0x1F090] =	vst v1;
	v1 =	vld [tilespmem:$0xEB0];
	_ =	sdelay $0x4  }
0x368: {  	[tilespmem:$0x1F0A0] =	vst v1;
	v1 =	vld [tilespmem:$0xF30];
	_ =	sdelay $0x4  }
0x369: {  	[tilespmem:$0x1F0B0] =	vst v1;
	v1 =	vld [tilespmem:$0xFB0];
	_ =	sdelay $0x4  }
0x36a: {  	[tilespmem:$0x1F0C0] =	vst v1;
	v1 =	vld [tilespmem:$0x17B0];
	_ =	sdelay $0x4  }
0x36b: {  	[tilespmem:$0x1F0D0] =	vst v1;
	v1 =	vld [tilespmem:$0x1830];
	_ =	sdelay $0x4  }
0x36c: {  	[tilespmem:$0x1F0E0] =	vst v1;
	v1 =	vld [tilespmem:$0x18B0];
	_ =	sdelay $0x4  }
0x36d: {  	[tilespmem:$0x1F0F0] =	vst v1;
	v1 =	vld [tilespmem:$0x1930];
	_ =	sdelay $0x4  }
0x36e: {  	[tilespmem:$0x1F100] =	vst v1;
	v1 =	vld [tilespmem:$0x19B0];
	_ =	sdelay $0x4  }
0x36f: {  	[tilespmem:$0x1F110] =	vst v1;
	v1 =	vld [tilespmem:$0x1A30];
	_ =	sdelay $0x4  }
0x370: {  	[tilespmem:$0x1F120] =	vst v1;
	v1 =	vld [tilespmem:$0x1AB0];
	_ =	sdelay $0x4  }
0x371: {  	[tilespmem:$0x1F130] =	vst v1;
	v1 =	vld [tilespmem:$0x1B30];
	_ =	sdelay $0x4  }
0x372: {  	[tilespmem:$0x1F140] =	vst v1;
	v1 =	vld [tilespmem:$0x1BB0];
	_ =	sdelay $0x4  }
0x373: {  	[tilespmem:$0x1F150] =	vst v1;
	v1 =	vld [tilespmem:$0x1C30];
	_ =	sdelay $0x4  }
0x374: {  	[tilespmem:$0x1F160] =	vst v1;
	v1 =	vld [tilespmem:$0x1CB0];
	_ =	sdelay $0x4  }
0x375: {  	[tilespmem:$0x1F170] =	vst v1;
	v1 =	vld [tilespmem:$0x1D30];
	_ =	sdelay $0x4  }
0x376: {  	[tilespmem:$0x1F180] =	vst v1;
	v1 =	vld [tilespmem:$0x1DB0];
	_ =	sdelay $0x4  }
0x377: {  	[tilespmem:$0x1F190] =	vst v1;
	v1 =	vld [tilespmem:$0x1E30];
	_ =	sdelay $0x4  }
0x378: {  	[tilespmem:$0x1F1A0] =	vst v1;
	v1 =	vld [tilespmem:$0x1EB0];
	_ =	sdelay $0x2  }
0x379: {  	v28 =	vld [tilespmem:$0x1030]  }
0x37a: {  	v31 =	vld [tilespmem:$0x10B0]  }
0x37b: {  	[tilespmem:$0x1F1B0] =	vst v1;
	v1 =	vld [tilespmem:$0x1F30]  }
0x37c: {  	v32 =	vld [tilespmem:$0x1130]  }
0x37d: {  	v33 =	vld [tilespmem:$0x11B0]  }
0x37e: {  	v34 =	vld [tilespmem:$0x1230]  }
0x37f: {  	v35 =	vld [tilespmem:$0x12B0]  }
0x380: {  	[tilespmem:$0x1F1C0] =	vst v1;
	v1 =	vld [tilespmem:$0x1FB0]  }
0x381: {  	v36 =	vld [tilespmem:$0x1330]  }
0x382: {  	v29 =	vld [tilespmem:$0x13B0]  }
0x383: {  	v26 =	vld [tilespmem:$0x1430]  }
0x384: {  	v23 =	vld [tilespmem:$0x14B0]  }
0x385: {  	[tilespmem:$0x1F1D0] =	vst v1;
	v1 =	vld [tilespmem:$0x2930]  }
0x386: {  	v21 =	vld [tilespmem:$0x1530]  }
0x387: {  	v18 =	vld [tilespmem:$0x15B0]  }
0x388: {  	v15 =	vld [tilespmem:$0x1630]  }
0x389: {  	v11 =	vld [tilespmem:$0x16B0]  }
0x38a: {  	[tilespmem:$0x1F1E0] =	vst v1;
	v1 =	vld [tilespmem:$0x29B0]  }
0x38b: {  	v8 =	vld [tilespmem:$0x1730]  }
0x38c: {  	v54 =	vld [tilespmem:$0x2030]  }
0x38d: {  	v56 =	vld [tilespmem:$0x20B0]  }
0x38e: {  	v53 =	vld [tilespmem:$0x2130]  }
0x38f: {  	[tilespmem:$0x1F1F0] =	vst v1;
	v1 =	vld [tilespmem:$0x2A30]  }
0x390: {  	v51 =	vld [tilespmem:$0x21B0]  }
0x391: {  	v50 =	vld [tilespmem:$0x2230]  }
0x392: {  	v48 =	vld [tilespmem:$0x22B0]  }
0x393: {  	v46 =	vld [tilespmem:$0x2330]  }
0x394: {  	[tilespmem:$0x1F200] =	vst v1;
	v1 =	vld [tilespmem:$0x2AB0]  }
0x395: {  	v44 =	vld [tilespmem:$0x23B0]  }
0x396: {  	v42 =	vld [tilespmem:$0x2430]  }
0x397: {  	v40 =	vld [tilespmem:$0x24B0]  }
0x398: {  	v38 =	vld [tilespmem:$0x2530]  }
0x399: {  	[tilespmem:$0x1F210] =	vst v1;
	v1 =	vld [tilespmem:$0x2B30]  }
0x39a: {  	v30 =	vld [tilespmem:$0x25B0]  }
0x39b: {  	v25 =	vld [tilespmem:$0x2630]  }
0x39c: {  	v22 =	vld [tilespmem:$0x26B0]  }
0x39d: {  	v19 =	vld [tilespmem:$0x2730]  }
0x39e: {  	[tilespmem:$0x1F220] =	vst v1;
	v1 =	vld [tilespmem:$0x2BB0]  }
0x39f: {  	v16 =	vld [tilespmem:$0x27B0]  }
0x3a0: {  	v12 =	vld [tilespmem:$0x2830]  }
0x3a1: {  	v9 =	vld [tilespmem:$0x28B0]  }
0x3a2: {  	v4 =	vld [tilespmem:$0x3030]  }
0x3a3: {  	[tilespmem:$0x1F230] =	vst v1;
	v1 =	vld [tilespmem:$0x2C30]  }
0x3a4: {  	v5 =	vld [tilespmem:$0x30B0]  }
0x3a5: {  	v3 =	vld [tilespmem:$0x3130]  }
0x3a6: {  	v2 =	vld [tilespmem:$0x31B0]  }
0x3a7: {  	v63 =	vld [tilespmem:$0x32B0]  }
0x3a8: {  	[tilespmem:$0x1F240] =	vst v1;
	v1 =	vld [tilespmem:$0x2CB0]  }
0x3a9: {  	v62 =	vld [tilespmem:$0x3330]  }
0x3aa: {  	v61 =	vld [tilespmem:$0x33B0]  }
0x3ab: {  	v60 =	vld [tilespmem:$0x3430]  }
0x3ac: {  	v59 =	vld [tilespmem:$0x34B0]  }
0x3ad: {  	[tilespmem:$0x1F250] =	vst v1;
	v1 =	vld [tilespmem:$0x2D30]  }
0x3ae: {  	v58 =	vld [tilespmem:$0x3530]  }
0x3af: {  	v57 =	vld [tilespmem:$0x35B0]  }
0x3b0: {  	v55 =	vld [tilespmem:$0x3630]  }
0x3b1: {  	v6 =	vld [tilespmem:$0x3DB0]  }
0x3b2: {  	[tilespmem:$0x1F260] =	vst v1;
	v1 =	vld [tilespmem:$0x2DB0]  }
0x3b3: {  	v52 =	vld [tilespmem:$0x36B0]  }
0x3b4: {  	v49 =	vld [tilespmem:$0x3730]  }
0x3b5: {  	v47 =	vld [tilespmem:$0x37B0]  }
0x3b6: {  	[tilespmem:$0x1F2C0] =	vst v6;
	v6 =	vld [tilespmem:$0x3E30]  }
0x3b7: {  	[tilespmem:$0x1F270] =	vst v1;
	v1 =	vld [tilespmem:$0x2E30]  }
0x3b8: {  	v45 =	vld [tilespmem:$0x3830]  }
0x3b9: {  	v43 =	vld [tilespmem:$0x38B0]  }
0x3ba: {  	v41 =	vld [tilespmem:$0x3930]  }
0x3bb: {  	[tilespmem:$0x1F2D0] =	vst v6;
	v6 =	vld [tilespmem:$0x3EB0]  }
0x3bc: {  	[tilespmem:$0x1F280] =	vst v1;
	v1 =	vld [tilespmem:$0x2EB0]  }
0x3bd: {  	v39 =	vld [tilespmem:$0x39B0]  }
0x3be: {  	v37 =	vld [tilespmem:$0x3A30]  }
0x3bf: {  	v27 =	vld [tilespmem:$0x3AB0]  }
0x3c0: {  	[tilespmem:$0x1F2E0] =	vst v6;
	v6 =	vld [tilespmem:$0x3F30]  }
0x3c1: {  	[tilespmem:$0x1F290] =	vst v1;
	v1 =	vld [tilespmem:$0x2F30]  }
0x3c2: {  	v24 =	vld [tilespmem:$0x3B30]  }
0x3c3: {  	v20 =	vld [tilespmem:$0x3BB0]  }
0x3c4: {  	v17 =	vld [tilespmem:$0x3C30]  }
0x3c5: {  	[tilespmem:$0x1F2F0] =	vst v6;
	v6 =	vld [tilespmem:$0x3FB0]  }
0x3c6: {  	[tilespmem:$0x1F2A0] =	vst v1;
	v1 =	vld [tilespmem:$0x2FB0]  }
0x3c7: {  	v13 =	vld [tilespmem:$0x3CB0]  }
0x3c8: {  	v10 =	vld [tilespmem:$0x3D30]  }
0x3c9: {  	s23 =	simm.s32 $0x0;
	v14 =	vld [tilespmem:$0x4030]  }
0x3ca: {  	[tilespmem:$0x1F300] =	vst v6;
	v6 =	vld [tilespmem:s23+$0x40B0]  }
0x3cb: {  	s22 =	simm.s32 $0x200;
	[tilespmem:$0x1F2B0] =	vst v1;
	v1 =	vld [tilespmem:$0x3230]  }
.LBB2_14:
0x3cc: {  	p0 =	sne.s32 s22, $0x3C00  }
.Ltmp6:
0x3cd: {  	_ = 	snop;
	(pc) =	sbr.rel @p0 .LBB2_14-.Ltmp6, $3  }
0x3ce: {  	_ =	sdelay $0x1  }
0x3cf: {  	s23 =	sshra.s32 s22, $0x2;
	s22 =	sadd.s32 $0x200, s22;
	v14 =	vadd.f32 v6, v14  }
0x3d0: {  	v6 =	vld [tilespmem:s23+$0x40B0]  }
0x3d1: {  	_ =	sdelay $0x3  }
0x3d2: {  	v6 =	vadd.f32 v6, v14  }
0x3d3: {  	v7 =	vld [tilespmem:$0x5030];
	s23 =	simm.s32 $0x0  }
0x3d4: {  	s22 =	simm.s32 $0x200;
	v14 =	vld [tilespmem:s23+$0x50B0];
	[tilespmem:$0x1EEC0] =	vst v6  }
.LBB2_16:
0x3d5: {  	p0 =	sne.s32 s22, $0x3C00  }
.Ltmp7:
0x3d6: {  	_ = 	snop;
	(pc) =	sbr.rel @p0 .LBB2_16-.Ltmp7, $3  }
0x3d7: {  	_ =	sdelay $0x1  }
0x3d8: {  	s23 =	sshra.s32 s22, $0x2;
	s22 =	sadd.s32 $0x200, s22;
	v7 =	vadd.f32 v14, v7  }
0x3d9: {  	v14 =	vld [tilespmem:s23+$0x50B0]  }
0x3da: {  	v6 =	vadd.f32 v31, v28;
	_ =	sdelay $0x1  }
0x3db: {  	v6 =	vadd.f32 v32, v6;
	_ =	sdelay $0x1  }
0x3dc: {  	v6 =	vadd.f32 v33, v6;
	_ =	sdelay $0x1  }
0x3dd: {  	v6 =	vadd.f32 v34, v6;
	_ =	sdelay $0x1  }
0x3de: {  	v6 =	vadd.f32 v35, v6;
	_ =	sdelay $0x1  }
0x3df: {  	v6 =	vadd.f32 v36, v6;
	_ =	sdelay $0x1  }
0x3e0: {  	v28 =	vadd.f32 v56, v54;
	v6 =	vadd.f32 v29, v6  }
0x3e1: {  	v4 =	vadd.f32 v5, v4  }
0x3e2: {  	v5 =	vadd.f32 v53, v28;
	v6 =	vadd.f32 v26, v6  }
0x3e3: {  	v3 =	vadd.f32 v3, v4  }
0x3e4: {  	v4 =	vadd.f32 v51, v5;
	v5 =	vadd.f32 v23, v6  }
0x3e5: {  	v2 =	vadd.f32 v2, v3;
	v6 =	vld [tilespmem:$0x1EEE0]  }
0x3e6: {  	v3 =	vadd.f32 v50, v4;
	v4 =	vadd.f32 v21, v5;
	v5 =	vld [tilespmem:$0x1EED0]  }
0x3e7: {  	v1 =	vadd.f32 v1, v2  }
0x3e8: {  	v2 =	vadd.f32 v48, v3;
	v3 =	vadd.f32 v18, v4;
	v4 =	vld [tilespmem:$0x1EEF0];
	_ =	sdelay $0x2  }
0x3e9: {  	v5 =	vadd.f32 v6, v5;
	_ =	sdelay $0x1  }
0x3ea: {  	v4 =	vadd.f32 v4, v5;
	v5 =	vld [tilespmem:$0x1EF00];
	_ =	sdelay $0x4  }
0x3eb: {  	v4 =	vadd.f32 v5, v4;
	v5 =	vld [tilespmem:$0x1EF10];
	_ =	sdelay $0x4  }
0x3ec: {  	v4 =	vadd.f32 v5, v4;
	v5 =	vld [tilespmem:$0x1EF20];
	_ =	sdelay $0x3  }
0x3ed: {  	v3 =	vadd.f32 v15, v3  }
0x3ee: {  	v4 =	vadd.f32 v5, v4;
	v5 =	vld [tilespmem:$0x1F0D0]  }
0x3ef: {  	v3 =	vadd.f32 v11, v3;
	_ =	sdelay $0x1  }
0x3f0: {  	v3 =	vadd.f32 v8, v3;
	_ =	sdelay $0x1  }
0x3f1: {  	v3 =	vadd.f32 v5, v3;
	v5 =	vld [tilespmem:$0x1EF30];
	_ =	sdelay $0x4  }
0x3f2: {  	v4 =	vadd.f32 v5, v4;
	v5 =	vld [tilespmem:$0x1F0E0];
	_ =	sdelay $0x4  }
0x3f3: {  	v3 =	vadd.f32 v5, v3;
	v5 =	vld [tilespmem:$0x1EF40];
	_ =	sdelay $0x4  }
0x3f4: {  	v4 =	vadd.f32 v5, v4;
	v5 =	vld [tilespmem:$0x1F0F0];
	_ =	sdelay $0x4  }
0x3f5: {  	v3 =	vadd.f32 v5, v3;
	v5 =	vld [tilespmem:$0x1EF50];
	_ =	sdelay $0x4  }
0x3f6: {  	v4 =	vadd.f32 v5, v4;
	v5 =	vld [tilespmem:$0x1F100];
	_ =	sdelay $0x4  }
0x3f7: {  	v3 =	vadd.f32 v5, v3;
	v5 =	vld [tilespmem:$0x1EF60];
	_ =	sdelay $0x4  }
0x3f8: {  	v4 =	vadd.f32 v5, v4;
	v5 =	vld [tilespmem:$0x1F110];
	_ =	sdelay $0x4  }
0x3f9: {  	v3 =	vadd.f32 v5, v3;
	v5 =	vld [tilespmem:$0x1EF70];
	_ =	sdelay $0x4  }
0x3fa: {  	v4 =	vadd.f32 v5, v4;
	v5 =	vld [tilespmem:$0x1F120];
	_ =	sdelay $0x4  }
0x3fb: {  	v3 =	vadd.f32 v5, v3;
	v5 =	vld [tilespmem:$0x1EF80];
	_ =	sdelay $0x4  }
0x3fc: {  	v4 =	vadd.f32 v5, v4;
	v5 =	vld [tilespmem:$0x1F130];
	_ =	sdelay $0x4  }
0x3fd: {  	v3 =	vadd.f32 v5, v3;
	v5 =	vld [tilespmem:$0x1EF90];
	_ =	sdelay $0x4  }
0x3fe: {  	v4 =	vadd.f32 v5, v4;
	v5 =	vld [tilespmem:$0x1F140]  }
0x3ff: {  	v2 =	vadd.f32 v46, v2;
	_ =	sdelay $0x1  }
0x400: {  	v2 =	vadd.f32 v44, v2;
	_ =	sdelay $0x1  }
0x401: {  	v2 =	vadd.f32 v42, v2;
	v3 =	vadd.f32 v5, v3;
	v5 =	vld [tilespmem:$0x1EFA0];
	_ =	sdelay $0x1  }
0x402: {  	v2 =	vadd.f32 v40, v2;
	_ =	sdelay $0x1  }
0x403: {  	v2 =	vadd.f32 v38, v2  }
0x404: {  	v4 =	vadd.f32 v5, v4;
	v5 =	vld [tilespmem:$0x1F150]  }
0x405: {  	v2 =	vadd.f32 v30, v2;
	_ =	sdelay $0x1  }
0x406: {  	v2 =	vadd.f32 v25, v2;
	_ =	sdelay $0x1  }
0x407: {  	v2 =	vadd.f32 v22, v2;
	v3 =	vadd.f32 v5, v3;
	v5 =	vld [tilespmem:$0x1EFB0];
	_ =	sdelay $0x1  }
0x408: {  	v2 =	vadd.f32 v19, v2;
	_ =	sdelay $0x1  }
0x409: {  	v2 =	vadd.f32 v16, v2  }
0x40a: {  	v4 =	vadd.f32 v5, v4;
	v5 =	vld [tilespmem:$0x1F1E0]  }
0x40b: {  	v2 =	vadd.f32 v12, v2;
	_ =	sdelay $0x1  }
0x40c: {  	v2 =	vadd.f32 v9, v2;
	_ =	sdelay $0x1  }
0x40d: {  	v2 =	vadd.f32 v5, v2;
	v5 =	vld [tilespmem:$0x1F160];
	_ =	sdelay $0x4  }
0x40e: {  	v3 =	vadd.f32 v5, v3;
	v5 =	vld [tilespmem:$0x1EFC0];
	_ =	sdelay $0x4  }
0x40f: {  	v4 =	vadd.f32 v5, v4;
	v5 =	vld [tilespmem:$0x1F1F0];
	_ =	sdelay $0x4  }
0x410: {  	v2 =	vadd.f32 v5, v2;
	v5 =	vld [tilespmem:$0x1F170];
	_ =	sdelay $0x4  }
0x411: {  	v3 =	vadd.f32 v5, v3;
	v5 =	vld [tilespmem:$0x1EFD0];
	_ =	sdelay $0x4  }
0x412: {  	v4 =	vadd.f32 v5, v4;
	v5 =	vld [tilespmem:$0x1F200];
	_ =	sdelay $0x4  }
0x413: {  	v2 =	vadd.f32 v5, v2;
	v5 =	vld [tilespmem:$0x1F180];
	_ =	sdelay $0x4  }
0x414: {  	v3 =	vadd.f32 v5, v3;
	v5 =	vld [tilespmem:$0x1EFE0];
	_ =	sdelay $0x4  }
0x415: {  	v4 =	vadd.f32 v5, v4;
	v5 =	vld [tilespmem:$0x1F210];
	_ =	sdelay $0x4  }
0x416: {  	v2 =	vadd.f32 v5, v2;
	v5 =	vld [tilespmem:$0x1F190];
	_ =	sdelay $0x4  }
0x417: {  	v3 =	vadd.f32 v5, v3;
	v5 =	vld [tilespmem:$0x1EFF0];
	_ =	sdelay $0x4  }
0x418: {  	v4 =	vadd.f32 v5, v4;
	v5 =	vld [tilespmem:$0x1F220];
	_ =	sdelay $0x4  }
0x419: {  	v2 =	vadd.f32 v5, v2;
	v5 =	vld [tilespmem:$0x1F1A0];
	_ =	sdelay $0x4  }
0x41a: {  	v3 =	vadd.f32 v5, v3;
	v5 =	vld [tilespmem:$0x1F000];
	_ =	sdelay $0x4  }
0x41b: {  	v4 =	vadd.f32 v5, v4;
	v5 =	vld [tilespmem:$0x1F230];
	_ =	sdelay $0x4  }
0x41c: {  	v2 =	vadd.f32 v5, v2;
	v5 =	vld [tilespmem:$0x1F1B0];
	_ =	sdelay $0x4  }
0x41d: {  	v3 =	vadd.f32 v5, v3;
	v5 =	vld [tilespmem:$0x1F010];
	_ =	sdelay $0x2  }
0x41e: {  	v1 =	vadd.f32 v63, v1;
	_ =	sdelay $0x1  }
0x41f: {  	v1 =	vadd.f32 v62, v1;
	v4 =	vadd.f32 v5, v4;
	v5 =	vld [tilespmem:$0x1F240];
	_ =	sdelay $0x1  }
0x420: {  	v1 =	vadd.f32 v61, v1;
	_ =	sdelay $0x1  }
0x421: {  	v1 =	vadd.f32 v60, v1  }
0x422: {  	v2 =	vadd.f32 v5, v2;
	v5 =	vld [tilespmem:$0x1F1C0]  }
0x423: {  	v1 =	vadd.f32 v59, v1;
	_ =	sdelay $0x1  }
0x424: {  	v1 =	vadd.f32 v58, v1;
	_ =	sdelay $0x1  }
0x425: {  	v1 =	vadd.f32 v57, v1;
	v3 =	vadd.f32 v5, v3;
	v5 =	vld [tilespmem:$0x1F020];
	_ =	sdelay $0x1  }
0x426: {  	v1 =	vadd.f32 v55, v1;
	_ =	sdelay $0x1  }
0x427: {  	v1 =	vadd.f32 v52, v1  }
0x428: {  	v4 =	vadd.f32 v5, v4;
	v5 =	vld [tilespmem:$0x1F250]  }
0x429: {  	v1 =	vadd.f32 v49, v1;
	_ =	sdelay $0x1  }
0x42a: {  	v1 =	vadd.f32 v47, v1;
	_ =	sdelay $0x1  }
0x42b: {  	v1 =	vadd.f32 v45, v1;
	v2 =	vadd.f32 v5, v2;
	v5 =	vld [tilespmem:$0x1F1D0];
	_ =	sdelay $0x1  }
0x42c: {  	v1 =	vadd.f32 v43, v1;
	_ =	sdelay $0x1  }
0x42d: {  	v1 =	vadd.f32 v41, v1  }
0x42e: {  	v3 =	vadd.f32 v5, v3;
	v5 =	vld [tilespmem:$0x1F030]  }
0x42f: {  	v1 =	vadd.f32 v39, v1;
	_ =	sdelay $0x1  }
0x430: {  	v1 =	vadd.f32 v37, v1;
	_ =	sdelay $0x1  }
0x431: {  	v1 =	vadd.f32 v27, v1;
	v4 =	vadd.f32 v5, v4;
	v5 =	vld [tilespmem:$0x1F260];
	_ =	sdelay $0x1  }
0x432: {  	v1 =	vadd.f32 v24, v1;
	_ =	sdelay $0x1  }
0x433: {  	v1 =	vadd.f32 v20, v1  }
0x434: {  	v3 =	vadd.f32 $9.999999970e-07, v3;
	v2 =	vadd.f32 v5, v2;
	v5 =	vld [tilespmem:$0x1F040]  }
0x435: {  	v1 =	vadd.f32 v17, v1  }
0x436: {  	(erf) = vrcp.f32 v3;
	v3 =	vld [tilespmem:$0x1F2C0]  }
0x437: {  	v1 =	vadd.f32 v13, v1;
	_ =	sdelay $0x1  }
0x438: {  	v1 =	vadd.f32 v10, v1;
	v4 =	vadd.f32 v5, v4;
	v5 =	vld [tilespmem:$0x1F270];
	_ =	sdelay $0x1  }
0x439: {  	v1 =	vadd.f32 v3, v1;
	v3 =	vld [tilespmem:$0x1F280];
	_ =	sdelay $0x2  }
0x43a: {  	v2 =	vadd.f32 v5, v2;
	v5 =	vld [tilespmem:$0x1F050];
	_ =	sdelay $0x1  }
0x43b: {  	v2 =	vadd.f32 v3, v2;
	v3 =	vld [tilespmem:$0x1F060];
	_ =	sdelay $0x2  }
0x43c: {  	v4 =	vadd.f32 v5, v4;
	_ =	sdelay $0x1  }
0x43d: {  	v3 =	vadd.f32 v3, v4;
	v4 =	vld [tilespmem:$0x1F2D0];
	_ =	sdelay $0x4  }
0x43e: {  	v1 =	vadd.f32 v4, v1;
	v4 =	vld [tilespmem:$0x1F290];
	_ =	sdelay $0x4  }
0x43f: {  	v2 =	vadd.f32 v4, v2;
	v4 =	vld [tilespmem:$0x1F070];
	_ =	sdelay $0x4  }
0x440: {  	v3 =	vadd.f32 v4, v3;
	v4 =	vld [tilespmem:$0x1F2E0];
	_ =	sdelay $0x4  }
0x441: {  	v1 =	vadd.f32 v4, v1;
	v4 =	vld [tilespmem:$0x1F2A0];
	_ =	sdelay $0x4  }
0x442: {  	v2 =	vadd.f32 v4, v2;
	v4 =	vld [tilespmem:$0x1F080];
	_ =	sdelay $0x4  }
0x443: {  	v3 =	vadd.f32 v4, v3;
	v4 =	vld [tilespmem:$0x1F2F0]  }
0x444: {  	v5 =	vld [tilespmem:$0x1F2B0]  }
0x445: {  	v6 =	vld [tilespmem:$0x1F300];
	_ =	sdelay $0x2  }
0x446: {  	v1 =	vadd.f32 v4, v1;
	v4 =	vadd.s32 $0xF0, v0  }
0x447: {  	v2 =	vadd.f32 v5, v2;
	v5 =	vld [tilespmem:$0x1F090]  }
0x448: {  	v1 =	vadd.f32 v6, v1;
	v6 =	vpop (erf)  }
0x449: {  	v9 =	vld [tilespmem:$0x1F0A0];
	v2 =	vmul.f32 v2, v6  }
0x44a: {  	v11 =	vld [tilespmem:$0x1F0B0]  }
0x44b: {  	[tilespmem:v4+s19+$0x0] =	vst.idx.msk $0xffff, v2;
	v2 =	vld [tilespmem:$0x1EEC0]  }
0x44c: {  	v3 =	vadd.f32 v5, v3;
	v5 =	vadd.s32 $0xF1, v0  }
0x44d: {  	v8 =	vadd.s32 $0xF2, v0;
	v4 =	vld [tilespmem:$0x1F0C0]  }
0x44e: {  	v3 =	vadd.f32 v9, v3;
	v9 =	vadd.s32 $0xF3, v0  }
0x44f: {  	v7 =	vadd.f32 v14, v7;
	v10 =	vadd.s32 $0xF4, v0;
	v1 =	vmul.f32 v1, v6  }
0x450: {  	v3 =	vadd.f32 v11, v3;
	v2 =	vmul.f32 v2, v6  }
0x451: {  	[tilespmem:v5+s19+$0x0] =	vst.idx.msk $0xffff, v1;
	v1 =	vmul.f32 v7, v6  }
0x452: {  	v3 =	vadd.f32 v4, v3;
	[tilespmem:v8+s19+$0x0] =	vst.idx.msk $0xffff, v2  }
0x453: {  	[tilespmem:v9+s19+$0x0] =	vst.idx.msk $0xffff, v1  }
0x454: {  	[tilespmem:v10+s19+$0x0] =	vst.idx.msk $0xffff, v3  }
0x455: {  	v1 =	vld [tilespmem:$0x40];
	_ =	sdelay $0x4  }
0x456: {  	[tilespmem:$0x1EA80] =	vst v1;
	v1 =	vld [tilespmem:$0xC0];
	_ =	sdelay $0x4  }
0x457: {  	[tilespmem:$0x1EA90] =	vst v1;
	v1 =	vld [tilespmem:$0x140];
	_ =	sdelay $0x4  }
0x458: {  	[tilespmem:$0x1EAA0] =	vst v1;
	v1 =	vld [tilespmem:$0x1C0];
	_ =	sdelay $0x4  }
0x459: {  	[tilespmem:$0x1EAB0] =	vst v1;
	v1 =	vld [tilespmem:$0x240];
	_ =	sdelay $0x4  }
0x45a: {  	[tilespmem:$0x1EAC0] =	vst v1;
	v1 =	vld [tilespmem:$0x2C0];
	_ =	sdelay $0x4  }
0x45b: {  	[tilespmem:$0x1EAD0] =	vst v1;
	v1 =	vld [tilespmem:$0x340];
	_ =	sdelay $0x4  }
0x45c: {  	[tilespmem:$0x1EAE0] =	vst v1;
	v1 =	vld [tilespmem:$0x3C0];
	_ =	sdelay $0x4  }
0x45d: {  	[tilespmem:$0x1EAF0] =	vst v1;
	v1 =	vld [tilespmem:$0x440];
	_ =	sdelay $0x4  }
0x45e: {  	[tilespmem:$0x1EB00] =	vst v1;
	v1 =	vld [tilespmem:$0x4C0];
	_ =	sdelay $0x4  }
0x45f: {  	[tilespmem:$0x1EB10] =	vst v1;
	v1 =	vld [tilespmem:$0x540];
	_ =	sdelay $0x4  }
0x460: {  	[tilespmem:$0x1EB20] =	vst v1;
	v1 =	vld [tilespmem:$0x5C0];
	_ =	sdelay $0x4  }
0x461: {  	[tilespmem:$0x1EB30] =	vst v1;
	v1 =	vld [tilespmem:$0x640];
	_ =	sdelay $0x4  }
0x462: {  	[tilespmem:$0x1EB40] =	vst v1;
	v1 =	vld [tilespmem:$0x6C0];
	_ =	sdelay $0x4  }
0x463: {  	[tilespmem:$0x1EB50] =	vst v1;
	v1 =	vld [tilespmem:$0x740];
	_ =	sdelay $0x4  }
0x464: {  	[tilespmem:$0x1EB60] =	vst v1;
	v1 =	vld [tilespmem:$0x7C0];
	_ =	sdelay $0x4  }
0x465: {  	[tilespmem:$0x1EB70] =	vst v1;
	v1 =	vld [tilespmem:$0x840];
	_ =	sdelay $0x4  }
0x466: {  	[tilespmem:$0x1EB80] =	vst v1;
	v1 =	vld [tilespmem:$0x8C0];
	_ =	sdelay $0x4  }
0x467: {  	[tilespmem:$0x1EB90] =	vst v1;
	v1 =	vld [tilespmem:$0x940];
	_ =	sdelay $0x4  }
0x468: {  	[tilespmem:$0x1EBA0] =	vst v1;
	v1 =	vld [tilespmem:$0x9C0];
	_ =	sdelay $0x4  }
0x469: {  	[tilespmem:$0x1EBB0] =	vst v1;
	v1 =	vld [tilespmem:$0xA40];
	_ =	sdelay $0x4  }
0x46a: {  	[tilespmem:$0x1EBC0] =	vst v1;
	v1 =	vld [tilespmem:$0xAC0];
	_ =	sdelay $0x4  }
0x46b: {  	[tilespmem:$0x1EBD0] =	vst v1;
	v1 =	vld [tilespmem:$0xB40];
	_ =	sdelay $0x4  }
0x46c: {  	[tilespmem:$0x1EBE0] =	vst v1;
	v1 =	vld [tilespmem:$0xBC0];
	_ =	sdelay $0x4  }
0x46d: {  	[tilespmem:$0x1EBF0] =	vst v1;
	v1 =	vld [tilespmem:$0xC40];
	_ =	sdelay $0x4  }
0x46e: {  	[tilespmem:$0x1EC00] =	vst v1;
	v1 =	vld [tilespmem:$0xCC0];
	_ =	sdelay $0x4  }
0x46f: {  	[tilespmem:$0x1EC10] =	vst v1;
	v1 =	vld [tilespmem:$0xD40];
	_ =	sdelay $0x4  }
0x470: {  	[tilespmem:$0x1EC20] =	vst v1;
	v1 =	vld [tilespmem:$0xDC0];
	_ =	sdelay $0x4  }
0x471: {  	[tilespmem:$0x1EC30] =	vst v1;
	v1 =	vld [tilespmem:$0xE40];
	_ =	sdelay $0x4  }
0x472: {  	[tilespmem:$0x1EC40] =	vst v1;
	v1 =	vld [tilespmem:$0xEC0];
	_ =	sdelay $0x4  }
0x473: {  	[tilespmem:$0x1EC50] =	vst v1;
	v1 =	vld [tilespmem:$0xF40];
	_ =	sdelay $0x4  }
0x474: {  	[tilespmem:$0x1EC60] =	vst v1;
	v1 =	vld [tilespmem:$0xFC0];
	_ =	sdelay $0x4  }
0x475: {  	[tilespmem:$0x1EC70] =	vst v1;
	v1 =	vld [tilespmem:$0x17C0];
	_ =	sdelay $0x4  }
0x476: {  	[tilespmem:$0x1EC80] =	vst v1;
	v1 =	vld [tilespmem:$0x1840];
	_ =	sdelay $0x4  }
0x477: {  	[tilespmem:$0x1EC90] =	vst v1;
	v1 =	vld [tilespmem:$0x18C0];
	_ =	sdelay $0x4  }
0x478: {  	[tilespmem:$0x1ECA0] =	vst v1;
	v1 =	vld [tilespmem:$0x1940];
	_ =	sdelay $0x4  }
0x479: {  	[tilespmem:$0x1ECB0] =	vst v1;
	v1 =	vld [tilespmem:$0x19C0];
	_ =	sdelay $0x4  }
0x47a: {  	[tilespmem:$0x1ECC0] =	vst v1;
	v1 =	vld [tilespmem:$0x1A40];
	_ =	sdelay $0x4  }
0x47b: {  	[tilespmem:$0x1ECD0] =	vst v1;
	v1 =	vld [tilespmem:$0x1AC0];
	_ =	sdelay $0x4  }
0x47c: {  	[tilespmem:$0x1ECE0] =	vst v1;
	v1 =	vld [tilespmem:$0x1B40];
	_ =	sdelay $0x4  }
0x47d: {  	[tilespmem:$0x1ECF0] =	vst v1;
	v1 =	vld [tilespmem:$0x1BC0];
	_ =	sdelay $0x4  }
0x47e: {  	[tilespmem:$0x1ED00] =	vst v1;
	v1 =	vld [tilespmem:$0x1C40];
	_ =	sdelay $0x4  }
0x47f: {  	[tilespmem:$0x1ED10] =	vst v1;
	v1 =	vld [tilespmem:$0x1CC0];
	_ =	sdelay $0x4  }
0x480: {  	[tilespmem:$0x1ED20] =	vst v1;
	v1 =	vld [tilespmem:$0x1D40];
	_ =	sdelay $0x4  }
0x481: {  	[tilespmem:$0x1ED30] =	vst v1;
	v1 =	vld [tilespmem:$0x1DC0];
	_ =	sdelay $0x4  }
0x482: {  	[tilespmem:$0x1ED40] =	vst v1;
	v1 =	vld [tilespmem:$0x1E40];
	_ =	sdelay $0x4  }
0x483: {  	[tilespmem:$0x1ED50] =	vst v1;
	v1 =	vld [tilespmem:$0x1EC0];
	_ =	sdelay $0x2  }
0x484: {  	v28 =	vld [tilespmem:$0x1040]  }
0x485: {  	v31 =	vld [tilespmem:$0x10C0]  }
0x486: {  	[tilespmem:$0x1ED60] =	vst v1;
	v1 =	vld [tilespmem:$0x1F40]  }
0x487: {  	v32 =	vld [tilespmem:$0x1140]  }
0x488: {  	v33 =	vld [tilespmem:$0x11C0]  }
0x489: {  	v34 =	vld [tilespmem:$0x1240]  }
0x48a: {  	v35 =	vld [tilespmem:$0x12C0]  }
0x48b: {  	[tilespmem:$0x1ED70] =	vst v1;
	v1 =	vld [tilespmem:$0x1FC0]  }
0x48c: {  	v36 =	vld [tilespmem:$0x1340]  }
0x48d: {  	v29 =	vld [tilespmem:$0x13C0]  }
0x48e: {  	v26 =	vld [tilespmem:$0x1440]  }
0x48f: {  	v23 =	vld [tilespmem:$0x14C0]  }
0x490: {  	[tilespmem:$0x1ED80] =	vst v1;
	v1 =	vld [tilespmem:$0x2940]  }
0x491: {  	v21 =	vld [tilespmem:$0x1540]  }
0x492: {  	v18 =	vld [tilespmem:$0x15C0]  }
0x493: {  	v15 =	vld [tilespmem:$0x1640]  }
0x494: {  	v11 =	vld [tilespmem:$0x16C0]  }
0x495: {  	[tilespmem:$0x1ED90] =	vst v1;
	v1 =	vld [tilespmem:$0x29C0]  }
0x496: {  	v8 =	vld [tilespmem:$0x1740]  }
0x497: {  	v54 =	vld [tilespmem:$0x2040]  }
0x498: {  	v56 =	vld [tilespmem:$0x20C0]  }
0x499: {  	v53 =	vld [tilespmem:$0x2140]  }
0x49a: {  	[tilespmem:$0x1EDA0] =	vst v1;
	v1 =	vld [tilespmem:$0x2A40]  }
0x49b: {  	v51 =	vld [tilespmem:$0x21C0]  }
0x49c: {  	v50 =	vld [tilespmem:$0x2240]  }
0x49d: {  	v48 =	vld [tilespmem:$0x22C0]  }
0x49e: {  	v46 =	vld [tilespmem:$0x2340]  }
0x49f: {  	[tilespmem:$0x1EDB0] =	vst v1;
	v1 =	vld [tilespmem:$0x2AC0]  }
0x4a0: {  	v44 =	vld [tilespmem:$0x23C0]  }
0x4a1: {  	v42 =	vld [tilespmem:$0x2440]  }
0x4a2: {  	v40 =	vld [tilespmem:$0x24C0]  }
0x4a3: {  	v38 =	vld [tilespmem:$0x2540]  }
0x4a4: {  	[tilespmem:$0x1EDC0] =	vst v1;
	v1 =	vld [tilespmem:$0x2B40]  }
0x4a5: {  	v30 =	vld [tilespmem:$0x25C0]  }
0x4a6: {  	v25 =	vld [tilespmem:$0x2640]  }
0x4a7: {  	v22 =	vld [tilespmem:$0x26C0]  }
0x4a8: {  	v19 =	vld [tilespmem:$0x2740]  }
0x4a9: {  	[tilespmem:$0x1EDD0] =	vst v1;
	v1 =	vld [tilespmem:$0x2BC0]  }
0x4aa: {  	v16 =	vld [tilespmem:$0x27C0]  }
0x4ab: {  	v12 =	vld [tilespmem:$0x2840]  }
0x4ac: {  	v9 =	vld [tilespmem:$0x28C0]  }
0x4ad: {  	v4 =	vld [tilespmem:$0x3040]  }
0x4ae: {  	[tilespmem:$0x1EDE0] =	vst v1;
	v1 =	vld [tilespmem:$0x2C40]  }
0x4af: {  	v5 =	vld [tilespmem:$0x30C0]  }
0x4b0: {  	v3 =	vld [tilespmem:$0x3140]  }
0x4b1: {  	v2 =	vld [tilespmem:$0x31C0]  }
0x4b2: {  	v63 =	vld [tilespmem:$0x32C0]  }
0x4b3: {  	[tilespmem:$0x1EDF0] =	vst v1;
	v1 =	vld [tilespmem:$0x2CC0]  }
0x4b4: {  	v62 =	vld [tilespmem:$0x3340]  }
0x4b5: {  	v61 =	vld [tilespmem:$0x33C0]  }
0x4b6: {  	v60 =	vld [tilespmem:$0x3440]  }
0x4b7: {  	v59 =	vld [tilespmem:$0x34C0]  }
0x4b8: {  	[tilespmem:$0x1EE00] =	vst v1;
	v1 =	vld [tilespmem:$0x2D40]  }
0x4b9: {  	v58 =	vld [tilespmem:$0x3540]  }
0x4ba: {  	v57 =	vld [tilespmem:$0x35C0]  }
0x4bb: {  	v55 =	vld [tilespmem:$0x3640]  }
0x4bc: {  	v6 =	vld [tilespmem:$0x3DC0]  }
0x4bd: {  	[tilespmem:$0x1EE10] =	vst v1;
	v1 =	vld [tilespmem:$0x2DC0]  }
0x4be: {  	v52 =	vld [tilespmem:$0x36C0]  }
0x4bf: {  	v49 =	vld [tilespmem:$0x3740]  }
0x4c0: {  	v47 =	vld [tilespmem:$0x37C0]  }
0x4c1: {  	[tilespmem:$0x1EE70] =	vst v6;
	v6 =	vld [tilespmem:$0x3E40]  }
0x4c2: {  	[tilespmem:$0x1EE20] =	vst v1;
	v1 =	vld [tilespmem:$0x2E40]  }
0x4c3: {  	v45 =	vld [tilespmem:$0x3840]  }
0x4c4: {  	v43 =	vld [tilespmem:$0x38C0]  }
0x4c5: {  	v41 =	vld [tilespmem:$0x3940]  }
0x4c6: {  	[tilespmem:$0x1EE80] =	vst v6;
	v6 =	vld [tilespmem:$0x3EC0]  }
0x4c7: {  	[tilespmem:$0x1EE30] =	vst v1;
	v1 =	vld [tilespmem:$0x2EC0]  }
0x4c8: {  	v39 =	vld [tilespmem:$0x39C0]  }
0x4c9: {  	v37 =	vld [tilespmem:$0x3A40]  }
0x4ca: {  	v27 =	vld [tilespmem:$0x3AC0]  }
0x4cb: {  	[tilespmem:$0x1EE90] =	vst v6;
	v6 =	vld [tilespmem:$0x3F40]  }
0x4cc: {  	[tilespmem:$0x1EE40] =	vst v1;
	v1 =	vld [tilespmem:$0x2F40]  }
0x4cd: {  	v24 =	vld [tilespmem:$0x3B40]  }
0x4ce: {  	v20 =	vld [tilespmem:$0x3BC0]  }
0x4cf: {  	v17 =	vld [tilespmem:$0x3C40]  }
0x4d0: {  	[tilespmem:$0x1EEA0] =	vst v6;
	v6 =	vld [tilespmem:$0x3FC0]  }
0x4d1: {  	[tilespmem:$0x1EE50] =	vst v1;
	v1 =	vld [tilespmem:$0x2FC0]  }
0x4d2: {  	v13 =	vld [tilespmem:$0x3CC0]  }
0x4d3: {  	v10 =	vld [tilespmem:$0x3D40]  }
0x4d4: {  	s23 =	simm.s32 $0x0;
	v14 =	vld [tilespmem:$0x4040]  }
0x4d5: {  	[tilespmem:$0x1EEB0] =	vst v6;
	v6 =	vld [tilespmem:s23+$0x40C0]  }
0x4d6: {  	s22 =	simm.s32 $0x200;
	[tilespmem:$0x1EE60] =	vst v1;
	v1 =	vld [tilespmem:$0x3240]  }
.LBB2_18:
0x4d7: {  	p0 =	sne.s32 s22, $0x3C00  }
.Ltmp8:
0x4d8: {  	_ = 	snop;
	(pc) =	sbr.rel @p0 .LBB2_18-.Ltmp8, $3  }
0x4d9: {  	_ =	sdelay $0x1  }
0x4da: {  	s23 =	sshra.s32 s22, $0x2;
	s22 =	sadd.s32 $0x200, s22;
	v14 =	vadd.f32 v6, v14  }
0x4db: {  	v6 =	vld [tilespmem:s23+$0x40C0]  }
0x4dc: {  	_ =	sdelay $0x3  }
0x4dd: {  	v6 =	vadd.f32 v6, v14  }
0x4de: {  	v7 =	vld [tilespmem:$0x5040];
	s23 =	simm.s32 $0x0  }
0x4df: {  	s22 =	simm.s32 $0x200;
	v14 =	vld [tilespmem:s23+$0x50C0];
	[tilespmem:$0x1EA70] =	vst v6  }
.LBB2_20:
0x4e0: {  	p0 =	sne.s32 s22, $0x3C00  }
.Ltmp9:
0x4e1: {  	_ = 	snop;
	(pc) =	sbr.rel @p0 .LBB2_20-.Ltmp9, $3  }
0x4e2: {  	_ =	sdelay $0x1  }
0x4e3: {  	s23 =	sshra.s32 s22, $0x2;
	s22 =	sadd.s32 $0x200, s22;
	v7 =	vadd.f32 v14, v7  }
0x4e4: {  	v14 =	vld [tilespmem:s23+$0x50C0]  }
0x4e5: {  	v6 =	vadd.f32 v31, v28;
	_ =	sdelay $0x1  }
0x4e6: {  	v6 =	vadd.f32 v32, v6;
	_ =	sdelay $0x1  }
0x4e7: {  	v6 =	vadd.f32 v33, v6;
	_ =	sdelay $0x1  }
0x4e8: {  	v6 =	vadd.f32 v34, v6;
	_ =	sdelay $0x1  }
0x4e9: {  	v6 =	vadd.f32 v35, v6;
	_ =	sdelay $0x1  }
0x4ea: {  	v6 =	vadd.f32 v36, v6;
	_ =	sdelay $0x1  }
0x4eb: {  	v28 =	vadd.f32 v56, v54;
	v6 =	vadd.f32 v29, v6  }
0x4ec: {  	v4 =	vadd.f32 v5, v4  }
0x4ed: {  	v5 =	vadd.f32 v53, v28;
	v6 =	vadd.f32 v26, v6  }
0x4ee: {  	v3 =	vadd.f32 v3, v4  }
0x4ef: {  	v4 =	vadd.f32 v51, v5;
	v5 =	vadd.f32 v23, v6  }
0x4f0: {  	v2 =	vadd.f32 v2, v3;
	v6 =	vld [tilespmem:$0x1EA90]  }
0x4f1: {  	v3 =	vadd.f32 v50, v4;
	v4 =	vadd.f32 v21, v5;
	v5 =	vld [tilespmem:$0x1EA80]  }
0x4f2: {  	v1 =	vadd.f32 v1, v2  }
0x4f3: {  	v2 =	vadd.f32 v48, v3;
	v3 =	vadd.f32 v18, v4;
	v4 =	vld [tilespmem:$0x1EAA0];
	_ =	sdelay $0x2  }
0x4f4: {  	v5 =	vadd.f32 v6, v5;
	_ =	sdelay $0x1  }
0x4f5: {  	v4 =	vadd.f32 v4, v5;
	v5 =	vld [tilespmem:$0x1EAB0];
	_ =	sdelay $0x4  }
0x4f6: {  	v4 =	vadd.f32 v5, v4;
	v5 =	vld [tilespmem:$0x1EAC0];
	_ =	sdelay $0x4  }
0x4f7: {  	v4 =	vadd.f32 v5, v4;
	v5 =	vld [tilespmem:$0x1EAD0];
	_ =	sdelay $0x3  }
0x4f8: {  	v3 =	vadd.f32 v15, v3  }
0x4f9: {  	v4 =	vadd.f32 v5, v4;
	v5 =	vld [tilespmem:$0x1EC80]  }
0x4fa: {  	v3 =	vadd.f32 v11, v3;
	_ =	sdelay $0x1  }
0x4fb: {  	v3 =	vadd.f32 v8, v3;
	_ =	sdelay $0x1  }
0x4fc: {  	v3 =	vadd.f32 v5, v3;
	v5 =	vld [tilespmem:$0x1EAE0];
	_ =	sdelay $0x4  }
0x4fd: {  	v4 =	vadd.f32 v5, v4;
	v5 =	vld [tilespmem:$0x1EC90];
	_ =	sdelay $0x4  }
0x4fe: {  	v3 =	vadd.f32 v5, v3;
	v5 =	vld [tilespmem:$0x1EAF0];
	_ =	sdelay $0x4  }
0x4ff: {  	v4 =	vadd.f32 v5, v4;
	v5 =	vld [tilespmem:$0x1ECA0];
	_ =	sdelay $0x4  }
0x500: {  	v3 =	vadd.f32 v5, v3;
	v5 =	vld [tilespmem:$0x1EB00];
	_ =	sdelay $0x4  }
0x501: {  	v4 =	vadd.f32 v5, v4;
	v5 =	vld [tilespmem:$0x1ECB0];
	_ =	sdelay $0x4  }
0x502: {  	v3 =	vadd.f32 v5, v3;
	v5 =	vld [tilespmem:$0x1EB10];
	_ =	sdelay $0x4  }
0x503: {  	v4 =	vadd.f32 v5, v4;
	v5 =	vld [tilespmem:$0x1ECC0];
	_ =	sdelay $0x4  }
0x504: {  	v3 =	vadd.f32 v5, v3;
	v5 =	vld [tilespmem:$0x1EB20];
	_ =	sdelay $0x4  }
0x505: {  	v4 =	vadd.f32 v5, v4;
	v5 =	vld [tilespmem:$0x1ECD0];
	_ =	sdelay $0x4  }
0x506: {  	v3 =	vadd.f32 v5, v3;
	v5 =	vld [tilespmem:$0x1EB30];
	_ =	sdelay $0x4  }
0x507: {  	v4 =	vadd.f32 v5, v4;
	v5 =	vld [tilespmem:$0x1ECE0];
	_ =	sdelay $0x4  }
0x508: {  	v3 =	vadd.f32 v5, v3;
	v5 =	vld [tilespmem:$0x1EB40];
	_ =	sdelay $0x4  }
0x509: {  	v4 =	vadd.f32 v5, v4;
	v5 =	vld [tilespmem:$0x1ECF0]  }
0x50a: {  	v2 =	vadd.f32 v46, v2;
	_ =	sdelay $0x1  }
0x50b: {  	v2 =	vadd.f32 v44, v2;
	_ =	sdelay $0x1  }
0x50c: {  	v2 =	vadd.f32 v42, v2;
	v3 =	vadd.f32 v5, v3;
	v5 =	vld [tilespmem:$0x1EB50];
	_ =	sdelay $0x1  }
0x50d: {  	v2 =	vadd.f32 v40, v2;
	_ =	sdelay $0x1  }
0x50e: {  	v2 =	vadd.f32 v38, v2  }
0x50f: {  	v4 =	vadd.f32 v5, v4;
	v5 =	vld [tilespmem:$0x1ED00]  }
0x510: {  	v2 =	vadd.f32 v30, v2;
	_ =	sdelay $0x1  }
0x511: {  	v2 =	vadd.f32 v25, v2;
	_ =	sdelay $0x1  }
0x512: {  	v2 =	vadd.f32 v22, v2;
	v3 =	vadd.f32 v5, v3;
	v5 =	vld [tilespmem:$0x1EB60];
	_ =	sdelay $0x1  }
0x513: {  	v2 =	vadd.f32 v19, v2;
	_ =	sdelay $0x1  }
0x514: {  	v2 =	vadd.f32 v16, v2  }
0x515: {  	v4 =	vadd.f32 v5, v4;
	v5 =	vld [tilespmem:$0x1ED90]  }
0x516: {  	v2 =	vadd.f32 v12, v2;
	_ =	sdelay $0x1  }
0x517: {  	v2 =	vadd.f32 v9, v2;
	_ =	sdelay $0x1  }
0x518: {  	v2 =	vadd.f32 v5, v2;
	v5 =	vld [tilespmem:$0x1ED10];
	_ =	sdelay $0x4  }
0x519: {  	v3 =	vadd.f32 v5, v3;
	v5 =	vld [tilespmem:$0x1EB70];
	_ =	sdelay $0x4  }
0x51a: {  	v4 =	vadd.f32 v5, v4;
	v5 =	vld [tilespmem:$0x1EDA0];
	_ =	sdelay $0x4  }
0x51b: {  	v2 =	vadd.f32 v5, v2;
	v5 =	vld [tilespmem:$0x1ED20];
	_ =	sdelay $0x4  }
0x51c: {  	v3 =	vadd.f32 v5, v3;
	v5 =	vld [tilespmem:$0x1EB80];
	_ =	sdelay $0x4  }
0x51d: {  	v4 =	vadd.f32 v5, v4;
	v5 =	vld [tilespmem:$0x1EDB0];
	_ =	sdelay $0x4  }
0x51e: {  	v2 =	vadd.f32 v5, v2;
	v5 =	vld [tilespmem:$0x1ED30];
	_ =	sdelay $0x4  }
0x51f: {  	v3 =	vadd.f32 v5, v3;
	v5 =	vld [tilespmem:$0x1EB90];
	_ =	sdelay $0x4  }
0x520: {  	v4 =	vadd.f32 v5, v4;
	v5 =	vld [tilespmem:$0x1EDC0];
	_ =	sdelay $0x4  }
0x521: {  	v2 =	vadd.f32 v5, v2;
	v5 =	vld [tilespmem:$0x1ED40];
	_ =	sdelay $0x4  }
0x522: {  	v3 =	vadd.f32 v5, v3;
	v5 =	vld [tilespmem:$0x1EBA0];
	_ =	sdelay $0x4  }
0x523: {  	v4 =	vadd.f32 v5, v4;
	v5 =	vld [tilespmem:$0x1EDD0];
	_ =	sdelay $0x4  }
0x524: {  	v2 =	vadd.f32 v5, v2;
	v5 =	vld [tilespmem:$0x1ED50];
	_ =	sdelay $0x4  }
0x525: {  	v3 =	vadd.f32 v5, v3;
	v5 =	vld [tilespmem:$0x1EBB0];
	_ =	sdelay $0x4  }
0x526: {  	v4 =	vadd.f32 v5, v4;
	v5 =	vld [tilespmem:$0x1EDE0];
	_ =	sdelay $0x4  }
0x527: {  	v2 =	vadd.f32 v5, v2;
	v5 =	vld [tilespmem:$0x1ED60];
	_ =	sdelay $0x4  }
0x528: {  	v3 =	vadd.f32 v5, v3;
	v5 =	vld [tilespmem:$0x1EBC0];
	_ =	sdelay $0x2  }
0x529: {  	v1 =	vadd.f32 v63, v1;
	_ =	sdelay $0x1  }
0x52a: {  	v1 =	vadd.f32 v62, v1;
	v4 =	vadd.f32 v5, v4;
	v5 =	vld [tilespmem:$0x1EDF0];
	_ =	sdelay $0x1  }
0x52b: {  	v1 =	vadd.f32 v61, v1;
	_ =	sdelay $0x1  }
0x52c: {  	v1 =	vadd.f32 v60, v1  }
0x52d: {  	v2 =	vadd.f32 v5, v2;
	v5 =	vld [tilespmem:$0x1ED70]  }
0x52e: {  	v1 =	vadd.f32 v59, v1;
	_ =	sdelay $0x1  }
0x52f: {  	v1 =	vadd.f32 v58, v1;
	_ =	sdelay $0x1  }
0x530: {  	v1 =	vadd.f32 v57, v1;
	v3 =	vadd.f32 v5, v3;
	v5 =	vld [tilespmem:$0x1EBD0];
	_ =	sdelay $0x1  }
0x531: {  	v1 =	vadd.f32 v55, v1;
	_ =	sdelay $0x1  }
0x532: {  	v1 =	vadd.f32 v52, v1  }
0x533: {  	v4 =	vadd.f32 v5, v4;
	v5 =	vld [tilespmem:$0x1EE00]  }
0x534: {  	v1 =	vadd.f32 v49, v1;
	_ =	sdelay $0x1  }
0x535: {  	v1 =	vadd.f32 v47, v1;
	_ =	sdelay $0x1  }
0x536: {  	v1 =	vadd.f32 v45, v1;
	v2 =	vadd.f32 v5, v2;
	v5 =	vld [tilespmem:$0x1ED80];
	_ =	sdelay $0x1  }
0x537: {  	v1 =	vadd.f32 v43, v1;
	_ =	sdelay $0x1  }
0x538: {  	v1 =	vadd.f32 v41, v1  }
0x539: {  	v3 =	vadd.f32 v5, v3;
	v5 =	vld [tilespmem:$0x1EBE0]  }
0x53a: {  	v1 =	vadd.f32 v39, v1;
	_ =	sdelay $0x1  }
0x53b: {  	v1 =	vadd.f32 v37, v1;
	_ =	sdelay $0x1  }
0x53c: {  	v1 =	vadd.f32 v27, v1;
	v4 =	vadd.f32 v5, v4;
	v5 =	vld [tilespmem:$0x1EE10];
	_ =	sdelay $0x1  }
0x53d: {  	v1 =	vadd.f32 v24, v1;
	_ =	sdelay $0x1  }
0x53e: {  	v1 =	vadd.f32 v20, v1  }
0x53f: {  	v3 =	vadd.f32 $9.999999970e-07, v3;
	v2 =	vadd.f32 v5, v2;
	v5 =	vld [tilespmem:$0x1EBF0]  }
0x540: {  	v1 =	vadd.f32 v17, v1  }
0x541: {  	(erf) = vrcp.f32 v3;
	v3 =	vld [tilespmem:$0x1EE70]  }
0x542: {  	v1 =	vadd.f32 v13, v1;
	_ =	sdelay $0x1  }
0x543: {  	v1 =	vadd.f32 v10, v1;
	v4 =	vadd.f32 v5, v4;
	v5 =	vld [tilespmem:$0x1EE20];
	_ =	sdelay $0x1  }
0x544: {  	v1 =	vadd.f32 v3, v1;
	v3 =	vld [tilespmem:$0x1EE30];
	_ =	sdelay $0x2  }
0x545: {  	v2 =	vadd.f32 v5, v2;
	v5 =	vld [tilespmem:$0x1EC00];
	_ =	sdelay $0x1  }
0x546: {  	v2 =	vadd.f32 v3, v2;
	v3 =	vld [tilespmem:$0x1EC10];
	_ =	sdelay $0x2  }
0x547: {  	v4 =	vadd.f32 v5, v4;
	_ =	sdelay $0x1  }
0x548: {  	v3 =	vadd.f32 v3, v4;
	v4 =	vld [tilespmem:$0x1EE80];
	_ =	sdelay $0x4  }
0x549: {  	v1 =	vadd.f32 v4, v1;
	v4 =	vld [tilespmem:$0x1EE40];
	_ =	sdelay $0x4  }
0x54a: {  	v2 =	vadd.f32 v4, v2;
	v4 =	vld [tilespmem:$0x1EC20];
	_ =	sdelay $0x4  }
0x54b: {  	v3 =	vadd.f32 v4, v3;
	v4 =	vld [tilespmem:$0x1EE90];
	_ =	sdelay $0x4  }
0x54c: {  	v1 =	vadd.f32 v4, v1;
	v4 =	vld [tilespmem:$0x1EE50];
	_ =	sdelay $0x4  }
0x54d: {  	v2 =	vadd.f32 v4, v2;
	v4 =	vld [tilespmem:$0x1EC30];
	_ =	sdelay $0x4  }
0x54e: {  	v3 =	vadd.f32 v4, v3;
	v4 =	vld [tilespmem:$0x1EEA0]  }
0x54f: {  	v5 =	vld [tilespmem:$0x1EE60]  }
0x550: {  	v6 =	vld [tilespmem:$0x1EEB0];
	_ =	sdelay $0x2  }
0x551: {  	v1 =	vadd.f32 v4, v1;
	v4 =	vadd.s32 $0x140, v0  }
0x552: {  	v2 =	vadd.f32 v5, v2;
	v5 =	vld [tilespmem:$0x1EC40]  }
0x553: {  	v1 =	vadd.f32 v6, v1;
	v6 =	vpop (erf)  }
0x554: {  	v9 =	vld [tilespmem:$0x1EC50];
	v2 =	vmul.f32 v2, v6  }
0x555: {  	v11 =	vld [tilespmem:$0x1EC60]  }
0x556: {  	[tilespmem:v4+s19+$0x0] =	vst.idx.msk $0xffff, v2;
	v2 =	vld [tilespmem:$0x1EA70]  }
0x557: {  	v3 =	vadd.f32 v5, v3;
	v5 =	vadd.s32 $0x141, v0  }
0x558: {  	v8 =	vadd.s32 $0x142, v0;
	v4 =	vld [tilespmem:$0x1EC70]  }
0x559: {  	v3 =	vadd.f32 v9, v3;
	v9 =	vadd.s32 $0x143, v0  }
0x55a: {  	v7 =	vadd.f32 v14, v7;
	v10 =	vadd.s32 $0x144, v0;
	v1 =	vmul.f32 v1, v6  }
0x55b: {  	v3 =	vadd.f32 v11, v3;
	v2 =	vmul.f32 v2, v6  }
0x55c: {  	[tilespmem:v5+s19+$0x0] =	vst.idx.msk $0xffff, v1;
	v1 =	vmul.f32 v7, v6  }
0x55d: {  	v3 =	vadd.f32 v4, v3;
	[tilespmem:v8+s19+$0x0] =	vst.idx.msk $0xffff, v2  }
0x55e: {  	[tilespmem:v9+s19+$0x0] =	vst.idx.msk $0xffff, v1  }
0x55f: {  	[tilespmem:v10+s19+$0x0] =	vst.idx.msk $0xffff, v3  }
0x560: {  	v1 =	vld [tilespmem:$0x50];
	_ =	sdelay $0x4  }
0x561: {  	[tilespmem:$0x1E630] =	vst v1;
	v1 =	vld [tilespmem:$0xD0];
	_ =	sdelay $0x4  }
0x562: {  	[tilespmem:$0x1E640] =	vst v1;
	v1 =	vld [tilespmem:$0x150];
	_ =	sdelay $0x4  }
0x563: {  	[tilespmem:$0x1E650] =	vst v1;
	v1 =	vld [tilespmem:$0x1D0];
	_ =	sdelay $0x4  }
0x564: {  	[tilespmem:$0x1E660] =	vst v1;
	v1 =	vld [tilespmem:$0x250];
	_ =	sdelay $0x4  }
0x565: {  	[tilespmem:$0x1E670] =	vst v1;
	v1 =	vld [tilespmem:$0x2D0];
	_ =	sdelay $0x4  }
0x566: {  	[tilespmem:$0x1E680] =	vst v1;
	v1 =	vld [tilespmem:$0x350];
	_ =	sdelay $0x4  }
0x567: {  	[tilespmem:$0x1E690] =	vst v1;
	v1 =	vld [tilespmem:$0x3D0];
	_ =	sdelay $0x4  }
0x568: {  	[tilespmem:$0x1E6A0] =	vst v1;
	v1 =	vld [tilespmem:$0x450];
	_ =	sdelay $0x4  }
0x569: {  	[tilespmem:$0x1E6B0] =	vst v1;
	v1 =	vld [tilespmem:$0x4D0];
	_ =	sdelay $0x4  }
0x56a: {  	[tilespmem:$0x1E6C0] =	vst v1;
	v1 =	vld [tilespmem:$0x550];
	_ =	sdelay $0x4  }
0x56b: {  	[tilespmem:$0x1E6D0] =	vst v1;
	v1 =	vld [tilespmem:$0x5D0];
	_ =	sdelay $0x4  }
0x56c: {  	[tilespmem:$0x1E6E0] =	vst v1;
	v1 =	vld [tilespmem:$0x650];
	_ =	sdelay $0x4  }
0x56d: {  	[tilespmem:$0x1E6F0] =	vst v1;
	v1 =	vld [tilespmem:$0x6D0];
	_ =	sdelay $0x4  }
0x56e: {  	[tilespmem:$0x1E700] =	vst v1;
	v1 =	vld [tilespmem:$0x750];
	_ =	sdelay $0x4  }
0x56f: {  	[tilespmem:$0x1E710] =	vst v1;
	v1 =	vld [tilespmem:$0x7D0];
	_ =	sdelay $0x4  }
0x570: {  	[tilespmem:$0x1E720] =	vst v1;
	v1 =	vld [tilespmem:$0x850];
	_ =	sdelay $0x4  }
0x571: {  	[tilespmem:$0x1E730] =	vst v1;
	v1 =	vld [tilespmem:$0x8D0];
	_ =	sdelay $0x4  }
0x572: {  	[tilespmem:$0x1E740] =	vst v1;
	v1 =	vld [tilespmem:$0x950];
	_ =	sdelay $0x4  }
0x573: {  	[tilespmem:$0x1E750] =	vst v1;
	v1 =	vld [tilespmem:$0x9D0];
	_ =	sdelay $0x4  }
0x574: {  	[tilespmem:$0x1E760] =	vst v1;
	v1 =	vld [tilespmem:$0xA50];
	_ =	sdelay $0x4  }
0x575: {  	[tilespmem:$0x1E770] =	vst v1;
	v1 =	vld [tilespmem:$0xAD0];
	_ =	sdelay $0x4  }
0x576: {  	[tilespmem:$0x1E780] =	vst v1;
	v1 =	vld [tilespmem:$0xB50];
	_ =	sdelay $0x4  }
0x577: {  	[tilespmem:$0x1E790] =	vst v1;
	v1 =	vld [tilespmem:$0xBD0];
	_ =	sdelay $0x4  }
0x578: {  	[tilespmem:$0x1E7A0] =	vst v1;
	v1 =	vld [tilespmem:$0xC50];
	_ =	sdelay $0x4  }
0x579: {  	[tilespmem:$0x1E7B0] =	vst v1;
	v1 =	vld [tilespmem:$0xCD0];
	_ =	sdelay $0x4  }
0x57a: {  	[tilespmem:$0x1E7C0] =	vst v1;
	v1 =	vld [tilespmem:$0xD50];
	_ =	sdelay $0x4  }
0x57b: {  	[tilespmem:$0x1E7D0] =	vst v1;
	v1 =	vld [tilespmem:$0xDD0];
	_ =	sdelay $0x4  }
0x57c: {  	[tilespmem:$0x1E7E0] =	vst v1;
	v1 =	vld [tilespmem:$0xE50];
	_ =	sdelay $0x4  }
0x57d: {  	[tilespmem:$0x1E7F0] =	vst v1;
	v1 =	vld [tilespmem:$0xED0];
	_ =	sdelay $0x4  }
0x57e: {  	[tilespmem:$0x1E800] =	vst v1;
	v1 =	vld [tilespmem:$0xF50];
	_ =	sdelay $0x4  }
0x57f: {  	[tilespmem:$0x1E810] =	vst v1;
	v1 =	vld [tilespmem:$0xFD0];
	_ =	sdelay $0x4  }
0x580: {  	[tilespmem:$0x1E820] =	vst v1;
	v1 =	vld [tilespmem:$0x17D0];
	_ =	sdelay $0x4  }
0x581: {  	[tilespmem:$0x1E830] =	vst v1;
	v1 =	vld [tilespmem:$0x1850];
	_ =	sdelay $0x4  }
0x582: {  	[tilespmem:$0x1E840] =	vst v1;
	v1 =	vld [tilespmem:$0x18D0];
	_ =	sdelay $0x4  }
0x583: {  	[tilespmem:$0x1E850] =	vst v1;
	v1 =	vld [tilespmem:$0x1950];
	_ =	sdelay $0x4  }
0x584: {  	[tilespmem:$0x1E860] =	vst v1;
	v1 =	vld [tilespmem:$0x19D0];
	_ =	sdelay $0x4  }
0x585: {  	[tilespmem:$0x1E870] =	vst v1;
	v1 =	vld [tilespmem:$0x1A50];
	_ =	sdelay $0x4  }
0x586: {  	[tilespmem:$0x1E880] =	vst v1;
	v1 =	vld [tilespmem:$0x1AD0];
	_ =	sdelay $0x4  }
0x587: {  	[tilespmem:$0x1E890] =	vst v1;
	v1 =	vld [tilespmem:$0x1B50];
	_ =	sdelay $0x4  }
0x588: {  	[tilespmem:$0x1E8A0] =	vst v1;
	v1 =	vld [tilespmem:$0x1BD0];
	_ =	sdelay $0x4  }
0x589: {  	[tilespmem:$0x1E8B0] =	vst v1;
	v1 =	vld [tilespmem:$0x1C50];
	_ =	sdelay $0x4  }
0x58a: {  	[tilespmem:$0x1E8C0] =	vst v1;
	v1 =	vld [tilespmem:$0x1CD0];
	_ =	sdelay $0x4  }
0x58b: {  	[tilespmem:$0x1E8D0] =	vst v1;
	v1 =	vld [tilespmem:$0x1D50];
	_ =	sdelay $0x4  }
0x58c: {  	[tilespmem:$0x1E8E0] =	vst v1;
	v1 =	vld [tilespmem:$0x1DD0];
	_ =	sdelay $0x4  }
0x58d: {  	[tilespmem:$0x1E8F0] =	vst v1;
	v1 =	vld [tilespmem:$0x1E50];
	_ =	sdelay $0x4  }
0x58e: {  	[tilespmem:$0x1E900] =	vst v1;
	v1 =	vld [tilespmem:$0x1ED0];
	_ =	sdelay $0x2  }
0x58f: {  	v28 =	vld [tilespmem:$0x1050]  }
0x590: {  	v31 =	vld [tilespmem:$0x10D0]  }
0x591: {  	[tilespmem:$0x1E910] =	vst v1;
	v1 =	vld [tilespmem:$0x1F50]  }
0x592: {  	v32 =	vld [tilespmem:$0x1150]  }
0x593: {  	v33 =	vld [tilespmem:$0x11D0]  }
0x594: {  	v34 =	vld [tilespmem:$0x1250]  }
0x595: {  	v35 =	vld [tilespmem:$0x12D0]  }
0x596: {  	[tilespmem:$0x1E920] =	vst v1;
	v1 =	vld [tilespmem:$0x1FD0]  }
0x597: {  	v36 =	vld [tilespmem:$0x1350]  }
0x598: {  	v29 =	vld [tilespmem:$0x13D0]  }
0x599: {  	v26 =	vld [tilespmem:$0x1450]  }
0x59a: {  	v23 =	vld [tilespmem:$0x14D0]  }
0x59b: {  	[tilespmem:$0x1E930] =	vst v1;
	v1 =	vld [tilespmem:$0x2950]  }
0x59c: {  	v21 =	vld [tilespmem:$0x1550]  }
0x59d: {  	v18 =	vld [tilespmem:$0x15D0]  }
0x59e: {  	v15 =	vld [tilespmem:$0x1650]  }
0x59f: {  	v11 =	vld [tilespmem:$0x16D0]  }
0x5a0: {  	[tilespmem:$0x1E940] =	vst v1;
	v1 =	vld [tilespmem:$0x29D0]  }
0x5a1: {  	v8 =	vld [tilespmem:$0x1750]  }
0x5a2: {  	v54 =	vld [tilespmem:$0x2050]  }
0x5a3: {  	v56 =	vld [tilespmem:$0x20D0]  }
0x5a4: {  	v53 =	vld [tilespmem:$0x2150]  }
0x5a5: {  	[tilespmem:$0x1E950] =	vst v1;
	v1 =	vld [tilespmem:$0x2A50]  }
0x5a6: {  	v51 =	vld [tilespmem:$0x21D0]  }
0x5a7: {  	v50 =	vld [tilespmem:$0x2250]  }
0x5a8: {  	v48 =	vld [tilespmem:$0x22D0]  }
0x5a9: {  	v46 =	vld [tilespmem:$0x2350]  }
0x5aa: {  	[tilespmem:$0x1E960] =	vst v1;
	v1 =	vld [tilespmem:$0x2AD0]  }
0x5ab: {  	v44 =	vld [tilespmem:$0x23D0]  }
0x5ac: {  	v42 =	vld [tilespmem:$0x2450]  }
0x5ad: {  	v40 =	vld [tilespmem:$0x24D0]  }
0x5ae: {  	v38 =	vld [tilespmem:$0x2550]  }
0x5af: {  	[tilespmem:$0x1E970] =	vst v1;
	v1 =	vld [tilespmem:$0x2B50]  }
0x5b0: {  	v30 =	vld [tilespmem:$0x25D0]  }
0x5b1: {  	v25 =	vld [tilespmem:$0x2650]  }
0x5b2: {  	v22 =	vld [tilespmem:$0x26D0]  }
0x5b3: {  	v19 =	vld [tilespmem:$0x2750]  }
0x5b4: {  	[tilespmem:$0x1E980] =	vst v1;
	v1 =	vld [tilespmem:$0x2BD0]  }
0x5b5: {  	v16 =	vld [tilespmem:$0x27D0]  }
0x5b6: {  	v12 =	vld [tilespmem:$0x2850]  }
0x5b7: {  	v9 =	vld [tilespmem:$0x28D0]  }
0x5b8: {  	v4 =	vld [tilespmem:$0x3050]  }
0x5b9: {  	[tilespmem:$0x1E990] =	vst v1;
	v1 =	vld [tilespmem:$0x2C50]  }
0x5ba: {  	v5 =	vld [tilespmem:$0x30D0]  }
0x5bb: {  	v3 =	vld [tilespmem:$0x3150]  }
0x5bc: {  	v2 =	vld [tilespmem:$0x31D0]  }
0x5bd: {  	v63 =	vld [tilespmem:$0x32D0]  }
0x5be: {  	[tilespmem:$0x1E9A0] =	vst v1;
	v1 =	vld [tilespmem:$0x2CD0]  }
0x5bf: {  	v62 =	vld [tilespmem:$0x3350]  }
0x5c0: {  	v61 =	vld [tilespmem:$0x33D0]  }
0x5c1: {  	v60 =	vld [tilespmem:$0x3450]  }
0x5c2: {  	v59 =	vld [tilespmem:$0x34D0]  }
0x5c3: {  	[tilespmem:$0x1E9B0] =	vst v1;
	v1 =	vld [tilespmem:$0x2D50]  }
0x5c4: {  	v58 =	vld [tilespmem:$0x3550]  }
0x5c5: {  	v57 =	vld [tilespmem:$0x35D0]  }
0x5c6: {  	v55 =	vld [tilespmem:$0x3650]  }
0x5c7: {  	v6 =	vld [tilespmem:$0x3DD0]  }
0x5c8: {  	[tilespmem:$0x1E9C0] =	vst v1;
	v1 =	vld [tilespmem:$0x2DD0]  }
0x5c9: {  	v52 =	vld [tilespmem:$0x36D0]  }
0x5ca: {  	v49 =	vld [tilespmem:$0x3750]  }
0x5cb: {  	v47 =	vld [tilespmem:$0x37D0]  }
0x5cc: {  	[tilespmem:$0x1EA20] =	vst v6;
	v6 =	vld [tilespmem:$0x3E50]  }
0x5cd: {  	[tilespmem:$0x1E9D0] =	vst v1;
	v1 =	vld [tilespmem:$0x2E50]  }
0x5ce: {  	v45 =	vld [tilespmem:$0x3850]  }
0x5cf: {  	v43 =	vld [tilespmem:$0x38D0]  }
0x5d0: {  	v41 =	vld [tilespmem:$0x3950]  }
0x5d1: {  	[tilespmem:$0x1EA30] =	vst v6;
	v6 =	vld [tilespmem:$0x3ED0]  }
0x5d2: {  	[tilespmem:$0x1E9E0] =	vst v1;
	v1 =	vld [tilespmem:$0x2ED0]  }
0x5d3: {  	v39 =	vld [tilespmem:$0x39D0]  }
0x5d4: {  	v37 =	vld [tilespmem:$0x3A50]  }
0x5d5: {  	v27 =	vld [tilespmem:$0x3AD0]  }
0x5d6: {  	[tilespmem:$0x1EA40] =	vst v6;
	v6 =	vld [tilespmem:$0x3F50]  }
0x5d7: {  	[tilespmem:$0x1E9F0] =	vst v1;
	v1 =	vld [tilespmem:$0x2F50]  }
0x5d8: {  	v24 =	vld [tilespmem:$0x3B50]  }
0x5d9: {  	v20 =	vld [tilespmem:$0x3BD0]  }
0x5da: {  	v17 =	vld [tilespmem:$0x3C50]  }
0x5db: {  	[tilespmem:$0x1EA50] =	vst v6;
	v6 =	vld [tilespmem:$0x3FD0]  }
0x5dc: {  	[tilespmem:$0x1EA00] =	vst v1;
	v1 =	vld [tilespmem:$0x2FD0]  }
0x5dd: {  	v13 =	vld [tilespmem:$0x3CD0]  }
0x5de: {  	v10 =	vld [tilespmem:$0x3D50]  }
0x5df: {  	s23 =	simm.s32 $0x0;
	v14 =	vld [tilespmem:$0x4050]  }
0x5e0: {  	[tilespmem:$0x1EA60] =	vst v6;
	v6 =	vld [tilespmem:s23+$0x40D0]  }
0x5e1: {  	s22 =	simm.s32 $0x200;
	[tilespmem:$0x1EA10] =	vst v1;
	v1 =	vld [tilespmem:$0x3250]  }
.LBB2_22:
0x5e2: {  	p0 =	sne.s32 s22, $0x3C00  }
.Ltmp10:
0x5e3: {  	_ = 	snop;
	(pc) =	sbr.rel @p0 .LBB2_22-.Ltmp10, $3  }
0x5e4: {  	_ =	sdelay $0x1  }
0x5e5: {  	s23 =	sshra.s32 s22, $0x2;
	s22 =	sadd.s32 $0x200, s22;
	v14 =	vadd.f32 v6, v14  }
0x5e6: {  	v6 =	vld [tilespmem:s23+$0x40D0]  }
0x5e7: {  	_ =	sdelay $0x3  }
0x5e8: {  	v6 =	vadd.f32 v6, v14  }
0x5e9: {  	v7 =	vld [tilespmem:$0x5050];
	s23 =	simm.s32 $0x0  }
0x5ea: {  	s22 =	simm.s32 $0x200;
	v14 =	vld [tilespmem:s23+$0x50D0];
	[tilespmem:$0x1E620] =	vst v6  }
.LBB2_24:
0x5eb: {  	p0 =	sne.s32 s22, $0x3C00  }
.Ltmp11:
0x5ec: {  	_ = 	snop;
	(pc) =	sbr.rel @p0 .LBB2_24-.Ltmp11, $3  }
0x5ed: {  	_ =	sdelay $0x1  }
0x5ee: {  	s23 =	sshra.s32 s22, $0x2;
	s22 =	sadd.s32 $0x200, s22;
	v7 =	vadd.f32 v14, v7  }
0x5ef: {  	v14 =	vld [tilespmem:s23+$0x50D0]  }
0x5f0: {  	v6 =	vadd.f32 v31, v28;
	_ =	sdelay $0x1  }
0x5f1: {  	v6 =	vadd.f32 v32, v6;
	_ =	sdelay $0x1  }
0x5f2: {  	v6 =	vadd.f32 v33, v6;
	_ =	sdelay $0x1  }
0x5f3: {  	v6 =	vadd.f32 v34, v6;
	_ =	sdelay $0x1  }
0x5f4: {  	v6 =	vadd.f32 v35, v6;
	_ =	sdelay $0x1  }
0x5f5: {  	v6 =	vadd.f32 v36, v6;
	_ =	sdelay $0x1  }
0x5f6: {  	v28 =	vadd.f32 v56, v54;
	v6 =	vadd.f32 v29, v6  }
0x5f7: {  	v4 =	vadd.f32 v5, v4  }
0x5f8: {  	v5 =	vadd.f32 v53, v28;
	v6 =	vadd.f32 v26, v6  }
0x5f9: {  	v3 =	vadd.f32 v3, v4  }
0x5fa: {  	v4 =	vadd.f32 v51, v5;
	v5 =	vadd.f32 v23, v6  }
0x5fb: {  	v2 =	vadd.f32 v2, v3;
	v6 =	vld [tilespmem:$0x1E640]  }
0x5fc: {  	v3 =	vadd.f32 v50, v4;
	v4 =	vadd.f32 v21, v5;
	v5 =	vld [tilespmem:$0x1E630]  }
0x5fd: {  	v1 =	vadd.f32 v1, v2  }
0x5fe: {  	v2 =	vadd.f32 v48, v3;
	v3 =	vadd.f32 v18, v4;
	v4 =	vld [tilespmem:$0x1E650];
	_ =	sdelay $0x2  }
0x5ff: {  	v5 =	vadd.f32 v6, v5;
	_ =	sdelay $0x1  }
0x600: {  	v4 =	vadd.f32 v4, v5;
	v5 =	vld [tilespmem:$0x1E660];
	_ =	sdelay $0x4  }
0x601: {  	v4 =	vadd.f32 v5, v4;
	v5 =	vld [tilespmem:$0x1E670];
	_ =	sdelay $0x4  }
0x602: {  	v4 =	vadd.f32 v5, v4;
	v5 =	vld [tilespmem:$0x1E680];
	_ =	sdelay $0x3  }
0x603: {  	v3 =	vadd.f32 v15, v3  }
0x604: {  	v4 =	vadd.f32 v5, v4;
	v5 =	vld [tilespmem:$0x1E830]  }
0x605: {  	v3 =	vadd.f32 v11, v3;
	_ =	sdelay $0x1  }
0x606: {  	v3 =	vadd.f32 v8, v3;
	_ =	sdelay $0x1  }
0x607: {  	v3 =	vadd.f32 v5, v3;
	v5 =	vld [tilespmem:$0x1E690];
	_ =	sdelay $0x4  }
0x608: {  	v4 =	vadd.f32 v5, v4;
	v5 =	vld [tilespmem:$0x1E840];
	_ =	sdelay $0x4  }
0x609: {  	v3 =	vadd.f32 v5, v3;
	v5 =	vld [tilespmem:$0x1E6A0];
	_ =	sdelay $0x4  }
0x60a: {  	v4 =	vadd.f32 v5, v4;
	v5 =	vld [tilespmem:$0x1E850];
	_ =	sdelay $0x4  }
0x60b: {  	v3 =	vadd.f32 v5, v3;
	v5 =	vld [tilespmem:$0x1E6B0];
	_ =	sdelay $0x4  }
0x60c: {  	v4 =	vadd.f32 v5, v4;
	v5 =	vld [tilespmem:$0x1E860];
	_ =	sdelay $0x4  }
0x60d: {  	v3 =	vadd.f32 v5, v3;
	v5 =	vld [tilespmem:$0x1E6C0];
	_ =	sdelay $0x4  }
0x60e: {  	v4 =	vadd.f32 v5, v4;
	v5 =	vld [tilespmem:$0x1E870];
	_ =	sdelay $0x4  }
0x60f: {  	v3 =	vadd.f32 v5, v3;
	v5 =	vld [tilespmem:$0x1E6D0];
	_ =	sdelay $0x4  }
0x610: {  	v4 =	vadd.f32 v5, v4;
	v5 =	vld [tilespmem:$0x1E880];
	_ =	sdelay $0x4  }
0x611: {  	v3 =	vadd.f32 v5, v3;
	v5 =	vld [tilespmem:$0x1E6E0];
	_ =	sdelay $0x4  }
0x612: {  	v4 =	vadd.f32 v5, v4;
	v5 =	vld [tilespmem:$0x1E890];
	_ =	sdelay $0x4  }
0x613: {  	v3 =	vadd.f32 v5, v3;
	v5 =	vld [tilespmem:$0x1E6F0];
	_ =	sdelay $0x4  }
0x614: {  	v4 =	vadd.f32 v5, v4;
	v5 =	vld [tilespmem:$0x1E8A0]  }
0x615: {  	v2 =	vadd.f32 v46, v2;
	_ =	sdelay $0x1  }
0x616: {  	v2 =	vadd.f32 v44, v2;
	_ =	sdelay $0x1  }
0x617: {  	v2 =	vadd.f32 v42, v2;
	v3 =	vadd.f32 v5, v3;
	v5 =	vld [tilespmem:$0x1E700];
	_ =	sdelay $0x1  }
0x618: {  	v2 =	vadd.f32 v40, v2;
	_ =	sdelay $0x1  }
0x619: {  	v2 =	vadd.f32 v38, v2  }
0x61a: {  	v4 =	vadd.f32 v5, v4;
	v5 =	vld [tilespmem:$0x1E8B0]  }
0x61b: {  	v2 =	vadd.f32 v30, v2;
	_ =	sdelay $0x1  }
0x61c: {  	v2 =	vadd.f32 v25, v2;
	_ =	sdelay $0x1  }
0x61d: {  	v2 =	vadd.f32 v22, v2;
	v3 =	vadd.f32 v5, v3;
	v5 =	vld [tilespmem:$0x1E710];
	_ =	sdelay $0x1  }
0x61e: {  	v2 =	vadd.f32 v19, v2;
	_ =	sdelay $0x1  }
0x61f: {  	v2 =	vadd.f32 v16, v2  }
0x620: {  	v4 =	vadd.f32 v5, v4;
	v5 =	vld [tilespmem:$0x1E940]  }
0x621: {  	v2 =	vadd.f32 v12, v2;
	_ =	sdelay $0x1  }
0x622: {  	v2 =	vadd.f32 v9, v2;
	_ =	sdelay $0x1  }
0x623: {  	v2 =	vadd.f32 v5, v2;
	v5 =	vld [tilespmem:$0x1E8C0];
	_ =	sdelay $0x4  }
0x624: {  	v3 =	vadd.f32 v5, v3;
	v5 =	vld [tilespmem:$0x1E720];
	_ =	sdelay $0x4  }
0x625: {  	v4 =	vadd.f32 v5, v4;
	v5 =	vld [tilespmem:$0x1E950];
	_ =	sdelay $0x4  }
0x626: {  	v2 =	vadd.f32 v5, v2;
	v5 =	vld [tilespmem:$0x1E8D0];
	_ =	sdelay $0x4  }
0x627: {  	v3 =	vadd.f32 v5, v3;
	v5 =	vld [tilespmem:$0x1E730];
	_ =	sdelay $0x4  }
0x628: {  	v4 =	vadd.f32 v5, v4;
	v5 =	vld [tilespmem:$0x1E960];
	_ =	sdelay $0x4  }
0x629: {  	v2 =	vadd.f32 v5, v2;
	v5 =	vld [tilespmem:$0x1E8E0];
	_ =	sdelay $0x4  }
0x62a: {  	v3 =	vadd.f32 v5, v3;
	v5 =	vld [tilespmem:$0x1E740];
	_ =	sdelay $0x4  }
0x62b: {  	v4 =	vadd.f32 v5, v4;
	v5 =	vld [tilespmem:$0x1E970];
	_ =	sdelay $0x4  }
0x62c: {  	v2 =	vadd.f32 v5, v2;
	v5 =	vld [tilespmem:$0x1E8F0];
	_ =	sdelay $0x4  }
0x62d: {  	v3 =	vadd.f32 v5, v3;
	v5 =	vld [tilespmem:$0x1E750];
	_ =	sdelay $0x4  }
0x62e: {  	v4 =	vadd.f32 v5, v4;
	v5 =	vld [tilespmem:$0x1E980];
	_ =	sdelay $0x4  }
0x62f: {  	v2 =	vadd.f32 v5, v2;
	v5 =	vld [tilespmem:$0x1E900];
	_ =	sdelay $0x4  }
0x630: {  	v3 =	vadd.f32 v5, v3;
	v5 =	vld [tilespmem:$0x1E760];
	_ =	sdelay $0x4  }
0x631: {  	v4 =	vadd.f32 v5, v4;
	v5 =	vld [tilespmem:$0x1E990];
	_ =	sdelay $0x4  }
0x632: {  	v2 =	vadd.f32 v5, v2;
	v5 =	vld [tilespmem:$0x1E910];
	_ =	sdelay $0x4  }
0x633: {  	v3 =	vadd.f32 v5, v3;
	v5 =	vld [tilespmem:$0x1E770];
	_ =	sdelay $0x2  }
0x634: {  	v1 =	vadd.f32 v63, v1;
	_ =	sdelay $0x1  }
0x635: {  	v1 =	vadd.f32 v62, v1;
	v4 =	vadd.f32 v5, v4;
	v5 =	vld [tilespmem:$0x1E9A0];
	_ =	sdelay $0x1  }
0x636: {  	v1 =	vadd.f32 v61, v1;
	_ =	sdelay $0x1  }
0x637: {  	v1 =	vadd.f32 v60, v1  }
0x638: {  	v2 =	vadd.f32 v5, v2;
	v5 =	vld [tilespmem:$0x1E920]  }
0x639: {  	v1 =	vadd.f32 v59, v1;
	_ =	sdelay $0x1  }
0x63a: {  	v1 =	vadd.f32 v58, v1;
	_ =	sdelay $0x1  }
0x63b: {  	v1 =	vadd.f32 v57, v1;
	v3 =	vadd.f32 v5, v3;
	v5 =	vld [tilespmem:$0x1E780];
	_ =	sdelay $0x1  }
0x63c: {  	v1 =	vadd.f32 v55, v1;
	_ =	sdelay $0x1  }
0x63d: {  	v1 =	vadd.f32 v52, v1  }
0x63e: {  	v4 =	vadd.f32 v5, v4;
	v5 =	vld [tilespmem:$0x1E9B0]  }
0x63f: {  	v1 =	vadd.f32 v49, v1;
	_ =	sdelay $0x1  }
0x640: {  	v1 =	vadd.f32 v47, v1;
	_ =	sdelay $0x1  }
0x641: {  	v1 =	vadd.f32 v45, v1;
	v2 =	vadd.f32 v5, v2;
	v5 =	vld [tilespmem:$0x1E930];
	_ =	sdelay $0x1  }
0x642: {  	v1 =	vadd.f32 v43, v1;
	_ =	sdelay $0x1  }
0x643: {  	v1 =	vadd.f32 v41, v1  }
0x644: {  	v3 =	vadd.f32 v5, v3;
	v5 =	vld [tilespmem:$0x1E790]  }
0x645: {  	v1 =	vadd.f32 v39, v1;
	_ =	sdelay $0x1  }
0x646: {  	v1 =	vadd.f32 v37, v1;
	_ =	sdelay $0x1  }
0x647: {  	v1 =	vadd.f32 v27, v1;
	v4 =	vadd.f32 v5, v4;
	v5 =	vld [tilespmem:$0x1E9C0];
	_ =	sdelay $0x1  }
0x648: {  	v1 =	vadd.f32 v24, v1;
	_ =	sdelay $0x1  }
0x649: {  	v1 =	vadd.f32 v20, v1  }
0x64a: {  	v3 =	vadd.f32 $9.999999970e-07, v3;
	v2 =	vadd.f32 v5, v2;
	v5 =	vld [tilespmem:$0x1E7A0]  }
0x64b: {  	v1 =	vadd.f32 v17, v1  }
0x64c: {  	(erf) = vrcp.f32 v3;
	v3 =	vld [tilespmem:$0x1EA20]  }
0x64d: {  	v1 =	vadd.f32 v13, v1;
	_ =	sdelay $0x1  }
0x64e: {  	v1 =	vadd.f32 v10, v1;
	v4 =	vadd.f32 v5, v4;
	v5 =	vld [tilespmem:$0x1E9D0];
	_ =	sdelay $0x1  }
0x64f: {  	v1 =	vadd.f32 v3, v1;
	v3 =	vld [tilespmem:$0x1E9E0];
	_ =	sdelay $0x2  }
0x650: {  	v2 =	vadd.f32 v5, v2;
	v5 =	vld [tilespmem:$0x1E7B0];
	_ =	sdelay $0x1  }
0x651: {  	v2 =	vadd.f32 v3, v2;
	v3 =	vld [tilespmem:$0x1E7C0];
	_ =	sdelay $0x2  }
0x652: {  	v4 =	vadd.f32 v5, v4;
	_ =	sdelay $0x1  }
0x653: {  	v3 =	vadd.f32 v3, v4;
	v4 =	vld [tilespmem:$0x1EA30];
	_ =	sdelay $0x4  }
0x654: {  	v1 =	vadd.f32 v4, v1;
	v4 =	vld [tilespmem:$0x1E9F0];
	_ =	sdelay $0x4  }
0x655: {  	v2 =	vadd.f32 v4, v2;
	v4 =	vld [tilespmem:$0x1E7D0];
	_ =	sdelay $0x4  }
0x656: {  	v3 =	vadd.f32 v4, v3;
	v4 =	vld [tilespmem:$0x1EA40];
	_ =	sdelay $0x4  }
0x657: {  	v1 =	vadd.f32 v4, v1;
	v4 =	vld [tilespmem:$0x1EA00];
	_ =	sdelay $0x4  }
0x658: {  	v2 =	vadd.f32 v4, v2;
	v4 =	vld [tilespmem:$0x1E7E0];
	_ =	sdelay $0x4  }
0x659: {  	v3 =	vadd.f32 v4, v3;
	v4 =	vld [tilespmem:$0x1EA50]  }
0x65a: {  	v5 =	vld [tilespmem:$0x1EA10]  }
0x65b: {  	v6 =	vld [tilespmem:$0x1EA60];
	_ =	sdelay $0x2  }
0x65c: {  	v1 =	vadd.f32 v4, v1;
	v4 =	vadd.s32 $0x190, v0  }
0x65d: {  	v2 =	vadd.f32 v5, v2;
	v5 =	vld [tilespmem:$0x1E7F0]  }
0x65e: {  	v1 =	vadd.f32 v6, v1;
	v6 =	vpop (erf)  }
0x65f: {  	v9 =	vld [tilespmem:$0x1E800];
	v2 =	vmul.f32 v2, v6  }
0x660: {  	v11 =	vld [tilespmem:$0x1E810]  }
0x661: {  	[tilespmem:v4+s19+$0x0] =	vst.idx.msk $0xffff, v2;
	v2 =	vld [tilespmem:$0x1E620]  }
0x662: {  	v3 =	vadd.f32 v5, v3;
	v5 =	vadd.s32 $0x191, v0  }
0x663: {  	v8 =	vadd.s32 $0x192, v0;
	v4 =	vld [tilespmem:$0x1E820]  }
0x664: {  	v3 =	vadd.f32 v9, v3;
	v9 =	vadd.s32 $0x193, v0  }
0x665: {  	v7 =	vadd.f32 v14, v7;
	v10 =	vadd.s32 $0x194, v0;
	v1 =	vmul.f32 v1, v6  }
0x666: {  	v3 =	vadd.f32 v11, v3;
	v2 =	vmul.f32 v2, v6  }
0x667: {  	[tilespmem:v5+s19+$0x0] =	vst.idx.msk $0xffff, v1;
	v1 =	vmul.f32 v7, v6  }
0x668: {  	v3 =	vadd.f32 v4, v3;
	[tilespmem:v8+s19+$0x0] =	vst.idx.msk $0xffff, v2  }
0x669: {  	[tilespmem:v9+s19+$0x0] =	vst.idx.msk $0xffff, v1  }
0x66a: {  	[tilespmem:v10+s19+$0x0] =	vst.idx.msk $0xffff, v3  }
0x66b: {  	v1 =	vld [tilespmem:$0x60];
	_ =	sdelay $0x4  }
0x66c: {  	[tilespmem:$0x1E1E0] =	vst v1;
	v1 =	vld [tilespmem:$0xE0];
	_ =	sdelay $0x4  }
0x66d: {  	[tilespmem:$0x1E1F0] =	vst v1;
	v1 =	vld [tilespmem:$0x160];
	_ =	sdelay $0x4  }
0x66e: {  	[tilespmem:$0x1E200] =	vst v1;
	v1 =	vld [tilespmem:$0x1E0];
	_ =	sdelay $0x4  }
0x66f: {  	[tilespmem:$0x1E210] =	vst v1;
	v1 =	vld [tilespmem:$0x260];
	_ =	sdelay $0x4  }
0x670: {  	[tilespmem:$0x1E220] =	vst v1;
	v1 =	vld [tilespmem:$0x2E0];
	_ =	sdelay $0x4  }
0x671: {  	[tilespmem:$0x1E230] =	vst v1;
	v1 =	vld [tilespmem:$0x360];
	_ =	sdelay $0x4  }
0x672: {  	[tilespmem:$0x1E240] =	vst v1;
	v1 =	vld [tilespmem:$0x3E0];
	_ =	sdelay $0x4  }
0x673: {  	[tilespmem:$0x1E250] =	vst v1;
	v1 =	vld [tilespmem:$0x460];
	_ =	sdelay $0x4  }
0x674: {  	[tilespmem:$0x1E260] =	vst v1;
	v1 =	vld [tilespmem:$0x4E0];
	_ =	sdelay $0x4  }
0x675: {  	[tilespmem:$0x1E270] =	vst v1;
	v1 =	vld [tilespmem:$0x560];
	_ =	sdelay $0x4  }
0x676: {  	[tilespmem:$0x1E280] =	vst v1;
	v1 =	vld [tilespmem:$0x5E0];
	_ =	sdelay $0x4  }
0x677: {  	[tilespmem:$0x1E290] =	vst v1;
	v1 =	vld [tilespmem:$0x660];
	_ =	sdelay $0x4  }
0x678: {  	[tilespmem:$0x1E2A0] =	vst v1;
	v1 =	vld [tilespmem:$0x6E0];
	_ =	sdelay $0x4  }
0x679: {  	[tilespmem:$0x1E2B0] =	vst v1;
	v1 =	vld [tilespmem:$0x760];
	_ =	sdelay $0x4  }
0x67a: {  	[tilespmem:$0x1E2C0] =	vst v1;
	v1 =	vld [tilespmem:$0x7E0];
	_ =	sdelay $0x4  }
0x67b: {  	[tilespmem:$0x1E2D0] =	vst v1;
	v1 =	vld [tilespmem:$0x860];
	_ =	sdelay $0x4  }
0x67c: {  	[tilespmem:$0x1E2E0] =	vst v1;
	v1 =	vld [tilespmem:$0x8E0];
	_ =	sdelay $0x4  }
0x67d: {  	[tilespmem:$0x1E2F0] =	vst v1;
	v1 =	vld [tilespmem:$0x960];
	_ =	sdelay $0x4  }
0x67e: {  	[tilespmem:$0x1E300] =	vst v1;
	v1 =	vld [tilespmem:$0x9E0];
	_ =	sdelay $0x4  }
0x67f: {  	[tilespmem:$0x1E310] =	vst v1;
	v1 =	vld [tilespmem:$0xA60];
	_ =	sdelay $0x4  }
0x680: {  	[tilespmem:$0x1E320] =	vst v1;
	v1 =	vld [tilespmem:$0xAE0];
	_ =	sdelay $0x4  }
0x681: {  	[tilespmem:$0x1E330] =	vst v1;
	v1 =	vld [tilespmem:$0xB60];
	_ =	sdelay $0x4  }
0x682: {  	[tilespmem:$0x1E340] =	vst v1;
	v1 =	vld [tilespmem:$0xBE0];
	_ =	sdelay $0x4  }
0x683: {  	[tilespmem:$0x1E350] =	vst v1;
	v1 =	vld [tilespmem:$0xC60];
	_ =	sdelay $0x4  }
0x684: {  	[tilespmem:$0x1E360] =	vst v1;
	v1 =	vld [tilespmem:$0xCE0];
	_ =	sdelay $0x4  }
0x685: {  	[tilespmem:$0x1E370] =	vst v1;
	v1 =	vld [tilespmem:$0xD60];
	_ =	sdelay $0x4  }
0x686: {  	[tilespmem:$0x1E380] =	vst v1;
	v1 =	vld [tilespmem:$0xDE0];
	_ =	sdelay $0x4  }
0x687: {  	[tilespmem:$0x1E390] =	vst v1;
	v1 =	vld [tilespmem:$0xE60];
	_ =	sdelay $0x4  }
0x688: {  	[tilespmem:$0x1E3A0] =	vst v1;
	v1 =	vld [tilespmem:$0xEE0];
	_ =	sdelay $0x4  }
0x689: {  	[tilespmem:$0x1E3B0] =	vst v1;
	v1 =	vld [tilespmem:$0xF60];
	_ =	sdelay $0x4  }
0x68a: {  	[tilespmem:$0x1E3C0] =	vst v1;
	v1 =	vld [tilespmem:$0xFE0];
	_ =	sdelay $0x4  }
0x68b: {  	[tilespmem:$0x1E3D0] =	vst v1;
	v1 =	vld [tilespmem:$0x17E0];
	_ =	sdelay $0x4  }
0x68c: {  	[tilespmem:$0x1E3E0] =	vst v1;
	v1 =	vld [tilespmem:$0x1860];
	_ =	sdelay $0x4  }
0x68d: {  	[tilespmem:$0x1E3F0] =	vst v1;
	v1 =	vld [tilespmem:$0x18E0];
	_ =	sdelay $0x4  }
0x68e: {  	[tilespmem:$0x1E400] =	vst v1;
	v1 =	vld [tilespmem:$0x1960];
	_ =	sdelay $0x4  }
0x68f: {  	[tilespmem:$0x1E410] =	vst v1;
	v1 =	vld [tilespmem:$0x19E0];
	_ =	sdelay $0x4  }
0x690: {  	[tilespmem:$0x1E420] =	vst v1;
	v1 =	vld [tilespmem:$0x1A60];
	_ =	sdelay $0x4  }
0x691: {  	[tilespmem:$0x1E430] =	vst v1;
	v1 =	vld [tilespmem:$0x1AE0];
	_ =	sdelay $0x4  }
0x692: {  	[tilespmem:$0x1E440] =	vst v1;
	v1 =	vld [tilespmem:$0x1B60];
	_ =	sdelay $0x4  }
0x693: {  	[tilespmem:$0x1E450] =	vst v1;
	v1 =	vld [tilespmem:$0x1BE0];
	_ =	sdelay $0x4  }
0x694: {  	[tilespmem:$0x1E460] =	vst v1;
	v1 =	vld [tilespmem:$0x1C60];
	_ =	sdelay $0x4  }
0x695: {  	[tilespmem:$0x1E470] =	vst v1;
	v1 =	vld [tilespmem:$0x1CE0];
	_ =	sdelay $0x4  }
0x696: {  	[tilespmem:$0x1E480] =	vst v1;
	v1 =	vld [tilespmem:$0x1D60];
	_ =	sdelay $0x4  }
0x697: {  	[tilespmem:$0x1E490] =	vst v1;
	v1 =	vld [tilespmem:$0x1DE0];
	_ =	sdelay $0x4  }
0x698: {  	[tilespmem:$0x1E4A0] =	vst v1;
	v1 =	vld [tilespmem:$0x1E60];
	_ =	sdelay $0x4  }
0x699: {  	[tilespmem:$0x1E4B0] =	vst v1;
	v1 =	vld [tilespmem:$0x1EE0];
	_ =	sdelay $0x2  }
0x69a: {  	v28 =	vld [tilespmem:$0x1060]  }
0x69b: {  	v31 =	vld [tilespmem:$0x10E0]  }
0x69c: {  	[tilespmem:$0x1E4C0] =	vst v1;
	v1 =	vld [tilespmem:$0x1F60]  }
0x69d: {  	v32 =	vld [tilespmem:$0x1160]  }
0x69e: {  	v33 =	vld [tilespmem:$0x11E0]  }
0x69f: {  	v34 =	vld [tilespmem:$0x1260]  }
0x6a0: {  	v35 =	vld [tilespmem:$0x12E0]  }
0x6a1: {  	[tilespmem:$0x1E4D0] =	vst v1;
	v1 =	vld [tilespmem:$0x1FE0]  }
0x6a2: {  	v36 =	vld [tilespmem:$0x1360]  }
0x6a3: {  	v29 =	vld [tilespmem:$0x13E0]  }
0x6a4: {  	v26 =	vld [tilespmem:$0x1460]  }
0x6a5: {  	v23 =	vld [tilespmem:$0x14E0]  }
0x6a6: {  	[tilespmem:$0x1E4E0] =	vst v1;
	v1 =	vld [tilespmem:$0x2960]  }
0x6a7: {  	v21 =	vld [tilespmem:$0x1560]  }
0x6a8: {  	v18 =	vld [tilespmem:$0x15E0]  }
0x6a9: {  	v15 =	vld [tilespmem:$0x1660]  }
0x6aa: {  	v11 =	vld [tilespmem:$0x16E0]  }
0x6ab: {  	[tilespmem:$0x1E4F0] =	vst v1;
	v1 =	vld [tilespmem:$0x29E0]  }
0x6ac: {  	v8 =	vld [tilespmem:$0x1760]  }
0x6ad: {  	v54 =	vld [tilespmem:$0x2060]  }
0x6ae: {  	v56 =	vld [tilespmem:$0x20E0]  }
0x6af: {  	v53 =	vld [tilespmem:$0x2160]  }
0x6b0: {  	[tilespmem:$0x1E500] =	vst v1;
	v1 =	vld [tilespmem:$0x2A60]  }
0x6b1: {  	v51 =	vld [tilespmem:$0x21E0]  }
0x6b2: {  	v50 =	vld [tilespmem:$0x2260]  }
0x6b3: {  	v48 =	vld [tilespmem:$0x22E0]  }
0x6b4: {  	v46 =	vld [tilespmem:$0x2360]  }
0x6b5: {  	[tilespmem:$0x1E510] =	vst v1;
	v1 =	vld [tilespmem:$0x2AE0]  }
0x6b6: {  	v44 =	vld [tilespmem:$0x23E0]  }
0x6b7: {  	v42 =	vld [tilespmem:$0x2460]  }
0x6b8: {  	v40 =	vld [tilespmem:$0x24E0]  }
0x6b9: {  	v38 =	vld [tilespmem:$0x2560]  }
0x6ba: {  	[tilespmem:$0x1E520] =	vst v1;
	v1 =	vld [tilespmem:$0x2B60]  }
0x6bb: {  	v30 =	vld [tilespmem:$0x25E0]  }
0x6bc: {  	v25 =	vld [tilespmem:$0x2660]  }
0x6bd: {  	v22 =	vld [tilespmem:$0x26E0]  }
0x6be: {  	v19 =	vld [tilespmem:$0x2760]  }
0x6bf: {  	[tilespmem:$0x1E530] =	vst v1;
	v1 =	vld [tilespmem:$0x2BE0]  }
0x6c0: {  	v16 =	vld [tilespmem:$0x27E0]  }
0x6c1: {  	v12 =	vld [tilespmem:$0x2860]  }
0x6c2: {  	v9 =	vld [tilespmem:$0x28E0]  }
0x6c3: {  	v4 =	vld [tilespmem:$0x3060]  }
0x6c4: {  	[tilespmem:$0x1E540] =	vst v1;
	v1 =	vld [tilespmem:$0x2C60]  }
0x6c5: {  	v5 =	vld [tilespmem:$0x30E0]  }
0x6c6: {  	v3 =	vld [tilespmem:$0x3160]  }
0x6c7: {  	v2 =	vld [tilespmem:$0x31E0]  }
0x6c8: {  	v63 =	vld [tilespmem:$0x32E0]  }
0x6c9: {  	[tilespmem:$0x1E550] =	vst v1;
	v1 =	vld [tilespmem:$0x2CE0]  }
0x6ca: {  	v62 =	vld [tilespmem:$0x3360]  }
0x6cb: {  	v61 =	vld [tilespmem:$0x33E0]  }
0x6cc: {  	v60 =	vld [tilespmem:$0x3460]  }
0x6cd: {  	v59 =	vld [tilespmem:$0x34E0]  }
0x6ce: {  	[tilespmem:$0x1E560] =	vst v1;
	v1 =	vld [tilespmem:$0x2D60]  }
0x6cf: {  	v58 =	vld [tilespmem:$0x3560]  }
0x6d0: {  	v57 =	vld [tilespmem:$0x35E0]  }
0x6d1: {  	v55 =	vld [tilespmem:$0x3660]  }
0x6d2: {  	v6 =	vld [tilespmem:$0x3DE0]  }
0x6d3: {  	[tilespmem:$0x1E570] =	vst v1;
	v1 =	vld [tilespmem:$0x2DE0]  }
0x6d4: {  	v52 =	vld [tilespmem:$0x36E0]  }
0x6d5: {  	v49 =	vld [tilespmem:$0x3760]  }
0x6d6: {  	v47 =	vld [tilespmem:$0x37E0]  }
0x6d7: {  	[tilespmem:$0x1E5D0] =	vst v6;
	v6 =	vld [tilespmem:$0x3E60]  }
0x6d8: {  	[tilespmem:$0x1E580] =	vst v1;
	v1 =	vld [tilespmem:$0x2E60]  }
0x6d9: {  	v45 =	vld [tilespmem:$0x3860]  }
0x6da: {  	v43 =	vld [tilespmem:$0x38E0]  }
0x6db: {  	v41 =	vld [tilespmem:$0x3960]  }
0x6dc: {  	[tilespmem:$0x1E5E0] =	vst v6;
	v6 =	vld [tilespmem:$0x3EE0]  }
0x6dd: {  	[tilespmem:$0x1E590] =	vst v1;
	v1 =	vld [tilespmem:$0x2EE0]  }
0x6de: {  	v39 =	vld [tilespmem:$0x39E0]  }
0x6df: {  	v37 =	vld [tilespmem:$0x3A60]  }
0x6e0: {  	v27 =	vld [tilespmem:$0x3AE0]  }
0x6e1: {  	[tilespmem:$0x1E5F0] =	vst v6;
	v6 =	vld [tilespmem:$0x3F60]  }
0x6e2: {  	[tilespmem:$0x1E5A0] =	vst v1;
	v1 =	vld [tilespmem:$0x2F60]  }
0x6e3: {  	v24 =	vld [tilespmem:$0x3B60]  }
0x6e4: {  	v20 =	vld [tilespmem:$0x3BE0]  }
0x6e5: {  	v17 =	vld [tilespmem:$0x3C60]  }
0x6e6: {  	[tilespmem:$0x1E600] =	vst v6;
	v6 =	vld [tilespmem:$0x3FE0]  }
0x6e7: {  	[tilespmem:$0x1E5B0] =	vst v1;
	v1 =	vld [tilespmem:$0x2FE0]  }
0x6e8: {  	v13 =	vld [tilespmem:$0x3CE0]  }
0x6e9: {  	v10 =	vld [tilespmem:$0x3D60]  }
0x6ea: {  	s23 =	simm.s32 $0x0;
	v14 =	vld [tilespmem:$0x4060]  }
0x6eb: {  	[tilespmem:$0x1E610] =	vst v6;
	v6 =	vld [tilespmem:s23+$0x40E0]  }
0x6ec: {  	s22 =	simm.s32 $0x200;
	[tilespmem:$0x1E5C0] =	vst v1;
	v1 =	vld [tilespmem:$0x3260]  }
.LBB2_26:
0x6ed: {  	p0 =	sne.s32 s22, $0x3C00  }
.Ltmp12:
0x6ee: {  	_ = 	snop;
	(pc) =	sbr.rel @p0 .LBB2_26-.Ltmp12, $3  }
0x6ef: {  	_ =	sdelay $0x1  }
0x6f0: {  	s23 =	sshra.s32 s22, $0x2;
	s22 =	sadd.s32 $0x200, s22;
	v14 =	vadd.f32 v6, v14  }
0x6f1: {  	v6 =	vld [tilespmem:s23+$0x40E0]  }
0x6f2: {  	_ =	sdelay $0x3  }
0x6f3: {  	v6 =	vadd.f32 v6, v14  }
0x6f4: {  	v7 =	vld [tilespmem:$0x5060];
	s23 =	simm.s32 $0x0  }
0x6f5: {  	s22 =	simm.s32 $0x200;
	v14 =	vld [tilespmem:s23+$0x50E0];
	[tilespmem:$0x1E1D0] =	vst v6  }
.LBB2_28:
0x6f6: {  	p0 =	sne.s32 s22, $0x3C00  }
.Ltmp13:
0x6f7: {  	_ = 	snop;
	(pc) =	sbr.rel @p0 .LBB2_28-.Ltmp13, $3  }
0x6f8: {  	_ =	sdelay $0x1  }
0x6f9: {  	s23 =	sshra.s32 s22, $0x2;
	s22 =	sadd.s32 $0x200, s22;
	v7 =	vadd.f32 v14, v7  }
0x6fa: {  	v14 =	vld [tilespmem:s23+$0x50E0]  }
0x6fb: {  	v6 =	vadd.f32 v31, v28;
	_ =	sdelay $0x1  }
0x6fc: {  	v6 =	vadd.f32 v32, v6;
	_ =	sdelay $0x1  }
0x6fd: {  	v6 =	vadd.f32 v33, v6;
	_ =	sdelay $0x1  }
0x6fe: {  	v6 =	vadd.f32 v34, v6;
	_ =	sdelay $0x1  }
0x6ff: {  	v6 =	vadd.f32 v35, v6;
	_ =	sdelay $0x1  }
0x700: {  	v6 =	vadd.f32 v36, v6;
	_ =	sdelay $0x1  }
0x701: {  	v28 =	vadd.f32 v56, v54;
	v6 =	vadd.f32 v29, v6  }
0x702: {  	v4 =	vadd.f32 v5, v4  }
0x703: {  	v5 =	vadd.f32 v53, v28;
	v6 =	vadd.f32 v26, v6  }
0x704: {  	v3 =	vadd.f32 v3, v4  }
0x705: {  	v4 =	vadd.f32 v51, v5;
	v5 =	vadd.f32 v23, v6  }
0x706: {  	v2 =	vadd.f32 v2, v3;
	v6 =	vld [tilespmem:$0x1E1F0]  }
0x707: {  	v3 =	vadd.f32 v50, v4;
	v4 =	vadd.f32 v21, v5;
	v5 =	vld [tilespmem:$0x1E1E0]  }
0x708: {  	v1 =	vadd.f32 v1, v2  }
0x709: {  	v2 =	vadd.f32 v48, v3;
	v3 =	vadd.f32 v18, v4;
	v4 =	vld [tilespmem:$0x1E200];
	_ =	sdelay $0x2  }
0x70a: {  	v5 =	vadd.f32 v6, v5;
	_ =	sdelay $0x1  }
0x70b: {  	v4 =	vadd.f32 v4, v5;
	v5 =	vld [tilespmem:$0x1E210];
	_ =	sdelay $0x4  }
0x70c: {  	v4 =	vadd.f32 v5, v4;
	v5 =	vld [tilespmem:$0x1E220];
	_ =	sdelay $0x4  }
0x70d: {  	v4 =	vadd.f32 v5, v4;
	v5 =	vld [tilespmem:$0x1E230];
	_ =	sdelay $0x3  }
0x70e: {  	v3 =	vadd.f32 v15, v3  }
0x70f: {  	v4 =	vadd.f32 v5, v4;
	v5 =	vld [tilespmem:$0x1E3E0]  }
0x710: {  	v3 =	vadd.f32 v11, v3;
	_ =	sdelay $0x1  }
0x711: {  	v3 =	vadd.f32 v8, v3;
	_ =	sdelay $0x1  }
0x712: {  	v3 =	vadd.f32 v5, v3;
	v5 =	vld [tilespmem:$0x1E240];
	_ =	sdelay $0x4  }
0x713: {  	v4 =	vadd.f32 v5, v4;
	v5 =	vld [tilespmem:$0x1E3F0];
	_ =	sdelay $0x4  }
0x714: {  	v3 =	vadd.f32 v5, v3;
	v5 =	vld [tilespmem:$0x1E250];
	_ =	sdelay $0x4  }
0x715: {  	v4 =	vadd.f32 v5, v4;
	v5 =	vld [tilespmem:$0x1E400];
	_ =	sdelay $0x4  }
0x716: {  	v3 =	vadd.f32 v5, v3;
	v5 =	vld [tilespmem:$0x1E260];
	_ =	sdelay $0x4  }
0x717: {  	v4 =	vadd.f32 v5, v4;
	v5 =	vld [tilespmem:$0x1E410];
	_ =	sdelay $0x4  }
0x718: {  	v3 =	vadd.f32 v5, v3;
	v5 =	vld [tilespmem:$0x1E270];
	_ =	sdelay $0x4  }
0x719: {  	v4 =	vadd.f32 v5, v4;
	v5 =	vld [tilespmem:$0x1E420];
	_ =	sdelay $0x4  }
0x71a: {  	v3 =	vadd.f32 v5, v3;
	v5 =	vld [tilespmem:$0x1E280];
	_ =	sdelay $0x4  }
0x71b: {  	v4 =	vadd.f32 v5, v4;
	v5 =	vld [tilespmem:$0x1E430];
	_ =	sdelay $0x4  }
0x71c: {  	v3 =	vadd.f32 v5, v3;
	v5 =	vld [tilespmem:$0x1E290];
	_ =	sdelay $0x4  }
0x71d: {  	v4 =	vadd.f32 v5, v4;
	v5 =	vld [tilespmem:$0x1E440];
	_ =	sdelay $0x4  }
0x71e: {  	v3 =	vadd.f32 v5, v3;
	v5 =	vld [tilespmem:$0x1E2A0];
	_ =	sdelay $0x4  }
0x71f: {  	v4 =	vadd.f32 v5, v4;
	v5 =	vld [tilespmem:$0x1E450]  }
0x720: {  	v2 =	vadd.f32 v46, v2;
	_ =	sdelay $0x1  }
0x721: {  	v2 =	vadd.f32 v44, v2;
	_ =	sdelay $0x1  }
0x722: {  	v2 =	vadd.f32 v42, v2;
	v3 =	vadd.f32 v5, v3;
	v5 =	vld [tilespmem:$0x1E2B0];
	_ =	sdelay $0x1  }
0x723: {  	v2 =	vadd.f32 v40, v2;
	_ =	sdelay $0x1  }
0x724: {  	v2 =	vadd.f32 v38, v2  }
0x725: {  	v4 =	vadd.f32 v5, v4;
	v5 =	vld [tilespmem:$0x1E460]  }
0x726: {  	v2 =	vadd.f32 v30, v2;
	_ =	sdelay $0x1  }
0x727: {  	v2 =	vadd.f32 v25, v2;
	_ =	sdelay $0x1  }
0x728: {  	v2 =	vadd.f32 v22, v2;
	v3 =	vadd.f32 v5, v3;
	v5 =	vld [tilespmem:$0x1E2C0];
	_ =	sdelay $0x1  }
0x729: {  	v2 =	vadd.f32 v19, v2;
	_ =	sdelay $0x1  }
0x72a: {  	v2 =	vadd.f32 v16, v2  }
0x72b: {  	v4 =	vadd.f32 v5, v4;
	v5 =	vld [tilespmem:$0x1E4F0]  }
0x72c: {  	v2 =	vadd.f32 v12, v2;
	_ =	sdelay $0x1  }
0x72d: {  	v2 =	vadd.f32 v9, v2;
	_ =	sdelay $0x1  }
0x72e: {  	v2 =	vadd.f32 v5, v2;
	v5 =	vld [tilespmem:$0x1E470];
	_ =	sdelay $0x4  }
0x72f: {  	v3 =	vadd.f32 v5, v3;
	v5 =	vld [tilespmem:$0x1E2D0];
	_ =	sdelay $0x4  }
0x730: {  	v4 =	vadd.f32 v5, v4;
	v5 =	vld [tilespmem:$0x1E500];
	_ =	sdelay $0x4  }
0x731: {  	v2 =	vadd.f32 v5, v2;
	v5 =	vld [tilespmem:$0x1E480];
	_ =	sdelay $0x4  }
0x732: {  	v3 =	vadd.f32 v5, v3;
	v5 =	vld [tilespmem:$0x1E2E0];
	_ =	sdelay $0x4  }
0x733: {  	v4 =	vadd.f32 v5, v4;
	v5 =	vld [tilespmem:$0x1E510];
	_ =	sdelay $0x4  }
0x734: {  	v2 =	vadd.f32 v5, v2;
	v5 =	vld [tilespmem:$0x1E490];
	_ =	sdelay $0x4  }
0x735: {  	v3 =	vadd.f32 v5, v3;
	v5 =	vld [tilespmem:$0x1E2F0];
	_ =	sdelay $0x4  }
0x736: {  	v4 =	vadd.f32 v5, v4;
	v5 =	vld [tilespmem:$0x1E520];
	_ =	sdelay $0x4  }
0x737: {  	v2 =	vadd.f32 v5, v2;
	v5 =	vld [tilespmem:$0x1E4A0];
	_ =	sdelay $0x4  }
0x738: {  	v3 =	vadd.f32 v5, v3;
	v5 =	vld [tilespmem:$0x1E300];
	_ =	sdelay $0x4  }
0x739: {  	v4 =	vadd.f32 v5, v4;
	v5 =	vld [tilespmem:$0x1E530];
	_ =	sdelay $0x4  }
0x73a: {  	v2 =	vadd.f32 v5, v2;
	v5 =	vld [tilespmem:$0x1E4B0];
	_ =	sdelay $0x4  }
0x73b: {  	v3 =	vadd.f32 v5, v3;
	v5 =	vld [tilespmem:$0x1E310];
	_ =	sdelay $0x4  }
0x73c: {  	v4 =	vadd.f32 v5, v4;
	v5 =	vld [tilespmem:$0x1E540];
	_ =	sdelay $0x4  }
0x73d: {  	v2 =	vadd.f32 v5, v2;
	v5 =	vld [tilespmem:$0x1E4C0];
	_ =	sdelay $0x4  }
0x73e: {  	v3 =	vadd.f32 v5, v3;
	v5 =	vld [tilespmem:$0x1E320];
	_ =	sdelay $0x2  }
0x73f: {  	v1 =	vadd.f32 v63, v1;
	_ =	sdelay $0x1  }
0x740: {  	v1 =	vadd.f32 v62, v1;
	v4 =	vadd.f32 v5, v4;
	v5 =	vld [tilespmem:$0x1E550];
	_ =	sdelay $0x1  }
0x741: {  	v1 =	vadd.f32 v61, v1;
	_ =	sdelay $0x1  }
0x742: {  	v1 =	vadd.f32 v60, v1  }
0x743: {  	v2 =	vadd.f32 v5, v2;
	v5 =	vld [tilespmem:$0x1E4D0]  }
0x744: {  	v1 =	vadd.f32 v59, v1;
	_ =	sdelay $0x1  }
0x745: {  	v1 =	vadd.f32 v58, v1;
	_ =	sdelay $0x1  }
0x746: {  	v1 =	vadd.f32 v57, v1;
	v3 =	vadd.f32 v5, v3;
	v5 =	vld [tilespmem:$0x1E330];
	_ =	sdelay $0x1  }
0x747: {  	v1 =	vadd.f32 v55, v1;
	_ =	sdelay $0x1  }
0x748: {  	v1 =	vadd.f32 v52, v1  }
0x749: {  	v4 =	vadd.f32 v5, v4;
	v5 =	vld [tilespmem:$0x1E560]  }
0x74a: {  	v1 =	vadd.f32 v49, v1;
	_ =	sdelay $0x1  }
0x74b: {  	v1 =	vadd.f32 v47, v1;
	_ =	sdelay $0x1  }
0x74c: {  	v1 =	vadd.f32 v45, v1;
	v2 =	vadd.f32 v5, v2;
	v5 =	vld [tilespmem:$0x1E4E0];
	_ =	sdelay $0x1  }
0x74d: {  	v1 =	vadd.f32 v43, v1;
	_ =	sdelay $0x1  }
0x74e: {  	v1 =	vadd.f32 v41, v1  }
0x74f: {  	v3 =	vadd.f32 v5, v3;
	v5 =	vld [tilespmem:$0x1E340]  }
0x750: {  	v1 =	vadd.f32 v39, v1;
	_ =	sdelay $0x1  }
0x751: {  	v1 =	vadd.f32 v37, v1;
	_ =	sdelay $0x1  }
0x752: {  	v1 =	vadd.f32 v27, v1;
	v4 =	vadd.f32 v5, v4;
	v5 =	vld [tilespmem:$0x1E570];
	_ =	sdelay $0x1  }
0x753: {  	v1 =	vadd.f32 v24, v1;
	_ =	sdelay $0x1  }
0x754: {  	v1 =	vadd.f32 v20, v1  }
0x755: {  	v3 =	vadd.f32 $9.999999970e-07, v3;
	v2 =	vadd.f32 v5, v2;
	v5 =	vld [tilespmem:$0x1E350]  }
0x756: {  	v1 =	vadd.f32 v17, v1  }
0x757: {  	(erf) = vrcp.f32 v3;
	v3 =	vld [tilespmem:$0x1E5D0]  }
0x758: {  	v1 =	vadd.f32 v13, v1;
	_ =	sdelay $0x1  }
0x759: {  	v1 =	vadd.f32 v10, v1;
	v4 =	vadd.f32 v5, v4;
	v5 =	vld [tilespmem:$0x1E580];
	_ =	sdelay $0x1  }
0x75a: {  	v1 =	vadd.f32 v3, v1;
	v3 =	vld [tilespmem:$0x1E590];
	_ =	sdelay $0x2  }
0x75b: {  	v2 =	vadd.f32 v5, v2;
	v5 =	vld [tilespmem:$0x1E360];
	_ =	sdelay $0x1  }
0x75c: {  	v2 =	vadd.f32 v3, v2;
	v3 =	vld [tilespmem:$0x1E370];
	_ =	sdelay $0x2  }
0x75d: {  	v4 =	vadd.f32 v5, v4;
	_ =	sdelay $0x1  }
0x75e: {  	v3 =	vadd.f32 v3, v4;
	v4 =	vld [tilespmem:$0x1E5E0];
	_ =	sdelay $0x4  }
0x75f: {  	v1 =	vadd.f32 v4, v1;
	v4 =	vld [tilespmem:$0x1E5A0];
	_ =	sdelay $0x4  }
0x760: {  	v2 =	vadd.f32 v4, v2;
	v4 =	vld [tilespmem:$0x1E380];
	_ =	sdelay $0x4  }
0x761: {  	v3 =	vadd.f32 v4, v3;
	v4 =	vld [tilespmem:$0x1E5F0];
	_ =	sdelay $0x4  }
0x762: {  	v1 =	vadd.f32 v4, v1;
	v4 =	vld [tilespmem:$0x1E5B0];
	_ =	sdelay $0x4  }
0x763: {  	v2 =	vadd.f32 v4, v2;
	v4 =	vld [tilespmem:$0x1E390];
	_ =	sdelay $0x4  }
0x764: {  	v3 =	vadd.f32 v4, v3;
	v4 =	vld [tilespmem:$0x1E600]  }
0x765: {  	v5 =	vld [tilespmem:$0x1E5C0]  }
0x766: {  	v6 =	vld [tilespmem:$0x1E610];
	_ =	sdelay $0x2  }
0x767: {  	v1 =	vadd.f32 v4, v1;
	v4 =	vadd.s32 $0x1E0, v0  }
0x768: {  	v2 =	vadd.f32 v5, v2;
	v5 =	vld [tilespmem:$0x1E3A0]  }
0x769: {  	v1 =	vadd.f32 v6, v1;
	v6 =	vpop (erf)  }
0x76a: {  	v9 =	vld [tilespmem:$0x1E3B0];
	v2 =	vmul.f32 v2, v6  }
0x76b: {  	v11 =	vld [tilespmem:$0x1E3C0]  }
0x76c: {  	[tilespmem:v4+s19+$0x0] =	vst.idx.msk $0xffff, v2;
	v2 =	vld [tilespmem:$0x1E1D0]  }
0x76d: {  	v3 =	vadd.f32 v5, v3;
	v5 =	vadd.s32 $0x1E1, v0  }
0x76e: {  	v8 =	vadd.s32 $0x1E2, v0;
	v4 =	vld [tilespmem:$0x1E3D0]  }
0x76f: {  	v3 =	vadd.f32 v9, v3;
	v9 =	vadd.s32 $0x1E3, v0  }
0x770: {  	v7 =	vadd.f32 v14, v7;
	v10 =	vadd.s32 $0x1E4, v0;
	v1 =	vmul.f32 v1, v6  }
0x771: {  	v3 =	vadd.f32 v11, v3;
	v2 =	vmul.f32 v2, v6  }
0x772: {  	[tilespmem:v5+s19+$0x0] =	vst.idx.msk $0xffff, v1;
	v1 =	vmul.f32 v7, v6  }
0x773: {  	v3 =	vadd.f32 v4, v3;
	[tilespmem:v8+s19+$0x0] =	vst.idx.msk $0xffff, v2  }
0x774: {  	[tilespmem:v9+s19+$0x0] =	vst.idx.msk $0xffff, v1  }
0x775: {  	[tilespmem:v10+s19+$0x0] =	vst.idx.msk $0xffff, v3  }
0x776: {  	v1 =	vld [tilespmem:$0x70];
	_ =	sdelay $0x4  }
0x777: {  	[tilespmem:$0x1DD90] =	vst v1;
	v1 =	vld [tilespmem:$0xF0];
	_ =	sdelay $0x4  }
0x778: {  	[tilespmem:$0x1DDA0] =	vst v1;
	v1 =	vld [tilespmem:$0x170];
	_ =	sdelay $0x4  }
0x779: {  	[tilespmem:$0x1DDB0] =	vst v1;
	v1 =	vld [tilespmem:$0x1F0];
	_ =	sdelay $0x4  }
0x77a: {  	[tilespmem:$0x1DDC0] =	vst v1;
	v1 =	vld [tilespmem:$0x270];
	_ =	sdelay $0x4  }
0x77b: {  	[tilespmem:$0x1DDD0] =	vst v1;
	v1 =	vld [tilespmem:$0x2F0];
	_ =	sdelay $0x4  }
0x77c: {  	[tilespmem:$0x1DDE0] =	vst v1;
	v1 =	vld [tilespmem:$0x370];
	_ =	sdelay $0x4  }
0x77d: {  	[tilespmem:$0x1DDF0] =	vst v1;
	v1 =	vld [tilespmem:$0x3F0];
	_ =	sdelay $0x4  }
0x77e: {  	[tilespmem:$0x1DE00] =	vst v1;
	v1 =	vld [tilespmem:$0x470];
	_ =	sdelay $0x4  }
0x77f: {  	[tilespmem:$0x1DE10] =	vst v1;
	v1 =	vld [tilespmem:$0x4F0];
	_ =	sdelay $0x4  }
0x780: {  	[tilespmem:$0x1DE20] =	vst v1;
	v1 =	vld [tilespmem:$0x570];
	_ =	sdelay $0x4  }
0x781: {  	[tilespmem:$0x1DE30] =	vst v1;
	v1 =	vld [tilespmem:$0x5F0];
	_ =	sdelay $0x4  }
0x782: {  	[tilespmem:$0x1DE40] =	vst v1;
	v1 =	vld [tilespmem:$0x670];
	_ =	sdelay $0x4  }
0x783: {  	[tilespmem:$0x1DE50] =	vst v1;
	v1 =	vld [tilespmem:$0x6F0];
	_ =	sdelay $0x4  }
0x784: {  	[tilespmem:$0x1DE60] =	vst v1;
	v1 =	vld [tilespmem:$0x770];
	_ =	sdelay $0x4  }
0x785: {  	[tilespmem:$0x1DE70] =	vst v1;
	v1 =	vld [tilespmem:$0x7F0];
	_ =	sdelay $0x4  }
0x786: {  	[tilespmem:$0x1DE80] =	vst v1;
	v1 =	vld [tilespmem:$0x870];
	_ =	sdelay $0x4  }
0x787: {  	[tilespmem:$0x1DE90] =	vst v1;
	v1 =	vld [tilespmem:$0x8F0];
	_ =	sdelay $0x4  }
0x788: {  	[tilespmem:$0x1DEA0] =	vst v1;
	v1 =	vld [tilespmem:$0x970];
	_ =	sdelay $0x4  }
0x789: {  	[tilespmem:$0x1DEB0] =	vst v1;
	v1 =	vld [tilespmem:$0x9F0];
	_ =	sdelay $0x4  }
0x78a: {  	[tilespmem:$0x1DEC0] =	vst v1;
	v1 =	vld [tilespmem:$0xA70];
	_ =	sdelay $0x4  }
0x78b: {  	[tilespmem:$0x1DED0] =	vst v1;
	v1 =	vld [tilespmem:$0xAF0];
	_ =	sdelay $0x4  }
0x78c: {  	[tilespmem:$0x1DEE0] =	vst v1;
	v1 =	vld [tilespmem:$0xB70];
	_ =	sdelay $0x4  }
0x78d: {  	[tilespmem:$0x1DEF0] =	vst v1;
	v1 =	vld [tilespmem:$0xBF0];
	_ =	sdelay $0x4  }
0x78e: {  	[tilespmem:$0x1DF00] =	vst v1;
	v1 =	vld [tilespmem:$0xC70];
	_ =	sdelay $0x4  }
0x78f: {  	[tilespmem:$0x1DF10] =	vst v1;
	v1 =	vld [tilespmem:$0xCF0];
	_ =	sdelay $0x4  }
0x790: {  	[tilespmem:$0x1DF20] =	vst v1;
	v1 =	vld [tilespmem:$0xD70];
	_ =	sdelay $0x4  }
0x791: {  	[tilespmem:$0x1DF30] =	vst v1;
	v1 =	vld [tilespmem:$0xDF0];
	_ =	sdelay $0x4  }
0x792: {  	[tilespmem:$0x1DF40] =	vst v1;
	v1 =	vld [tilespmem:$0xE70];
	_ =	sdelay $0x4  }
0x793: {  	[tilespmem:$0x1DF50] =	vst v1;
	v1 =	vld [tilespmem:$0xEF0];
	_ =	sdelay $0x4  }
0x794: {  	[tilespmem:$0x1DF60] =	vst v1;
	v1 =	vld [tilespmem:$0xF70];
	_ =	sdelay $0x4  }
0x795: {  	[tilespmem:$0x1DF70] =	vst v1;
	v1 =	vld [tilespmem:$0xFF0];
	_ =	sdelay $0x4  }
0x796: {  	[tilespmem:$0x1DF80] =	vst v1;
	v1 =	vld [tilespmem:$0x17F0];
	_ =	sdelay $0x4  }
0x797: {  	[tilespmem:$0x1DF90] =	vst v1;
	v1 =	vld [tilespmem:$0x1870];
	_ =	sdelay $0x4  }
0x798: {  	[tilespmem:$0x1DFA0] =	vst v1;
	v1 =	vld [tilespmem:$0x18F0];
	_ =	sdelay $0x4  }
0x799: {  	[tilespmem:$0x1DFB0] =	vst v1;
	v1 =	vld [tilespmem:$0x1970];
	_ =	sdelay $0x4  }
0x79a: {  	[tilespmem:$0x1DFC0] =	vst v1;
	v1 =	vld [tilespmem:$0x19F0];
	_ =	sdelay $0x4  }
0x79b: {  	[tilespmem:$0x1DFD0] =	vst v1;
	v1 =	vld [tilespmem:$0x1A70];
	_ =	sdelay $0x4  }
0x79c: {  	[tilespmem:$0x1DFE0] =	vst v1;
	v1 =	vld [tilespmem:$0x1AF0];
	_ =	sdelay $0x4  }
0x79d: {  	[tilespmem:$0x1DFF0] =	vst v1;
	v1 =	vld [tilespmem:$0x1B70];
	_ =	sdelay $0x4  }
0x79e: {  	[tilespmem:$0x1E000] =	vst v1;
	v1 =	vld [tilespmem:$0x1BF0];
	_ =	sdelay $0x4  }
0x79f: {  	[tilespmem:$0x1E010] =	vst v1;
	v1 =	vld [tilespmem:$0x1C70];
	_ =	sdelay $0x4  }
0x7a0: {  	[tilespmem:$0x1E020] =	vst v1;
	v1 =	vld [tilespmem:$0x1CF0];
	_ =	sdelay $0x4  }
0x7a1: {  	[tilespmem:$0x1E030] =	vst v1;
	v1 =	vld [tilespmem:$0x1D70];
	_ =	sdelay $0x4  }
0x7a2: {  	[tilespmem:$0x1E040] =	vst v1;
	v1 =	vld [tilespmem:$0x1DF0];
	_ =	sdelay $0x4  }
0x7a3: {  	[tilespmem:$0x1E050] =	vst v1;
	v1 =	vld [tilespmem:$0x1E70];
	_ =	sdelay $0x4  }
0x7a4: {  	[tilespmem:$0x1E060] =	vst v1;
	v1 =	vld [tilespmem:$0x1EF0];
	_ =	sdelay $0x2  }
0x7a5: {  	v28 =	vld [tilespmem:$0x1070]  }
0x7a6: {  	v31 =	vld [tilespmem:$0x10F0]  }
0x7a7: {  	[tilespmem:$0x1E070] =	vst v1;
	v1 =	vld [tilespmem:$0x1F70]  }
0x7a8: {  	v32 =	vld [tilespmem:$0x1170]  }
0x7a9: {  	v33 =	vld [tilespmem:$0x11F0]  }
0x7aa: {  	v34 =	vld [tilespmem:$0x1270]  }
0x7ab: {  	v35 =	vld [tilespmem:$0x12F0]  }
0x7ac: {  	[tilespmem:$0x1E080] =	vst v1;
	v1 =	vld [tilespmem:$0x1FF0]  }
0x7ad: {  	v36 =	vld [tilespmem:$0x1370]  }
0x7ae: {  	v29 =	vld [tilespmem:$0x13F0]  }
0x7af: {  	v26 =	vld [tilespmem:$0x1470]  }
0x7b0: {  	v23 =	vld [tilespmem:$0x14F0]  }
0x7b1: {  	[tilespmem:$0x1E090] =	vst v1;
	v1 =	vld [tilespmem:$0x2970]  }
0x7b2: {  	v21 =	vld [tilespmem:$0x1570]  }
0x7b3: {  	v18 =	vld [tilespmem:$0x15F0]  }
0x7b4: {  	v15 =	vld [tilespmem:$0x1670]  }
0x7b5: {  	v11 =	vld [tilespmem:$0x16F0]  }
0x7b6: {  	[tilespmem:$0x1E0A0] =	vst v1;
	v1 =	vld [tilespmem:$0x29F0]  }
0x7b7: {  	v8 =	vld [tilespmem:$0x1770]  }
0x7b8: {  	v54 =	vld [tilespmem:$0x2070]  }
0x7b9: {  	v56 =	vld [tilespmem:$0x20F0]  }
0x7ba: {  	v53 =	vld [tilespmem:$0x2170]  }
0x7bb: {  	[tilespmem:$0x1E0B0] =	vst v1;
	v1 =	vld [tilespmem:$0x2A70]  }
0x7bc: {  	v51 =	vld [tilespmem:$0x21F0]  }
0x7bd: {  	v50 =	vld [tilespmem:$0x2270]  }
0x7be: {  	v48 =	vld [tilespmem:$0x22F0]  }
0x7bf: {  	v46 =	vld [tilespmem:$0x2370]  }
0x7c0: {  	[tilespmem:$0x1E0C0] =	vst v1;
	v1 =	vld [tilespmem:$0x2AF0]  }
0x7c1: {  	v44 =	vld [tilespmem:$0x23F0]  }
0x7c2: {  	v42 =	vld [tilespmem:$0x2470]  }
0x7c3: {  	v40 =	vld [tilespmem:$0x24F0]  }
0x7c4: {  	v38 =	vld [tilespmem:$0x2570]  }
0x7c5: {  	[tilespmem:$0x1E0D0] =	vst v1;
	v1 =	vld [tilespmem:$0x2B70]  }
0x7c6: {  	v30 =	vld [tilespmem:$0x25F0]  }
0x7c7: {  	v25 =	vld [tilespmem:$0x2670]  }
0x7c8: {  	v22 =	vld [tilespmem:$0x26F0]  }
0x7c9: {  	v19 =	vld [tilespmem:$0x2770]  }
0x7ca: {  	[tilespmem:$0x1E0E0] =	vst v1;
	v1 =	vld [tilespmem:$0x2BF0]  }
0x7cb: {  	v16 =	vld [tilespmem:$0x27F0]  }
0x7cc: {  	v12 =	vld [tilespmem:$0x2870]  }
0x7cd: {  	v9 =	vld [tilespmem:$0x28F0]  }
0x7ce: {  	v4 =	vld [tilespmem:$0x3070]  }
0x7cf: {  	[tilespmem:$0x1E0F0] =	vst v1;
	v1 =	vld [tilespmem:$0x2C70]  }
0x7d0: {  	v5 =	vld [tilespmem:$0x30F0]  }
0x7d1: {  	v3 =	vld [tilespmem:$0x3170]  }
0x7d2: {  	v2 =	vld [tilespmem:$0x31F0]  }
0x7d3: {  	v63 =	vld [tilespmem:$0x32F0]  }
0x7d4: {  	[tilespmem:$0x1E100] =	vst v1;
	v1 =	vld [tilespmem:$0x2CF0]  }
0x7d5: {  	v62 =	vld [tilespmem:$0x3370]  }
0x7d6: {  	v61 =	vld [tilespmem:$0x33F0]  }
0x7d7: {  	v60 =	vld [tilespmem:$0x3470]  }
0x7d8: {  	v59 =	vld [tilespmem:$0x34F0]  }
0x7d9: {  	[tilespmem:$0x1E110] =	vst v1;
	v1 =	vld [tilespmem:$0x2D70]  }
0x7da: {  	v58 =	vld [tilespmem:$0x3570]  }
0x7db: {  	v57 =	vld [tilespmem:$0x35F0]  }
0x7dc: {  	v55 =	vld [tilespmem:$0x3670]  }
0x7dd: {  	v6 =	vld [tilespmem:$0x3DF0]  }
0x7de: {  	[tilespmem:$0x1E120] =	vst v1;
	v1 =	vld [tilespmem:$0x2DF0]  }
0x7df: {  	v52 =	vld [tilespmem:$0x36F0]  }
0x7e0: {  	v49 =	vld [tilespmem:$0x3770]  }
0x7e1: {  	v47 =	vld [tilespmem:$0x37F0]  }
0x7e2: {  	[tilespmem:$0x1E180] =	vst v6;
	v6 =	vld [tilespmem:$0x3E70]  }
0x7e3: {  	[tilespmem:$0x1E130] =	vst v1;
	v1 =	vld [tilespmem:$0x2E70]  }
0x7e4: {  	v45 =	vld [tilespmem:$0x3870]  }
0x7e5: {  	v43 =	vld [tilespmem:$0x38F0]  }
0x7e6: {  	v41 =	vld [tilespmem:$0x3970]  }
0x7e7: {  	[tilespmem:$0x1E190] =	vst v6;
	v6 =	vld [tilespmem:$0x3EF0]  }
0x7e8: {  	[tilespmem:$0x1E140] =	vst v1;
	v1 =	vld [tilespmem:$0x2EF0]  }
0x7e9: {  	v39 =	vld [tilespmem:$0x39F0]  }
0x7ea: {  	v37 =	vld [tilespmem:$0x3A70]  }
0x7eb: {  	v27 =	vld [tilespmem:$0x3AF0]  }
0x7ec: {  	[tilespmem:$0x1E1A0] =	vst v6;
	v6 =	vld [tilespmem:$0x3F70]  }
0x7ed: {  	[tilespmem:$0x1E150] =	vst v1;
	v1 =	vld [tilespmem:$0x2F70]  }
0x7ee: {  	v24 =	vld [tilespmem:$0x3B70]  }
0x7ef: {  	v20 =	vld [tilespmem:$0x3BF0]  }
0x7f0: {  	v17 =	vld [tilespmem:$0x3C70]  }
0x7f1: {  	[tilespmem:$0x1E1B0] =	vst v6;
	v6 =	vld [tilespmem:$0x3FF0]  }
0x7f2: {  	[tilespmem:$0x1E160] =	vst v1;
	v1 =	vld [tilespmem:$0x2FF0]  }
0x7f3: {  	v13 =	vld [tilespmem:$0x3CF0]  }
0x7f4: {  	v10 =	vld [tilespmem:$0x3D70]  }
0x7f5: {  	s23 =	simm.s32 $0x0;
	v14 =	vld [tilespmem:$0x4070]  }
0x7f6: {  	[tilespmem:$0x1E1C0] =	vst v6;
	v6 =	vld [tilespmem:s23+$0x40F0]  }
0x7f7: {  	s22 =	simm.s32 $0x200;
	[tilespmem:$0x1E170] =	vst v1;
	v1 =	vld [tilespmem:$0x3270]  }
.LBB2_30:
0x7f8: {  	p0 =	sne.s32 s22, $0x3C00  }
.Ltmp14:
0x7f9: {  	_ = 	snop;
	(pc) =	sbr.rel @p0 .LBB2_30-.Ltmp14, $3  }
0x7fa: {  	_ =	sdelay $0x1  }
0x7fb: {  	s23 =	sshra.s32 s22, $0x2;
	s22 =	sadd.s32 $0x200, s22;
	v14 =	vadd.f32 v6, v14  }
0x7fc: {  	v6 =	vld [tilespmem:s23+$0x40F0]  }
0x7fd: {  	_ =	sdelay $0x3  }
0x7fe: {  	v6 =	vadd.f32 v6, v14  }
0x7ff: {  	v7 =	vld [tilespmem:$0x5070];
	s23 =	simm.s32 $0x0  }
0x800: {  	s22 =	simm.s32 $0x200;
	v14 =	vld [tilespmem:s23+$0x50F0];
	[tilespmem:$0x1DD80] =	vst v6  }
.LBB2_32:
0x801: {  	p0 =	sne.s32 s22, $0x3C00  }
.Ltmp15:
0x802: {  	_ = 	snop;
	(pc) =	sbr.rel @p0 .LBB2_32-.Ltmp15, $3  }
0x803: {  	_ =	sdelay $0x1  }
0x804: {  	s23 =	sshra.s32 s22, $0x2;
	s22 =	sadd.s32 $0x200, s22;
	v7 =	vadd.f32 v14, v7  }
0x805: {  	v14 =	vld [tilespmem:s23+$0x50F0]  }
0x806: {  	v6 =	vadd.f32 v31, v28;
	_ =	sdelay $0x1  }
0x807: {  	v6 =	vadd.f32 v32, v6;
	_ =	sdelay $0x1  }
0x808: {  	v6 =	vadd.f32 v33, v6;
	_ =	sdelay $0x1  }
0x809: {  	v6 =	vadd.f32 v34, v6;
	_ =	sdelay $0x1  }
0x80a: {  	v6 =	vadd.f32 v35, v6;
	_ =	sdelay $0x1  }
0x80b: {  	v6 =	vadd.f32 v36, v6  }
0x80c: {  	v54 =	vadd.f32 v56, v54;
	v4 =	vadd.f32 v5, v4  }
0x80d: {  	v6 =	vadd.f32 v29, v6  }
0x80e: {  	v56 =	vadd.f32 v53, v54;
	v3 =	vadd.f32 v3, v4  }
0x80f: {  	v6 =	vadd.f32 v26, v6  }
0x810: {  	v28 =	vadd.f32 v51, v56;
	v2 =	vadd.f32 v2, v3  }
0x811: {  	v29 =	vadd.f32 v23, v6  }
0x812: {  	v3 =	vadd.f32 v50, v28;
	v1 =	vadd.f32 v1, v2  }
0x813: {  	v32 =	vld [tilespmem:$0x1DD90];
	v31 =	vadd.f32 v21, v29  }
0x814: {  	v53 =	vld [tilespmem:$0x1DE10];
	v2 =	vadd.f32 v48, v3;
	v1 =	vadd.f32 v63, v1  }
0x815: {  	v54 =	vld [tilespmem:$0x1DFC0];
	v3 =	vadd.f32 v18, v31  }
0x816: {  	v33 =	vld [tilespmem:$0x1DDA0];
	v2 =	vadd.f32 v46, v2;
	v1 =	vadd.f32 v62, v1  }
0x817: {  	v51 =	vld [tilespmem:$0x1DFB0];
	v3 =	vadd.f32 v15, v3  }
0x818: {  	v2 =	vadd.f32 v44, v2;
	v1 =	vadd.f32 v61, v1;
	v44 =	vld [tilespmem:$0x1DF90]  }
0x819: {  	v56 =	vld [tilespmem:$0x1DE20];
	v3 =	vadd.f32 v11, v3  }
0x81a: {  	v48 =	vld [tilespmem:$0x1DFA0];
	v1 =	vadd.f32 v60, v1  }
0x81b: {  	v34 =	vld [tilespmem:$0x1DDB0];
	v3 =	vadd.f32 v8, v3  }
0x81c: {  	v50 =	vld [tilespmem:$0x1DE00];
	v2 =	vadd.f32 v42, v2;
	v1 =	vadd.f32 v59, v1  }
0x81d: {  	v28 =	vld [tilespmem:$0x1E0D0];
	v3 =	vadd.f32 v44, v3  }
0x81e: {  	v35 =	vld [tilespmem:$0x1DDC0];
	v2 =	vadd.f32 v40, v2;
	v1 =	vadd.f32 v58, v1  }
0x81f: {  	v5 =	vadd.f32 v33, v32;
	v36 =	vld [tilespmem:$0x1DDD0];
	v3 =	vadd.f32 v48, v3  }
0x820: {  	v2 =	vadd.f32 v38, v2;
	v1 =	vadd.f32 v57, v1;
	v57 =	vld [tilespmem:$0x1DFD0]  }
0x821: {  	v4 =	vadd.f32 v34, v5;
	v42 =	vld [tilespmem:$0x1DDE0];
	v3 =	vadd.f32 v51, v3  }
0x822: {  	v59 =	vld [tilespmem:$0x1DFE0];
	v2 =	vadd.f32 v30, v2  }
0x823: {  	v46 =	vld [tilespmem:$0x1DDF0];
	v4 =	vadd.f32 v35, v4;
	v3 =	vadd.f32 v54, v3  }
0x824: {  	v61 =	vld [tilespmem:$0x1DFF0];
	v2 =	vadd.f32 v25, v2  }
0x825: {  	v63 =	vld [tilespmem:$0x1E000];
	v4 =	vadd.f32 v36, v4;
	v3 =	vadd.f32 v57, v3  }
0x826: {  	v32 =	vld [tilespmem:$0x1E060];
	v2 =	vadd.f32 v22, v2  }
0x827: {  	v33 =	vld [tilespmem:$0x1DEC0];
	v4 =	vadd.f32 v42, v4;
	v3 =	vadd.f32 v59, v3  }
0x828: {  	v1 =	vadd.f32 v55, v1;
	v11 =	vld [tilespmem:$0x1E010];
	v2 =	vadd.f32 v19, v2  }
0x829: {  	v62 =	vld [tilespmem:$0x1DE50];
	v4 =	vadd.f32 v46, v4;
	v3 =	vadd.f32 v61, v3  }
0x82a: {  	v1 =	vadd.f32 v52, v1;
	v2 =	vadd.f32 v16, v2;
	v16 =	vld [tilespmem:$0x1E020]  }
0x82b: {  	v35 =	vld [tilespmem:$0x1E070];
	v3 =	vadd.f32 v63, v3  }
0x82c: {  	v21 =	vld [tilespmem:$0x1E030];
	v4 =	vadd.f32 v50, v4;
	v1 =	vadd.f32 v49, v1  }
0x82d: {  	v58 =	vld [tilespmem:$0x1DE30];
	v3 =	vadd.f32 v11, v3  }
0x82e: {  	v25 =	vld [tilespmem:$0x1E040];
	v4 =	vadd.f32 v53, v4;
	v1 =	vadd.f32 v47, v1  }
0x82f: {  	v60 =	vld [tilespmem:$0x1DE40];
	v3 =	vadd.f32 v16, v3  }
0x830: {  	v29 =	vld [tilespmem:$0x1E050];
	v4 =	vadd.f32 v56, v4;
	v1 =	vadd.f32 v45, v1  }
0x831: {  	v23 =	vld [tilespmem:$0x1E0C0];
	v3 =	vadd.f32 v21, v3  }
0x832: {  	v15 =	vld [tilespmem:$0x1E0A0];
	v4 =	vadd.f32 v58, v4;
	v1 =	vadd.f32 v43, v1  }
0x833: {  	v8 =	vld [tilespmem:$0x1DE60];
	v2 =	vadd.f32 v12, v2;
	v3 =	vadd.f32 v25, v3  }
0x834: {  	v19 =	vld [tilespmem:$0x1E0B0];
	v4 =	vadd.f32 v60, v4;
	v1 =	vadd.f32 v41, v1  }
0x835: {  	v12 =	vld [tilespmem:$0x1DE70];
	v2 =	vadd.f32 v9, v2;
	v3 =	vadd.f32 v29, v3  }
0x836: {  	v38 =	vld [tilespmem:$0x1E080];
	v4 =	vadd.f32 v62, v4;
	v1 =	vadd.f32 v39, v1  }
0x837: {  	v18 =	vld [tilespmem:$0x1DE80];
	v2 =	vadd.f32 v15, v2;
	v3 =	vadd.f32 v32, v3  }
0x838: {  	v41 =	vld [tilespmem:$0x1E090];
	v4 =	vadd.f32 v8, v4;
	v1 =	vadd.f32 v37, v1  }
0x839: {  	v22 =	vld [tilespmem:$0x1DE90];
	v2 =	vadd.f32 v19, v2;
	v3 =	vadd.f32 v35, v3  }
0x83a: {  	v31 =	vld [tilespmem:$0x1E0E0];
	v4 =	vadd.f32 v12, v4;
	v1 =	vadd.f32 v27, v1  }
0x83b: {  	v26 =	vld [tilespmem:$0x1DEA0];
	v2 =	vadd.f32 v23, v2;
	v3 =	vadd.f32 v38, v3  }
0x83c: {  	v34 =	vld [tilespmem:$0x1E0F0];
	v4 =	vadd.f32 v18, v4;
	v1 =	vadd.f32 v24, v1  }
0x83d: {  	v30 =	vld [tilespmem:$0x1DEB0];
	v2 =	vadd.f32 v28, v2;
	v3 =	vadd.f32 v41, v3  }
0x83e: {  	v37 =	vld [tilespmem:$0x1E100];
	v4 =	vadd.f32 v22, v4;
	v1 =	vadd.f32 v20, v1  }
0x83f: {  	v36 =	vld [tilespmem:$0x1DED0];
	v2 =	vadd.f32 v31, v2;
	v3 =	vadd.f32 $9.999999970e-07, v3  }
0x840: {  	v40 =	vld [tilespmem:$0x1E110];
	v4 =	vadd.f32 v26, v4;
	v1 =	vadd.f32 v17, v1  }
0x841: {  	v2 =	vadd.f32 v34, v2;
	(erf) = vrcp.f32 v3;
	v3 =	vld [tilespmem:$0x1E180]  }
0x842: {  	v43 =	vld [tilespmem:$0x1E120];
	v4 =	vadd.f32 v30, v4;
	v1 =	vadd.f32 v13, v1  }
0x843: {  	v39 =	vld [tilespmem:$0x1DEE0];
	v2 =	vadd.f32 v37, v2  }
0x844: {  	v45 =	vld [tilespmem:$0x1E130];
	v4 =	vadd.f32 v33, v4;
	v1 =	vadd.f32 v10, v1  }
0x845: {  	v42 =	vld [tilespmem:$0x1DEF0];
	v2 =	vadd.f32 v40, v2  }
0x846: {  	v4 =	vadd.f32 v36, v4;
	v1 =	vadd.f32 v3, v1;
	v3 =	vld [tilespmem:$0x1E140]  }
0x847: {  	v44 =	vld [tilespmem:$0x1DF00];
	v2 =	vadd.f32 v43, v2  }
0x848: {  	v48 =	vld [tilespmem:$0x1E150];
	v4 =	vadd.f32 v39, v4  }
0x849: {  	v46 =	vld [tilespmem:$0x1DF10];
	v2 =	vadd.f32 v45, v2  }
0x84a: {  	v51 =	vld [tilespmem:$0x1E160];
	v4 =	vadd.f32 v42, v4  }
0x84b: {  	v2 =	vadd.f32 v3, v2;
	v3 =	vld [tilespmem:$0x1DF20]  }
0x84c: {  	v55 =	vld [tilespmem:$0x1E170];
	v4 =	vadd.f32 v44, v4  }
0x84d: {  	v49 =	vld [tilespmem:$0x1DF30];
	v2 =	vadd.f32 v48, v2  }
0x84e: {  	v4 =	vadd.f32 v46, v4  }
0x84f: {  	v52 =	vld [tilespmem:$0x1DF40];
	v2 =	vadd.f32 v51, v2  }
0x850: {  	v56 =	vld [tilespmem:$0x1DF50];
	v54 =	vadd.s32 $0x230, v0;
	v3 =	vadd.f32 v3, v4  }
0x851: {  	v47 =	vld [tilespmem:$0x1E190];
	v2 =	vadd.f32 v55, v2  }
0x852: {  	v50 =	vld [tilespmem:$0x1E1A0];
	v59 =	vpop (erf);
	v3 =	vadd.f32 v49, v3  }
0x853: {  	v61 =	vld [tilespmem:$0x1DF60];
	v2 =	vmul.f32 v2, v59  }
0x854: {  	v53 =	vld [tilespmem:$0x1E1B0];
	v3 =	vadd.f32 v52, v3  }
0x855: {  	[tilespmem:v54+s19+$0x0] =	vst.idx.msk $0xffff, v2;
	v2 =	vld [tilespmem:$0x1DF70]  }
0x856: {  	v1 =	vadd.f32 v47, v1;
	v3 =	vadd.f32 v56, v3  }
0x857: {  	v58 =	vld [tilespmem:$0x1E1C0]  }
0x858: {  	v1 =	vadd.f32 v50, v1;
	v3 =	vadd.f32 v61, v3;
	_ =	sdelay $0x1  }
0x859: {  	v1 =	vadd.f32 v53, v1;
	v2 =	vadd.f32 v2, v3;
	v3 =	vld [tilespmem:$0x1DD80]  }
0x85a: {  	v57 =	vadd.s32 $0x231, v0  }
0x85b: {  	v60 =	vadd.s32 $0x232, v0;
	v1 =	vadd.f32 v58, v1;
	_ =	sdelay $0x1  }
0x85c: {  	v1 =	vmul.f32 v1, v59  }
0x85d: {  	v3 =	vmul.f32 v3, v59  }
0x85e: {  	[tilespmem:v57+s19+$0x0] =	vst.idx.msk $0xffff, v1  }
0x85f: {  	[tilespmem:v60+s19+$0x0] =	vst.idx.msk $0xffff, v3;
	v3 =	vld [tilespmem:$0x1DF80]  }
0x860: {  	v62 =	vadd.s32 $0x233, v0  }
0x861: {  	v7 =	vadd.f32 v14, v7;
	v63 =	vadd.s32 $0x234, v0;
	_ =	sdelay $0x1  }
0x862: {  	v1 =	vmul.f32 v7, v59  }
0x863: {  	s21 =	sadd.s32 $0x1, s21;
	v2 =	vadd.f32 v3, v2  }
0x864: {  	p0 =	sne.s32 s21, s10;
	[tilespmem:v62+s19+$0x0] =	vst.idx.msk $0xffff, v1  }
.Ltmp16:
0x865: {  	[tilespmem:v63+s19+$0x0] =	vst.idx.msk $0xffff, v2;
	(pc) =	sbr.rel @p0 .LBB2_1-.Ltmp16, $4  }
0x866: {  	[hbm4b:s9+s2] =	stream.linear.scatter [tilespmem:s19], [sflag:$0x2], $0x280, $0x38;
	[tilespmem:$0x6280] =	vst v63  }
0x867: {  	_ =	swait.ge [sflag:s20], $0x280  }
0x868: {  	[sflag:s20] =	ssyncset.done $0x0  }
0x869: {  	[sflag:s20] =	ssyncadd.s32 $0xFFFFFD80  }
0x86a: {  	_ =	sfence.sel $0x180000  }
0x86b: {  	[bflag:$0x0] =	sbarrier.arrive $0xFFFF  }
0x86c: {  	p0 =	sne.s32 s0, $0x0;
	_ =	strace $0x9000004A  }
0x86d: {  	s0 =	sadd.s32 @!p0 $0x100000, s1;
	[bflag:$0x2] =	sbarrier.arrive $0xFFFF  }
0x86e: {  	[sflag:s0] =	ssyncadd.tile.s32 @!p0 $0x1;
	_ =	shalt  }
.Lfunc_end2:
_tile_overlayer_lowered:
.L_overlay_start_2:
0x86f: {  	(tag) =	ssettag $0x2  }
0x870: {  	s0 =	rddreg [dreg:$0x0];
	s2 =	stileid.u32  }
0x871: {  	s1 =	rddreg [dreg:$0x1];
	p0 =	sne.s32 s2, $0x0  }
0x872: {  	s3 =	rddreg [dreg:$0x2];
	[bflag:$0x3] =	sbarrier.arrive $0xFFFF;
	s2 =	simm.s32 @!p0 $0x1C02  }
0x873: {  	[timem:s3], [sflag:s2] =	dma.local @!p0 [hbm:s0], s1  }
0x874: {  	s0 =	simm.s32 @!p0 $0x2  }
0x875: {  	_ =	swait.ge @!p0 [sflag:s0], s1  }
0x876: {  	s1 =	ssub.s32 @!p0 $0x0, s1;
	[sflag:s0] =	ssyncset.done @!p0 $0x0  }
0x877: {  	[sflag:s0] =	ssyncadd.s32 @!p0 s1  }
0x878: {  	[bflag:$0x3] =	sbarrier.arrive $0xFFFF  }
0x879: {  	_ =	shalt  }

</sc_bundles>
